<compile_context>
chip_gen: v7x
topology: tpu7x:2x2x1
jax: 0.10.2.dev20260603
libtpu: 0.0.44.dev20260713+nightly
codegen_flags: <defaults>
</compile_context>

<pallas_src>
import functools

import jax
import jax.numpy as jnp
from jax import lax
from jax.experimental import pallas as pl
from jax.experimental.pallas import tpu as pltpu
from jax.experimental.pallas import tpu_sc as plsc

NW = 32
NC = 2
NS = 16
C = 80


def _sc_gather(nl, senders2, receivers2, E, N, D):
    EPW = E // NW
    CG = 128
    NCH = EPW // CG
    TAIL = EPW - NCH * CG
    mesh = plsc.VectorSubcoreMesh(core_axis_name="c", subcore_axis_name="s")

    @functools.partial(
        pl.kernel,
        out_type=(jax.ShapeDtypeStruct((E // 2, 2 * D), jnp.int32),
                  jax.ShapeDtypeStruct((E // 2, 2 * D), jnp.int32)),
        mesh=mesh,
        scratch_types=[
            pltpu.VMEM((EPW,), jnp.int32),
            pltpu.VMEM((EPW,), jnp.int32),
            pltpu.VMEM((4, CG, D), jnp.int32),
            pltpu.VMEM((4, CG, D), jnp.int32),
            pltpu.SemaphoreType.DMA,
            pltpu.SemaphoreType.DMA,
            pltpu.SemaphoreType.DMA,
            pltpu.SemaphoreType.DMA,
            pltpu.SemaphoreType.DMA,
            pltpu.SemaphoreType.DMA,
            pltpu.SemaphoreType.DMA,
            pltpu.SemaphoreType.DMA,
        ],
        compiler_params=pltpu.CompilerParams(use_tc_tiling_on_sc=False),
    )
    def k(nl_hbm, s_hbm, r_hbm, gs_hbm, gr_hbm, sidx, ridx, srow, rrow,
          ss0, ss1, ss2, ss3, rs0, rs1, rs2, rs3):
        ssem = (ss0, ss1, ss2, ss3)
        rsem = (rs0, rs1, rs2, rs3)
        cid = lax.axis_index("c")
        sid = lax.axis_index("s")
        wid = sid * NC + cid
        base = wid * EPW
        first_half = wid < NW // 2
        rowbase = base - jnp.where(first_half, 0, E // 2)
        colbase = jnp.where(first_half, 0, D)
        pltpu.sync_copy(s_hbm.at[wid], sidx)
        pltpu.sync_copy(r_hbm.at[wid], ridx)

        def fire(i, b):
            pltpu.async_copy(nl_hbm.at[sidx.at[pl.ds(i * CG, CG)]],
                             srow.at[b], ssem[b])
            pltpu.async_copy(nl_hbm.at[ridx.at[pl.ds(i * CG, CG)]],
                             rrow.at[b], rsem[b])

        def wait_gather(i, b):
            pltpu.make_async_copy(nl_hbm.at[sidx.at[pl.ds(i * CG, CG)]],
                                  srow.at[b], ssem[b]).wait()
            pltpu.make_async_copy(nl_hbm.at[ridx.at[pl.ds(i * CG, CG)]],
                                  rrow.at[b], rsem[b]).wait()

        def fire_write(i, b):
            off = rowbase + i * CG
            pltpu.async_copy(srow.at[b],
                             gs_hbm.at[pl.ds(off, CG), pl.ds(colbase, D)],
                             ssem[b])
            pltpu.async_copy(rrow.at[b],
                             gr_hbm.at[pl.ds(off, CG), pl.ds(colbase, D)],
                             rsem[b])

        def wait_write(i, b):
            off = rowbase + i * CG
            pltpu.make_async_copy(srow.at[b],
                                  gs_hbm.at[pl.ds(off, CG),
                                            pl.ds(colbase, D)],
                                  ssem[b]).wait()
            pltpu.make_async_copy(rrow.at[b],
                                  gr_hbm.at[pl.ds(off, CG),
                                            pl.ds(colbase, D)],
                                  rsem[b]).wait()

        for b in range(4):
            fire(b, b)

        def body(m, carry):
            i = 4 * m
            for b in range(4):
                wait_gather(i + b, b)
                fire_write(i + b, b)
            for b in range(4):
                wait_write(i + b, b)

                @pl.when(i + b + 4 < NCH)
                def _():
                    fire(i + b + 4, b)

            return carry

        lax.fori_loop(0, NCH // 4, body, 0)

        rem = NCH % 4
        for b in range(rem):
            i = (NCH // 4) * 4 + b
            wait_gather(i, b)
            fire_write(i, b)
        for b in range(rem):
            i = (NCH // 4) * 4 + b
            wait_write(i, b)

        toff = NCH * CG
        pltpu.async_copy(nl_hbm.at[sidx.at[pl.ds(toff, TAIL)]],
                         srow.at[0, pl.ds(0, TAIL)], ss0)
        pltpu.async_copy(nl_hbm.at[ridx.at[pl.ds(toff, TAIL)]],
                         rrow.at[0, pl.ds(0, TAIL)], rs0)
        pltpu.make_async_copy(nl_hbm.at[sidx.at[pl.ds(toff, TAIL)]],
                              srow.at[0, pl.ds(0, TAIL)], ss0).wait()
        pltpu.make_async_copy(nl_hbm.at[ridx.at[pl.ds(toff, TAIL)]],
                              rrow.at[0, pl.ds(0, TAIL)], rs0).wait()
        pltpu.sync_copy(srow.at[0, pl.ds(0, TAIL)],
                        gs_hbm.at[pl.ds(rowbase + toff, TAIL),
                                  pl.ds(colbase, D)])
        pltpu.sync_copy(rrow.at[0, pl.ds(0, TAIL)],
                        gr_hbm.at[pl.ds(rowbase + toff, TAIL),
                                  pl.ds(colbase, D)])

    return k(nl, senders2, receivers2)


def _sc_scatter_add(new_edge, receivers3, zeros_nd, E, N, D, C, EOFF):
    NCH = receivers3.shape[1]
    EPW = NCH * C
    SLAB = (N // NS) // 8 * 8
    TAIL_OFF = SLAB * NS
    TAIL = N - TAIL_OFF
    mesh = plsc.VectorSubcoreMesh(core_axis_name="c", subcore_axis_name="s")

    @functools.partial(
        pl.kernel,
        out_type=jax.ShapeDtypeStruct((NC, N, D), jnp.float32),
        mesh=mesh,
        scratch_types=[
            pltpu.VMEM((NCH, C), jnp.int32),
            pltpu.VMEM((2, C, D), jnp.float32),
            pltpu.VMEM_SHARED((N, D), jnp.float32),
            pltpu.SemaphoreType.DMA,
            pltpu.SemaphoreType.DMA,
        ],
    )
    def k(ne_hbm, r_hbm, z_hbm, out_hbm, ridx, rows, aggr_sh, lm0, lm1):
        lsem = (lm0, lm1)
        cid = lax.axis_index("c")
        sid = lax.axis_index("s")
        wid = sid * NC + cid
        base = EOFF + wid * EPW
        pltpu.sync_copy(z_hbm.at[pl.ds(sid * SLAB, SLAB)],
                        aggr_sh.at[pl.ds(sid * SLAB, SLAB)])

        @pl.when(sid == 0)
        def _():
            pltpu.sync_copy(z_hbm.at[pl.ds(TAIL_OFF, TAIL)],
                            aggr_sh.at[pl.ds(TAIL_OFF, TAIL)])

        pltpu.sync_copy(r_hbm.at[wid], ridx)
        plsc.subcore_barrier()

        def fire_load(i, b):
            pltpu.async_copy(ne_hbm.at[pl.ds(base + i * C, C)], rows.at[b],
                             lsem[b])

        def wait_load(i, b):
            pltpu.make_async_copy(ne_hbm.at[pl.ds(base + i * C, C)],
                                  rows.at[b], lsem[b]).wait()

        fire_load(0, 0)
        fire_load(1, 1)

        def body(j, carry):
            i0 = 2 * j
            i1 = 2 * j + 1
            wait_load(i0, 0)
            pltpu.sync_copy(rows.at[0], aggr_sh.at[ridx.at[i0]], add=True)

            @pl.when(i0 + 2 < NCH)
            def _():
                fire_load(i0 + 2, 0)

            wait_load(i1, 1)
            pltpu.sync_copy(rows.at[1], aggr_sh.at[ridx.at[i1]], add=True)

            @pl.when(i1 + 2 < NCH)
            def _():
                fire_load(i1 + 2, 1)

            return carry

        lax.fori_loop(0, NCH // 2, body, 0)
        wait_load(NCH - 1, 0)
        pltpu.sync_copy(rows.at[0], aggr_sh.at[ridx.at[NCH - 1]], add=True)
        plsc.subcore_barrier()
        pltpu.sync_copy(aggr_sh.at[pl.ds(sid * SLAB, SLAB)],
                        out_hbm.at[cid].at[pl.ds(sid * SLAB, SLAB)])

        @pl.when(sid == 0)
        def _():
            pltpu.sync_copy(aggr_sh.at[pl.ds(TAIL_OFF, TAIL)],
                            out_hbm.at[cid].at[pl.ds(TAIL_OFF, TAIL)])

    return k(new_edge, receivers3, zeros_nd)


def _edge_mlp_body(gs_ref, gr_ref, ef_ref, wse_ref, wso_ref, wre_ref,
                   wro_ref, w1e_ref, b1_ref, w2_ref, b2_ref, g_ref, bg_ref,
                   ne_ref, eo_ref):
    ef = ef_ref[...]
    ws = gs_ref[...]
    wr = gr_ref[...]
    mask = jnp.int32(-65536)
    gse = jax.lax.bitcast_convert_type(ws << 16, jnp.float32)
    gso = jax.lax.bitcast_convert_type(ws & mask, jnp.float32)
    gre = jax.lax.bitcast_convert_type(wr << 16, jnp.float32)
    gro = jax.lax.bitcast_convert_type(wr & mask, jnp.float32)
    f32 = jnp.float32
    h = (jnp.dot(gse, wse_ref[0], preferred_element_type=f32)
         + jnp.dot(gso, wso_ref[0], preferred_element_type=f32)
         + jnp.dot(gre, wre_ref[0], preferred_element_type=f32)
         + jnp.dot(gro, wro_ref[0], preferred_element_type=f32)
         + jnp.dot(ef, w1e_ref[...], preferred_element_type=f32))
    h = jnp.maximum(h + b1_ref[...], 0.0)
    h = jnp.dot(h, w2_ref[...], preferred_element_type=f32)
    h = jnp.maximum(h + b2_ref[...], 0.0)
    mu = jnp.mean(h, axis=-1, keepdims=True)
    var = jnp.mean((h - mu) ** 2, axis=-1, keepdims=True)
    ne = (h - mu) / jnp.sqrt(var + 1e-5) * g_ref[...] + bg_ref[...]
    ne_ref[...] = ne
    eo_ref[...] = ef + ne


def _tc_edge_mlp(gs, gr, ef, Wse, Wso, Wre, Wro, W1e, be1, We2, be2, ge,
                 bge, E, D, OBLK, eo_prev=None, BE=2000):
    NBh = (E // 2) // BE
    grid = (NBh, 2)
    pair = pl.BlockSpec((BE, D), lambda j, h: (j, 0))
    nehalf = pl.BlockSpec((BE, D), lambda j, h: (h * NBh + j, 0))
    eohalf = pl.BlockSpec((BE, D), lambda j, h: (OBLK + h * NBh + j, 0))
    wsel = pl.BlockSpec((1, D, D), lambda j, h: (h, 0, 0))
    full = lambda a: pl.BlockSpec(a.shape, lambda j, h: tuple(0 for _ in a.shape))
    Efull = ef.shape[0]
    ins = [gs, gr, ef, Wse, Wso, Wre, Wro, W1e, be1, We2, be2, ge, bge]
    in_specs = [pair, pair, eohalf, wsel, wsel, wsel, wsel, full(W1e),
                full(be1), full(We2), full(be2), full(ge), full(bge)]
    aliases = {}
    body = _edge_mlp_body
    if eo_prev is not None:
        ins += [eo_prev]
        in_specs += [pl.BlockSpec(memory_space=pl.ANY)]
        aliases = {13: 1}
        body = _edge_mlp_body_aliased
    return pl.pallas_call(
        body,
        grid=grid,
        in_specs=in_specs,
        out_specs=[nehalf, eohalf],
        out_shape=[jax.ShapeDtypeStruct((E, D), jnp.float32),
                   jax.ShapeDtypeStruct((Efull, D), jnp.float32)],
        input_output_aliases=aliases,
        compiler_params=pltpu.CompilerParams(
            dimension_semantics=("arbitrary", "arbitrary")),
    )(*ins)


def _edge_mlp_body_aliased(gs_ref, gr_ref, ef_ref, wse_ref, wso_ref, wre_ref,
                           wro_ref, w1e_ref, b1_ref, w2_ref, b2_ref, g_ref,
                           bg_ref, eo_prev_ref, ne_ref, eo_ref):
    del eo_prev_ref
    _edge_mlp_body(gs_ref, gr_ref, ef_ref, wse_ref, wso_ref, wre_ref,
                   wro_ref, w1e_ref, b1_ref, w2_ref, b2_ref, g_ref, bg_ref,
                   ne_ref, eo_ref)


def _node_mlp_body(nl_ref, a0_ref, a1_ref, a2_ref, a3_ref, w1_ref, b1_ref,
                   w2_ref, b2_ref, g_ref, bg_ref, out_ref):
    nl = nl_ref[...]
    aggr = (a0_ref[...] + a1_ref[...]) + (a2_ref[...] + a3_ref[...])
    x = jnp.concatenate([nl, aggr], axis=-1)
    h = jnp.dot(x, w1_ref[...], preferred_element_type=jnp.float32)
    h = jnp.maximum(h + b1_ref[...], 0.0)
    h = jnp.dot(h, w2_ref[...], preferred_element_type=jnp.float32)
    h = jnp.maximum(h + b2_ref[...], 0.0)
    mu = jnp.mean(h, axis=-1, keepdims=True)
    var = jnp.mean((h - mu) ** 2, axis=-1, keepdims=True)
    nn = (h - mu) / jnp.sqrt(var + 1e-5) * g_ref[...] + bg_ref[...]
    out_ref[...] = nn + nl


def _tc_node_mlp(nl, aggrA, aggrB, Wn1, bn1, Wn2, bn2, gn, bgn, N, D,
                 BN=2000):
    grid = (N // BN,)
    blk = pl.BlockSpec((BN, D), lambda i: (i, 0))
    full = lambda a: pl.BlockSpec(a.shape, lambda i: tuple(0 for _ in a.shape))
    return pl.pallas_call(
        _node_mlp_body,
        grid=grid,
        in_specs=[blk, blk, blk, blk, blk, full(Wn1), full(bn1), full(Wn2),
                  full(bn2), full(gn), full(bgn)],
        out_specs=blk,
        out_shape=jax.ShapeDtypeStruct((N, D), jnp.float32),
        compiler_params=pltpu.CompilerParams(
            dimension_semantics=("arbitrary",)),
    )(nl, aggrA[0], aggrA[1], aggrB[0], aggrB[1], Wn1, bn1, Wn2, bn2, gn,
      bgn)


def kernel(node_latents, edge_features, senders, receivers, We1, be1, We2,
           be2, ge, bge, Wn1, bn1, Wn2, bn2, gn, bgn):
    B, N, D = node_latents.shape
    E = senders.shape[0]
    Eh = E // 2
    EPWh = Eh // NW
    CS = 40

    nl = node_latents.reshape(N, D)
    ef = edge_features.reshape(E, D)
    snd = senders.astype(jnp.int32)
    rcv = receivers.astype(jnp.int32)
    nl32 = jax.lax.bitcast_convert_type(
        nl.astype(jnp.bfloat16).reshape(N, D // 2, 2), jnp.int32)

    W1s, W1r, W1e = We1[:D], We1[D:2 * D], We1[2 * D:]
    z = jnp.zeros((D // 2, D), jnp.float32)

    def _sel(Wrows):
        return jnp.stack([jnp.concatenate([Wrows, z], axis=0),
                          jnp.concatenate([z, Wrows], axis=0)])

    Wse, Wso = _sel(W1s[0::2]), _sel(W1s[1::2])
    Wre, Wro = _sel(W1r[0::2]), _sel(W1r[1::2])
    b1e = be1.reshape(1, D)
    b2e = be2.reshape(1, D)
    g1 = ge.reshape(1, D)
    bg1 = bge.reshape(1, D)
    zeros_nd = jnp.zeros((N, D), jnp.float32)

    sA = snd[:Eh].reshape(NW, EPWh)
    rA = rcv[:Eh].reshape(NW, EPWh)
    sB = snd[Eh:].reshape(NW, EPWh)
    rB = rcv[Eh:].reshape(NW, EPWh)
    gsA, grA = _sc_gather(nl32, sA, rA, Eh, N, D // 2)
    gsB, grB = _sc_gather(nl32, sB, rB, Eh, N, D // 2)

    NBLK = 2000
    neA, eoA = _tc_edge_mlp(gsA, grA, ef, Wse, Wso, Wre, Wro, W1e, b1e, We2,
                            b2e, g1, bg1, Eh, D, 0)
    r3A = rcv[:Eh].reshape(NW, EPWh // CS, CS)
    aggrA = _sc_scatter_add(neA, r3A, zeros_nd, Eh, N, D, CS, 0)
    neB, eoB = _tc_edge_mlp(gsB, grB, ef, Wse, Wso, Wre, Wro, W1e, b1e, We2,
                            b2e, g1, bg1, Eh, D, Eh // NBLK, eoA)
    r3B = rcv[Eh:].reshape(NW, EPWh // CS, CS)
    aggrB = _sc_scatter_add(neB, r3B, zeros_nd, Eh, N, D, CS, 0)

    node_out = _tc_node_mlp(
        nl, aggrA, aggrB, Wn1, bn1.reshape(1, D), Wn2, bn2.reshape(1, D),
        gn.reshape(1, D), bgn.reshape(1, D), N, D)
    return node_out.reshape(B, N, D), eoB.reshape(B, E, D)

# --- scband reference (transcript-rebuilt; emitter-appended) ---
"""Pipeline reference for scband-graph-net-block-39917426049692 (READ-ONLY COPY).

The authoritative reference and input builder live on the scoring server;
editing this copy changes nothing except your own understanding.
"""

import jax, jax.numpy as jnp
import numpy as np

B, N, E, D = 1, 10000, 320000, 128

def _mlp(x, W1, b1, W2, b2, g, beta):
    h = jax.nn.relu(x @ W1 + b1)
    h = jax.nn.relu(h @ W2 + b2)
    mu = jnp.mean(h, axis=-1, keepdims=True)
    var = jnp.mean((h - mu) ** 2, axis=-1, keepdims=True)
    return (h - mu) / jnp.sqrt(var + 1e-5) * g + beta

def setup_inputs(seed: int = 0):
    key = jax.random.key(seed)
    ks = jax.random.split(key, 12)
    s = 0.02
    return {
        "node_latents": jax.random.normal(ks[0], (B, N, D), dtype=jnp.float32),
        "edge_features": jax.random.normal(ks[1], (B, E, D), dtype=jnp.float32),
        "senders": jax.random.randint(ks[2], (E,), 0, N),
        "receivers": jnp.sort(jax.random.randint(ks[3], (E,), 0, N)),
        "We1": jax.random.normal(ks[4], (3 * D, D), jnp.float32) * s,
        "be1": jnp.zeros((D,), jnp.float32),
        "We2": jax.random.normal(ks[5], (D, D), jnp.float32) * s,
        "be2": jnp.zeros((D,), jnp.float32),
        "ge": jnp.ones((D,), jnp.float32),
        "bge": jnp.zeros((D,), jnp.float32),
        "Wn1": jax.random.normal(ks[6], (2 * D, D), jnp.float32) * s,
        "bn1": jnp.zeros((D,), jnp.float32),
        "Wn2": jax.random.normal(ks[7], (D, D), jnp.float32) * s,
        "bn2": jnp.zeros((D,), jnp.float32),
        "gn": jnp.ones((D,), jnp.float32),
        "bgn": jnp.zeros((D,), jnp.float32),
    }

def reference(node_latents, edge_features, senders, receivers, We1, be1, We2, be2, ge, bge, Wn1, bn1, Wn2, bn2, gn, bgn):
    # edge update: gather sender/receiver node latents, concat with edge features
    edge_input = jnp.concatenate(
        [node_latents[:, senders, :], node_latents[:, receivers, :], edge_features], axis=-1
    )
    new_edge = _mlp(edge_input, We1, be1, We2, be2, ge, bge)
    # scatter_add aggregation of messages onto receiver nodes (dim_size = N)
    aggr = jnp.zeros((node_latents.shape[0], node_latents.shape[1], new_edge.shape[-1]), new_edge.dtype)
    aggr = aggr.at[:, receivers, :].add(new_edge)
    # node update
    node_input = jnp.concatenate([node_latents, aggr], axis=-1)
    new_node = _mlp(node_input, Wn1, bn1, Wn2, bn2, gn, bgn)
    # residual connections on both node and edge latents
    return (new_node + node_latents, edge_features + new_edge)

if __name__ == "__main__":
    import jax
    _d = setup_inputs()
    print(jax.jit(kernel)(*tuple(_d.values())))

</pallas_src>

<mosaic_0001>
#map = affine_map<(d0, d1) -> (0, 0)>
module attributes {stable_mosaic.version = 14 : i64} {
  func.func @k(%arg0: i32, %arg1: i32, %arg2: memref<10000x64xi32, #tpu.memory_space<hbm>>, %arg3: memref<32x5000xi32, #tpu.memory_space<hbm>>, %arg4: memref<32x5000xi32, #tpu.memory_space<hbm>>, %arg5: memref<80000x128xi32, #tpu.memory_space<hbm>>, %arg6: memref<80000x128xi32, #tpu.memory_space<hbm>>, %arg7: memref<5000xi32, #tpu.memory_space<vmem>>, %arg8: memref<5000xi32, #tpu.memory_space<vmem>>, %arg9: memref<4x128x64xi32, #tpu.memory_space<vmem>>, %arg10: memref<4x128x64xi32, #tpu.memory_space<vmem>>, %arg11: memref<!tpu.dma_semaphore, #tpu.memory_space<semaphore_mem>>, %arg12: memref<!tpu.dma_semaphore, #tpu.memory_space<semaphore_mem>>, %arg13: memref<!tpu.dma_semaphore, #tpu.memory_space<semaphore_mem>>, %arg14: memref<!tpu.dma_semaphore, #tpu.memory_space<semaphore_mem>>, %arg15: memref<!tpu.dma_semaphore, #tpu.memory_space<semaphore_mem>>, %arg16: memref<!tpu.dma_semaphore, #tpu.memory_space<semaphore_mem>>, %arg17: memref<!tpu.dma_semaphore, #tpu.memory_space<semaphore_mem>>, %arg18: memref<!tpu.dma_semaphore, #tpu.memory_space<semaphore_mem>>) attributes {dimension_semantics = [#tpu.dimension_semantics<core_parallel>, #tpu.dimension_semantics<subcore_parallel>], iteration_bounds = array<i64: 2, 16>, scalar_prefetch = 0 : i64, scratch_operands = 12 : i64, tpu.core_type = #tpu.core_type<sc_vector_subcore>, window_params = [{transform_indices = #map}, {transform_indices = #map}, {transform_indices = #map}, {transform_indices = #map}, {transform_indices = #map}]} {
    %mul3A = arith.constant 2 : i32
    %mul3A_0 = arith.muli %arg1, %mul3A : i32
    %add3A = arith.addi %mul3A_0, %arg0 : i32
    %mul3A_1 = arith.constant 5000 : i32
    %mul3A_2 = arith.muli %add3A, %mul3A_1 : i32
    %lt3A = arith.constant 16 : i32
    %lt3A_3 = arith.cmpi slt, %add3A, %lt3A : i32
    %jit3A = arith.constant 0 : i32
    %jit3A_4 = arith.constant 80000 : i32
    %select_n3A = arith.select %lt3A_3, %jit3A, %jit3A_4 : i32
    %sub3A = arith.subi %mul3A_2, %select_n3A : i32
    %jit3A_5 = arith.constant 0 : i32
    %jit3A_6 = arith.constant 64 : i32
    %select_n3A_7 = arith.select %lt3A_3, %jit3A_5, %jit3A_6 : i32
    "tpu.region"() ({
      %run_scoped3A_340 = tpu.sem_alloc : memref<!tpu.dma_semaphore, #tpu.memory_space<semaphore_mem>>
      %dma_start3A_341 = arith.constant 0 : i32
      %dma_start3A_342 = tpu.memref_slice %arg3[%add3A, %dma_start3A_341] : memref<32x5000xi32, #tpu.memory_space<hbm>> -> memref<1x5000xi32, #tpu.memory_space<hbm>>
      %dma_start3A_343 = tpu.memref_squeeze %dma_start3A_342 : memref<1x5000xi32, #tpu.memory_space<hbm>> -> memref<5000xi32, #tpu.memory_space<hbm>>
      %dma_start3A_344 = arith.constant 0 : i32
      %dma_start3A_345 = tpu.memref_slice %arg3[%add3A, %dma_start3A_344] : memref<32x5000xi32, #tpu.memory_space<hbm>> -> memref<1x5000xi32, #tpu.memory_space<hbm>>
      %dma_start3A_346 = tpu.memref_squeeze %dma_start3A_345 : memref<1x5000xi32, #tpu.memory_space<hbm>> -> memref<5000xi32, #tpu.memory_space<hbm>>
      tpu.enqueue_dma source(%dma_start3A_346 : memref<5000xi32, #tpu.memory_space<hbm>>) target(%arg7 : memref<5000xi32, #tpu.memory_space<vmem>>) target_semaphore(%run_scoped3A_340 : memref<!tpu.dma_semaphore, #tpu.memory_space<semaphore_mem>>)
      %dma_wait3A_347 = arith.constant 0 : i32
      %dma_wait3A_348 = tpu.memref_slice %arg3[%add3A, %dma_wait3A_347] : memref<32x5000xi32, #tpu.memory_space<hbm>> -> memref<1x5000xi32, #tpu.memory_space<hbm>>
      %dma_wait3A_349 = tpu.memref_squeeze %dma_wait3A_348 : memref<1x5000xi32, #tpu.memory_space<hbm>> -> memref<5000xi32, #tpu.memory_space<hbm>>
      %dma_wait3A_350 = arith.constant 0 : i32
      %dma_wait3A_351 = tpu.memref_slice %arg3[%add3A, %dma_wait3A_350] : memref<32x5000xi32, #tpu.memory_space<hbm>> -> memref<1x5000xi32, #tpu.memory_space<hbm>>
      %dma_wait3A_352 = tpu.memref_squeeze %dma_wait3A_351 : memref<1x5000xi32, #tpu.memory_space<hbm>> -> memref<5000xi32, #tpu.memory_space<hbm>>
      tpu.wait_dma2 semaphore(%run_scoped3A_340 : memref<!tpu.dma_semaphore, #tpu.memory_space<semaphore_mem>>) src(%dma_wait3A_352 : memref<5000xi32, #tpu.memory_space<hbm>>) dst(%arg7 : memref<5000xi32, #tpu.memory_space<vmem>>)
      tpu.yield
    }) : () -> ()
    "tpu.region"() ({
      %run_scoped3A_340 = tpu.sem_alloc : memref<!tpu.dma_semaphore, #tpu.memory_space<semaphore_mem>>
      %dma_start3A_341 = arith.constant 0 : i32
      %dma_start3A_342 = tpu.memref_slice %arg4[%add3A, %dma_start3A_341] : memref<32x5000xi32, #tpu.memory_space<hbm>> -> memref<1x5000xi32, #tpu.memory_space<hbm>>
      %dma_start3A_343 = tpu.memref_squeeze %dma_start3A_342 : memref<1x5000xi32, #tpu.memory_space<hbm>> -> memref<5000xi32, #tpu.memory_space<hbm>>
      %dma_start3A_344 = arith.constant 0 : i32
      %dma_start3A_345 = tpu.memref_slice %arg4[%add3A, %dma_start3A_344] : memref<32x5000xi32, #tpu.memory_space<hbm>> -> memref<1x5000xi32, #tpu.memory_space<hbm>>
      %dma_start3A_346 = tpu.memref_squeeze %dma_start3A_345 : memref<1x5000xi32, #tpu.memory_space<hbm>> -> memref<5000xi32, #tpu.memory_space<hbm>>
      tpu.enqueue_dma source(%dma_start3A_346 : memref<5000xi32, #tpu.memory_space<hbm>>) target(%arg8 : memref<5000xi32, #tpu.memory_space<vmem>>) target_semaphore(%run_scoped3A_340 : memref<!tpu.dma_semaphore, #tpu.memory_space<semaphore_mem>>)
      %dma_wait3A_347 = arith.constant 0 : i32
      %dma_wait3A_348 = tpu.memref_slice %arg4[%add3A, %dma_wait3A_347] : memref<32x5000xi32, #tpu.memory_space<hbm>> -> memref<1x5000xi32, #tpu.memory_space<hbm>>
      %dma_wait3A_349 = tpu.memref_squeeze %dma_wait3A_348 : memref<1x5000xi32, #tpu.memory_space<hbm>> -> memref<5000xi32, #tpu.memory_space<hbm>>
      %dma_wait3A_350 = arith.constant 0 : i32
      %dma_wait3A_351 = tpu.memref_slice %arg4[%add3A, %dma_wait3A_350] : memref<32x5000xi32, #tpu.memory_space<hbm>> -> memref<1x5000xi32, #tpu.memory_space<hbm>>
      %dma_wait3A_352 = tpu.memref_squeeze %dma_wait3A_351 : memref<1x5000xi32, #tpu.memory_space<hbm>> -> memref<5000xi32, #tpu.memory_space<hbm>>
      tpu.wait_dma2 semaphore(%run_scoped3A_340 : memref<!tpu.dma_semaphore, #tpu.memory_space<semaphore_mem>>) src(%dma_wait3A_352 : memref<5000xi32, #tpu.memory_space<hbm>>) dst(%arg8 : memref<5000xi32, #tpu.memory_space<vmem>>)
      tpu.yield
    }) : () -> ()
    %dma_start3A = arith.constant 0 : i32
    %dma_start3A_8 = arith.constant 0 : i32
    %dma_start3A_9 = arith.constant 0 : i32
    %dma_start3A_10 = tpu.memref_slice %arg9[%dma_start3A, %dma_start3A_8, %dma_start3A_9] : memref<4x128x64xi32, #tpu.memory_space<vmem>> -> memref<1x128x64xi32, #tpu.memory_space<vmem>>
    %dma_start3A_11 = tpu.memref_squeeze %dma_start3A_10 : memref<1x128x64xi32, #tpu.memory_space<vmem>> -> memref<128x64xi32, #tpu.memory_space<vmem>>
    %dma_start3A_12 = arith.constant 0 : i32
    %dma_start3A_13 = tpu.memref_slice %arg7[%dma_start3A_12] : memref<5000xi32, #tpu.memory_space<vmem>> -> memref<128xi32, #tpu.memory_space<vmem>>
    %dma_start3A_14 = arith.constant 0 : i32
    %dma_start3A_15 = arith.constant 0 : i32
    %dma_start3A_16 = tpu.memref_slice %arg2[%dma_start3A_14, %dma_start3A_15] : memref<10000x64xi32, #tpu.memory_space<hbm>> -> memref<10000x64xi32, #tpu.memory_space<hbm>>
    tpu.enqueue_indirect_dma source(%dma_start3A_16 : memref<10000x64xi32, #tpu.memory_space<hbm>>) target(%dma_start3A_11 : memref<128x64xi32, #tpu.memory_space<vmem>>) offsets(%dma_start3A_13 : memref<128xi32, #tpu.memory_space<vmem>>) semaphore(%arg11 : memref<!tpu.dma_semaphore, #tpu.memory_space<semaphore_mem>>)
    %dma_start3A_17 = arith.constant 0 : i32
    %dma_start3A_18 = arith.constant 0 : i32
    %dma_start3A_19 = arith.constant 0 : i32
    %dma_start3A_20 = tpu.memref_slice %arg10[%dma_start3A_17, %dma_start3A_18, %dma_start3A_19] : memref<4x128x64xi32, #tpu.memory_space<vmem>> -> memref<1x128x64xi32, #tpu.memory_space<vmem>>
    %dma_start3A_21 = tpu.memref_squeeze %dma_start3A_20 : memref<1x128x64xi32, #tpu.memory_space<vmem>> -> memref<128x64xi32, #tpu.memory_space<vmem>>
    %dma_start3A_22 = arith.constant 0 : i32
    %dma_start3A_23 = tpu.memref_slice %arg8[%dma_start3A_22] : memref<5000xi32, #tpu.memory_space<vmem>> -> memref<128xi32, #tpu.memory_space<vmem>>
    %dma_start3A_24 = arith.constant 0 : i32
    %dma_start3A_25 = arith.constant 0 : i32
    %dma_start3A_26 = tpu.memref_slice %arg2[%dma_start3A_24, %dma_start3A_25] : memref<10000x64xi32, #tpu.memory_space<hbm>> -> memref<10000x64xi32, #tpu.memory_space<hbm>>
    tpu.enqueue_indirect_dma source(%dma_start3A_26 : memref<10000x64xi32, #tpu.memory_space<hbm>>) target(%dma_start3A_21 : memref<128x64xi32, #tpu.memory_space<vmem>>) offsets(%dma_start3A_23 : memref<128xi32, #tpu.memory_space<vmem>>) semaphore(%arg15 : memref<!tpu.dma_semaphore, #tpu.memory_space<semaphore_mem>>)
    %dma_start3A_27 = arith.constant 1 : i32
    %dma_start3A_28 = arith.constant 0 : i32
    %dma_start3A_29 = arith.constant 0 : i32
    %dma_start3A_30 = tpu.memref_slice %arg9[%dma_start3A_27, %dma_start3A_28, %dma_start3A_29] : memref<4x128x64xi32, #tpu.memory_space<vmem>> -> memref<1x128x64xi32, #tpu.memory_space<vmem>>
    %dma_start3A_31 = tpu.memref_squeeze %dma_start3A_30 : memref<1x128x64xi32, #tpu.memory_space<vmem>> -> memref<128x64xi32, #tpu.memory_space<vmem>>
    %dma_start3A_32 = arith.constant 128 : i32
    %dma_start3A_33 = tpu.memref_slice %arg7[%dma_start3A_32] : memref<5000xi32, #tpu.memory_space<vmem>> -> memref<128xi32, #tpu.memory_space<vmem>>
    %dma_start3A_34 = arith.constant 0 : i32
    %dma_start3A_35 = arith.constant 0 : i32
    %dma_start3A_36 = tpu.memref_slice %arg2[%dma_start3A_34, %dma_start3A_35] : memref<10000x64xi32, #tpu.memory_space<hbm>> -> memref<10000x64xi32, #tpu.memory_space<hbm>>
    tpu.enqueue_indirect_dma source(%dma_start3A_36 : memref<10000x64xi32, #tpu.memory_space<hbm>>) target(%dma_start3A_31 : memref<128x64xi32, #tpu.memory_space<vmem>>) offsets(%dma_start3A_33 : memref<128xi32, #tpu.memory_space<vmem>>) semaphore(%arg12 : memref<!tpu.dma_semaphore, #tpu.memory_space<semaphore_mem>>)
    %dma_start3A_37 = arith.constant 1 : i32
    %dma_start3A_38 = arith.constant 0 : i32
    %dma_start3A_39 = arith.constant 0 : i32
    %dma_start3A_40 = tpu.memref_slice %arg10[%dma_start3A_37, %dma_start3A_38, %dma_start3A_39] : memref<4x128x64xi32, #tpu.memory_space<vmem>> -> memref<1x128x64xi32, #tpu.memory_space<vmem>>
    %dma_start3A_41 = tpu.memref_squeeze %dma_start3A_40 : memref<1x128x64xi32, #tpu.memory_space<vmem>> -> memref<128x64xi32, #tpu.memory_space<vmem>>
    %dma_start3A_42 = arith.constant 128 : i32
    %dma_start3A_43 = tpu.memref_slice %arg8[%dma_start3A_42] : memref<5000xi32, #tpu.memory_space<vmem>> -> memref<128xi32, #tpu.memory_space<vmem>>
    %dma_start3A_44 = arith.constant 0 : i32
    %dma_start3A_45 = arith.constant 0 : i32
    %dma_start3A_46 = tpu.memref_slice %arg2[%dma_start3A_44, %dma_start3A_45] : memref<10000x64xi32, #tpu.memory_space<hbm>> -> memref<10000x64xi32, #tpu.memory_space<hbm>>
    tpu.enqueue_indirect_dma source(%dma_start3A_46 : memref<10000x64xi32, #tpu.memory_space<hbm>>) target(%dma_start3A_41 : memref<128x64xi32, #tpu.memory_space<vmem>>) offsets(%dma_start3A_43 : memref<128xi32, #tpu.memory_space<vmem>>) semaphore(%arg16 : memref<!tpu.dma_semaphore, #tpu.memory_space<semaphore_mem>>)
    %dma_start3A_47 = arith.constant 2 : i32
    %dma_start3A_48 = arith.constant 0 : i32
    %dma_start3A_49 = arith.constant 0 : i32
    %dma_start3A_50 = tpu.memref_slice %arg9[%dma_start3A_47, %dma_start3A_48, %dma_start3A_49] : memref<4x128x64xi32, #tpu.memory_space<vmem>> -> memref<1x128x64xi32, #tpu.memory_space<vmem>>
    %dma_start3A_51 = tpu.memref_squeeze %dma_start3A_50 : memref<1x128x64xi32, #tpu.memory_space<vmem>> -> memref<128x64xi32, #tpu.memory_space<vmem>>
    %dma_start3A_52 = arith.constant 256 : i32
    %dma_start3A_53 = tpu.memref_slice %arg7[%dma_start3A_52] : memref<5000xi32, #tpu.memory_space<vmem>> -> memref<128xi32, #tpu.memory_space<vmem>>
    %dma_start3A_54 = arith.constant 0 : i32
    %dma_start3A_55 = arith.constant 0 : i32
    %dma_start3A_56 = tpu.memref_slice %arg2[%dma_start3A_54, %dma_start3A_55] : memref<10000x64xi32, #tpu.memory_space<hbm>> -> memref<10000x64xi32, #tpu.memory_space<hbm>>
    tpu.enqueue_indirect_dma source(%dma_start3A_56 : memref<10000x64xi32, #tpu.memory_space<hbm>>) target(%dma_start3A_51 : memref<128x64xi32, #tpu.memory_space<vmem>>) offsets(%dma_start3A_53 : memref<128xi32, #tpu.memory_space<vmem>>) semaphore(%arg13 : memref<!tpu.dma_semaphore, #tpu.memory_space<semaphore_mem>>)
    %dma_start3A_57 = arith.constant 2 : i32
    %dma_start3A_58 = arith.constant 0 : i32
    %dma_start3A_59 = arith.constant 0 : i32
    %dma_start3A_60 = tpu.memref_slice %arg10[%dma_start3A_57, %dma_start3A_58, %dma_start3A_59] : memref<4x128x64xi32, #tpu.memory_space<vmem>> -> memref<1x128x64xi32, #tpu.memory_space<vmem>>
    %dma_start3A_61 = tpu.memref_squeeze %dma_start3A_60 : memref<1x128x64xi32, #tpu.memory_space<vmem>> -> memref<128x64xi32, #tpu.memory_space<vmem>>
    %dma_start3A_62 = arith.constant 256 : i32
    %dma_start3A_63 = tpu.memref_slice %arg8[%dma_start3A_62] : memref<5000xi32, #tpu.memory_space<vmem>> -> memref<128xi32, #tpu.memory_space<vmem>>
    %dma_start3A_64 = arith.constant 0 : i32
    %dma_start3A_65 = arith.constant 0 : i32
    %dma_start3A_66 = tpu.memref_slice %arg2[%dma_start3A_64, %dma_start3A_65] : memref<10000x64xi32, #tpu.memory_space<hbm>> -> memref<10000x64xi32, #tpu.memory_space<hbm>>
    tpu.enqueue_indirect_dma source(%dma_start3A_66 : memref<10000x64xi32, #tpu.memory_space<hbm>>) target(%dma_start3A_61 : memref<128x64xi32, #tpu.memory_space<vmem>>) offsets(%dma_start3A_63 : memref<128xi32, #tpu.memory_space<vmem>>) semaphore(%arg17 : memref<!tpu.dma_semaphore, #tpu.memory_space<semaphore_mem>>)
    %dma_start3A_67 = arith.constant 3 : i32
    %dma_start3A_68 = arith.constant 0 : i32
    %dma_start3A_69 = arith.constant 0 : i32
    %dma_start3A_70 = tpu.memref_slice %arg9[%dma_start3A_67, %dma_start3A_68, %dma_start3A_69] : memref<4x128x64xi32, #tpu.memory_space<vmem>> -> memref<1x128x64xi32, #tpu.memory_space<vmem>>
    %dma_start3A_71 = tpu.memref_squeeze %dma_start3A_70 : memref<1x128x64xi32, #tpu.memory_space<vmem>> -> memref<128x64xi32, #tpu.memory_space<vmem>>
    %dma_start3A_72 = arith.constant 384 : i32
    %dma_start3A_73 = tpu.memref_slice %arg7[%dma_start3A_72] : memref<5000xi32, #tpu.memory_space<vmem>> -> memref<128xi32, #tpu.memory_space<vmem>>
    %dma_start3A_74 = arith.constant 0 : i32
    %dma_start3A_75 = arith.constant 0 : i32
    %dma_start3A_76 = tpu.memref_slice %arg2[%dma_start3A_74, %dma_start3A_75] : memref<10000x64xi32, #tpu.memory_space<hbm>> -> memref<10000x64xi32, #tpu.memory_space<hbm>>
    tpu.enqueue_indirect_dma source(%dma_start3A_76 : memref<10000x64xi32, #tpu.memory_space<hbm>>) target(%dma_start3A_71 : memref<128x64xi32, #tpu.memory_space<vmem>>) offsets(%dma_start3A_73 : memref<128xi32, #tpu.memory_space<vmem>>) semaphore(%arg14 : memref<!tpu.dma_semaphore, #tpu.memory_space<semaphore_mem>>)
    %dma_start3A_77 = arith.constant 3 : i32
    %dma_start3A_78 = arith.constant 0 : i32
    %dma_start3A_79 = arith.constant 0 : i32
    %dma_start3A_80 = tpu.memref_slice %arg10[%dma_start3A_77, %dma_start3A_78, %dma_start3A_79] : memref<4x128x64xi32, #tpu.memory_space<vmem>> -> memref<1x128x64xi32, #tpu.memory_space<vmem>>
    %dma_start3A_81 = tpu.memref_squeeze %dma_start3A_80 : memref<1x128x64xi32, #tpu.memory_space<vmem>> -> memref<128x64xi32, #tpu.memory_space<vmem>>
    %dma_start3A_82 = arith.constant 384 : i32
    %dma_start3A_83 = tpu.memref_slice %arg8[%dma_start3A_82] : memref<5000xi32, #tpu.memory_space<vmem>> -> memref<128xi32, #tpu.memory_space<vmem>>
    %dma_start3A_84 = arith.constant 0 : i32
    %dma_start3A_85 = arith.constant 0 : i32
    %dma_start3A_86 = tpu.memref_slice %arg2[%dma_start3A_84, %dma_start3A_85] : memref<10000x64xi32, #tpu.memory_space<hbm>> -> memref<10000x64xi32, #tpu.memory_space<hbm>>
    tpu.enqueue_indirect_dma source(%dma_start3A_86 : memref<10000x64xi32, #tpu.memory_space<hbm>>) target(%dma_start3A_81 : memref<128x64xi32, #tpu.memory_space<vmem>>) offsets(%dma_start3A_83 : memref<128xi32, #tpu.memory_space<vmem>>) semaphore(%arg18 : memref<!tpu.dma_semaphore, #tpu.memory_space<semaphore_mem>>)
    %scan3A = arith.constant 0 : i32
    %scan3A_87 = arith.constant 0 : i32
    %scan3A_88 = arith.constant 9 : i32
    %scan3A_89 = arith.addi %scan3A_87, %scan3A_88 : i32
    %scan3A_90 = arith.constant 1 : i32
    scf.for %scan3A_340 = %scan3A_87 to %scan3A_89 step %scan3A_90  : i32 {
      %mul3A_341 = arith.constant 4 : i32
      %mul3A_342 = arith.muli %mul3A_341, %scan3A_340 : i32
      %add3A_343 = arith.constant 0 : i32
      %add3A_344 = arith.addi %mul3A_342, %add3A_343 : i32
      %mul3A_345 = arith.constant 128 : i32
      %mul3A_346 = arith.muli %add3A_344, %mul3A_345 : i32
      %dma_wait3A_347 = arith.constant 0 : i32
      %dma_wait3A_348 = arith.constant 0 : i32
      %dma_wait3A_349 = arith.constant 0 : i32
      %dma_wait3A_350 = tpu.memref_slice %arg9[%dma_wait3A_347, %dma_wait3A_348, %dma_wait3A_349] : memref<4x128x64xi32, #tpu.memory_space<vmem>> -> memref<1x128x64xi32, #tpu.memory_space<vmem>>
      %dma_wait3A_351 = tpu.memref_squeeze %dma_wait3A_350 : memref<1x128x64xi32, #tpu.memory_space<vmem>> -> memref<128x64xi32, #tpu.memory_space<vmem>>
      %dma_wait3A_352 = tpu.memref_slice %arg7[%mul3A_346] : memref<5000xi32, #tpu.memory_space<vmem>> -> memref<128xi32, #tpu.memory_space<vmem>>
      %dma_wait3A_353 = arith.constant 0 : i32
      %dma_wait3A_354 = arith.constant 0 : i32
      %dma_wait3A_355 = tpu.memref_slice %arg2[%dma_wait3A_353, %dma_wait3A_354] : memref<10000x64xi32, #tpu.memory_space<hbm>> -> memref<10000x64xi32, #tpu.memory_space<hbm>>
      tpu.wait_indirect_dma semaphore(%arg11 : memref<!tpu.dma_semaphore, #tpu.memory_space<semaphore_mem>>) src(%dma_wait3A_355 : memref<10000x64xi32, #tpu.memory_space<hbm>>) dst(%dma_wait3A_351 : memref<128x64xi32, #tpu.memory_space<vmem>>)
      %mul3A_356 = arith.constant 128 : i32
      %mul3A_357 = arith.muli %add3A_344, %mul3A_356 : i32
      %dma_wait3A_358 = arith.constant 0 : i32
      %dma_wait3A_359 = arith.constant 0 : i32
      %dma_wait3A_360 = arith.constant 0 : i32
      %dma_wait3A_361 = tpu.memref_slice %arg10[%dma_wait3A_358, %dma_wait3A_359, %dma_wait3A_360] : memref<4x128x64xi32, #tpu.memory_space<vmem>> -> memref<1x128x64xi32, #tpu.memory_space<vmem>>
      %dma_wait3A_362 = tpu.memref_squeeze %dma_wait3A_361 : memref<1x128x64xi32, #tpu.memory_space<vmem>> -> memref<128x64xi32, #tpu.memory_space<vmem>>
      %dma_wait3A_363 = tpu.memref_slice %arg8[%mul3A_357] : memref<5000xi32, #tpu.memory_space<vmem>> -> memref<128xi32, #tpu.memory_space<vmem>>
      %dma_wait3A_364 = arith.constant 0 : i32
      %dma_wait3A_365 = arith.constant 0 : i32
      %dma_wait3A_366 = tpu.memref_slice %arg2[%dma_wait3A_364, %dma_wait3A_365] : memref<10000x64xi32, #tpu.memory_space<hbm>> -> memref<10000x64xi32, #tpu.memory_space<hbm>>
      tpu.wait_indirect_dma semaphore(%arg15 : memref<!tpu.dma_semaphore, #tpu.memory_space<semaphore_mem>>) src(%dma_wait3A_366 : memref<10000x64xi32, #tpu.memory_space<hbm>>) dst(%dma_wait3A_362 : memref<128x64xi32, #tpu.memory_space<vmem>>)
      %add3A_367 = arith.constant 0 : i32
      %add3A_368 = arith.addi %mul3A_342, %add3A_367 : i32
      %mul3A_369 = arith.constant 128 : i32
      %mul3A_370 = arith.muli %add3A_368, %mul3A_369 : i32
      %add3A_371 = arith.addi %sub3A, %mul3A_370 : i32
      %dma_start3A_372 = arith.constant 0 : i32
      %dma_start3A_373 = arith.constant 0 : i32
      %dma_start3A_374 = arith.constant 0 : i32
      %dma_start3A_375 = tpu.memref_slice %arg9[%dma_start3A_372, %dma_start3A_373, %dma_start3A_374] : memref<4x128x64xi32, #tpu.memory_space<vmem>> -> memref<1x128x64xi32, #tpu.memory_space<vmem>>
      %dma_start3A_376 = tpu.memref_squeeze %dma_start3A_375 : memref<1x128x64xi32, #tpu.memory_space<vmem>> -> memref<128x64xi32, #tpu.memory_space<vmem>>
      %dma_start3A_377 = tpu.memref_slice %arg5[%add3A_371, %select_n3A_7] : memref<80000x128xi32, #tpu.memory_space<hbm>> -> memref<128x64xi32, #tpu.memory_space<hbm>>
      %dma_start3A_378 = tpu.memref_slice %arg5[%add3A_371, %select_n3A_7] : memref<80000x128xi32, #tpu.memory_space<hbm>> -> memref<128x64xi32, #tpu.memory_space<hbm>>
      %dma_start3A_379 = arith.constant 0 : i32
      %dma_start3A_380 = arith.constant 0 : i32
      %dma_start3A_381 = tpu.memref_slice %arg9[%dma_start3A_372, %dma_start3A_379, %dma_start3A_380] : memref<4x128x64xi32, #tpu.memory_space<vmem>> -> memref<1x128x64xi32, #tpu.memory_space<vmem>>
      %dma_start3A_382 = tpu.memref_squeeze %dma_start3A_381 : memref<1x128x64xi32, #tpu.memory_space<vmem>> -> memref<128x64xi32, #tpu.memory_space<vmem>>
      tpu.enqueue_dma source(%dma_start3A_382 : memref<128x64xi32, #tpu.memory_space<vmem>>) target(%dma_start3A_378 : memref<128x64xi32, #tpu.memory_space<hbm>>) target_semaphore(%arg11 : memref<!tpu.dma_semaphore, #tpu.memory_space<semaphore_mem>>)
      %dma_start3A_383 = arith.constant 0 : i32
      %dma_start3A_384 = arith.constant 0 : i32
      %dma_start3A_385 = arith.constant 0 : i32
      %dma_start3A_386 = tpu.memref_slice %arg10[%dma_start3A_383, %dma_start3A_384, %dma_start3A_385] : memref<4x128x64xi32, #tpu.memory_space<vmem>> -> memref<1x128x64xi32, #tpu.memory_space<vmem>>
      %dma_start3A_387 = tpu.memref_squeeze %dma_start3A_386 : memref<1x128x64xi32, #tpu.memory_space<vmem>> -> memref<128x64xi32, #tpu.memory_space<vmem>>
      %dma_start3A_388 = tpu.memref_slice %arg6[%add3A_371, %select_n3A_7] : memref<80000x128xi32, #tpu.memory_space<hbm>> -> memref<128x64xi32, #tpu.memory_space<hbm>>
      %dma_start3A_389 = tpu.memref_slice %arg6[%add3A_371, %select_n3A_7] : memref<80000x128xi32, #tpu.memory_space<hbm>> -> memref<128x64xi32, #tpu.memory_space<hbm>>
      %dma_start3A_390 = arith.constant 0 : i32
      %dma_start3A_391 = arith.constant 0 : i32
      %dma_start3A_392 = tpu.memref_slice %arg10[%dma_start3A_383, %dma_start3A_390, %dma_start3A_391] : memref<4x128x64xi32, #tpu.memory_space<vmem>> -> memref<1x128x64xi32, #tpu.memory_space<vmem>>
      %dma_start3A_393 = tpu.memref_squeeze %dma_start3A_392 : memref<1x128x64xi32, #tpu.memory_space<vmem>> -> memref<128x64xi32, #tpu.memory_space<vmem>>
      tpu.enqueue_dma source(%dma_start3A_393 : memref<128x64xi32, #tpu.memory_space<vmem>>) target(%dma_start3A_389 : memref<128x64xi32, #tpu.memory_space<hbm>>) target_semaphore(%arg15 : memref<!tpu.dma_semaphore, #tpu.memory_space<semaphore_mem>>)
      %add3A_394 = arith.constant 1 : i32
      %add3A_395 = arith.addi %mul3A_342, %add3A_394 : i32
      %mul3A_396 = arith.constant 128 : i32
      %mul3A_397 = arith.muli %add3A_395, %mul3A_396 : i32
      %dma_wait3A_398 = arith.constant 1 : i32
      %dma_wait3A_399 = arith.constant 0 : i32
      %dma_wait3A_400 = arith.constant 0 : i32
      %dma_wait3A_401 = tpu.memref_slice %arg9[%dma_wait3A_398, %dma_wait3A_399, %dma_wait3A_400] : memref<4x128x64xi32, #tpu.memory_space<vmem>> -> memref<1x128x64xi32, #tpu.memory_space<vmem>>
      %dma_wait3A_402 = tpu.memref_squeeze %dma_wait3A_401 : memref<1x128x64xi32, #tpu.memory_space<vmem>> -> memref<128x64xi32, #tpu.memory_space<vmem>>
      %dma_wait3A_403 = tpu.memref_slice %arg7[%mul3A_397] : memref<5000xi32, #tpu.memory_space<vmem>> -> memref<128xi32, #tpu.memory_space<vmem>>
      %dma_wait3A_404 = arith.constant 0 : i32
      %dma_wait3A_405 = arith.constant 0 : i32
      %dma_wait3A_406 = tpu.memref_slice %arg2[%dma_wait3A_404, %dma_wait3A_405] : memref<10000x64xi32, #tpu.memory_space<hbm>> -> memref<10000x64xi32, #tpu.memory_space<hbm>>
      tpu.wait_indirect_dma semaphore(%arg12 : memref<!tpu.dma_semaphore, #tpu.memory_space<semaphore_mem>>) src(%dma_wait3A_406 : memref<10000x64xi32, #tpu.memory_space<hbm>>) dst(%dma_wait3A_402 : memref<128x64xi32, #tpu.memory_space<vmem>>)
      %mul3A_407 = arith.constant 128 : i32
      %mul3A_408 = arith.muli %add3A_395, %mul3A_407 : i32
      %dma_wait3A_409 = arith.constant 1 : i32
      %dma_wait3A_410 = arith.constant 0 : i32
      %dma_wait3A_411 = arith.constant 0 : i32
      %dma_wait3A_412 = tpu.memref_slice %arg10[%dma_wait3A_409, %dma_wait3A_410, %dma_wait3A_411] : memref<4x128x64xi32, #tpu.memory_space<vmem>> -> memref<1x128x64xi32, #tpu.memory_space<vmem>>
      %dma_wait3A_413 = tpu.memref_squeeze %dma_wait3A_412 : memref<1x128x64xi32, #tpu.memory_space<vmem>> -> memref<128x64xi32, #tpu.memory_space<vmem>>
      %dma_wait3A_414 = tpu.memref_slice %arg8[%mul3A_408] : memref<5000xi32, #tpu.memory_space<vmem>> -> memref<128xi32, #tpu.memory_space<vmem>>
      %dma_wait3A_415 = arith.constant 0 : i32
      %dma_wait3A_416 = arith.constant 0 : i32
      %dma_wait3A_417 = tpu.memref_slice %arg2[%dma_wait3A_415, %dma_wait3A_416] : memref<10000x64xi32, #tpu.memory_space<hbm>> -> memref<10000x64xi32, #tpu.memory_space<hbm>>
      tpu.wait_indirect_dma semaphore(%arg16 : memref<!tpu.dma_semaphore, #tpu.memory_space<semaphore_mem>>) src(%dma_wait3A_417 : memref<10000x64xi32, #tpu.memory_space<hbm>>) dst(%dma_wait3A_413 : memref<128x64xi32, #tpu.memory_space<vmem>>)
      %add3A_418 = arith.constant 1 : i32
      %add3A_419 = arith.addi %mul3A_342, %add3A_418 : i32
      %mul3A_420 = arith.constant 128 : i32
      %mul3A_421 = arith.muli %add3A_419, %mul3A_420 : i32
      %add3A_422 = arith.addi %sub3A, %mul3A_421 : i32
      %dma_start3A_423 = arith.constant 1 : i32
      %dma_start3A_424 = arith.constant 0 : i32
      %dma_start3A_425 = arith.constant 0 : i32
      %dma_start3A_426 = tpu.memref_slice %arg9[%dma_start3A_423, %dma_start3A_424, %dma_start3A_425] : memref<4x128x64xi32, #tpu.memory_space<vmem>> -> memref<1x128x64xi32, #tpu.memory_space<vmem>>
      %dma_start3A_427 = tpu.memref_squeeze %dma_start3A_426 : memref<1x128x64xi32, #tpu.memory_space<vmem>> -> memref<128x64xi32, #tpu.memory_space<vmem>>
      %dma_start3A_428 = tpu.memref_slice %arg5[%add3A_422, %select_n3A_7] : memref<80000x128xi32, #tpu.memory_space<hbm>> -> memref<128x64xi32, #tpu.memory_space<hbm>>
      %dma_start3A_429 = tpu.memref_slice %arg5[%add3A_422, %select_n3A_7] : memref<80000x128xi32, #tpu.memory_space<hbm>> -> memref<128x64xi32, #tpu.memory_space<hbm>>
      %dma_start3A_430 = arith.constant 0 : i32
      %dma_start3A_431 = arith.constant 0 : i32
      %dma_start3A_432 = tpu.memref_slice %arg9[%dma_start3A_423, %dma_start3A_430, %dma_start3A_431] : memref<4x128x64xi32, #tpu.memory_space<vmem>> -> memref<1x128x64xi32, #tpu.memory_space<vmem>>
      %dma_start3A_433 = tpu.memref_squeeze %dma_start3A_432 : memref<1x128x64xi32, #tpu.memory_space<vmem>> -> memref<128x64xi32, #tpu.memory_space<vmem>>
      tpu.enqueue_dma source(%dma_start3A_433 : memref<128x64xi32, #tpu.memory_space<vmem>>) target(%dma_start3A_429 : memref<128x64xi32, #tpu.memory_space<hbm>>) target_semaphore(%arg12 : memref<!tpu.dma_semaphore, #tpu.memory_space<semaphore_mem>>)
      %dma_start3A_434 = arith.constant 1 : i32
      %dma_start3A_435 = arith.constant 0 : i32
      %dma_start3A_436 = arith.constant 0 : i32
      %dma_start3A_437 = tpu.memref_slice %arg10[%dma_start3A_434, %dma_start3A_435, %dma_start3A_436] : memref<4x128x64xi32, #tpu.memory_space<vmem>> -> memref<1x128x64xi32, #tpu.memory_space<vmem>>
      %dma_start3A_438 = tpu.memref_squeeze %dma_start3A_437 : memref<1x128x64xi32, #tpu.memory_space<vmem>> -> memref<128x64xi32, #tpu.memory_space<vmem>>
      %dma_start3A_439 = tpu.memref_slice %arg6[%add3A_422, %select_n3A_7] : memref<80000x128xi32, #tpu.memory_space<hbm>> -> memref<128x64xi32, #tpu.memory_space<hbm>>
      %dma_start3A_440 = tpu.memref_slice %arg6[%add3A_422, %select_n3A_7] : memref<80000x128xi32, #tpu.memory_space<hbm>> -> memref<128x64xi32, #tpu.memory_space<hbm>>
      %dma_start3A_441 = arith.constant 0 : i32
      %dma_start3A_442 = arith.constant 0 : i32
      %dma_start3A_443 = tpu.memref_slice %arg10[%dma_start3A_434, %dma_start3A_441, %dma_start3A_442] : memref<4x128x64xi32, #tpu.memory_space<vmem>> -> memref<1x128x64xi32, #tpu.memory_space<vmem>>
      %dma_start3A_444 = tpu.memref_squeeze %dma_start3A_443 : memref<1x128x64xi32, #tpu.memory_space<vmem>> -> memref<128x64xi32, #tpu.memory_space<vmem>>
      tpu.enqueue_dma source(%dma_start3A_444 : memref<128x64xi32, #tpu.memory_space<vmem>>) target(%dma_start3A_440 : memref<128x64xi32, #tpu.memory_space<hbm>>) target_semaphore(%arg16 : memref<!tpu.dma_semaphore, #tpu.memory_space<semaphore_mem>>)
      %add3A_445 = arith.constant 2 : i32
      %add3A_446 = arith.addi %mul3A_342, %add3A_445 : i32
      %mul3A_447 = arith.constant 128 : i32
      %mul3A_448 = arith.muli %add3A_446, %mul3A_447 : i32
      %dma_wait3A_449 = arith.constant 2 : i32
      %dma_wait3A_450 = arith.constant 0 : i32
      %dma_wait3A_451 = arith.constant 0 : i32
      %dma_wait3A_452 = tpu.memref_slice %arg9[%dma_wait3A_449, %dma_wait3A_450, %dma_wait3A_451] : memref<4x128x64xi32, #tpu.memory_space<vmem>> -> memref<1x128x64xi32, #tpu.memory_space<vmem>>
      %dma_wait3A_453 = tpu.memref_squeeze %dma_wait3A_452 : memref<1x128x64xi32, #tpu.memory_space<vmem>> -> memref<128x64xi32, #tpu.memory_space<vmem>>
      %dma_wait3A_454 = tpu.memref_slice %arg7[%mul3A_448] : memref<5000xi32, #tpu.memory_space<vmem>> -> memref<128xi32, #tpu.memory_space<vmem>>
      %dma_wait3A_455 = arith.constant 0 : i32
      %dma_wait3A_456 = arith.constant 0 : i32
      %dma_wait3A_457 = tpu.memref_slice %arg2[%dma_wait3A_455, %dma_wait3A_456] : memref<10000x64xi32, #tpu.memory_space<hbm>> -> memref<10000x64xi32, #tpu.memory_space<hbm>>
      tpu.wait_indirect_dma semaphore(%arg13 : memref<!tpu.dma_semaphore, #tpu.memory_space<semaphore_mem>>) src(%dma_wait3A_457 : memref<10000x64xi32, #tpu.memory_space<hbm>>) dst(%dma_wait3A_453 : memref<128x64xi32, #tpu.memory_space<vmem>>)
      %mul3A_458 = arith.constant 128 : i32
      %mul3A_459 = arith.muli %add3A_446, %mul3A_458 : i32
      %dma_wait3A_460 = arith.constant 2 : i32
      %dma_wait3A_461 = arith.constant 0 : i32
      %dma_wait3A_462 = arith.constant 0 : i32
      %dma_wait3A_463 = tpu.memref_slice %arg10[%dma_wait3A_460, %dma_wait3A_461, %dma_wait3A_462] : memref<4x128x64xi32, #tpu.memory_space<vmem>> -> memref<1x128x64xi32, #tpu.memory_space<vmem>>
      %dma_wait3A_464 = tpu.memref_squeeze %dma_wait3A_463 : memref<1x128x64xi32, #tpu.memory_space<vmem>> -> memref<128x64xi32, #tpu.memory_space<vmem>>
      %dma_wait3A_465 = tpu.memref_slice %arg8[%mul3A_459] : memref<5000xi32, #tpu.memory_space<vmem>> -> memref<128xi32, #tpu.memory_space<vmem>>
      %dma_wait3A_466 = arith.constant 0 : i32
      %dma_wait3A_467 = arith.constant 0 : i32
      %dma_wait3A_468 = tpu.memref_slice %arg2[%dma_wait3A_466, %dma_wait3A_467] : memref<10000x64xi32, #tpu.memory_space<hbm>> -> memref<10000x64xi32, #tpu.memory_space<hbm>>
      tpu.wait_indirect_dma semaphore(%arg17 : memref<!tpu.dma_semaphore, #tpu.memory_space<semaphore_mem>>) src(%dma_wait3A_468 : memref<10000x64xi32, #tpu.memory_space<hbm>>) dst(%dma_wait3A_464 : memref<128x64xi32, #tpu.memory_space<vmem>>)
      %add3A_469 = arith.constant 2 : i32
      %add3A_470 = arith.addi %mul3A_342, %add3A_469 : i32
      %mul3A_471 = arith.constant 128 : i32
      %mul3A_472 = arith.muli %add3A_470, %mul3A_471 : i32
      %add3A_473 = arith.addi %sub3A, %mul3A_472 : i32
      %dma_start3A_474 = arith.constant 2 : i32
      %dma_start3A_475 = arith.constant 0 : i32
      %dma_start3A_476 = arith.constant 0 : i32
      %dma_start3A_477 = tpu.memref_slice %arg9[%dma_start3A_474, %dma_start3A_475, %dma_start3A_476] : memref<4x128x64xi32, #tpu.memory_space<vmem>> -> memref<1x128x64xi32, #tpu.memory_space<vmem>>
      %dma_start3A_478 = tpu.memref_squeeze %dma_start3A_477 : memref<1x128x64xi32, #tpu.memory_space<vmem>> -> memref<128x64xi32, #tpu.memory_space<vmem>>
      %dma_start3A_479 = tpu.memref_slice %arg5[%add3A_473, %select_n3A_7] : memref<80000x128xi32, #tpu.memory_space<hbm>> -> memref<128x64xi32, #tpu.memory_space<hbm>>
      %dma_start3A_480 = tpu.memref_slice %arg5[%add3A_473, %select_n3A_7] : memref<80000x128xi32, #tpu.memory_space<hbm>> -> memref<128x64xi32, #tpu.memory_space<hbm>>
      %dma_start3A_481 = arith.constant 0 : i32
      %dma_start3A_482 = arith.constant 0 : i32
      %dma_start3A_483 = tpu.memref_slice %arg9[%dma_start3A_474, %dma_start3A_481, %dma_start3A_482] : memref<4x128x64xi32, #tpu.memory_space<vmem>> -> memref<1x128x64xi32, #tpu.memory_space<vmem>>
      %dma_start3A_484 = tpu.memref_squeeze %dma_start3A_483 : memref<1x128x64xi32, #tpu.memory_space<vmem>> -> memref<128x64xi32, #tpu.memory_space<vmem>>
      tpu.enqueue_dma source(%dma_start3A_484 : memref<128x64xi32, #tpu.memory_space<vmem>>) target(%dma_start3A_480 : memref<128x64xi32, #tpu.memory_space<hbm>>) target_semaphore(%arg13 : memref<!tpu.dma_semaphore, #tpu.memory_space<semaphore_mem>>)
      %dma_start3A_485 = arith.constant 2 : i32
      %dma_start3A_486 = arith.constant 0 : i32
      %dma_start3A_487 = arith.constant 0 : i32
      %dma_start3A_488 = tpu.memref_slice %arg10[%dma_start3A_485, %dma_start3A_486, %dma_start3A_487] : memref<4x128x64xi32, #tpu.memory_space<vmem>> -> memref<1x128x64xi32, #tpu.memory_space<vmem>>
      %dma_start3A_489 = tpu.memref_squeeze %dma_start3A_488 : memref<1x128x64xi32, #tpu.memory_space<vmem>> -> memref<128x64xi32, #tpu.memory_space<vmem>>
      %dma_start3A_490 = tpu.memref_slice %arg6[%add3A_473, %select_n3A_7] : memref<80000x128xi32, #tpu.memory_space<hbm>> -> memref<128x64xi32, #tpu.memory_space<hbm>>
      %dma_start3A_491 = tpu.memref_slice %arg6[%add3A_473, %select_n3A_7] : memref<80000x128xi32, #tpu.memory_space<hbm>> -> memref<128x64xi32, #tpu.memory_space<hbm>>
      %dma_start3A_492 = arith.constant 0 : i32
      %dma_start3A_493 = arith.constant 0 : i32
      %dma_start3A_494 = tpu.memref_slice %arg10[%dma_start3A_485, %dma_start3A_492, %dma_start3A_493] : memref<4x128x64xi32, #tpu.memory_space<vmem>> -> memref<1x128x64xi32, #tpu.memory_space<vmem>>
      %dma_start3A_495 = tpu.memref_squeeze %dma_start3A_494 : memref<1x128x64xi32, #tpu.memory_space<vmem>> -> memref<128x64xi32, #tpu.memory_space<vmem>>
      tpu.enqueue_dma source(%dma_start3A_495 : memref<128x64xi32, #tpu.memory_space<vmem>>) target(%dma_start3A_491 : memref<128x64xi32, #tpu.memory_space<hbm>>) target_semaphore(%arg17 : memref<!tpu.dma_semaphore, #tpu.memory_space<semaphore_mem>>)
      %add3A_496 = arith.constant 3 : i32
      %add3A_497 = arith.addi %mul3A_342, %add3A_496 : i32
      %mul3A_498 = arith.constant 128 : i32
      %mul3A_499 = arith.muli %add3A_497, %mul3A_498 : i32
      %dma_wait3A_500 = arith.constant 3 : i32
      %dma_wait3A_501 = arith.constant 0 : i32
      %dma_wait3A_502 = arith.constant 0 : i32
      %dma_wait3A_503 = tpu.memref_slice %arg9[%dma_wait3A_500, %dma_wait3A_501, %dma_wait3A_502] : memref<4x128x64xi32, #tpu.memory_space<vmem>> -> memref<1x128x64xi32, #tpu.memory_space<vmem>>
      %dma_wait3A_504 = tpu.memref_squeeze %dma_wait3A_503 : memref<1x128x64xi32, #tpu.memory_space<vmem>> -> memref<128x64xi32, #tpu.memory_space<vmem>>
      %dma_wait3A_505 = tpu.memref_slice %arg7[%mul3A_499] : memref<5000xi32, #tpu.memory_space<vmem>> -> memref<128xi32, #tpu.memory_space<vmem>>
      %dma_wait3A_506 = arith.constant 0 : i32
      %dma_wait3A_507 = arith.constant 0 : i32
      %dma_wait3A_508 = tpu.memref_slice %arg2[%dma_wait3A_506, %dma_wait3A_507] : memref<10000x64xi32, #tpu.memory_space<hbm>> -> memref<10000x64xi32, #tpu.memory_space<hbm>>
      tpu.wait_indirect_dma semaphore(%arg14 : memref<!tpu.dma_semaphore, #tpu.memory_space<semaphore_mem>>) src(%dma_wait3A_508 : memref<10000x64xi32, #tpu.memory_space<hbm>>) dst(%dma_wait3A_504 : memref<128x64xi32, #tpu.memory_space<vmem>>)
      %mul3A_509 = arith.constant 128 : i32
      %mul3A_510 = arith.muli %add3A_497, %mul3A_509 : i32
      %dma_wait3A_511 = arith.constant 3 : i32
      %dma_wait3A_512 = arith.constant 0 : i32
      %dma_wait3A_513 = arith.constant 0 : i32
      %dma_wait3A_514 = tpu.memref_slice %arg10[%dma_wait3A_511, %dma_wait3A_512, %dma_wait3A_513] : memref<4x128x64xi32, #tpu.memory_space<vmem>> -> memref<1x128x64xi32, #tpu.memory_space<vmem>>
      %dma_wait3A_515 = tpu.memref_squeeze %dma_wait3A_514 : memref<1x128x64xi32, #tpu.memory_space<vmem>> -> memref<128x64xi32, #tpu.memory_space<vmem>>
      %dma_wait3A_516 = tpu.memref_slice %arg8[%mul3A_510] : memref<5000xi32, #tpu.memory_space<vmem>> -> memref<128xi32, #tpu.memory_space<vmem>>
      %dma_wait3A_517 = arith.constant 0 : i32
      %dma_wait3A_518 = arith.constant 0 : i32
      %dma_wait3A_519 = tpu.memref_slice %arg2[%dma_wait3A_517, %dma_wait3A_518] : memref<10000x64xi32, #tpu.memory_space<hbm>> -> memref<10000x64xi32, #tpu.memory_space<hbm>>
      tpu.wait_indirect_dma semaphore(%arg18 : memref<!tpu.dma_semaphore, #tpu.memory_space<semaphore_mem>>) src(%dma_wait3A_519 : memref<10000x64xi32, #tpu.memory_space<hbm>>) dst(%dma_wait3A_515 : memref<128x64xi32, #tpu.memory_space<vmem>>)
      %add3A_520 = arith.constant 3 : i32
      %add3A_521 = arith.addi %mul3A_342, %add3A_520 : i32
      %mul3A_522 = arith.constant 128 : i32
      %mul3A_523 = arith.muli %add3A_521, %mul3A_522 : i32
      %add3A_524 = arith.addi %sub3A, %mul3A_523 : i32
      %dma_start3A_525 = arith.constant 3 : i32
      %dma_start3A_526 = arith.constant 0 : i32
      %dma_start3A_527 = arith.constant 0 : i32
      %dma_start3A_528 = tpu.memref_slice %arg9[%dma_start3A_525, %dma_start3A_526, %dma_start3A_527] : memref<4x128x64xi32, #tpu.memory_space<vmem>> -> memref<1x128x64xi32, #tpu.memory_space<vmem>>
      %dma_start3A_529 = tpu.memref_squeeze %dma_start3A_528 : memref<1x128x64xi32, #tpu.memory_space<vmem>> -> memref<128x64xi32, #tpu.memory_space<vmem>>
      %dma_start3A_530 = tpu.memref_slice %arg5[%add3A_524, %select_n3A_7] : memref<80000x128xi32, #tpu.memory_space<hbm>> -> memref<128x64xi32, #tpu.memory_space<hbm>>
      %dma_start3A_531 = tpu.memref_slice %arg5[%add3A_524, %select_n3A_7] : memref<80000x128xi32, #tpu.memory_space<hbm>> -> memref<128x64xi32, #tpu.memory_space<hbm>>
      %dma_start3A_532 = arith.constant 0 : i32
      %dma_start3A_533 = arith.constant 0 : i32
      %dma_start3A_534 = tpu.memref_slice %arg9[%dma_start3A_525, %dma_start3A_532, %dma_start3A_533] : memref<4x128x64xi32, #tpu.memory_space<vmem>> -> memref<1x128x64xi32, #tpu.memory_space<vmem>>
      %dma_start3A_535 = tpu.memref_squeeze %dma_start3A_534 : memref<1x128x64xi32, #tpu.memory_space<vmem>> -> memref<128x64xi32, #tpu.memory_space<vmem>>
      tpu.enqueue_dma source(%dma_start3A_535 : memref<128x64xi32, #tpu.memory_space<vmem>>) target(%dma_start3A_531 : memref<128x64xi32, #tpu.memory_space<hbm>>) target_semaphore(%arg14 : memref<!tpu.dma_semaphore, #tpu.memory_space<semaphore_mem>>)
      %dma_start3A_536 = arith.constant 3 : i32
      %dma_start3A_537 = arith.constant 0 : i32
      %dma_start3A_538 = arith.constant 0 : i32
      %dma_start3A_539 = tpu.memref_slice %arg10[%dma_start3A_536, %dma_start3A_537, %dma_start3A_538] : memref<4x128x64xi32, #tpu.memory_space<vmem>> -> memref<1x128x64xi32, #tpu.memory_space<vmem>>
      %dma_start3A_540 = tpu.memref_squeeze %dma_start3A_539 : memref<1x128x64xi32, #tpu.memory_space<vmem>> -> memref<128x64xi32, #tpu.memory_space<vmem>>
      %dma_start3A_541 = tpu.memref_slice %arg6[%add3A_524, %select_n3A_7] : memref<80000x128xi32, #tpu.memory_space<hbm>> -> memref<128x64xi32, #tpu.memory_space<hbm>>
      %dma_start3A_542 = tpu.memref_slice %arg6[%add3A_524, %select_n3A_7] : memref<80000x128xi32, #tpu.memory_space<hbm>> -> memref<128x64xi32, #tpu.memory_space<hbm>>
      %dma_start3A_543 = arith.constant 0 : i32
      %dma_start3A_544 = arith.constant 0 : i32
      %dma_start3A_545 = tpu.memref_slice %arg10[%dma_start3A_536, %dma_start3A_543, %dma_start3A_544] : memref<4x128x64xi32, #tpu.memory_space<vmem>> -> memref<1x128x64xi32, #tpu.memory_space<vmem>>
      %dma_start3A_546 = tpu.memref_squeeze %dma_start3A_545 : memref<1x128x64xi32, #tpu.memory_space<vmem>> -> memref<128x64xi32, #tpu.memory_space<vmem>>
      tpu.enqueue_dma source(%dma_start3A_546 : memref<128x64xi32, #tpu.memory_space<vmem>>) target(%dma_start3A_542 : memref<128x64xi32, #tpu.memory_space<hbm>>) target_semaphore(%arg18 : memref<!tpu.dma_semaphore, #tpu.memory_space<semaphore_mem>>)
      %add3A_547 = arith.constant 0 : i32
      %add3A_548 = arith.addi %mul3A_342, %add3A_547 : i32
      %mul3A_549 = arith.constant 128 : i32
      %mul3A_550 = arith.muli %add3A_548, %mul3A_549 : i32
      %add3A_551 = arith.addi %sub3A, %mul3A_550 : i32
      %dma_wait3A_552 = arith.constant 0 : i32
      %dma_wait3A_553 = arith.constant 0 : i32
      %dma_wait3A_554 = arith.constant 0 : i32
      %dma_wait3A_555 = tpu.memref_slice %arg9[%dma_wait3A_552, %dma_wait3A_553, %dma_wait3A_554] : memref<4x128x64xi32, #tpu.memory_space<vmem>> -> memref<1x128x64xi32, #tpu.memory_space<vmem>>
      %dma_wait3A_556 = tpu.memref_squeeze %dma_wait3A_555 : memref<1x128x64xi32, #tpu.memory_space<vmem>> -> memref<128x64xi32, #tpu.memory_space<vmem>>
      %dma_wait3A_557 = tpu.memref_slice %arg5[%add3A_551, %select_n3A_7] : memref<80000x128xi32, #tpu.memory_space<hbm>> -> memref<128x64xi32, #tpu.memory_space<hbm>>
      %dma_wait3A_558 = tpu.memref_slice %arg5[%add3A_551, %select_n3A_7] : memref<80000x128xi32, #tpu.memory_space<hbm>> -> memref<128x64xi32, #tpu.memory_space<hbm>>
      %dma_wait3A_559 = arith.constant 0 : i32
      %dma_wait3A_560 = arith.constant 0 : i32
      %dma_wait3A_561 = tpu.memref_slice %arg9[%dma_wait3A_552, %dma_wait3A_559, %dma_wait3A_560] : memref<4x128x64xi32, #tpu.memory_space<vmem>> -> memref<1x128x64xi32, #tpu.memory_space<vmem>>
      %dma_wait3A_562 = tpu.memref_squeeze %dma_wait3A_561 : memref<1x128x64xi32, #tpu.memory_space<vmem>> -> memref<128x64xi32, #tpu.memory_space<vmem>>
      tpu.wait_dma2 semaphore(%arg11 : memref<!tpu.dma_semaphore, #tpu.memory_space<semaphore_mem>>) src(%dma_wait3A_562 : memref<128x64xi32, #tpu.memory_space<vmem>>) dst(%dma_wait3A_558 : memref<128x64xi32, #tpu.memory_space<hbm>>)
      %dma_wait3A_563 = arith.constant 0 : i32
      %dma_wait3A_564 = arith.constant 0 : i32
      %dma_wait3A_565 = arith.constant 0 : i32
      %dma_wait3A_566 = tpu.memref_slice %arg10[%dma_wait3A_563, %dma_wait3A_564, %dma_wait3A_565] : memref<4x128x64xi32, #tpu.memory_space<vmem>> -> memref<1x128x64xi32, #tpu.memory_space<vmem>>
      %dma_wait3A_567 = tpu.memref_squeeze %dma_wait3A_566 : memref<1x128x64xi32, #tpu.memory_space<vmem>> -> memref<128x64xi32, #tpu.memory_space<vmem>>
      %dma_wait3A_568 = tpu.memref_slice %arg6[%add3A_551, %select_n3A_7] : memref<80000x128xi32, #tpu.memory_space<hbm>> -> memref<128x64xi32, #tpu.memory_space<hbm>>
      %dma_wait3A_569 = tpu.memref_slice %arg6[%add3A_551, %select_n3A_7] : memref<80000x128xi32, #tpu.memory_space<hbm>> -> memref<128x64xi32, #tpu.memory_space<hbm>>
      %dma_wait3A_570 = arith.constant 0 : i32
      %dma_wait3A_571 = arith.constant 0 : i32
      %dma_wait3A_572 = tpu.memref_slice %arg10[%dma_wait3A_563, %dma_wait3A_570, %dma_wait3A_571] : memref<4x128x64xi32, #tpu.memory_space<vmem>> -> memref<1x128x64xi32, #tpu.memory_space<vmem>>
      %dma_wait3A_573 = tpu.memref_squeeze %dma_wait3A_572 : memref<1x128x64xi32, #tpu.memory_space<vmem>> -> memref<128x64xi32, #tpu.memory_space<vmem>>
      tpu.wait_dma2 semaphore(%arg15 : memref<!tpu.dma_semaphore, #tpu.memory_space<semaphore_mem>>) src(%dma_wait3A_573 : memref<128x64xi32, #tpu.memory_space<vmem>>) dst(%dma_wait3A_569 : memref<128x64xi32, #tpu.memory_space<hbm>>)
      %add3A_574 = arith.constant 0 : i32
      %add3A_575 = arith.addi %mul3A_342, %add3A_574 : i32
      %add3A_576 = arith.constant 4 : i32
      %add3A_577 = arith.addi %add3A_575, %add3A_576 : i32
      %lt3A_578 = arith.constant 39 : i32
      %lt3A_579 = arith.cmpi slt, %add3A_577, %lt3A_578 : i32
      %convert_element_type3A = arith.extui %lt3A_579 : i1 to i32
      %cond3A = arith.constant 0 : i32
      %cond3A_580 = arith.cmpi ne, %convert_element_type3A, %cond3A : i32
      scf.if %cond3A_580 {
        %add3A_689 = arith.constant 0 : i32
        %add3A_690 = arith.addi %mul3A_342, %add3A_689 : i32
        %add3A_691 = arith.constant 4 : i32
        %add3A_692 = arith.addi %add3A_690, %add3A_691 : i32
        %mul3A_693 = arith.constant 128 : i32
        %mul3A_694 = arith.muli %add3A_692, %mul3A_693 : i32
        %dma_start3A_695 = arith.constant 0 : i32
        %dma_start3A_696 = arith.constant 0 : i32
        %dma_start3A_697 = arith.constant 0 : i32
        %dma_start3A_698 = tpu.memref_slice %arg9[%dma_start3A_695, %dma_start3A_696, %dma_start3A_697] : memref<4x128x64xi32, #tpu.memory_space<vmem>> -> memref<1x128x64xi32, #tpu.memory_space<vmem>>
        %dma_start3A_699 = tpu.memref_squeeze %dma_start3A_698 : memref<1x128x64xi32, #tpu.memory_space<vmem>> -> memref<128x64xi32, #tpu.memory_space<vmem>>
        %dma_start3A_700 = tpu.memref_slice %arg7[%mul3A_694] : memref<5000xi32, #tpu.memory_space<vmem>> -> memref<128xi32, #tpu.memory_space<vmem>>
        %dma_start3A_701 = arith.constant 0 : i32
        %dma_start3A_702 = arith.constant 0 : i32
        %dma_start3A_703 = tpu.memref_slice %arg2[%dma_start3A_701, %dma_start3A_702] : memref<10000x64xi32, #tpu.memory_space<hbm>> -> memref<10000x64xi32, #tpu.memory_space<hbm>>
        tpu.enqueue_indirect_dma source(%dma_start3A_703 : memref<10000x64xi32, #tpu.memory_space<hbm>>) target(%dma_start3A_699 : memref<128x64xi32, #tpu.memory_space<vmem>>) offsets(%dma_start3A_700 : memref<128xi32, #tpu.memory_space<vmem>>) semaphore(%arg11 : memref<!tpu.dma_semaphore, #tpu.memory_space<semaphore_mem>>)
        %mul3A_704 = arith.constant 128 : i32
        %mul3A_705 = arith.muli %add3A_692, %mul3A_704 : i32
        %dma_start3A_706 = arith.constant 0 : i32
        %dma_start3A_707 = arith.constant 0 : i32
        %dma_start3A_708 = arith.constant 0 : i32
        %dma_start3A_709 = tpu.memref_slice %arg10[%dma_start3A_706, %dma_start3A_707, %dma_start3A_708] : memref<4x128x64xi32, #tpu.memory_space<vmem>> -> memref<1x128x64xi32, #tpu.memory_space<vmem>>
        %dma_start3A_710 = tpu.memref_squeeze %dma_start3A_709 : memref<1x128x64xi32, #tpu.memory_space<vmem>> -> memref<128x64xi32, #tpu.memory_space<vmem>>
        %dma_start3A_711 = tpu.memref_slice %arg8[%mul3A_705] : memref<5000xi32, #tpu.memory_space<vmem>> -> memref<128xi32, #tpu.memory_space<vmem>>
        %dma_start3A_712 = arith.constant 0 : i32
        %dma_start3A_713 = arith.constant 0 : i32
        %dma_start3A_714 = tpu.memref_slice %arg2[%dma_start3A_712, %dma_start3A_713] : memref<10000x64xi32, #tpu.memory_space<hbm>> -> memref<10000x64xi32, #tpu.memory_space<hbm>>
        tpu.enqueue_indirect_dma source(%dma_start3A_714 : memref<10000x64xi32, #tpu.memory_space<hbm>>) target(%dma_start3A_710 : memref<128x64xi32, #tpu.memory_space<vmem>>) offsets(%dma_start3A_711 : memref<128xi32, #tpu.memory_space<vmem>>) semaphore(%arg15 : memref<!tpu.dma_semaphore, #tpu.memory_space<semaphore_mem>>)
      } else {
      }
      %add3A_581 = arith.constant 1 : i32
      %add3A_582 = arith.addi %mul3A_342, %add3A_581 : i32
      %mul3A_583 = arith.constant 128 : i32
      %mul3A_584 = arith.muli %add3A_582, %mul3A_583 : i32
      %add3A_585 = arith.addi %sub3A, %mul3A_584 : i32
      %dma_wait3A_586 = arith.constant 1 : i32
      %dma_wait3A_587 = arith.constant 0 : i32
      %dma_wait3A_588 = arith.constant 0 : i32
      %dma_wait3A_589 = tpu.memref_slice %arg9[%dma_wait3A_586, %dma_wait3A_587, %dma_wait3A_588] : memref<4x128x64xi32, #tpu.memory_space<vmem>> -> memref<1x128x64xi32, #tpu.memory_space<vmem>>
      %dma_wait3A_590 = tpu.memref_squeeze %dma_wait3A_589 : memref<1x128x64xi32, #tpu.memory_space<vmem>> -> memref<128x64xi32, #tpu.memory_space<vmem>>
      %dma_wait3A_591 = tpu.memref_slice %arg5[%add3A_585, %select_n3A_7] : memref<80000x128xi32, #tpu.memory_space<hbm>> -> memref<128x64xi32, #tpu.memory_space<hbm>>
      %dma_wait3A_592 = tpu.memref_slice %arg5[%add3A_585, %select_n3A_7] : memref<80000x128xi32, #tpu.memory_space<hbm>> -> memref<128x64xi32, #tpu.memory_space<hbm>>
      %dma_wait3A_593 = arith.constant 0 : i32
      %dma_wait3A_594 = arith.constant 0 : i32
      %dma_wait3A_595 = tpu.memref_slice %arg9[%dma_wait3A_586, %dma_wait3A_593, %dma_wait3A_594] : memref<4x128x64xi32, #tpu.memory_space<vmem>> -> memref<1x128x64xi32, #tpu.memory_space<vmem>>
      %dma_wait3A_596 = tpu.memref_squeeze %dma_wait3A_595 : memref<1x128x64xi32, #tpu.memory_space<vmem>> -> memref<128x64xi32, #tpu.memory_space<vmem>>
      tpu.wait_dma2 semaphore(%arg12 : memref<!tpu.dma_semaphore, #tpu.memory_space<semaphore_mem>>) src(%dma_wait3A_596 : memref<128x64xi32, #tpu.memory_space<vmem>>) dst(%dma_wait3A_592 : memref<128x64xi32, #tpu.memory_space<hbm>>)
      %dma_wait3A_597 = arith.constant 1 : i32
      %dma_wait3A_598 = arith.constant 0 : i32
      %dma_wait3A_599 = arith.constant 0 : i32
      %dma_wait3A_600 = tpu.memref_slice %arg10[%dma_wait3A_597, %dma_wait3A_598, %dma_wait3A_599] : memref<4x128x64xi32, #tpu.memory_space<vmem>> -> memref<1x128x64xi32, #tpu.memory_space<vmem>>
      %dma_wait3A_601 = tpu.memref_squeeze %dma_wait3A_600 : memref<1x128x64xi32, #tpu.memory_space<vmem>> -> memref<128x64xi32, #tpu.memory_space<vmem>>
      %dma_wait3A_602 = tpu.memref_slice %arg6[%add3A_585, %select_n3A_7] : memref<80000x128xi32, #tpu.memory_space<hbm>> -> memref<128x64xi32, #tpu.memory_space<hbm>>
      %dma_wait3A_603 = tpu.memref_slice %arg6[%add3A_585, %select_n3A_7] : memref<80000x128xi32, #tpu.memory_space<hbm>> -> memref<128x64xi32, #tpu.memory_space<hbm>>
      %dma_wait3A_604 = arith.constant 0 : i32
      %dma_wait3A_605 = arith.constant 0 : i32
      %dma_wait3A_606 = tpu.memref_slice %arg10[%dma_wait3A_597, %dma_wait3A_604, %dma_wait3A_605] : memref<4x128x64xi32, #tpu.memory_space<vmem>> -> memref<1x128x64xi32, #tpu.memory_space<vmem>>
      %dma_wait3A_607 = tpu.memref_squeeze %dma_wait3A_606 : memref<1x128x64xi32, #tpu.memory_space<vmem>> -> memref<128x64xi32, #tpu.memory_space<vmem>>
      tpu.wait_dma2 semaphore(%arg16 : memref<!tpu.dma_semaphore, #tpu.memory_space<semaphore_mem>>) src(%dma_wait3A_607 : memref<128x64xi32, #tpu.memory_space<vmem>>) dst(%dma_wait3A_603 : memref<128x64xi32, #tpu.memory_space<hbm>>)
      %add3A_608 = arith.constant 1 : i32
      %add3A_609 = arith.addi %mul3A_342, %add3A_608 : i32
      %add3A_610 = arith.constant 4 : i32
      %add3A_611 = arith.addi %add3A_609, %add3A_610 : i32
      %lt3A_612 = arith.constant 39 : i32
      %lt3A_613 = arith.cmpi slt, %add3A_611, %lt3A_612 : i32
      %convert_element_type3A_614 = arith.extui %lt3A_613 : i1 to i32
      %cond3A_615 = arith.constant 0 : i32
      %cond3A_616 = arith.cmpi ne, %convert_element_type3A_614, %cond3A_615 : i32
      scf.if %cond3A_616 {
        %add3A_689 = arith.constant 1 : i32
        %add3A_690 = arith.addi %mul3A_342, %add3A_689 : i32
        %add3A_691 = arith.constant 4 : i32
        %add3A_692 = arith.addi %add3A_690, %add3A_691 : i32
        %mul3A_693 = arith.constant 128 : i32
        %mul3A_694 = arith.muli %add3A_692, %mul3A_693 : i32
        %dma_start3A_695 = arith.constant 1 : i32
        %dma_start3A_696 = arith.constant 0 : i32
        %dma_start3A_697 = arith.constant 0 : i32
        %dma_start3A_698 = tpu.memref_slice %arg9[%dma_start3A_695, %dma_start3A_696, %dma_start3A_697] : memref<4x128x64xi32, #tpu.memory_space<vmem>> -> memref<1x128x64xi32, #tpu.memory_space<vmem>>
        %dma_start3A_699 = tpu.memref_squeeze %dma_start3A_698 : memref<1x128x64xi32, #tpu.memory_space<vmem>> -> memref<128x64xi32, #tpu.memory_space<vmem>>
        %dma_start3A_700 = tpu.memref_slice %arg7[%mul3A_694] : memref<5000xi32, #tpu.memory_space<vmem>> -> memref<128xi32, #tpu.memory_space<vmem>>
        %dma_start3A_701 = arith.constant 0 : i32
        %dma_start3A_702 = arith.constant 0 : i32
        %dma_start3A_703 = tpu.memref_slice %arg2[%dma_start3A_701, %dma_start3A_702] : memref<10000x64xi32, #tpu.memory_space<hbm>> -> memref<10000x64xi32, #tpu.memory_space<hbm>>
        tpu.enqueue_indirect_dma source(%dma_start3A_703 : memref<10000x64xi32, #tpu.memory_space<hbm>>) target(%dma_start3A_699 : memref<128x64xi32, #tpu.memory_space<vmem>>) offsets(%dma_start3A_700 : memref<128xi32, #tpu.memory_space<vmem>>) semaphore(%arg12 : memref<!tpu.dma_semaphore, #tpu.memory_space<semaphore_mem>>)
        %mul3A_704 = arith.constant 128 : i32
        %mul3A_705 = arith.muli %add3A_692, %mul3A_704 : i32
        %dma_start3A_706 = arith.constant 1 : i32
        %dma_start3A_707 = arith.constant 0 : i32
        %dma_start3A_708 = arith.constant 0 : i32
        %dma_start3A_709 = tpu.memref_slice %arg10[%dma_start3A_706, %dma_start3A_707, %dma_start3A_708] : memref<4x128x64xi32, #tpu.memory_space<vmem>> -> memref<1x128x64xi32, #tpu.memory_space<vmem>>
        %dma_start3A_710 = tpu.memref_squeeze %dma_start3A_709 : memref<1x128x64xi32, #tpu.memory_space<vmem>> -> memref<128x64xi32, #tpu.memory_space<vmem>>
        %dma_start3A_711 = tpu.memref_slice %arg8[%mul3A_705] : memref<5000xi32, #tpu.memory_space<vmem>> -> memref<128xi32, #tpu.memory_space<vmem>>
        %dma_start3A_712 = arith.constant 0 : i32
        %dma_start3A_713 = arith.constant 0 : i32
        %dma_start3A_714 = tpu.memref_slice %arg2[%dma_start3A_712, %dma_start3A_713] : memref<10000x64xi32, #tpu.memory_space<hbm>> -> memref<10000x64xi32, #tpu.memory_space<hbm>>
        tpu.enqueue_indirect_dma source(%dma_start3A_714 : memref<10000x64xi32, #tpu.memory_space<hbm>>) target(%dma_start3A_710 : memref<128x64xi32, #tpu.memory_space<vmem>>) offsets(%dma_start3A_711 : memref<128xi32, #tpu.memory_space<vmem>>) semaphore(%arg16 : memref<!tpu.dma_semaphore, #tpu.memory_space<semaphore_mem>>)
      } else {
      }
      %add3A_617 = arith.constant 2 : i32
      %add3A_618 = arith.addi %mul3A_342, %add3A_617 : i32
      %mul3A_619 = arith.constant 128 : i32
      %mul3A_620 = arith.muli %add3A_618, %mul3A_619 : i32
      %add3A_621 = arith.addi %sub3A, %mul3A_620 : i32
      %dma_wait3A_622 = arith.constant 2 : i32
      %dma_wait3A_623 = arith.constant 0 : i32
      %dma_wait3A_624 = arith.constant 0 : i32
      %dma_wait3A_625 = tpu.memref_slice %arg9[%dma_wait3A_622, %dma_wait3A_623, %dma_wait3A_624] : memref<4x128x64xi32, #tpu.memory_space<vmem>> -> memref<1x128x64xi32, #tpu.memory_space<vmem>>
      %dma_wait3A_626 = tpu.memref_squeeze %dma_wait3A_625 : memref<1x128x64xi32, #tpu.memory_space<vmem>> -> memref<128x64xi32, #tpu.memory_space<vmem>>
      %dma_wait3A_627 = tpu.memref_slice %arg5[%add3A_621, %select_n3A_7] : memref<80000x128xi32, #tpu.memory_space<hbm>> -> memref<128x64xi32, #tpu.memory_space<hbm>>
      %dma_wait3A_628 = tpu.memref_slice %arg5[%add3A_621, %select_n3A_7] : memref<80000x128xi32, #tpu.memory_space<hbm>> -> memref<128x64xi32, #tpu.memory_space<hbm>>
      %dma_wait3A_629 = arith.constant 0 : i32
      %dma_wait3A_630 = arith.constant 0 : i32
      %dma_wait3A_631 = tpu.memref_slice %arg9[%dma_wait3A_622, %dma_wait3A_629, %dma_wait3A_630] : memref<4x128x64xi32, #tpu.memory_space<vmem>> -> memref<1x128x64xi32, #tpu.memory_space<vmem>>
      %dma_wait3A_632 = tpu.memref_squeeze %dma_wait3A_631 : memref<1x128x64xi32, #tpu.memory_space<vmem>> -> memref<128x64xi32, #tpu.memory_space<vmem>>
      tpu.wait_dma2 semaphore(%arg13 : memref<!tpu.dma_semaphore, #tpu.memory_space<semaphore_mem>>) src(%dma_wait3A_632 : memref<128x64xi32, #tpu.memory_space<vmem>>) dst(%dma_wait3A_628 : memref<128x64xi32, #tpu.memory_space<hbm>>)
      %dma_wait3A_633 = arith.constant 2 : i32
      %dma_wait3A_634 = arith.constant 0 : i32
      %dma_wait3A_635 = arith.constant 0 : i32
      %dma_wait3A_636 = tpu.memref_slice %arg10[%dma_wait3A_633, %dma_wait3A_634, %dma_wait3A_635] : memref<4x128x64xi32, #tpu.memory_space<vmem>> -> memref<1x128x64xi32, #tpu.memory_space<vmem>>
      %dma_wait3A_637 = tpu.memref_squeeze %dma_wait3A_636 : memref<1x128x64xi32, #tpu.memory_space<vmem>> -> memref<128x64xi32, #tpu.memory_space<vmem>>
      %dma_wait3A_638 = tpu.memref_slice %arg6[%add3A_621, %select_n3A_7] : memref<80000x128xi32, #tpu.memory_space<hbm>> -> memref<128x64xi32, #tpu.memory_space<hbm>>
      %dma_wait3A_639 = tpu.memref_slice %arg6[%add3A_621, %select_n3A_7] : memref<80000x128xi32, #tpu.memory_space<hbm>> -> memref<128x64xi32, #tpu.memory_space<hbm>>
      %dma_wait3A_640 = arith.constant 0 : i32
      %dma_wait3A_641 = arith.constant 0 : i32
      %dma_wait3A_642 = tpu.memref_slice %arg10[%dma_wait3A_633, %dma_wait3A_640, %dma_wait3A_641] : memref<4x128x64xi32, #tpu.memory_space<vmem>> -> memref<1x128x64xi32, #tpu.memory_space<vmem>>
      %dma_wait3A_643 = tpu.memref_squeeze %dma_wait3A_642 : memref<1x128x64xi32, #tpu.memory_space<vmem>> -> memref<128x64xi32, #tpu.memory_space<vmem>>
      tpu.wait_dma2 semaphore(%arg17 : memref<!tpu.dma_semaphore, #tpu.memory_space<semaphore_mem>>) src(%dma_wait3A_643 : memref<128x64xi32, #tpu.memory_space<vmem>>) dst(%dma_wait3A_639 : memref<128x64xi32, #tpu.memory_space<hbm>>)
      %add3A_644 = arith.constant 2 : i32
      %add3A_645 = arith.addi %mul3A_342, %add3A_644 : i32
      %add3A_646 = arith.constant 4 : i32
      %add3A_647 = arith.addi %add3A_645, %add3A_646 : i32
      %lt3A_648 = arith.constant 39 : i32
      %lt3A_649 = arith.cmpi slt, %add3A_647, %lt3A_648 : i32
      %convert_element_type3A_650 = arith.extui %lt3A_649 : i1 to i32
      %cond3A_651 = arith.constant 0 : i32
      %cond3A_652 = arith.cmpi ne, %convert_element_type3A_650, %cond3A_651 : i32
      scf.if %cond3A_652 {
        %add3A_689 = arith.constant 2 : i32
        %add3A_690 = arith.addi %mul3A_342, %add3A_689 : i32
        %add3A_691 = arith.constant 4 : i32
        %add3A_692 = arith.addi %add3A_690, %add3A_691 : i32
        %mul3A_693 = arith.constant 128 : i32
        %mul3A_694 = arith.muli %add3A_692, %mul3A_693 : i32
        %dma_start3A_695 = arith.constant 2 : i32
        %dma_start3A_696 = arith.constant 0 : i32
        %dma_start3A_697 = arith.constant 0 : i32
        %dma_start3A_698 = tpu.memref_slice %arg9[%dma_start3A_695, %dma_start3A_696, %dma_start3A_697] : memref<4x128x64xi32, #tpu.memory_space<vmem>> -> memref<1x128x64xi32, #tpu.memory_space<vmem>>
        %dma_start3A_699 = tpu.memref_squeeze %dma_start3A_698 : memref<1x128x64xi32, #tpu.memory_space<vmem>> -> memref<128x64xi32, #tpu.memory_space<vmem>>
        %dma_start3A_700 = tpu.memref_slice %arg7[%mul3A_694] : memref<5000xi32, #tpu.memory_space<vmem>> -> memref<128xi32, #tpu.memory_space<vmem>>
        %dma_start3A_701 = arith.constant 0 : i32
        %dma_start3A_702 = arith.constant 0 : i32
        %dma_start3A_703 = tpu.memref_slice %arg2[%dma_start3A_701, %dma_start3A_702] : memref<10000x64xi32, #tpu.memory_space<hbm>> -> memref<10000x64xi32, #tpu.memory_space<hbm>>
        tpu.enqueue_indirect_dma source(%dma_start3A_703 : memref<10000x64xi32, #tpu.memory_space<hbm>>) target(%dma_start3A_699 : memref<128x64xi32, #tpu.memory_space<vmem>>) offsets(%dma_start3A_700 : memref<128xi32, #tpu.memory_space<vmem>>) semaphore(%arg13 : memref<!tpu.dma_semaphore, #tpu.memory_space<semaphore_mem>>)
        %mul3A_704 = arith.constant 128 : i32
        %mul3A_705 = arith.muli %add3A_692, %mul3A_704 : i32
        %dma_start3A_706 = arith.constant 2 : i32
        %dma_start3A_707 = arith.constant 0 : i32
        %dma_start3A_708 = arith.constant 0 : i32
        %dma_start3A_709 = tpu.memref_slice %arg10[%dma_start3A_706, %dma_start3A_707, %dma_start3A_708] : memref<4x128x64xi32, #tpu.memory_space<vmem>> -> memref<1x128x64xi32, #tpu.memory_space<vmem>>
        %dma_start3A_710 = tpu.memref_squeeze %dma_start3A_709 : memref<1x128x64xi32, #tpu.memory_space<vmem>> -> memref<128x64xi32, #tpu.memory_space<vmem>>
        %dma_start3A_711 = tpu.memref_slice %arg8[%mul3A_705] : memref<5000xi32, #tpu.memory_space<vmem>> -> memref<128xi32, #tpu.memory_space<vmem>>
        %dma_start3A_712 = arith.constant 0 : i32
        %dma_start3A_713 = arith.constant 0 : i32
        %dma_start3A_714 = tpu.memref_slice %arg2[%dma_start3A_712, %dma_start3A_713] : memref<10000x64xi32, #tpu.memory_space<hbm>> -> memref<10000x64xi32, #tpu.memory_space<hbm>>
        tpu.enqueue_indirect_dma source(%dma_start3A_714 : memref<10000x64xi32, #tpu.memory_space<hbm>>) target(%dma_start3A_710 : memref<128x64xi32, #tpu.memory_space<vmem>>) offsets(%dma_start3A_711 : memref<128xi32, #tpu.memory_space<vmem>>) semaphore(%arg17 : memref<!tpu.dma_semaphore, #tpu.memory_space<semaphore_mem>>)
      } else {
      }
      %add3A_653 = arith.constant 3 : i32
      %add3A_654 = arith.addi %mul3A_342, %add3A_653 : i32
      %mul3A_655 = arith.constant 128 : i32
      %mul3A_656 = arith.muli %add3A_654, %mul3A_655 : i32
      %add3A_657 = arith.addi %sub3A, %mul3A_656 : i32
      %dma_wait3A_658 = arith.constant 3 : i32
      %dma_wait3A_659 = arith.constant 0 : i32
      %dma_wait3A_660 = arith.constant 0 : i32
      %dma_wait3A_661 = tpu.memref_slice %arg9[%dma_wait3A_658, %dma_wait3A_659, %dma_wait3A_660] : memref<4x128x64xi32, #tpu.memory_space<vmem>> -> memref<1x128x64xi32, #tpu.memory_space<vmem>>
      %dma_wait3A_662 = tpu.memref_squeeze %dma_wait3A_661 : memref<1x128x64xi32, #tpu.memory_space<vmem>> -> memref<128x64xi32, #tpu.memory_space<vmem>>
      %dma_wait3A_663 = tpu.memref_slice %arg5[%add3A_657, %select_n3A_7] : memref<80000x128xi32, #tpu.memory_space<hbm>> -> memref<128x64xi32, #tpu.memory_space<hbm>>
      %dma_wait3A_664 = tpu.memref_slice %arg5[%add3A_657, %select_n3A_7] : memref<80000x128xi32, #tpu.memory_space<hbm>> -> memref<128x64xi32, #tpu.memory_space<hbm>>
      %dma_wait3A_665 = arith.constant 0 : i32
      %dma_wait3A_666 = arith.constant 0 : i32
      %dma_wait3A_667 = tpu.memref_slice %arg9[%dma_wait3A_658, %dma_wait3A_665, %dma_wait3A_666] : memref<4x128x64xi32, #tpu.memory_space<vmem>> -> memref<1x128x64xi32, #tpu.memory_space<vmem>>
      %dma_wait3A_668 = tpu.memref_squeeze %dma_wait3A_667 : memref<1x128x64xi32, #tpu.memory_space<vmem>> -> memref<128x64xi32, #tpu.memory_space<vmem>>
      tpu.wait_dma2 semaphore(%arg14 : memref<!tpu.dma_semaphore, #tpu.memory_space<semaphore_mem>>) src(%dma_wait3A_668 : memref<128x64xi32, #tpu.memory_space<vmem>>) dst(%dma_wait3A_664 : memref<128x64xi32, #tpu.memory_space<hbm>>)
      %dma_wait3A_669 = arith.constant 3 : i32
      %dma_wait3A_670 = arith.constant 0 : i32
      %dma_wait3A_671 = arith.constant 0 : i32
      %dma_wait3A_672 = tpu.memref_slice %arg10[%dma_wait3A_669, %dma_wait3A_670, %dma_wait3A_671] : memref<4x128x64xi32, #tpu.memory_space<vmem>> -> memref<1x128x64xi32, #tpu.memory_space<vmem>>
      %dma_wait3A_673 = tpu.memref_squeeze %dma_wait3A_672 : memref<1x128x64xi32, #tpu.memory_space<vmem>> -> memref<128x64xi32, #tpu.memory_space<vmem>>
      %dma_wait3A_674 = tpu.memref_slice %arg6[%add3A_657, %select_n3A_7] : memref<80000x128xi32, #tpu.memory_space<hbm>> -> memref<128x64xi32, #tpu.memory_space<hbm>>
      %dma_wait3A_675 = tpu.memref_slice %arg6[%add3A_657, %select_n3A_7] : memref<80000x128xi32, #tpu.memory_space<hbm>> -> memref<128x64xi32, #tpu.memory_space<hbm>>
      %dma_wait3A_676 = arith.constant 0 : i32
      %dma_wait3A_677 = arith.constant 0 : i32
      %dma_wait3A_678 = tpu.memref_slice %arg10[%dma_wait3A_669, %dma_wait3A_676, %dma_wait3A_677] : memref<4x128x64xi32, #tpu.memory_space<vmem>> -> memref<1x128x64xi32, #tpu.memory_space<vmem>>
      %dma_wait3A_679 = tpu.memref_squeeze %dma_wait3A_678 : memref<1x128x64xi32, #tpu.memory_space<vmem>> -> memref<128x64xi32, #tpu.memory_space<vmem>>
      tpu.wait_dma2 semaphore(%arg18 : memref<!tpu.dma_semaphore, #tpu.memory_space<semaphore_mem>>) src(%dma_wait3A_679 : memref<128x64xi32, #tpu.memory_space<vmem>>) dst(%dma_wait3A_675 : memref<128x64xi32, #tpu.memory_space<hbm>>)
      %add3A_680 = arith.constant 3 : i32
      %add3A_681 = arith.addi %mul3A_342, %add3A_680 : i32
      %add3A_682 = arith.constant 4 : i32
      %add3A_683 = arith.addi %add3A_681, %add3A_682 : i32
      %lt3A_684 = arith.constant 39 : i32
      %lt3A_685 = arith.cmpi slt, %add3A_683, %lt3A_684 : i32
      %convert_element_type3A_686 = arith.extui %lt3A_685 : i1 to i32
      %cond3A_687 = arith.constant 0 : i32
      %cond3A_688 = arith.cmpi ne, %convert_element_type3A_686, %cond3A_687 : i32
      scf.if %cond3A_688 {
        %add3A_689 = arith.constant 3 : i32
        %add3A_690 = arith.addi %mul3A_342, %add3A_689 : i32
        %add3A_691 = arith.constant 4 : i32
        %add3A_692 = arith.addi %add3A_690, %add3A_691 : i32
        %mul3A_693 = arith.constant 128 : i32
        %mul3A_694 = arith.muli %add3A_692, %mul3A_693 : i32
        %dma_start3A_695 = arith.constant 3 : i32
        %dma_start3A_696 = arith.constant 0 : i32
        %dma_start3A_697 = arith.constant 0 : i32
        %dma_start3A_698 = tpu.memref_slice %arg9[%dma_start3A_695, %dma_start3A_696, %dma_start3A_697] : memref<4x128x64xi32, #tpu.memory_space<vmem>> -> memref<1x128x64xi32, #tpu.memory_space<vmem>>
        %dma_start3A_699 = tpu.memref_squeeze %dma_start3A_698 : memref<1x128x64xi32, #tpu.memory_space<vmem>> -> memref<128x64xi32, #tpu.memory_space<vmem>>
        %dma_start3A_700 = tpu.memref_slice %arg7[%mul3A_694] : memref<5000xi32, #tpu.memory_space<vmem>> -> memref<128xi32, #tpu.memory_space<vmem>>
        %dma_start3A_701 = arith.constant 0 : i32
        %dma_start3A_702 = arith.constant 0 : i32
        %dma_start3A_703 = tpu.memref_slice %arg2[%dma_start3A_701, %dma_start3A_702] : memref<10000x64xi32, #tpu.memory_space<hbm>> -> memref<10000x64xi32, #tpu.memory_space<hbm>>
        tpu.enqueue_indirect_dma source(%dma_start3A_703 : memref<10000x64xi32, #tpu.memory_space<hbm>>) target(%dma_start3A_699 : memref<128x64xi32, #tpu.memory_space<vmem>>) offsets(%dma_start3A_700 : memref<128xi32, #tpu.memory_space<vmem>>) semaphore(%arg14 : memref<!tpu.dma_semaphore, #tpu.memory_space<semaphore_mem>>)
        %mul3A_704 = arith.constant 128 : i32
        %mul3A_705 = arith.muli %add3A_692, %mul3A_704 : i32
        %dma_start3A_706 = arith.constant 3 : i32
        %dma_start3A_707 = arith.constant 0 : i32
        %dma_start3A_708 = arith.constant 0 : i32
        %dma_start3A_709 = tpu.memref_slice %arg10[%dma_start3A_706, %dma_start3A_707, %dma_start3A_708] : memref<4x128x64xi32, #tpu.memory_space<vmem>> -> memref<1x128x64xi32, #tpu.memory_space<vmem>>
        %dma_start3A_710 = tpu.memref_squeeze %dma_start3A_709 : memref<1x128x64xi32, #tpu.memory_space<vmem>> -> memref<128x64xi32, #tpu.memory_space<vmem>>
        %dma_start3A_711 = tpu.memref_slice %arg8[%mul3A_705] : memref<5000xi32, #tpu.memory_space<vmem>> -> memref<128xi32, #tpu.memory_space<vmem>>
        %dma_start3A_712 = arith.constant 0 : i32
        %dma_start3A_713 = arith.constant 0 : i32
        %dma_start3A_714 = tpu.memref_slice %arg2[%dma_start3A_712, %dma_start3A_713] : memref<10000x64xi32, #tpu.memory_space<hbm>> -> memref<10000x64xi32, #tpu.memory_space<hbm>>
        tpu.enqueue_indirect_dma source(%dma_start3A_714 : memref<10000x64xi32, #tpu.memory_space<hbm>>) target(%dma_start3A_710 : memref<128x64xi32, #tpu.memory_space<vmem>>) offsets(%dma_start3A_711 : memref<128xi32, #tpu.memory_space<vmem>>) semaphore(%arg18 : memref<!tpu.dma_semaphore, #tpu.memory_space<semaphore_mem>>)
      } else {
      }
    }
    %scan3A_91 = arith.constant 9 : i32
    %dma_wait3A = arith.constant 0 : i32
    %dma_wait3A_92 = arith.constant 0 : i32
    %dma_wait3A_93 = arith.constant 0 : i32
    %dma_wait3A_94 = tpu.memref_slice %arg9[%dma_wait3A, %dma_wait3A_92, %dma_wait3A_93] : memref<4x128x64xi32, #tpu.memory_space<vmem>> -> memref<1x128x64xi32, #tpu.memory_space<vmem>>
    %dma_wait3A_95 = tpu.memref_squeeze %dma_wait3A_94 : memref<1x128x64xi32, #tpu.memory_space<vmem>> -> memref<128x64xi32, #tpu.memory_space<vmem>>
    %dma_wait3A_96 = arith.constant 4608 : i32
    %dma_wait3A_97 = tpu.memref_slice %arg7[%dma_wait3A_96] : memref<5000xi32, #tpu.memory_space<vmem>> -> memref<128xi32, #tpu.memory_space<vmem>>
    %dma_wait3A_98 = arith.constant 0 : i32
    %dma_wait3A_99 = arith.constant 0 : i32
    %dma_wait3A_100 = tpu.memref_slice %arg2[%dma_wait3A_98, %dma_wait3A_99] : memref<10000x64xi32, #tpu.memory_space<hbm>> -> memref<10000x64xi32, #tpu.memory_space<hbm>>
    tpu.wait_indirect_dma semaphore(%arg11 : memref<!tpu.dma_semaphore, #tpu.memory_space<semaphore_mem>>) src(%dma_wait3A_100 : memref<10000x64xi32, #tpu.memory_space<hbm>>) dst(%dma_wait3A_95 : memref<128x64xi32, #tpu.memory_space<vmem>>)
    %dma_wait3A_101 = arith.constant 0 : i32
    %dma_wait3A_102 = arith.constant 0 : i32
    %dma_wait3A_103 = arith.constant 0 : i32
    %dma_wait3A_104 = tpu.memref_slice %arg10[%dma_wait3A_101, %dma_wait3A_102, %dma_wait3A_103] : memref<4x128x64xi32, #tpu.memory_space<vmem>> -> memref<1x128x64xi32, #tpu.memory_space<vmem>>
    %dma_wait3A_105 = tpu.memref_squeeze %dma_wait3A_104 : memref<1x128x64xi32, #tpu.memory_space<vmem>> -> memref<128x64xi32, #tpu.memory_space<vmem>>
    %dma_wait3A_106 = arith.constant 4608 : i32
    %dma_wait3A_107 = tpu.memref_slice %arg8[%dma_wait3A_106] : memref<5000xi32, #tpu.memory_space<vmem>> -> memref<128xi32, #tpu.memory_space<vmem>>
    %dma_wait3A_108 = arith.constant 0 : i32
    %dma_wait3A_109 = arith.constant 0 : i32
    %dma_wait3A_110 = tpu.memref_slice %arg2[%dma_wait3A_108, %dma_wait3A_109] : memref<10000x64xi32, #tpu.memory_space<hbm>> -> memref<10000x64xi32, #tpu.memory_space<hbm>>
    tpu.wait_indirect_dma semaphore(%arg15 : memref<!tpu.dma_semaphore, #tpu.memory_space<semaphore_mem>>) src(%dma_wait3A_110 : memref<10000x64xi32, #tpu.memory_space<hbm>>) dst(%dma_wait3A_105 : memref<128x64xi32, #tpu.memory_space<vmem>>)
    %add3A_111 = arith.constant 4608 : i32
    %add3A_112 = arith.addi %sub3A, %add3A_111 : i32
    %dma_start3A_113 = arith.constant 0 : i32
    %dma_start3A_114 = arith.constant 0 : i32
    %dma_start3A_115 = arith.constant 0 : i32
    %dma_start3A_116 = tpu.memref_slice %arg9[%dma_start3A_113, %dma_start3A_114, %dma_start3A_115] : memref<4x128x64xi32, #tpu.memory_space<vmem>> -> memref<1x128x64xi32, #tpu.memory_space<vmem>>
    %dma_start3A_117 = tpu.memref_squeeze %dma_start3A_116 : memref<1x128x64xi32, #tpu.memory_space<vmem>> -> memref<128x64xi32, #tpu.memory_space<vmem>>
    %dma_start3A_118 = tpu.memref_slice %arg5[%add3A_112, %select_n3A_7] : memref<80000x128xi32, #tpu.memory_space<hbm>> -> memref<128x64xi32, #tpu.memory_space<hbm>>
    %dma_start3A_119 = tpu.memref_slice %arg5[%add3A_112, %select_n3A_7] : memref<80000x128xi32, #tpu.memory_space<hbm>> -> memref<128x64xi32, #tpu.memory_space<hbm>>
    %dma_start3A_120 = arith.constant 0 : i32
    %dma_start3A_121 = arith.constant 0 : i32
    %dma_start3A_122 = tpu.memref_slice %arg9[%dma_start3A_113, %dma_start3A_120, %dma_start3A_121] : memref<4x128x64xi32, #tpu.memory_space<vmem>> -> memref<1x128x64xi32, #tpu.memory_space<vmem>>
    %dma_start3A_123 = tpu.memref_squeeze %dma_start3A_122 : memref<1x128x64xi32, #tpu.memory_space<vmem>> -> memref<128x64xi32, #tpu.memory_space<vmem>>
    tpu.enqueue_dma source(%dma_start3A_123 : memref<128x64xi32, #tpu.memory_space<vmem>>) target(%dma_start3A_119 : memref<128x64xi32, #tpu.memory_space<hbm>>) target_semaphore(%arg11 : memref<!tpu.dma_semaphore, #tpu.memory_space<semaphore_mem>>)
    %dma_start3A_124 = arith.constant 0 : i32
    %dma_start3A_125 = arith.constant 0 : i32
    %dma_start3A_126 = arith.constant 0 : i32
    %dma_start3A_127 = tpu.memref_slice %arg10[%dma_start3A_124, %dma_start3A_125, %dma_start3A_126] : memref<4x128x64xi32, #tpu.memory_space<vmem>> -> memref<1x128x64xi32, #tpu.memory_space<vmem>>
    %dma_start3A_128 = tpu.memref_squeeze %dma_start3A_127 : memref<1x128x64xi32, #tpu.memory_space<vmem>> -> memref<128x64xi32, #tpu.memory_space<vmem>>
    %dma_start3A_129 = tpu.memref_slice %arg6[%add3A_112, %select_n3A_7] : memref<80000x128xi32, #tpu.memory_space<hbm>> -> memref<128x64xi32, #tpu.memory_space<hbm>>
    %dma_start3A_130 = tpu.memref_slice %arg6[%add3A_112, %select_n3A_7] : memref<80000x128xi32, #tpu.memory_space<hbm>> -> memref<128x64xi32, #tpu.memory_space<hbm>>
    %dma_start3A_131 = arith.constant 0 : i32
    %dma_start3A_132 = arith.constant 0 : i32
    %dma_start3A_133 = tpu.memref_slice %arg10[%dma_start3A_124, %dma_start3A_131, %dma_start3A_132] : memref<4x128x64xi32, #tpu.memory_space<vmem>> -> memref<1x128x64xi32, #tpu.memory_space<vmem>>
    %dma_start3A_134 = tpu.memref_squeeze %dma_start3A_133 : memref<1x128x64xi32, #tpu.memory_space<vmem>> -> memref<128x64xi32, #tpu.memory_space<vmem>>
    tpu.enqueue_dma source(%dma_start3A_134 : memref<128x64xi32, #tpu.memory_space<vmem>>) target(%dma_start3A_130 : memref<128x64xi32, #tpu.memory_space<hbm>>) target_semaphore(%arg15 : memref<!tpu.dma_semaphore, #tpu.memory_space<semaphore_mem>>)
    %dma_wait3A_135 = arith.constant 1 : i32
    %dma_wait3A_136 = arith.constant 0 : i32
    %dma_wait3A_137 = arith.constant 0 : i32
    %dma_wait3A_138 = tpu.memref_slice %arg9[%dma_wait3A_135, %dma_wait3A_136, %dma_wait3A_137] : memref<4x128x64xi32, #tpu.memory_space<vmem>> -> memref<1x128x64xi32, #tpu.memory_space<vmem>>
    %dma_wait3A_139 = tpu.memref_squeeze %dma_wait3A_138 : memref<1x128x64xi32, #tpu.memory_space<vmem>> -> memref<128x64xi32, #tpu.memory_space<vmem>>
    %dma_wait3A_140 = arith.constant 4736 : i32
    %dma_wait3A_141 = tpu.memref_slice %arg7[%dma_wait3A_140] : memref<5000xi32, #tpu.memory_space<vmem>> -> memref<128xi32, #tpu.memory_space<vmem>>
    %dma_wait3A_142 = arith.constant 0 : i32
    %dma_wait3A_143 = arith.constant 0 : i32
    %dma_wait3A_144 = tpu.memref_slice %arg2[%dma_wait3A_142, %dma_wait3A_143] : memref<10000x64xi32, #tpu.memory_space<hbm>> -> memref<10000x64xi32, #tpu.memory_space<hbm>>
    tpu.wait_indirect_dma semaphore(%arg12 : memref<!tpu.dma_semaphore, #tpu.memory_space<semaphore_mem>>) src(%dma_wait3A_144 : memref<10000x64xi32, #tpu.memory_space<hbm>>) dst(%dma_wait3A_139 : memref<128x64xi32, #tpu.memory_space<vmem>>)
    %dma_wait3A_145 = arith.constant 1 : i32
    %dma_wait3A_146 = arith.constant 0 : i32
    %dma_wait3A_147 = arith.constant 0 : i32
    %dma_wait3A_148 = tpu.memref_slice %arg10[%dma_wait3A_145, %dma_wait3A_146, %dma_wait3A_147] : memref<4x128x64xi32, #tpu.memory_space<vmem>> -> memref<1x128x64xi32, #tpu.memory_space<vmem>>
    %dma_wait3A_149 = tpu.memref_squeeze %dma_wait3A_148 : memref<1x128x64xi32, #tpu.memory_space<vmem>> -> memref<128x64xi32, #tpu.memory_space<vmem>>
    %dma_wait3A_150 = arith.constant 4736 : i32
    %dma_wait3A_151 = tpu.memref_slice %arg8[%dma_wait3A_150] : memref<5000xi32, #tpu.memory_space<vmem>> -> memref<128xi32, #tpu.memory_space<vmem>>
    %dma_wait3A_152 = arith.constant 0 : i32
    %dma_wait3A_153 = arith.constant 0 : i32
    %dma_wait3A_154 = tpu.memref_slice %arg2[%dma_wait3A_152, %dma_wait3A_153] : memref<10000x64xi32, #tpu.memory_space<hbm>> -> memref<10000x64xi32, #tpu.memory_space<hbm>>
    tpu.wait_indirect_dma semaphore(%arg16 : memref<!tpu.dma_semaphore, #tpu.memory_space<semaphore_mem>>) src(%dma_wait3A_154 : memref<10000x64xi32, #tpu.memory_space<hbm>>) dst(%dma_wait3A_149 : memref<128x64xi32, #tpu.memory_space<vmem>>)
    %add3A_155 = arith.constant 4736 : i32
    %add3A_156 = arith.addi %sub3A, %add3A_155 : i32
    %dma_start3A_157 = arith.constant 1 : i32
    %dma_start3A_158 = arith.constant 0 : i32
    %dma_start3A_159 = arith.constant 0 : i32
    %dma_start3A_160 = tpu.memref_slice %arg9[%dma_start3A_157, %dma_start3A_158, %dma_start3A_159] : memref<4x128x64xi32, #tpu.memory_space<vmem>> -> memref<1x128x64xi32, #tpu.memory_space<vmem>>
    %dma_start3A_161 = tpu.memref_squeeze %dma_start3A_160 : memref<1x128x64xi32, #tpu.memory_space<vmem>> -> memref<128x64xi32, #tpu.memory_space<vmem>>
    %dma_start3A_162 = tpu.memref_slice %arg5[%add3A_156, %select_n3A_7] : memref<80000x128xi32, #tpu.memory_space<hbm>> -> memref<128x64xi32, #tpu.memory_space<hbm>>
    %dma_start3A_163 = tpu.memref_slice %arg5[%add3A_156, %select_n3A_7] : memref<80000x128xi32, #tpu.memory_space<hbm>> -> memref<128x64xi32, #tpu.memory_space<hbm>>
    %dma_start3A_164 = arith.constant 0 : i32
    %dma_start3A_165 = arith.constant 0 : i32
    %dma_start3A_166 = tpu.memref_slice %arg9[%dma_start3A_157, %dma_start3A_164, %dma_start3A_165] : memref<4x128x64xi32, #tpu.memory_space<vmem>> -> memref<1x128x64xi32, #tpu.memory_space<vmem>>
    %dma_start3A_167 = tpu.memref_squeeze %dma_start3A_166 : memref<1x128x64xi32, #tpu.memory_space<vmem>> -> memref<128x64xi32, #tpu.memory_space<vmem>>
    tpu.enqueue_dma source(%dma_start3A_167 : memref<128x64xi32, #tpu.memory_space<vmem>>) target(%dma_start3A_163 : memref<128x64xi32, #tpu.memory_space<hbm>>) target_semaphore(%arg12 : memref<!tpu.dma_semaphore, #tpu.memory_space<semaphore_mem>>)
    %dma_start3A_168 = arith.constant 1 : i32
    %dma_start3A_169 = arith.constant 0 : i32
    %dma_start3A_170 = arith.constant 0 : i32
    %dma_start3A_171 = tpu.memref_slice %arg10[%dma_start3A_168, %dma_start3A_169, %dma_start3A_170] : memref<4x128x64xi32, #tpu.memory_space<vmem>> -> memref<1x128x64xi32, #tpu.memory_space<vmem>>
    %dma_start3A_172 = tpu.memref_squeeze %dma_start3A_171 : memref<1x128x64xi32, #tpu.memory_space<vmem>> -> memref<128x64xi32, #tpu.memory_space<vmem>>
    %dma_start3A_173 = tpu.memref_slice %arg6[%add3A_156, %select_n3A_7] : memref<80000x128xi32, #tpu.memory_space<hbm>> -> memref<128x64xi32, #tpu.memory_space<hbm>>
    %dma_start3A_174 = tpu.memref_slice %arg6[%add3A_156, %select_n3A_7] : memref<80000x128xi32, #tpu.memory_space<hbm>> -> memref<128x64xi32, #tpu.memory_space<hbm>>
    %dma_start3A_175 = arith.constant 0 : i32
    %dma_start3A_176 = arith.constant 0 : i32
    %dma_start3A_177 = tpu.memref_slice %arg10[%dma_start3A_168, %dma_start3A_175, %dma_start3A_176] : memref<4x128x64xi32, #tpu.memory_space<vmem>> -> memref<1x128x64xi32, #tpu.memory_space<vmem>>
    %dma_start3A_178 = tpu.memref_squeeze %dma_start3A_177 : memref<1x128x64xi32, #tpu.memory_space<vmem>> -> memref<128x64xi32, #tpu.memory_space<vmem>>
    tpu.enqueue_dma source(%dma_start3A_178 : memref<128x64xi32, #tpu.memory_space<vmem>>) target(%dma_start3A_174 : memref<128x64xi32, #tpu.memory_space<hbm>>) target_semaphore(%arg16 : memref<!tpu.dma_semaphore, #tpu.memory_space<semaphore_mem>>)
    %dma_wait3A_179 = arith.constant 2 : i32
    %dma_wait3A_180 = arith.constant 0 : i32
    %dma_wait3A_181 = arith.constant 0 : i32
    %dma_wait3A_182 = tpu.memref_slice %arg9[%dma_wait3A_179, %dma_wait3A_180, %dma_wait3A_181] : memref<4x128x64xi32, #tpu.memory_space<vmem>> -> memref<1x128x64xi32, #tpu.memory_space<vmem>>
    %dma_wait3A_183 = tpu.memref_squeeze %dma_wait3A_182 : memref<1x128x64xi32, #tpu.memory_space<vmem>> -> memref<128x64xi32, #tpu.memory_space<vmem>>
    %dma_wait3A_184 = arith.constant 4864 : i32
    %dma_wait3A_185 = tpu.memref_slice %arg7[%dma_wait3A_184] : memref<5000xi32, #tpu.memory_space<vmem>> -> memref<128xi32, #tpu.memory_space<vmem>>
    %dma_wait3A_186 = arith.constant 0 : i32
    %dma_wait3A_187 = arith.constant 0 : i32
    %dma_wait3A_188 = tpu.memref_slice %arg2[%dma_wait3A_186, %dma_wait3A_187] : memref<10000x64xi32, #tpu.memory_space<hbm>> -> memref<10000x64xi32, #tpu.memory_space<hbm>>
    tpu.wait_indirect_dma semaphore(%arg13 : memref<!tpu.dma_semaphore, #tpu.memory_space<semaphore_mem>>) src(%dma_wait3A_188 : memref<10000x64xi32, #tpu.memory_space<hbm>>) dst(%dma_wait3A_183 : memref<128x64xi32, #tpu.memory_space<vmem>>)
    %dma_wait3A_189 = arith.constant 2 : i32
    %dma_wait3A_190 = arith.constant 0 : i32
    %dma_wait3A_191 = arith.constant 0 : i32
    %dma_wait3A_192 = tpu.memref_slice %arg10[%dma_wait3A_189, %dma_wait3A_190, %dma_wait3A_191] : memref<4x128x64xi32, #tpu.memory_space<vmem>> -> memref<1x128x64xi32, #tpu.memory_space<vmem>>
    %dma_wait3A_193 = tpu.memref_squeeze %dma_wait3A_192 : memref<1x128x64xi32, #tpu.memory_space<vmem>> -> memref<128x64xi32, #tpu.memory_space<vmem>>
    %dma_wait3A_194 = arith.constant 4864 : i32
    %dma_wait3A_195 = tpu.memref_slice %arg8[%dma_wait3A_194] : memref<5000xi32, #tpu.memory_space<vmem>> -> memref<128xi32, #tpu.memory_space<vmem>>
    %dma_wait3A_196 = arith.constant 0 : i32
    %dma_wait3A_197 = arith.constant 0 : i32
    %dma_wait3A_198 = tpu.memref_slice %arg2[%dma_wait3A_196, %dma_wait3A_197] : memref<10000x64xi32, #tpu.memory_space<hbm>> -> memref<10000x64xi32, #tpu.memory_space<hbm>>
    tpu.wait_indirect_dma semaphore(%arg17 : memref<!tpu.dma_semaphore, #tpu.memory_space<semaphore_mem>>) src(%dma_wait3A_198 : memref<10000x64xi32, #tpu.memory_space<hbm>>) dst(%dma_wait3A_193 : memref<128x64xi32, #tpu.memory_space<vmem>>)
    %add3A_199 = arith.constant 4864 : i32
    %add3A_200 = arith.addi %sub3A, %add3A_199 : i32
    %dma_start3A_201 = arith.constant 2 : i32
    %dma_start3A_202 = arith.constant 0 : i32
    %dma_start3A_203 = arith.constant 0 : i32
    %dma_start3A_204 = tpu.memref_slice %arg9[%dma_start3A_201, %dma_start3A_202, %dma_start3A_203] : memref<4x128x64xi32, #tpu.memory_space<vmem>> -> memref<1x128x64xi32, #tpu.memory_space<vmem>>
    %dma_start3A_205 = tpu.memref_squeeze %dma_start3A_204 : memref<1x128x64xi32, #tpu.memory_space<vmem>> -> memref<128x64xi32, #tpu.memory_space<vmem>>
    %dma_start3A_206 = tpu.memref_slice %arg5[%add3A_200, %select_n3A_7] : memref<80000x128xi32, #tpu.memory_space<hbm>> -> memref<128x64xi32, #tpu.memory_space<hbm>>
    %dma_start3A_207 = tpu.memref_slice %arg5[%add3A_200, %select_n3A_7] : memref<80000x128xi32, #tpu.memory_space<hbm>> -> memref<128x64xi32, #tpu.memory_space<hbm>>
    %dma_start3A_208 = arith.constant 0 : i32
    %dma_start3A_209 = arith.constant 0 : i32
    %dma_start3A_210 = tpu.memref_slice %arg9[%dma_start3A_201, %dma_start3A_208, %dma_start3A_209] : memref<4x128x64xi32, #tpu.memory_space<vmem>> -> memref<1x128x64xi32, #tpu.memory_space<vmem>>
    %dma_start3A_211 = tpu.memref_squeeze %dma_start3A_210 : memref<1x128x64xi32, #tpu.memory_space<vmem>> -> memref<128x64xi32, #tpu.memory_space<vmem>>
    tpu.enqueue_dma source(%dma_start3A_211 : memref<128x64xi32, #tpu.memory_space<vmem>>) target(%dma_start3A_207 : memref<128x64xi32, #tpu.memory_space<hbm>>) target_semaphore(%arg13 : memref<!tpu.dma_semaphore, #tpu.memory_space<semaphore_mem>>)
    %dma_start3A_212 = arith.constant 2 : i32
    %dma_start3A_213 = arith.constant 0 : i32
    %dma_start3A_214 = arith.constant 0 : i32
    %dma_start3A_215 = tpu.memref_slice %arg10[%dma_start3A_212, %dma_start3A_213, %dma_start3A_214] : memref<4x128x64xi32, #tpu.memory_space<vmem>> -> memref<1x128x64xi32, #tpu.memory_space<vmem>>
    %dma_start3A_216 = tpu.memref_squeeze %dma_start3A_215 : memref<1x128x64xi32, #tpu.memory_space<vmem>> -> memref<128x64xi32, #tpu.memory_space<vmem>>
    %dma_start3A_217 = tpu.memref_slice %arg6[%add3A_200, %select_n3A_7] : memref<80000x128xi32, #tpu.memory_space<hbm>> -> memref<128x64xi32, #tpu.memory_space<hbm>>
    %dma_start3A_218 = tpu.memref_slice %arg6[%add3A_200, %select_n3A_7] : memref<80000x128xi32, #tpu.memory_space<hbm>> -> memref<128x64xi32, #tpu.memory_space<hbm>>
    %dma_start3A_219 = arith.constant 0 : i32
    %dma_start3A_220 = arith.constant 0 : i32
    %dma_start3A_221 = tpu.memref_slice %arg10[%dma_start3A_212, %dma_start3A_219, %dma_start3A_220] : memref<4x128x64xi32, #tpu.memory_space<vmem>> -> memref<1x128x64xi32, #tpu.memory_space<vmem>>
    %dma_start3A_222 = tpu.memref_squeeze %dma_start3A_221 : memref<1x128x64xi32, #tpu.memory_space<vmem>> -> memref<128x64xi32, #tpu.memory_space<vmem>>
    tpu.enqueue_dma source(%dma_start3A_222 : memref<128x64xi32, #tpu.memory_space<vmem>>) target(%dma_start3A_218 : memref<128x64xi32, #tpu.memory_space<hbm>>) target_semaphore(%arg17 : memref<!tpu.dma_semaphore, #tpu.memory_space<semaphore_mem>>)
    %add3A_223 = arith.constant 4608 : i32
    %add3A_224 = arith.addi %sub3A, %add3A_223 : i32
    %dma_wait3A_225 = arith.constant 0 : i32
    %dma_wait3A_226 = arith.constant 0 : i32
    %dma_wait3A_227 = arith.constant 0 : i32
    %dma_wait3A_228 = tpu.memref_slice %arg9[%dma_wait3A_225, %dma_wait3A_226, %dma_wait3A_227] : memref<4x128x64xi32, #tpu.memory_space<vmem>> -> memref<1x128x64xi32, #tpu.memory_space<vmem>>
    %dma_wait3A_229 = tpu.memref_squeeze %dma_wait3A_228 : memref<1x128x64xi32, #tpu.memory_space<vmem>> -> memref<128x64xi32, #tpu.memory_space<vmem>>
    %dma_wait3A_230 = tpu.memref_slice %arg5[%add3A_224, %select_n3A_7] : memref<80000x128xi32, #tpu.memory_space<hbm>> -> memref<128x64xi32, #tpu.memory_space<hbm>>
    %dma_wait3A_231 = tpu.memref_slice %arg5[%add3A_224, %select_n3A_7] : memref<80000x128xi32, #tpu.memory_space<hbm>> -> memref<128x64xi32, #tpu.memory_space<hbm>>
    %dma_wait3A_232 = arith.constant 0 : i32
    %dma_wait3A_233 = arith.constant 0 : i32
    %dma_wait3A_234 = tpu.memref_slice %arg9[%dma_wait3A_225, %dma_wait3A_232, %dma_wait3A_233] : memref<4x128x64xi32, #tpu.memory_space<vmem>> -> memref<1x128x64xi32, #tpu.memory_space<vmem>>
    %dma_wait3A_235 = tpu.memref_squeeze %dma_wait3A_234 : memref<1x128x64xi32, #tpu.memory_space<vmem>> -> memref<128x64xi32, #tpu.memory_space<vmem>>
    tpu.wait_dma2 semaphore(%arg11 : memref<!tpu.dma_semaphore, #tpu.memory_space<semaphore_mem>>) src(%dma_wait3A_235 : memref<128x64xi32, #tpu.memory_space<vmem>>) dst(%dma_wait3A_231 : memref<128x64xi32, #tpu.memory_space<hbm>>)
    %dma_wait3A_236 = arith.constant 0 : i32
    %dma_wait3A_237 = arith.constant 0 : i32
    %dma_wait3A_238 = arith.constant 0 : i32
    %dma_wait3A_239 = tpu.memref_slice %arg10[%dma_wait3A_236, %dma_wait3A_237, %dma_wait3A_238] : memref<4x128x64xi32, #tpu.memory_space<vmem>> -> memref<1x128x64xi32, #tpu.memory_space<vmem>>
    %dma_wait3A_240 = tpu.memref_squeeze %dma_wait3A_239 : memref<1x128x64xi32, #tpu.memory_space<vmem>> -> memref<128x64xi32, #tpu.memory_space<vmem>>
    %dma_wait3A_241 = tpu.memref_slice %arg6[%add3A_224, %select_n3A_7] : memref<80000x128xi32, #tpu.memory_space<hbm>> -> memref<128x64xi32, #tpu.memory_space<hbm>>
    %dma_wait3A_242 = tpu.memref_slice %arg6[%add3A_224, %select_n3A_7] : memref<80000x128xi32, #tpu.memory_space<hbm>> -> memref<128x64xi32, #tpu.memory_space<hbm>>
    %dma_wait3A_243 = arith.constant 0 : i32
    %dma_wait3A_244 = arith.constant 0 : i32
    %dma_wait3A_245 = tpu.memref_slice %arg10[%dma_wait3A_236, %dma_wait3A_243, %dma_wait3A_244] : memref<4x128x64xi32, #tpu.memory_space<vmem>> -> memref<1x128x64xi32, #tpu.memory_space<vmem>>
    %dma_wait3A_246 = tpu.memref_squeeze %dma_wait3A_245 : memref<1x128x64xi32, #tpu.memory_space<vmem>> -> memref<128x64xi32, #tpu.memory_space<vmem>>
    tpu.wait_dma2 semaphore(%arg15 : memref<!tpu.dma_semaphore, #tpu.memory_space<semaphore_mem>>) src(%dma_wait3A_246 : memref<128x64xi32, #tpu.memory_space<vmem>>) dst(%dma_wait3A_242 : memref<128x64xi32, #tpu.memory_space<hbm>>)
    %add3A_247 = arith.constant 4736 : i32
    %add3A_248 = arith.addi %sub3A, %add3A_247 : i32
    %dma_wait3A_249 = arith.constant 1 : i32
    %dma_wait3A_250 = arith.constant 0 : i32
    %dma_wait3A_251 = arith.constant 0 : i32
    %dma_wait3A_252 = tpu.memref_slice %arg9[%dma_wait3A_249, %dma_wait3A_250, %dma_wait3A_251] : memref<4x128x64xi32, #tpu.memory_space<vmem>> -> memref<1x128x64xi32, #tpu.memory_space<vmem>>
    %dma_wait3A_253 = tpu.memref_squeeze %dma_wait3A_252 : memref<1x128x64xi32, #tpu.memory_space<vmem>> -> memref<128x64xi32, #tpu.memory_space<vmem>>
    %dma_wait3A_254 = tpu.memref_slice %arg5[%add3A_248, %select_n3A_7] : memref<80000x128xi32, #tpu.memory_space<hbm>> -> memref<128x64xi32, #tpu.memory_space<hbm>>
    %dma_wait3A_255 = tpu.memref_slice %arg5[%add3A_248, %select_n3A_7] : memref<80000x128xi32, #tpu.memory_space<hbm>> -> memref<128x64xi32, #tpu.memory_space<hbm>>
    %dma_wait3A_256 = arith.constant 0 : i32
    %dma_wait3A_257 = arith.constant 0 : i32
    %dma_wait3A_258 = tpu.memref_slice %arg9[%dma_wait3A_249, %dma_wait3A_256, %dma_wait3A_257] : memref<4x128x64xi32, #tpu.memory_space<vmem>> -> memref<1x128x64xi32, #tpu.memory_space<vmem>>
    %dma_wait3A_259 = tpu.memref_squeeze %dma_wait3A_258 : memref<1x128x64xi32, #tpu.memory_space<vmem>> -> memref<128x64xi32, #tpu.memory_space<vmem>>
    tpu.wait_dma2 semaphore(%arg12 : memref<!tpu.dma_semaphore, #tpu.memory_space<semaphore_mem>>) src(%dma_wait3A_259 : memref<128x64xi32, #tpu.memory_space<vmem>>) dst(%dma_wait3A_255 : memref<128x64xi32, #tpu.memory_space<hbm>>)
    %dma_wait3A_260 = arith.constant 1 : i32
    %dma_wait3A_261 = arith.constant 0 : i32
    %dma_wait3A_262 = arith.constant 0 : i32
    %dma_wait3A_263 = tpu.memref_slice %arg10[%dma_wait3A_260, %dma_wait3A_261, %dma_wait3A_262] : memref<4x128x64xi32, #tpu.memory_space<vmem>> -> memref<1x128x64xi32, #tpu.memory_space<vmem>>
    %dma_wait3A_264 = tpu.memref_squeeze %dma_wait3A_263 : memref<1x128x64xi32, #tpu.memory_space<vmem>> -> memref<128x64xi32, #tpu.memory_space<vmem>>
    %dma_wait3A_265 = tpu.memref_slice %arg6[%add3A_248, %select_n3A_7] : memref<80000x128xi32, #tpu.memory_space<hbm>> -> memref<128x64xi32, #tpu.memory_space<hbm>>
    %dma_wait3A_266 = tpu.memref_slice %arg6[%add3A_248, %select_n3A_7] : memref<80000x128xi32, #tpu.memory_space<hbm>> -> memref<128x64xi32, #tpu.memory_space<hbm>>
    %dma_wait3A_267 = arith.constant 0 : i32
    %dma_wait3A_268 = arith.constant 0 : i32
    %dma_wait3A_269 = tpu.memref_slice %arg10[%dma_wait3A_260, %dma_wait3A_267, %dma_wait3A_268] : memref<4x128x64xi32, #tpu.memory_space<vmem>> -> memref<1x128x64xi32, #tpu.memory_space<vmem>>
    %dma_wait3A_270 = tpu.memref_squeeze %dma_wait3A_269 : memref<1x128x64xi32, #tpu.memory_space<vmem>> -> memref<128x64xi32, #tpu.memory_space<vmem>>
    tpu.wait_dma2 semaphore(%arg16 : memref<!tpu.dma_semaphore, #tpu.memory_space<semaphore_mem>>) src(%dma_wait3A_270 : memref<128x64xi32, #tpu.memory_space<vmem>>) dst(%dma_wait3A_266 : memref<128x64xi32, #tpu.memory_space<hbm>>)
    %add3A_271 = arith.constant 4864 : i32
    %add3A_272 = arith.addi %sub3A, %add3A_271 : i32
    %dma_wait3A_273 = arith.constant 2 : i32
    %dma_wait3A_274 = arith.constant 0 : i32
    %dma_wait3A_275 = arith.constant 0 : i32
    %dma_wait3A_276 = tpu.memref_slice %arg9[%dma_wait3A_273, %dma_wait3A_274, %dma_wait3A_275] : memref<4x128x64xi32, #tpu.memory_space<vmem>> -> memref<1x128x64xi32, #tpu.memory_space<vmem>>
    %dma_wait3A_277 = tpu.memref_squeeze %dma_wait3A_276 : memref<1x128x64xi32, #tpu.memory_space<vmem>> -> memref<128x64xi32, #tpu.memory_space<vmem>>
    %dma_wait3A_278 = tpu.memref_slice %arg5[%add3A_272, %select_n3A_7] : memref<80000x128xi32, #tpu.memory_space<hbm>> -> memref<128x64xi32, #tpu.memory_space<hbm>>
    %dma_wait3A_279 = tpu.memref_slice %arg5[%add3A_272, %select_n3A_7] : memref<80000x128xi32, #tpu.memory_space<hbm>> -> memref<128x64xi32, #tpu.memory_space<hbm>>
    %dma_wait3A_280 = arith.constant 0 : i32
    %dma_wait3A_281 = arith.constant 0 : i32
    %dma_wait3A_282 = tpu.memref_slice %arg9[%dma_wait3A_273, %dma_wait3A_280, %dma_wait3A_281] : memref<4x128x64xi32, #tpu.memory_space<vmem>> -> memref<1x128x64xi32, #tpu.memory_space<vmem>>
    %dma_wait3A_283 = tpu.memref_squeeze %dma_wait3A_282 : memref<1x128x64xi32, #tpu.memory_space<vmem>> -> memref<128x64xi32, #tpu.memory_space<vmem>>
    tpu.wait_dma2 semaphore(%arg13 : memref<!tpu.dma_semaphore, #tpu.memory_space<semaphore_mem>>) src(%dma_wait3A_283 : memref<128x64xi32, #tpu.memory_space<vmem>>) dst(%dma_wait3A_279 : memref<128x64xi32, #tpu.memory_space<hbm>>)
    %dma_wait3A_284 = arith.constant 2 : i32
    %dma_wait3A_285 = arith.constant 0 : i32
    %dma_wait3A_286 = arith.constant 0 : i32
    %dma_wait3A_287 = tpu.memref_slice %arg10[%dma_wait3A_284, %dma_wait3A_285, %dma_wait3A_286] : memref<4x128x64xi32, #tpu.memory_space<vmem>> -> memref<1x128x64xi32, #tpu.memory_space<vmem>>
    %dma_wait3A_288 = tpu.memref_squeeze %dma_wait3A_287 : memref<1x128x64xi32, #tpu.memory_space<vmem>> -> memref<128x64xi32, #tpu.memory_space<vmem>>
    %dma_wait3A_289 = tpu.memref_slice %arg6[%add3A_272, %select_n3A_7] : memref<80000x128xi32, #tpu.memory_space<hbm>> -> memref<128x64xi32, #tpu.memory_space<hbm>>
    %dma_wait3A_290 = tpu.memref_slice %arg6[%add3A_272, %select_n3A_7] : memref<80000x128xi32, #tpu.memory_space<hbm>> -> memref<128x64xi32, #tpu.memory_space<hbm>>
    %dma_wait3A_291 = arith.constant 0 : i32
    %dma_wait3A_292 = arith.constant 0 : i32
    %dma_wait3A_293 = tpu.memref_slice %arg10[%dma_wait3A_284, %dma_wait3A_291, %dma_wait3A_292] : memref<4x128x64xi32, #tpu.memory_space<vmem>> -> memref<1x128x64xi32, #tpu.memory_space<vmem>>
    %dma_wait3A_294 = tpu.memref_squeeze %dma_wait3A_293 : memref<1x128x64xi32, #tpu.memory_space<vmem>> -> memref<128x64xi32, #tpu.memory_space<vmem>>
    tpu.wait_dma2 semaphore(%arg17 : memref<!tpu.dma_semaphore, #tpu.memory_space<semaphore_mem>>) src(%dma_wait3A_294 : memref<128x64xi32, #tpu.memory_space<vmem>>) dst(%dma_wait3A_290 : memref<128x64xi32, #tpu.memory_space<hbm>>)
    %dma_start3A_295 = arith.constant 0 : i32
    %dma_start3A_296 = arith.constant 0 : i32
    %dma_start3A_297 = arith.constant 0 : i32
    %dma_start3A_298 = tpu.memref_slice %arg9[%dma_start3A_295, %dma_start3A_296, %dma_start3A_297] : memref<4x128x64xi32, #tpu.memory_space<vmem>> -> memref<1x8x64xi32, #tpu.memory_space<vmem>>
    %dma_start3A_299 = tpu.memref_squeeze %dma_start3A_298 : memref<1x8x64xi32, #tpu.memory_space<vmem>> -> memref<8x64xi32, #tpu.memory_space<vmem>>
    %dma_start3A_300 = arith.constant 4992 : i32
    %dma_start3A_301 = tpu.memref_slice %arg7[%dma_start3A_300] : memref<5000xi32, #tpu.memory_space<vmem>> -> memref<8xi32, #tpu.memory_space<vmem>>
    %dma_start3A_302 = arith.constant 0 : i32
    %dma_start3A_303 = arith.constant 0 : i32
    %dma_start3A_304 = tpu.memref_slice %arg2[%dma_start3A_302, %dma_start3A_303] : memref<10000x64xi32, #tpu.memory_space<hbm>> -> memref<10000x64xi32, #tpu.memory_space<hbm>>
    tpu.enqueue_indirect_dma source(%dma_start3A_304 : memref<10000x64xi32, #tpu.memory_space<hbm>>) target(%dma_start3A_299 : memref<8x64xi32, #tpu.memory_space<vmem>>) offsets(%dma_start3A_301 : memref<8xi32, #tpu.memory_space<vmem>>) semaphore(%arg11 : memref<!tpu.dma_semaphore, #tpu.memory_space<semaphore_mem>>)
    %dma_start3A_305 = arith.constant 0 : i32
    %dma_start3A_306 = arith.constant 0 : i32
    %dma_start3A_307 = arith.constant 0 : i32
    %dma_start3A_308 = tpu.memref_slice %arg10[%dma_start3A_305, %dma_start3A_306, %dma_start3A_307] : memref<4x128x64xi32, #tpu.memory_space<vmem>> -> memref<1x8x64xi32, #tpu.memory_space<vmem>>
    %dma_start3A_309 = tpu.memref_squeeze %dma_start3A_308 : memref<1x8x64xi32, #tpu.memory_space<vmem>> -> memref<8x64xi32, #tpu.memory_space<vmem>>
    %dma_start3A_310 = arith.constant 4992 : i32
    %dma_start3A_311 = tpu.memref_slice %arg8[%dma_start3A_310] : memref<5000xi32, #tpu.memory_space<vmem>> -> memref<8xi32, #tpu.memory_space<vmem>>
    %dma_start3A_312 = arith.constant 0 : i32
    %dma_start3A_313 = arith.constant 0 : i32
    %dma_start3A_314 = tpu.memref_slice %arg2[%dma_start3A_312, %dma_start3A_313] : memref<10000x64xi32, #tpu.memory_space<hbm>> -> memref<10000x64xi32, #tpu.memory_space<hbm>>
    tpu.enqueue_indirect_dma source(%dma_start3A_314 : memref<10000x64xi32, #tpu.memory_space<hbm>>) target(%dma_start3A_309 : memref<8x64xi32, #tpu.memory_space<vmem>>) offsets(%dma_start3A_311 : memref<8xi32, #tpu.memory_space<vmem>>) semaphore(%arg15 : memref<!tpu.dma_semaphore, #tpu.memory_space<semaphore_mem>>)
    %dma_wait3A_315 = arith.constant 0 : i32
    %dma_wait3A_316 = arith.constant 0 : i32
    %dma_wait3A_317 = arith.constant 0 : i32
    %dma_wait3A_318 = tpu.memref_slice %arg9[%dma_wait3A_315, %dma_wait3A_316, %dma_wait3A_317] : memref<4x128x64xi32, #tpu.memory_space<vmem>> -> memref<1x8x64xi32, #tpu.memory_space<vmem>>
    %dma_wait3A_319 = tpu.memref_squeeze %dma_wait3A_318 : memref<1x8x64xi32, #tpu.memory_space<vmem>> -> memref<8x64xi32, #tpu.memory_space<vmem>>
    %dma_wait3A_320 = arith.constant 4992 : i32
    %dma_wait3A_321 = tpu.memref_slice %arg7[%dma_wait3A_320] : memref<5000xi32, #tpu.memory_space<vmem>> -> memref<8xi32, #tpu.memory_space<vmem>>
    %dma_wait3A_322 = arith.constant 0 : i32
    %dma_wait3A_323 = arith.constant 0 : i32
    %dma_wait3A_324 = tpu.memref_slice %arg2[%dma_wait3A_322, %dma_wait3A_323] : memref<10000x64xi32, #tpu.memory_space<hbm>> -> memref<10000x64xi32, #tpu.memory_space<hbm>>
    tpu.wait_indirect_dma semaphore(%arg11 : memref<!tpu.dma_semaphore, #tpu.memory_space<semaphore_mem>>) src(%dma_wait3A_324 : memref<10000x64xi32, #tpu.memory_space<hbm>>) dst(%dma_wait3A_319 : memref<8x64xi32, #tpu.memory_space<vmem>>)
    %dma_wait3A_325 = arith.constant 0 : i32
    %dma_wait3A_326 = arith.constant 0 : i32
    %dma_wait3A_327 = arith.constant 0 : i32
    %dma_wait3A_328 = tpu.memref_slice %arg10[%dma_wait3A_325, %dma_wait3A_326, %dma_wait3A_327] : memref<4x128x64xi32, #tpu.memory_space<vmem>> -> memref<1x8x64xi32, #tpu.memory_space<vmem>>
    %dma_wait3A_329 = tpu.memref_squeeze %dma_wait3A_328 : memref<1x8x64xi32, #tpu.memory_space<vmem>> -> memref<8x64xi32, #tpu.memory_space<vmem>>
    %dma_wait3A_330 = arith.constant 4992 : i32
    %dma_wait3A_331 = tpu.memref_slice %arg8[%dma_wait3A_330] : memref<5000xi32, #tpu.memory_space<vmem>> -> memref<8xi32, #tpu.memory_space<vmem>>
    %dma_wait3A_332 = arith.constant 0 : i32
    %dma_wait3A_333 = arith.constant 0 : i32
    %dma_wait3A_334 = tpu.memref_slice %arg2[%dma_wait3A_332, %dma_wait3A_333] : memref<10000x64xi32, #tpu.memory_space<hbm>> -> memref<10000x64xi32, #tpu.memory_space<hbm>>
    tpu.wait_indirect_dma semaphore(%arg15 : memref<!tpu.dma_semaphore, #tpu.memory_space<semaphore_mem>>) src(%dma_wait3A_334 : memref<10000x64xi32, #tpu.memory_space<hbm>>) dst(%dma_wait3A_329 : memref<8x64xi32, #tpu.memory_space<vmem>>)
    %add3A_335 = arith.constant 4992 : i32
    %add3A_336 = arith.addi %sub3A, %add3A_335 : i32
    %run_scoped3A = arith.constant 0 : i32
    "tpu.region"() ({
      %run_scoped3A_340 = tpu.sem_alloc : memref<!tpu.dma_semaphore, #tpu.memory_space<semaphore_mem>>
      %dma_start3A_341 = arith.constant 0 : i32
      %dma_start3A_342 = arith.constant 0 : i32
      %dma_start3A_343 = tpu.memref_slice %arg9[%run_scoped3A, %dma_start3A_341, %dma_start3A_342] : memref<4x128x64xi32, #tpu.memory_space<vmem>> -> memref<1x8x64xi32, #tpu.memory_space<vmem>>
      %dma_start3A_344 = tpu.memref_squeeze %dma_start3A_343 : memref<1x8x64xi32, #tpu.memory_space<vmem>> -> memref<8x64xi32, #tpu.memory_space<vmem>>
      %dma_start3A_345 = tpu.memref_slice %arg5[%add3A_336, %select_n3A_7] : memref<80000x128xi32, #tpu.memory_space<hbm>> -> memref<8x64xi32, #tpu.memory_space<hbm>>
      %dma_start3A_346 = tpu.memref_slice %arg5[%add3A_336, %select_n3A_7] : memref<80000x128xi32, #tpu.memory_space<hbm>> -> memref<8x64xi32, #tpu.memory_space<hbm>>
      %dma_start3A_347 = arith.constant 0 : i32
      %dma_start3A_348 = arith.constant 0 : i32
      %dma_start3A_349 = tpu.memref_slice %arg9[%run_scoped3A, %dma_start3A_347, %dma_start3A_348] : memref<4x128x64xi32, #tpu.memory_space<vmem>> -> memref<1x8x64xi32, #tpu.memory_space<vmem>>
      %dma_start3A_350 = tpu.memref_squeeze %dma_start3A_349 : memref<1x8x64xi32, #tpu.memory_space<vmem>> -> memref<8x64xi32, #tpu.memory_space<vmem>>
      tpu.enqueue_dma source(%dma_start3A_350 : memref<8x64xi32, #tpu.memory_space<vmem>>) target(%dma_start3A_346 : memref<8x64xi32, #tpu.memory_space<hbm>>) target_semaphore(%run_scoped3A_340 : memref<!tpu.dma_semaphore, #tpu.memory_space<semaphore_mem>>)
      %dma_wait3A_351 = arith.constant 0 : i32
      %dma_wait3A_352 = arith.constant 0 : i32
      %dma_wait3A_353 = tpu.memref_slice %arg9[%run_scoped3A, %dma_wait3A_351, %dma_wait3A_352] : memref<4x128x64xi32, #tpu.memory_space<vmem>> -> memref<1x8x64xi32, #tpu.memory_space<vmem>>
      %dma_wait3A_354 = tpu.memref_squeeze %dma_wait3A_353 : memref<1x8x64xi32, #tpu.memory_space<vmem>> -> memref<8x64xi32, #tpu.memory_space<vmem>>
      %dma_wait3A_355 = tpu.memref_slice %arg5[%add3A_336, %select_n3A_7] : memref<80000x128xi32, #tpu.memory_space<hbm>> -> memref<8x64xi32, #tpu.memory_space<hbm>>
      %dma_wait3A_356 = tpu.memref_slice %arg5[%add3A_336, %select_n3A_7] : memref<80000x128xi32, #tpu.memory_space<hbm>> -> memref<8x64xi32, #tpu.memory_space<hbm>>
      %dma_wait3A_357 = arith.constant 0 : i32
      %dma_wait3A_358 = arith.constant 0 : i32
      %dma_wait3A_359 = tpu.memref_slice %arg9[%run_scoped3A, %dma_wait3A_357, %dma_wait3A_358] : memref<4x128x64xi32, #tpu.memory_space<vmem>> -> memref<1x8x64xi32, #tpu.memory_space<vmem>>
      %dma_wait3A_360 = tpu.memref_squeeze %dma_wait3A_359 : memref<1x8x64xi32, #tpu.memory_space<vmem>> -> memref<8x64xi32, #tpu.memory_space<vmem>>
      tpu.wait_dma2 semaphore(%run_scoped3A_340 : memref<!tpu.dma_semaphore, #tpu.memory_space<semaphore_mem>>) src(%dma_wait3A_360 : memref<8x64xi32, #tpu.memory_space<vmem>>) dst(%dma_wait3A_356 : memref<8x64xi32, #tpu.memory_space<hbm>>)
      tpu.yield
    }) : () -> ()
    %add3A_337 = arith.constant 4992 : i32
    %add3A_338 = arith.addi %sub3A, %add3A_337 : i32
    %run_scoped3A_339 = arith.constant 0 : i32
    "tpu.region"() ({
      %run_scoped3A_340 = tpu.sem_alloc : memref<!tpu.dma_semaphore, #tpu.memory_space<semaphore_mem>>
      %dma_start3A_341 = arith.constant 0 : i32
      %dma_start3A_342 = arith.constant 0 : i32
      %dma_start3A_343 = tpu.memref_slice %arg10[%run_scoped3A_339, %dma_start3A_341, %dma_start3A_342] : memref<4x128x64xi32, #tpu.memory_space<vmem>> -> memref<1x8x64xi32, #tpu.memory_space<vmem>>
      %dma_start3A_344 = tpu.memref_squeeze %dma_start3A_343 : memref<1x8x64xi32, #tpu.memory_space<vmem>> -> memref<8x64xi32, #tpu.memory_space<vmem>>
      %dma_start3A_345 = tpu.memref_slice %arg6[%add3A_338, %select_n3A_7] : memref<80000x128xi32, #tpu.memory_space<hbm>> -> memref<8x64xi32, #tpu.memory_space<hbm>>
      %dma_start3A_346 = tpu.memref_slice %arg6[%add3A_338, %select_n3A_7] : memref<80000x128xi32, #tpu.memory_space<hbm>> -> memref<8x64xi32, #tpu.memory_space<hbm>>
      %dma_start3A_347 = arith.constant 0 : i32
      %dma_start3A_348 = arith.constant 0 : i32
      %dma_start3A_349 = tpu.memref_slice %arg10[%run_scoped3A_339, %dma_start3A_347, %dma_start3A_348] : memref<4x128x64xi32, #tpu.memory_space<vmem>> -> memref<1x8x64xi32, #tpu.memory_space<vmem>>
      %dma_start3A_350 = tpu.memref_squeeze %dma_start3A_349 : memref<1x8x64xi32, #tpu.memory_space<vmem>> -> memref<8x64xi32, #tpu.memory_space<vmem>>
      tpu.enqueue_dma source(%dma_start3A_350 : memref<8x64xi32, #tpu.memory_space<vmem>>) target(%dma_start3A_346 : memref<8x64xi32, #tpu.memory_space<hbm>>) target_semaphore(%run_scoped3A_340 : memref<!tpu.dma_semaphore, #tpu.memory_space<semaphore_mem>>)
      %dma_wait3A_351 = arith.constant 0 : i32
      %dma_wait3A_352 = arith.constant 0 : i32
      %dma_wait3A_353 = tpu.memref_slice %arg10[%run_scoped3A_339, %dma_wait3A_351, %dma_wait3A_352] : memref<4x128x64xi32, #tpu.memory_space<vmem>> -> memref<1x8x64xi32, #tpu.memory_space<vmem>>
      %dma_wait3A_354 = tpu.memref_squeeze %dma_wait3A_353 : memref<1x8x64xi32, #tpu.memory_space<vmem>> -> memref<8x64xi32, #tpu.memory_space<vmem>>
      %dma_wait3A_355 = tpu.memref_slice %arg6[%add3A_338, %select_n3A_7] : memref<80000x128xi32, #tpu.memory_space<hbm>> -> memref<8x64xi32, #tpu.memory_space<hbm>>
      %dma_wait3A_356 = tpu.memref_slice %arg6[%add3A_338, %select_n3A_7] : memref<80000x128xi32, #tpu.memory_space<hbm>> -> memref<8x64xi32, #tpu.memory_space<hbm>>
      %dma_wait3A_357 = arith.constant 0 : i32
      %dma_wait3A_358 = arith.constant 0 : i32
      %dma_wait3A_359 = tpu.memref_slice %arg10[%run_scoped3A_339, %dma_wait3A_357, %dma_wait3A_358] : memref<4x128x64xi32, #tpu.memory_space<vmem>> -> memref<1x8x64xi32, #tpu.memory_space<vmem>>
      %dma_wait3A_360 = tpu.memref_squeeze %dma_wait3A_359 : memref<1x8x64xi32, #tpu.memory_space<vmem>> -> memref<8x64xi32, #tpu.memory_space<vmem>>
      tpu.wait_dma2 semaphore(%run_scoped3A_340 : memref<!tpu.dma_semaphore, #tpu.memory_space<semaphore_mem>>) src(%dma_wait3A_360 : memref<8x64xi32, #tpu.memory_space<vmem>>) dst(%dma_wait3A_356 : memref<8x64xi32, #tpu.memory_space<hbm>>)
      tpu.yield
    }) : () -> ()
    return
  }
}

#map = affine_map<(d0, d1) -> (0, 0)>
module attributes {stable_mosaic.version = 14 : i64} {
  func.func @k(%arg0: i32, %arg1: i32, %arg2: memref<10000x64xi32, #tpu.memory_space<hbm>>, %arg3: memref<32x5000xi32, #tpu.memory_space<hbm>>, %arg4: memref<32x5000xi32, #tpu.memory_space<hbm>>, %arg5: memref<80000x128xi32, #tpu.memory_space<hbm>>, %arg6: memref<80000x128xi32, #tpu.memory_space<hbm>>, %arg7: memref<5000xi32, #tpu.memory_space<vmem>>, %arg8: memref<5000xi32, #tpu.memory_space<vmem>>, %arg9: memref<4x128x64xi32, #tpu.memory_space<vmem>>, %arg10: memref<4x128x64xi32, #tpu.memory_space<vmem>>, %arg11: memref<!tpu.dma_semaphore, #tpu.memory_space<semaphore_mem>>, %arg12: memref<!tpu.dma_semaphore, #tpu.memory_space<semaphore_mem>>, %arg13: memref<!tpu.dma_semaphore, #tpu.memory_space<semaphore_mem>>, %arg14: memref<!tpu.dma_semaphore, #tpu.memory_space<semaphore_mem>>, %arg15: memref<!tpu.dma_semaphore, #tpu.memory_space<semaphore_mem>>, %arg16: memref<!tpu.dma_semaphore, #tpu.memory_space<semaphore_mem>>, %arg17: memref<!tpu.dma_semaphore, #tpu.memory_space<semaphore_mem>>, %arg18: memref<!tpu.dma_semaphore, #tpu.memory_space<semaphore_mem>>) attributes {dimension_semantics = [#tpu.dimension_semantics<core_parallel>, #tpu.dimension_semantics<subcore_parallel>], iteration_bounds = array<i64: 2, 16>, scalar_prefetch = 0 : i64, scratch_operands = 12 : i64, tpu.core_type = #tpu.core_type<sc_vector_subcore>, window_params = [{transform_indices = #map}, {transform_indices = #map}, {transform_indices = #map}, {transform_indices = #map}, {transform_indices = #map}]} {
    %mul3A = arith.constant 2 : i32
    %mul3A_0 = arith.muli %arg1, %mul3A : i32
    %add3A = arith.addi %mul3A_0, %arg0 : i32
    %mul3A_1 = arith.constant 5000 : i32
    %mul3A_2 = arith.muli %add3A, %mul3A_1 : i32
    %lt3A = arith.constant 16 : i32
    %lt3A_3 = arith.cmpi slt, %add3A, %lt3A : i32
    %jit3A = arith.constant 0 : i32
    %jit3A_4 = arith.constant 80000 : i32
    %select_n3A = arith.select %lt3A_3, %jit3A, %jit3A_4 : i32
    %sub3A = arith.subi %mul3A_2, %select_n3A : i32
    %jit3A_5 = arith.constant 0 : i32
    %jit3A_6 = arith.constant 64 : i32
    %select_n3A_7 = arith.select %lt3A_3, %jit3A_5, %jit3A_6 : i32
    "tpu.region"() ({
      %run_scoped3A_340 = tpu.sem_alloc : memref<!tpu.dma_semaphore, #tpu.memory_space<semaphore_mem>>
      %dma_start3A_341 = arith.constant 0 : i32
      %dma_start3A_342 = tpu.memref_slice %arg3[%add3A, %dma_start3A_341] : memref<32x5000xi32, #tpu.memory_space<hbm>> -> memref<1x5000xi32, #tpu.memory_space<hbm>>
      %dma_start3A_343 = tpu.memref_squeeze %dma_start3A_342 : memref<1x5000xi32, #tpu.memory_space<hbm>> -> memref<5000xi32, #tpu.memory_space<hbm>>
      %dma_start3A_344 = arith.constant 0 : i32
      %dma_start3A_345 = tpu.memref_slice %arg3[%add3A, %dma_start3A_344] : memref<32x5000xi32, #tpu.memory_space<hbm>> -> memref<1x5000xi32, #tpu.memory_space<hbm>>
      %dma_start3A_346 = tpu.memref_squeeze %dma_start3A_345 : memref<1x5000xi32, #tpu.memory_space<hbm>> -> memref<5000xi32, #tpu.memory_space<hbm>>
      tpu.enqueue_dma source(%dma_start3A_346 : memref<5000xi32, #tpu.memory_space<hbm>>) target(%arg7 : memref<5000xi32, #tpu.memory_space<vmem>>) target_semaphore(%run_scoped3A_340 : memref<!tpu.dma_semaphore, #tpu.memory_space<semaphore_mem>>)
      %dma_wait3A_347 = arith.constant 0 : i32
      %dma_wait3A_348 = tpu.memref_slice %arg3[%add3A, %dma_wait3A_347] : memref<32x5000xi32, #tpu.memory_space<hbm>> -> memref<1x5000xi32, #tpu.memory_space<hbm>>
      %dma_wait3A_349 = tpu.memref_squeeze %dma_wait3A_348 : memref<1x5000xi32, #tpu.memory_space<hbm>> -> memref<5000xi32, #tpu.memory_space<hbm>>
      %dma_wait3A_350 = arith.constant 0 : i32
      %dma_wait3A_351 = tpu.memref_slice %arg3[%add3A, %dma_wait3A_350] : memref<32x5000xi32, #tpu.memory_space<hbm>> -> memref<1x5000xi32, #tpu.memory_space<hbm>>
      %dma_wait3A_352 = tpu.memref_squeeze %dma_wait3A_351 : memref<1x5000xi32, #tpu.memory_space<hbm>> -> memref<5000xi32, #tpu.memory_space<hbm>>
      tpu.wait_dma2 semaphore(%run_scoped3A_340 : memref<!tpu.dma_semaphore, #tpu.memory_space<semaphore_mem>>) src(%dma_wait3A_352 : memref<5000xi32, #tpu.memory_space<hbm>>) dst(%arg7 : memref<5000xi32, #tpu.memory_space<vmem>>)
      tpu.yield
    }) : () -> ()
    "tpu.region"() ({
      %run_scoped3A_340 = tpu.sem_alloc : memref<!tpu.dma_semaphore, #tpu.memory_space<semaphore_mem>>
      %dma_start3A_341 = arith.constant 0 : i32
      %dma_start3A_342 = tpu.memref_slice %arg4[%add3A, %dma_start3A_341] : memref<32x5000xi32, #tpu.memory_space<hbm>> -> memref<1x5000xi32, #tpu.memory_space<hbm>>
      %dma_start3A_343 = tpu.memref_squeeze %dma_start3A_342 : memref<1x5000xi32, #tpu.memory_space<hbm>> -> memref<5000xi32, #tpu.memory_space<hbm>>
      %dma_start3A_344 = arith.constant 0 : i32
      %dma_start3A_345 = tpu.memref_slice %arg4[%add3A, %dma_start3A_344] : memref<32x5000xi32, #tpu.memory_space<hbm>> -> memref<1x5000xi32, #tpu.memory_space<hbm>>
      %dma_start3A_346 = tpu.memref_squeeze %dma_start3A_345 : memref<1x5000xi32, #tpu.memory_space<hbm>> -> memref<5000xi32, #tpu.memory_space<hbm>>
      tpu.enqueue_dma source(%dma_start3A_346 : memref<5000xi32, #tpu.memory_space<hbm>>) target(%arg8 : memref<5000xi32, #tpu.memory_space<vmem>>) target_semaphore(%run_scoped3A_340 : memref<!tpu.dma_semaphore, #tpu.memory_space<semaphore_mem>>)
      %dma_wait3A_347 = arith.constant 0 : i32
      %dma_wait3A_348 = tpu.memref_slice %arg4[%add3A, %dma_wait3A_347] : memref<32x5000xi32, #tpu.memory_space<hbm>> -> memref<1x5000xi32, #tpu.memory_space<hbm>>
      %dma_wait3A_349 = tpu.memref_squeeze %dma_wait3A_348 : memref<1x5000xi32, #tpu.memory_space<hbm>> -> memref<5000xi32, #tpu.memory_space<hbm>>
      %dma_wait3A_350 = arith.constant 0 : i32
      %dma_wait3A_351 = tpu.memref_slice %arg4[%add3A, %dma_wait3A_350] : memref<32x5000xi32, #tpu.memory_space<hbm>> -> memref<1x5000xi32, #tpu.memory_space<hbm>>
      %dma_wait3A_352 = tpu.memref_squeeze %dma_wait3A_351 : memref<1x5000xi32, #tpu.memory_space<hbm>> -> memref<5000xi32, #tpu.memory_space<hbm>>
      tpu.wait_dma2 semaphore(%run_scoped3A_340 : memref<!tpu.dma_semaphore, #tpu.memory_space<semaphore_mem>>) src(%dma_wait3A_352 : memref<5000xi32, #tpu.memory_space<hbm>>) dst(%arg8 : memref<5000xi32, #tpu.memory_space<vmem>>)
      tpu.yield
    }) : () -> ()
    %dma_start3A = arith.constant 0 : i32
    %dma_start3A_8 = arith.constant 0 : i32
    %dma_start3A_9 = arith.constant 0 : i32
    %dma_start3A_10 = tpu.memref_slice %arg9[%dma_start3A, %dma_start3A_8, %dma_start3A_9] : memref<4x128x64xi32, #tpu.memory_space<vmem>> -> memref<1x128x64xi32, #tpu.memory_space<vmem>>
    %dma_start3A_11 = tpu.memref_squeeze %dma_start3A_10 : memref<1x128x64xi32, #tpu.memory_space<vmem>> -> memref<128x64xi32, #tpu.memory_space<vmem>>
    %dma_start3A_12 = arith.constant 0 : i32
    %dma_start3A_13 = tpu.memref_slice %arg7[%dma_start3A_12] : memref<5000xi32, #tpu.memory_space<vmem>> -> memref<128xi32, #tpu.memory_space<vmem>>
    %dma_start3A_14 = arith.constant 0 : i32
    %dma_start3A_15 = arith.constant 0 : i32
    %dma_start3A_16 = tpu.memref_slice %arg2[%dma_start3A_14, %dma_start3A_15] : memref<10000x64xi32, #tpu.memory_space<hbm>> -> memref<10000x64xi32, #tpu.memory_space<hbm>>
    tpu.enqueue_indirect_dma source(%dma_start3A_16 : memref<10000x64xi32, #tpu.memory_space<hbm>>) target(%dma_start3A_11 : memref<128x64xi32, #tpu.memory_space<vmem>>) offsets(%dma_start3A_13 : memref<128xi32, #tpu.memory_space<vmem>>) semaphore(%arg11 : memref<!tpu.dma_semaphore, #tpu.memory_space<semaphore_mem>>)
    %dma_start3A_17 = arith.constant 0 : i32
    %dma_start3A_18 = arith.constant 0 : i32
    %dma_start3A_19 = arith.constant 0 : i32
    %dma_start3A_20 = tpu.memref_slice %arg10[%dma_start3A_17, %dma_start3A_18, %dma_start3A_19] : memref<4x128x64xi32, #tpu.memory_space<vmem>> -> memref<1x128x64xi32, #tpu.memory_space<vmem>>
    %dma_start3A_21 = tpu.memref_squeeze %dma_start3A_20 : memref<1x128x64xi32, #tpu.memory_space<vmem>> -> memref<128x64xi32, #tpu.memory_space<vmem>>
    %dma_start3A_22 = arith.constant 0 : i32
    %dma_start3A_23 = tpu.memref_slice %arg8[%dma_start3A_22] : memref<5000xi32, #tpu.memory_space<vmem>> -> memref<128xi32, #tpu.memory_space<vmem>>
    %dma_start3A_24 = arith.constant 0 : i32
    %dma_start3A_25 = arith.constant 0 : i32
    %dma_start3A_26 = tpu.memref_slice %arg2[%dma_start3A_24, %dma_start3A_25] : memref<10000x64xi32, #tpu.memory_space<hbm>> -> memref<10000x64xi32, #tpu.memory_space<hbm>>
    tpu.enqueue_indirect_dma source(%dma_start3A_26 : memref<10000x64xi32, #tpu.memory_space<hbm>>) target(%dma_start3A_21 : memref<128x64xi32, #tpu.memory_space<vmem>>) offsets(%dma_start3A_23 : memref<128xi32, #tpu.memory_space<vmem>>) semaphore(%arg15 : memref<!tpu.dma_semaphore, #tpu.memory_space<semaphore_mem>>)
    %dma_start3A_27 = arith.constant 1 : i32
    %dma_start3A_28 = arith.constant 0 : i32
    %dma_start3A_29 = arith.constant 0 : i32
    %dma_start3A_30 = tpu.memref_slice %arg9[%dma_start3A_27, %dma_start3A_28, %dma_start3A_29] : memref<4x128x64xi32, #tpu.memory_space<vmem>> -> memref<1x128x64xi32, #tpu.memory_space<vmem>>
    %dma_start3A_31 = tpu.memref_squeeze %dma_start3A_30 : memref<1x128x64xi32, #tpu.memory_space<vmem>> -> memref<128x64xi32, #tpu.memory_space<vmem>>
    %dma_start3A_32 = arith.constant 128 : i32
    %dma_start3A_33 = tpu.memref_slice %arg7[%dma_start3A_32] : memref<5000xi32, #tpu.memory_space<vmem>> -> memref<128xi32, #tpu.memory_space<vmem>>
    %dma_start3A_34 = arith.constant 0 : i32
    %dma_start3A_35 = arith.constant 0 : i32
    %dma_start3A_36 = tpu.memref_slice %arg2[%dma_start3A_34, %dma_start3A_35] : memref<10000x64xi32, #tpu.memory_space<hbm>> -> memref<10000x64xi32, #tpu.memory_space<hbm>>
    tpu.enqueue_indirect_dma source(%dma_start3A_36 : memref<10000x64xi32, #tpu.memory_space<hbm>>) target(%dma_start3A_31 : memref<128x64xi32, #tpu.memory_space<vmem>>) offsets(%dma_start3A_33 : memref<128xi32, #tpu.memory_space<vmem>>) semaphore(%arg12 : memref<!tpu.dma_semaphore, #tpu.memory_space<semaphore_mem>>)
    %dma_start3A_37 = arith.constant 1 : i32
    %dma_start3A_38 = arith.constant 0 : i32
    %dma_start3A_39 = arith.constant 0 : i32
    %dma_start3A_40 = tpu.memref_slice %arg10[%dma_start3A_37, %dma_start3A_38, %dma_start3A_39] : memref<4x128x64xi32, #tpu.memory_space<vmem>> -> memref<1x128x64xi32, #tpu.memory_space<vmem>>
    %dma_start3A_41 = tpu.memref_squeeze %dma_start3A_40 : memref<1x128x64xi32, #tpu.memory_space<vmem>> -> memref<128x64xi32, #tpu.memory_space<vmem>>
    %dma_start3A_42 = arith.constant 128 : i32
    %dma_start3A_43 = tpu.memref_slice %arg8[%dma_start3A_42] : memref<5000xi32, #tpu.memory_space<vmem>> -> memref<128xi32, #tpu.memory_space<vmem>>
    %dma_start3A_44 = arith.constant 0 : i32
    %dma_start3A_45 = arith.constant 0 : i32
    %dma_start3A_46 = tpu.memref_slice %arg2[%dma_start3A_44, %dma_start3A_45] : memref<10000x64xi32, #tpu.memory_space<hbm>> -> memref<10000x64xi32, #tpu.memory_space<hbm>>
    tpu.enqueue_indirect_dma source(%dma_start3A_46 : memref<10000x64xi32, #tpu.memory_space<hbm>>) target(%dma_start3A_41 : memref<128x64xi32, #tpu.memory_space<vmem>>) offsets(%dma_start3A_43 : memref<128xi32, #tpu.memory_space<vmem>>) semaphore(%arg16 : memref<!tpu.dma_semaphore, #tpu.memory_space<semaphore_mem>>)
    %dma_start3A_47 = arith.constant 2 : i32
    %dma_start3A_48 = arith.constant 0 : i32
    %dma_start3A_49 = arith.constant 0 : i32
    %dma_start3A_50 = tpu.memref_slice %arg9[%dma_start3A_47, %dma_start3A_48, %dma_start3A_49] : memref<4x128x64xi32, #tpu.memory_space<vmem>> -> memref<1x128x64xi32, #tpu.memory_space<vmem>>
    %dma_start3A_51 = tpu.memref_squeeze %dma_start3A_50 : memref<1x128x64xi32, #tpu.memory_space<vmem>> -> memref<128x64xi32, #tpu.memory_space<vmem>>
    %dma_start3A_52 = arith.constant 256 : i32
    %dma_start3A_53 = tpu.memref_slice %arg7[%dma_start3A_52] : memref<5000xi32, #tpu.memory_space<vmem>> -> memref<128xi32, #tpu.memory_space<vmem>>
    %dma_start3A_54 = arith.constant 0 : i32
    %dma_start3A_55 = arith.constant 0 : i32
    %dma_start3A_56 = tpu.memref_slice %arg2[%dma_start3A_54, %dma_start3A_55] : memref<10000x64xi32, #tpu.memory_space<hbm>> -> memref<10000x64xi32, #tpu.memory_space<hbm>>
    tpu.enqueue_indirect_dma source(%dma_start3A_56 : memref<10000x64xi32, #tpu.memory_space<hbm>>) target(%dma_start3A_51 : memref<128x64xi32, #tpu.memory_space<vmem>>) offsets(%dma_start3A_53 : memref<128xi32, #tpu.memory_space<vmem>>) semaphore(%arg13 : memref<!tpu.dma_semaphore, #tpu.memory_space<semaphore_mem>>)
    %dma_start3A_57 = arith.constant 2 : i32
    %dma_start3A_58 = arith.constant 0 : i32
    %dma_start3A_59 = arith.constant 0 : i32
    %dma_start3A_60 = tpu.memref_slice %arg10[%dma_start3A_57, %dma_start3A_58, %dma_start3A_59] : memref<4x128x64xi32, #tpu.memory_space<vmem>> -> memref<1x128x64xi32, #tpu.memory_space<vmem>>
    %dma_start3A_61 = tpu.memref_squeeze %dma_start3A_60 : memref<1x128x64xi32, #tpu.memory_space<vmem>> -> memref<128x64xi32, #tpu.memory_space<vmem>>
    %dma_start3A_62 = arith.constant 256 : i32
    %dma_start3A_63 = tpu.memref_slice %arg8[%dma_start3A_62] : memref<5000xi32, #tpu.memory_space<vmem>> -> memref<128xi32, #tpu.memory_space<vmem>>
    %dma_start3A_64 = arith.constant 0 : i32
    %dma_start3A_65 = arith.constant 0 : i32
    %dma_start3A_66 = tpu.memref_slice %arg2[%dma_start3A_64, %dma_start3A_65] : memref<10000x64xi32, #tpu.memory_space<hbm>> -> memref<10000x64xi32, #tpu.memory_space<hbm>>
    tpu.enqueue_indirect_dma source(%dma_start3A_66 : memref<10000x64xi32, #tpu.memory_space<hbm>>) target(%dma_start3A_61 : memref<128x64xi32, #tpu.memory_space<vmem>>) offsets(%dma_start3A_63 : memref<128xi32, #tpu.memory_space<vmem>>) semaphore(%arg17 : memref<!tpu.dma_semaphore, #tpu.memory_space<semaphore_mem>>)
    %dma_start3A_67 = arith.constant 3 : i32
    %dma_start3A_68 = arith.constant 0 : i32
    %dma_start3A_69 = arith.constant 0 : i32
    %dma_start3A_70 = tpu.memref_slice %arg9[%dma_start3A_67, %dma_start3A_68, %dma_start3A_69] : memref<4x128x64xi32, #tpu.memory_space<vmem>> -> memref<1x128x64xi32, #tpu.memory_space<vmem>>
    %dma_start3A_71 = tpu.memref_squeeze %dma_start3A_70 : memref<1x128x64xi32, #tpu.memory_space<vmem>> -> memref<128x64xi32, #tpu.memory_space<vmem>>
    %dma_start3A_72 = arith.constant 384 : i32
    %dma_start3A_73 = tpu.memref_slice %arg7[%dma_start3A_72] : memref<5000xi32, #tpu.memory_space<vmem>> -> memref<128xi32, #tpu.memory_space<vmem>>
    %dma_start3A_74 = arith.constant 0 : i32
    %dma_start3A_75 = arith.constant 0 : i32
    %dma_start3A_76 = tpu.memref_slice %arg2[%dma_start3A_74, %dma_start3A_75] : memref<10000x64xi32, #tpu.memory_space<hbm>> -> memref<10000x64xi32, #tpu.memory_space<hbm>>
    tpu.enqueue_indirect_dma source(%dma_start3A_76 : memref<10000x64xi32, #tpu.memory_space<hbm>>) target(%dma_start3A_71 : memref<128x64xi32, #tpu.memory_space<vmem>>) offsets(%dma_start3A_73 : memref<128xi32, #tpu.memory_space<vmem>>) semaphore(%arg14 : memref<!tpu.dma_semaphore, #tpu.memory_space<semaphore_mem>>)
    %dma_start3A_77 = arith.constant 3 : i32
    %dma_start3A_78 = arith.constant 0 : i32
    %dma_start3A_79 = arith.constant 0 : i32
    %dma_start3A_80 = tpu.memref_slice %arg10[%dma_start3A_77, %dma_start3A_78, %dma_start3A_79] : memref<4x128x64xi32, #tpu.memory_space<vmem>> -> memref<1x128x64xi32, #tpu.memory_space<vmem>>
    %dma_start3A_81 = tpu.memref_squeeze %dma_start3A_80 : memref<1x128x64xi32, #tpu.memory_space<vmem>> -> memref<128x64xi32, #tpu.memory_space<vmem>>
    %dma_start3A_82 = arith.constant 384 : i32
    %dma_start3A_83 = tpu.memref_slice %arg8[%dma_start3A_82] : memref<5000xi32, #tpu.memory_space<vmem>> -> memref<128xi32, #tpu.memory_space<vmem>>
    %dma_start3A_84 = arith.constant 0 : i32
    %dma_start3A_85 = arith.constant 0 : i32
    %dma_start3A_86 = tpu.memref_slice %arg2[%dma_start3A_84, %dma_start3A_85] : memref<10000x64xi32, #tpu.memory_space<hbm>> -> memref<10000x64xi32, #tpu.memory_space<hbm>>
    tpu.enqueue_indirect_dma source(%dma_start3A_86 : memref<10000x64xi32, #tpu.memory_space<hbm>>) target(%dma_start3A_81 : memref<128x64xi32, #tpu.memory_space<vmem>>) offsets(%dma_start3A_83 : memref<128xi32, #tpu.memory_space<vmem>>) semaphore(%arg18 : memref<!tpu.dma_semaphore, #tpu.memory_space<semaphore_mem>>)
    %scan3A = arith.constant 0 : i32
    %scan3A_87 = arith.constant 0 : i32
    %scan3A_88 = arith.constant 9 : i32
    %scan3A_89 = arith.addi %scan3A_87, %scan3A_88 : i32
    %scan3A_90 = arith.constant 1 : i32
    scf.for %scan3A_340 = %scan3A_87 to %scan3A_89 step %scan3A_90  : i32 {
      %mul3A_341 = arith.constant 4 : i32
      %mul3A_342 = arith.muli %mul3A_341, %scan3A_340 : i32
      %add3A_343 = arith.constant 0 : i32
      %add3A_344 = arith.addi %mul3A_342, %add3A_343 : i32
      %mul3A_345 = arith.constant 128 : i32
      %mul3A_346 = arith.muli %add3A_344, %mul3A_345 : i32
      %dma_wait3A_347 = arith.constant 0 : i32
      %dma_wait3A_348 = arith.constant 0 : i32
      %dma_wait3A_349 = arith.constant 0 : i32
      %dma_wait3A_350 = tpu.memref_slice %arg9[%dma_wait3A_347, %dma_wait3A_348, %dma_wait3A_349] : memref<4x128x64xi32, #tpu.memory_space<vmem>> -> memref<1x128x64xi32, #tpu.memory_space<vmem>>
      %dma_wait3A_351 = tpu.memref_squeeze %dma_wait3A_350 : memref<1x128x64xi32, #tpu.memory_space<vmem>> -> memref<128x64xi32, #tpu.memory_space<vmem>>
      %dma_wait3A_352 = tpu.memref_slice %arg7[%mul3A_346] : memref<5000xi32, #tpu.memory_space<vmem>> -> memref<128xi32, #tpu.memory_space<vmem>>
      %dma_wait3A_353 = arith.constant 0 : i32
      %dma_wait3A_354 = arith.constant 0 : i32
      %dma_wait3A_355 = tpu.memref_slice %arg2[%dma_wait3A_353, %dma_wait3A_354] : memref<10000x64xi32, #tpu.memory_space<hbm>> -> memref<10000x64xi32, #tpu.memory_space<hbm>>
      tpu.wait_indirect_dma semaphore(%arg11 : memref<!tpu.dma_semaphore, #tpu.memory_space<semaphore_mem>>) src(%dma_wait3A_355 : memref<10000x64xi32, #tpu.memory_space<hbm>>) dst(%dma_wait3A_351 : memref<128x64xi32, #tpu.memory_space<vmem>>)
      %mul3A_356 = arith.constant 128 : i32
      %mul3A_357 = arith.muli %add3A_344, %mul3A_356 : i32
      %dma_wait3A_358 = arith.constant 0 : i32
      %dma_wait3A_359 = arith.constant 0 : i32
      %dma_wait3A_360 = arith.constant 0 : i32
      %dma_wait3A_361 = tpu.memref_slice %arg10[%dma_wait3A_358, %dma_wait3A_359, %dma_wait3A_360] : memref<4x128x64xi32, #tpu.memory_space<vmem>> -> memref<1x128x64xi32, #tpu.memory_space<vmem>>
      %dma_wait3A_362 = tpu.memref_squeeze %dma_wait3A_361 : memref<1x128x64xi32, #tpu.memory_space<vmem>> -> memref<128x64xi32, #tpu.memory_space<vmem>>
      %dma_wait3A_363 = tpu.memref_slice %arg8[%mul3A_357] : memref<5000xi32, #tpu.memory_space<vmem>> -> memref<128xi32, #tpu.memory_space<vmem>>
      %dma_wait3A_364 = arith.constant 0 : i32
      %dma_wait3A_365 = arith.constant 0 : i32
      %dma_wait3A_366 = tpu.memref_slice %arg2[%dma_wait3A_364, %dma_wait3A_365] : memref<10000x64xi32, #tpu.memory_space<hbm>> -> memref<10000x64xi32, #tpu.memory_space<hbm>>
      tpu.wait_indirect_dma semaphore(%arg15 : memref<!tpu.dma_semaphore, #tpu.memory_space<semaphore_mem>>) src(%dma_wait3A_366 : memref<10000x64xi32, #tpu.memory_space<hbm>>) dst(%dma_wait3A_362 : memref<128x64xi32, #tpu.memory_space<vmem>>)
      %add3A_367 = arith.constant 0 : i32
      %add3A_368 = arith.addi %mul3A_342, %add3A_367 : i32
      %mul3A_369 = arith.constant 128 : i32
      %mul3A_370 = arith.muli %add3A_368, %mul3A_369 : i32
      %add3A_371 = arith.addi %sub3A, %mul3A_370 : i32
      %dma_start3A_372 = arith.constant 0 : i32
      %dma_start3A_373 = arith.constant 0 : i32
      %dma_start3A_374 = arith.constant 0 : i32
      %dma_start3A_375 = tpu.memref_slice %arg9[%dma_start3A_372, %dma_start3A_373, %dma_start3A_374] : memref<4x128x64xi32, #tpu.memory_space<vmem>> -> memref<1x128x64xi32, #tpu.memory_space<vmem>>
      %dma_start3A_376 = tpu.memref_squeeze %dma_start3A_375 : memref<1x128x64xi32, #tpu.memory_space<vmem>> -> memref<128x64xi32, #tpu.memory_space<vmem>>
      %dma_start3A_377 = tpu.memref_slice %arg5[%add3A_371, %select_n3A_7] : memref<80000x128xi32, #tpu.memory_space<hbm>> -> memref<128x64xi32, #tpu.memory_space<hbm>>
      %dma_start3A_378 = tpu.memref_slice %arg5[%add3A_371, %select_n3A_7] : memref<80000x128xi32, #tpu.memory_space<hbm>> -> memref<128x64xi32, #tpu.memory_space<hbm>>
      %dma_start3A_379 = arith.constant 0 : i32
      %dma_start3A_380 = arith.constant 0 : i32
      %dma_start3A_381 = tpu.memref_slice %arg9[%dma_start3A_372, %dma_start3A_379, %dma_start3A_380] : memref<4x128x64xi32, #tpu.memory_space<vmem>> -> memref<1x128x64xi32, #tpu.memory_space<vmem>>
      %dma_start3A_382 = tpu.memref_squeeze %dma_start3A_381 : memref<1x128x64xi32, #tpu.memory_space<vmem>> -> memref<128x64xi32, #tpu.memory_space<vmem>>
      tpu.enqueue_dma source(%dma_start3A_382 : memref<128x64xi32, #tpu.memory_space<vmem>>) target(%dma_start3A_378 : memref<128x64xi32, #tpu.memory_space<hbm>>) target_semaphore(%arg11 : memref<!tpu.dma_semaphore, #tpu.memory_space<semaphore_mem>>)
      %dma_start3A_383 = arith.constant 0 : i32
      %dma_start3A_384 = arith.constant 0 : i32
      %dma_start3A_385 = arith.constant 0 : i32
      %dma_start3A_386 = tpu.memref_slice %arg10[%dma_start3A_383, %dma_start3A_384, %dma_start3A_385] : memref<4x128x64xi32, #tpu.memory_space<vmem>> -> memref<1x128x64xi32, #tpu.memory_space<vmem>>
      %dma_start3A_387 = tpu.memref_squeeze %dma_start3A_386 : memref<1x128x64xi32, #tpu.memory_space<vmem>> -> memref<128x64xi32, #tpu.memory_space<vmem>>
      %dma_start3A_388 = tpu.memref_slice %arg6[%add3A_371, %select_n3A_7] : memref<80000x128xi32, #tpu.memory_space<hbm>> -> memref<128x64xi32, #tpu.memory_space<hbm>>
      %dma_start3A_389 = tpu.memref_slice %arg6[%add3A_371, %select_n3A_7] : memref<80000x128xi32, #tpu.memory_space<hbm>> -> memref<128x64xi32, #tpu.memory_space<hbm>>
      %dma_start3A_390 = arith.constant 0 : i32
      %dma_start3A_391 = arith.constant 0 : i32
      %dma_start3A_392 = tpu.memref_slice %arg10[%dma_start3A_383, %dma_start3A_390, %dma_start3A_391] : memref<4x128x64xi32, #tpu.memory_space<vmem>> -> memref<1x128x64xi32, #tpu.memory_space<vmem>>
      %dma_start3A_393 = tpu.memref_squeeze %dma_start3A_392 : memref<1x128x64xi32, #tpu.memory_space<vmem>> -> memref<128x64xi32, #tpu.memory_space<vmem>>
      tpu.enqueue_dma source(%dma_start3A_393 : memref<128x64xi32, #tpu.memory_space<vmem>>) target(%dma_start3A_389 : memref<128x64xi32, #tpu.memory_space<hbm>>) target_semaphore(%arg15 : memref<!tpu.dma_semaphore, #tpu.memory_space<semaphore_mem>>)
      %add3A_394 = arith.constant 1 : i32
      %add3A_395 = arith.addi %mul3A_342, %add3A_394 : i32
      %mul3A_396 = arith.constant 128 : i32
      %mul3A_397 = arith.muli %add3A_395, %mul3A_396 : i32
      %dma_wait3A_398 = arith.constant 1 : i32
      %dma_wait3A_399 = arith.constant 0 : i32
      %dma_wait3A_400 = arith.constant 0 : i32
      %dma_wait3A_401 = tpu.memref_slice %arg9[%dma_wait3A_398, %dma_wait3A_399, %dma_wait3A_400] : memref<4x128x64xi32, #tpu.memory_space<vmem>> -> memref<1x128x64xi32, #tpu.memory_space<vmem>>
      %dma_wait3A_402 = tpu.memref_squeeze %dma_wait3A_401 : memref<1x128x64xi32, #tpu.memory_space<vmem>> -> memref<128x64xi32, #tpu.memory_space<vmem>>
      %dma_wait3A_403 = tpu.memref_slice %arg7[%mul3A_397] : memref<5000xi32, #tpu.memory_space<vmem>> -> memref<128xi32, #tpu.memory_space<vmem>>
      %dma_wait3A_404 = arith.constant 0 : i32
      %dma_wait3A_405 = arith.constant 0 : i32
      %dma_wait3A_406 = tpu.memref_slice %arg2[%dma_wait3A_404, %dma_wait3A_405] : memref<10000x64xi32, #tpu.memory_space<hbm>> -> memref<10000x64xi32, #tpu.memory_space<hbm>>
      tpu.wait_indirect_dma semaphore(%arg12 : memref<!tpu.dma_semaphore, #tpu.memory_space<semaphore_mem>>) src(%dma_wait3A_406 : memref<10000x64xi32, #tpu.memory_space<hbm>>) dst(%dma_wait3A_402 : memref<128x64xi32, #tpu.memory_space<vmem>>)
      %mul3A_407 = arith.constant 128 : i32
      %mul3A_408 = arith.muli %add3A_395, %mul3A_407 : i32
      %dma_wait3A_409 = arith.constant 1 : i32
      %dma_wait3A_410 = arith.constant 0 : i32
      %dma_wait3A_411 = arith.constant 0 : i32
      %dma_wait3A_412 = tpu.memref_slice %arg10[%dma_wait3A_409, %dma_wait3A_410, %dma_wait3A_411] : memref<4x128x64xi32, #tpu.memory_space<vmem>> -> memref<1x128x64xi32, #tpu.memory_space<vmem>>
      %dma_wait3A_413 = tpu.memref_squeeze %dma_wait3A_412 : memref<1x128x64xi32, #tpu.memory_space<vmem>> -> memref<128x64xi32, #tpu.memory_space<vmem>>
      %dma_wait3A_414 = tpu.memref_slice %arg8[%mul3A_408] : memref<5000xi32, #tpu.memory_space<vmem>> -> memref<128xi32, #tpu.memory_space<vmem>>
      %dma_wait3A_415 = arith.constant 0 : i32
      %dma_wait3A_416 = arith.constant 0 : i32
      %dma_wait3A_417 = tpu.memref_slice %arg2[%dma_wait3A_415, %dma_wait3A_416] : memref<10000x64xi32, #tpu.memory_space<hbm>> -> memref<10000x64xi32, #tpu.memory_space<hbm>>
      tpu.wait_indirect_dma semaphore(%arg16 : memref<!tpu.dma_semaphore, #tpu.memory_space<semaphore_mem>>) src(%dma_wait3A_417 : memref<10000x64xi32, #tpu.memory_space<hbm>>) dst(%dma_wait3A_413 : memref<128x64xi32, #tpu.memory_space<vmem>>)
      %add3A_418 = arith.constant 1 : i32
      %add3A_419 = arith.addi %mul3A_342, %add3A_418 : i32
      %mul3A_420 = arith.constant 128 : i32
      %mul3A_421 = arith.muli %add3A_419, %mul3A_420 : i32
      %add3A_422 = arith.addi %sub3A, %mul3A_421 : i32
      %dma_start3A_423 = arith.constant 1 : i32
      %dma_start3A_424 = arith.constant 0 : i32
      %dma_start3A_425 = arith.constant 0 : i32
      %dma_start3A_426 = tpu.memref_slice %arg9[%dma_start3A_423, %dma_start3A_424, %dma_start3A_425] : memref<4x128x64xi32, #tpu.memory_space<vmem>> -> memref<1x128x64xi32, #tpu.memory_space<vmem>>
      %dma_start3A_427 = tpu.memref_squeeze %dma_start3A_426 : memref<1x128x64xi32, #tpu.memory_space<vmem>> -> memref<128x64xi32, #tpu.memory_space<vmem>>
      %dma_start3A_428 = tpu.memref_slice %arg5[%add3A_422, %select_n3A_7] : memref<80000x128xi32, #tpu.memory_space<hbm>> -> memref<128x64xi32, #tpu.memory_space<hbm>>
      %dma_start3A_429 = tpu.memref_slice %arg5[%add3A_422, %select_n3A_7] : memref<80000x128xi32, #tpu.memory_space<hbm>> -> memref<128x64xi32, #tpu.memory_space<hbm>>
      %dma_start3A_430 = arith.constant 0 : i32
      %dma_start3A_431 = arith.constant 0 : i32
      %dma_start3A_432 = tpu.memref_slice %arg9[%dma_start3A_423, %dma_start3A_430, %dma_start3A_431] : memref<4x128x64xi32, #tpu.memory_space<vmem>> -> memref<1x128x64xi32, #tpu.memory_space<vmem>>
      %dma_start3A_433 = tpu.memref_squeeze %dma_start3A_432 : memref<1x128x64xi32, #tpu.memory_space<vmem>> -> memref<128x64xi32, #tpu.memory_space<vmem>>
      tpu.enqueue_dma source(%dma_start3A_433 : memref<128x64xi32, #tpu.memory_space<vmem>>) target(%dma_start3A_429 : memref<128x64xi32, #tpu.memory_space<hbm>>) target_semaphore(%arg12 : memref<!tpu.dma_semaphore, #tpu.memory_space<semaphore_mem>>)
      %dma_start3A_434 = arith.constant 1 : i32
      %dma_start3A_435 = arith.constant 0 : i32
      %dma_start3A_436 = arith.constant 0 : i32
      %dma_start3A_437 = tpu.memref_slice %arg10[%dma_start3A_434, %dma_start3A_435, %dma_start3A_436] : memref<4x128x64xi32, #tpu.memory_space<vmem>> -> memref<1x128x64xi32, #tpu.memory_space<vmem>>
      %dma_start3A_438 = tpu.memref_squeeze %dma_start3A_437 : memref<1x128x64xi32, #tpu.memory_space<vmem>> -> memref<128x64xi32, #tpu.memory_space<vmem>>
      %dma_start3A_439 = tpu.memref_slice %arg6[%add3A_422, %select_n3A_7] : memref<80000x128xi32, #tpu.memory_space<hbm>> -> memref<128x64xi32, #tpu.memory_space<hbm>>
      %dma_start3A_440 = tpu.memref_slice %arg6[%add3A_422, %select_n3A_7] : memref<80000x128xi32, #tpu.memory_space<hbm>> -> memref<128x64xi32, #tpu.memory_space<hbm>>
      %dma_start3A_441 = arith.constant 0 : i32
      %dma_start3A_442 = arith.constant 0 : i32
      %dma_start3A_443 = tpu.memref_slice %arg10[%dma_start3A_434, %dma_start3A_441, %dma_start3A_442] : memref<4x128x64xi32, #tpu.memory_space<vmem>> -> memref<1x128x64xi32, #tpu.memory_space<vmem>>
      %dma_start3A_444 = tpu.memref_squeeze %dma_start3A_443 : memref<1x128x64xi32, #tpu.memory_space<vmem>> -> memref<128x64xi32, #tpu.memory_space<vmem>>
      tpu.enqueue_dma source(%dma_start3A_444 : memref<128x64xi32, #tpu.memory_space<vmem>>) target(%dma_start3A_440 : memref<128x64xi32, #tpu.memory_space<hbm>>) target_semaphore(%arg16 : memref<!tpu.dma_semaphore, #tpu.memory_space<semaphore_mem>>)
      %add3A_445 = arith.constant 2 : i32
      %add3A_446 = arith.addi %mul3A_342, %add3A_445 : i32
      %mul3A_447 = arith.constant 128 : i32
      %mul3A_448 = arith.muli %add3A_446, %mul3A_447 : i32
      %dma_wait3A_449 = arith.constant 2 : i32
      %dma_wait3A_450 = arith.constant 0 : i32
      %dma_wait3A_451 = arith.constant 0 : i32
      %dma_wait3A_452 = tpu.memref_slice %arg9[%dma_wait3A_449, %dma_wait3A_450, %dma_wait3A_451] : memref<4x128x64xi32, #tpu.memory_space<vmem>> -> memref<1x128x64xi32, #tpu.memory_space<vmem>>
      %dma_wait3A_453 = tpu.memref_squeeze %dma_wait3A_452 : memref<1x128x64xi32, #tpu.memory_space<vmem>> -> memref<128x64xi32, #tpu.memory_space<vmem>>
      %dma_wait3A_454 = tpu.memref_slice %arg7[%mul3A_448] : memref<5000xi32, #tpu.memory_space<vmem>> -> memref<128xi32, #tpu.memory_space<vmem>>
      %dma_wait3A_455 = arith.constant 0 : i32
      %dma_wait3A_456 = arith.constant 0 : i32
      %dma_wait3A_457 = tpu.memref_slice %arg2[%dma_wait3A_455, %dma_wait3A_456] : memref<10000x64xi32, #tpu.memory_space<hbm>> -> memref<10000x64xi32, #tpu.memory_space<hbm>>
      tpu.wait_indirect_dma semaphore(%arg13 : memref<!tpu.dma_semaphore, #tpu.memory_space<semaphore_mem>>) src(%dma_wait3A_457 : memref<10000x64xi32, #tpu.memory_space<hbm>>) dst(%dma_wait3A_453 : memref<128x64xi32, #tpu.memory_space<vmem>>)
      %mul3A_458 = arith.constant 128 : i32
      %mul3A_459 = arith.muli %add3A_446, %mul3A_458 : i32
      %dma_wait3A_460 = arith.constant 2 : i32
      %dma_wait3A_461 = arith.constant 0 : i32
      %dma_wait3A_462 = arith.constant 0 : i32
      %dma_wait3A_463 = tpu.memref_slice %arg10[%dma_wait3A_460, %dma_wait3A_461, %dma_wait3A_462] : memref<4x128x64xi32, #tpu.memory_space<vmem>> -> memref<1x128x64xi32, #tpu.memory_space<vmem>>
      %dma_wait3A_464 = tpu.memref_squeeze %dma_wait3A_463 : memref<1x128x64xi32, #tpu.memory_space<vmem>> -> memref<128x64xi32, #tpu.memory_space<vmem>>
      %dma_wait3A_465 = tpu.memref_slice %arg8[%mul3A_459] : memref<5000xi32, #tpu.memory_space<vmem>> -> memref<128xi32, #tpu.memory_space<vmem>>
      %dma_wait3A_466 = arith.constant 0 : i32
      %dma_wait3A_467 = arith.constant 0 : i32
      %dma_wait3A_468 = tpu.memref_slice %arg2[%dma_wait3A_466, %dma_wait3A_467] : memref<10000x64xi32, #tpu.memory_space<hbm>> -> memref<10000x64xi32, #tpu.memory_space<hbm>>
      tpu.wait_indirect_dma semaphore(%arg17 : memref<!tpu.dma_semaphore, #tpu.memory_space<semaphore_mem>>) src(%dma_wait3A_468 : memref<10000x64xi32, #tpu.memory_space<hbm>>) dst(%dma_wait3A_464 : memref<128x64xi32, #tpu.memory_space<vmem>>)
      %add3A_469 = arith.constant 2 : i32
      %add3A_470 = arith.addi %mul3A_342, %add3A_469 : i32
      %mul3A_471 = arith.constant 128 : i32
      %mul3A_472 = arith.muli %add3A_470, %mul3A_471 : i32
      %add3A_473 = arith.addi %sub3A, %mul3A_472 : i32
      %dma_start3A_474 = arith.constant 2 : i32
      %dma_start3A_475 = arith.constant 0 : i32
      %dma_start3A_476 = arith.constant 0 : i32
      %dma_start3A_477 = tpu.memref_slice %arg9[%dma_start3A_474, %dma_start3A_475, %dma_start3A_476] : memref<4x128x64xi32, #tpu.memory_space<vmem>> -> memref<1x128x64xi32, #tpu.memory_space<vmem>>
      %dma_start3A_478 = tpu.memref_squeeze %dma_start3A_477 : memref<1x128x64xi32, #tpu.memory_space<vmem>> -> memref<128x64xi32, #tpu.memory_space<vmem>>
      %dma_start3A_479 = tpu.memref_slice %arg5[%add3A_473, %select_n3A_7] : memref<80000x128xi32, #tpu.memory_space<hbm>> -> memref<128x64xi32, #tpu.memory_space<hbm>>
      %dma_start3A_480 = tpu.memref_slice %arg5[%add3A_473, %select_n3A_7] : memref<80000x128xi32, #tpu.memory_space<hbm>> -> memref<128x64xi32, #tpu.memory_space<hbm>>
      %dma_start3A_481 = arith.constant 0 : i32
      %dma_start3A_482 = arith.constant 0 : i32
      %dma_start3A_483 = tpu.memref_slice %arg9[%dma_start3A_474, %dma_start3A_481, %dma_start3A_482] : memref<4x128x64xi32, #tpu.memory_space<vmem>> -> memref<1x128x64xi32, #tpu.memory_space<vmem>>
      %dma_start3A_484 = tpu.memref_squeeze %dma_start3A_483 : memref<1x128x64xi32, #tpu.memory_space<vmem>> -> memref<128x64xi32, #tpu.memory_space<vmem>>
      tpu.enqueue_dma source(%dma_start3A_484 : memref<128x64xi32, #tpu.memory_space<vmem>>) target(%dma_start3A_480 : memref<128x64xi32, #tpu.memory_space<hbm>>) target_semaphore(%arg13 : memref<!tpu.dma_semaphore, #tpu.memory_space<semaphore_mem>>)
      %dma_start3A_485 = arith.constant 2 : i32
      %dma_start3A_486 = arith.constant 0 : i32
      %dma_start3A_487 = arith.constant 0 : i32
      %dma_start3A_488 = tpu.memref_slice %arg10[%dma_start3A_485, %dma_start3A_486, %dma_start3A_487] : memref<4x128x64xi32, #tpu.memory_space<vmem>> -> memref<1x128x64xi32, #tpu.memory_space<vmem>>
      %dma_start3A_489 = tpu.memref_squeeze %dma_start3A_488 : memref<1x128x64xi32, #tpu.memory_space<vmem>> -> memref<128x64xi32, #tpu.memory_space<vmem>>
      %dma_start3A_490 = tpu.memref_slice %arg6[%add3A_473, %select_n3A_7] : memref<80000x128xi32, #tpu.memory_space<hbm>> -> memref<128x64xi32, #tpu.memory_space<hbm>>
      %dma_start3A_491 = tpu.memref_slice %arg6[%add3A_473, %select_n3A_7] : memref<80000x128xi32, #tpu.memory_space<hbm>> -> memref<128x64xi32, #tpu.memory_space<hbm>>
      %dma_start3A_492 = arith.constant 0 : i32
      %dma_start3A_493 = arith.constant 0 : i32
      %dma_start3A_494 = tpu.memref_slice %arg10[%dma_start3A_485, %dma_start3A_492, %dma_start3A_493] : memref<4x128x64xi32, #tpu.memory_space<vmem>> -> memref<1x128x64xi32, #tpu.memory_space<vmem>>
      %dma_start3A_495 = tpu.memref_squeeze %dma_start3A_494 : memref<1x128x64xi32, #tpu.memory_space<vmem>> -> memref<128x64xi32, #tpu.memory_space<vmem>>
      tpu.enqueue_dma source(%dma_start3A_495 : memref<128x64xi32, #tpu.memory_space<vmem>>) target(%dma_start3A_491 : memref<128x64xi32, #tpu.memory_space<hbm>>) target_semaphore(%arg17 : memref<!tpu.dma_semaphore, #tpu.memory_space<semaphore_mem>>)
      %add3A_496 = arith.constant 3 : i32
      %add3A_497 = arith.addi %mul3A_342, %add3A_496 : i32
      %mul3A_498 = arith.constant 128 : i32
      %mul3A_499 = arith.muli %add3A_497, %mul3A_498 : i32
      %dma_wait3A_500 = arith.constant 3 : i32
      %dma_wait3A_501 = arith.constant 0 : i32
      %dma_wait3A_502 = arith.constant 0 : i32
      %dma_wait3A_503 = tpu.memref_slice %arg9[%dma_wait3A_500, %dma_wait3A_501, %dma_wait3A_502] : memref<4x128x64xi32, #tpu.memory_space<vmem>> -> memref<1x128x64xi32, #tpu.memory_space<vmem>>
      %dma_wait3A_504 = tpu.memref_squeeze %dma_wait3A_503 : memref<1x128x64xi32, #tpu.memory_space<vmem>> -> memref<128x64xi32, #tpu.memory_space<vmem>>
      %dma_wait3A_505 = tpu.memref_slice %arg7[%mul3A_499] : memref<5000xi32, #tpu.memory_space<vmem>> -> memref<128xi32, #tpu.memory_space<vmem>>
      %dma_wait3A_506 = arith.constant 0 : i32
      %dma_wait3A_507 = arith.constant 0 : i32
      %dma_wait3A_508 = tpu.memref_slice %arg2[%dma_wait3A_506, %dma_wait3A_507] : memref<10000x64xi32, #tpu.memory_space<hbm>> -> memref<10000x64xi32, #tpu.memory_space<hbm>>
      tpu.wait_indirect_dma semaphore(%arg14 : memref<!tpu.dma_semaphore, #tpu.memory_space<semaphore_mem>>) src(%dma_wait3A_508 : memref<10000x64xi32, #tpu.memory_space<hbm>>) dst(%dma_wait3A_504 : memref<128x64xi32, #tpu.memory_space<vmem>>)
      %mul3A_509 = arith.constant 128 : i32
      %mul3A_510 = arith.muli %add3A_497, %mul3A_509 : i32
      %dma_wait3A_511 = arith.constant 3 : i32
      %dma_wait3A_512 = arith.constant 0 : i32
      %dma_wait3A_513 = arith.constant 0 : i32
      %dma_wait3A_514 = tpu.memref_slice %arg10[%dma_wait3A_511, %dma_wait3A_512, %dma_wait3A_513] : memref<4x128x64xi32, #tpu.memory_space<vmem>> -> memref<1x128x64xi32, #tpu.memory_space<vmem>>
      %dma_wait3A_515 = tpu.memref_squeeze %dma_wait3A_514 : memref<1x128x64xi32, #tpu.memory_space<vmem>> -> memref<128x64xi32, #tpu.memory_space<vmem>>
      %dma_wait3A_516 = tpu.memref_slice %arg8[%mul3A_510] : memref<5000xi32, #tpu.memory_space<vmem>> -> memref<128xi32, #tpu.memory_space<vmem>>
      %dma_wait3A_517 = arith.constant 0 : i32
      %dma_wait3A_518 = arith.constant 0 : i32
      %dma_wait3A_519 = tpu.memref_slice %arg2[%dma_wait3A_517, %dma_wait3A_518] : memref<10000x64xi32, #tpu.memory_space<hbm>> -> memref<10000x64xi32, #tpu.memory_space<hbm>>
      tpu.wait_indirect_dma semaphore(%arg18 : memref<!tpu.dma_semaphore, #tpu.memory_space<semaphore_mem>>) src(%dma_wait3A_519 : memref<10000x64xi32, #tpu.memory_space<hbm>>) dst(%dma_wait3A_515 : memref<128x64xi32, #tpu.memory_space<vmem>>)
      %add3A_520 = arith.constant 3 : i32
      %add3A_521 = arith.addi %mul3A_342, %add3A_520 : i32
      %mul3A_522 = arith.constant 128 : i32
      %mul3A_523 = arith.muli %add3A_521, %mul3A_522 : i32
      %add3A_524 = arith.addi %sub3A, %mul3A_523 : i32
      %dma_start3A_525 = arith.constant 3 : i32
      %dma_start3A_526 = arith.constant 0 : i32
      %dma_start3A_527 = arith.constant 0 : i32
      %dma_start3A_528 = tpu.memref_slice %arg9[%dma_start3A_525, %dma_start3A_526, %dma_start3A_527] : memref<4x128x64xi32, #tpu.memory_space<vmem>> -> memref<1x128x64xi32, #tpu.memory_space<vmem>>
      %dma_start3A_529 = tpu.memref_squeeze %dma_start3A_528 : memref<1x128x64xi32, #tpu.memory_space<vmem>> -> memref<128x64xi32, #tpu.memory_space<vmem>>
      %dma_start3A_530 = tpu.memref_slice %arg5[%add3A_524, %select_n3A_7] : memref<80000x128xi32, #tpu.memory_space<hbm>> -> memref<128x64xi32, #tpu.memory_space<hbm>>
      %dma_start3A_531 = tpu.memref_slice %arg5[%add3A_524, %select_n3A_7] : memref<80000x128xi32, #tpu.memory_space<hbm>> -> memref<128x64xi32, #tpu.memory_space<hbm>>
      %dma_start3A_532 = arith.constant 0 : i32
      %dma_start3A_533 = arith.constant 0 : i32
      %dma_start3A_534 = tpu.memref_slice %arg9[%dma_start3A_525, %dma_start3A_532, %dma_start3A_533] : memref<4x128x64xi32, #tpu.memory_space<vmem>> -> memref<1x128x64xi32, #tpu.memory_space<vmem>>
      %dma_start3A_535 = tpu.memref_squeeze %dma_start3A_534 : memref<1x128x64xi32, #tpu.memory_space<vmem>> -> memref<128x64xi32, #tpu.memory_space<vmem>>
      tpu.enqueue_dma source(%dma_start3A_535 : memref<128x64xi32, #tpu.memory_space<vmem>>) target(%dma_start3A_531 : memref<128x64xi32, #tpu.memory_space<hbm>>) target_semaphore(%arg14 : memref<!tpu.dma_semaphore, #tpu.memory_space<semaphore_mem>>)
      %dma_start3A_536 = arith.constant 3 : i32
      %dma_start3A_537 = arith.constant 0 : i32
      %dma_start3A_538 = arith.constant 0 : i32
      %dma_start3A_539 = tpu.memref_slice %arg10[%dma_start3A_536, %dma_start3A_537, %dma_start3A_538] : memref<4x128x64xi32, #tpu.memory_space<vmem>> -> memref<1x128x64xi32, #tpu.memory_space<vmem>>
      %dma_start3A_540 = tpu.memref_squeeze %dma_start3A_539 : memref<1x128x64xi32, #tpu.memory_space<vmem>> -> memref<128x64xi32, #tpu.memory_space<vmem>>
      %dma_start3A_541 = tpu.memref_slice %arg6[%add3A_524, %select_n3A_7] : memref<80000x128xi32, #tpu.memory_space<hbm>> -> memref<128x64xi32, #tpu.memory_space<hbm>>
      %dma_start3A_542 = tpu.memref_slice %arg6[%add3A_524, %select_n3A_7] : memref<80000x128xi32, #tpu.memory_space<hbm>> -> memref<128x64xi32, #tpu.memory_space<hbm>>
      %dma_start3A_543 = arith.constant 0 : i32
      %dma_start3A_544 = arith.constant 0 : i32
      %dma_start3A_545 = tpu.memref_slice %arg10[%dma_start3A_536, %dma_start3A_543, %dma_start3A_544] : memref<4x128x64xi32, #tpu.memory_space<vmem>> -> memref<1x128x64xi32, #tpu.memory_space<vmem>>
      %dma_start3A_546 = tpu.memref_squeeze %dma_start3A_545 : memref<1x128x64xi32, #tpu.memory_space<vmem>> -> memref<128x64xi32, #tpu.memory_space<vmem>>
      tpu.enqueue_dma source(%dma_start3A_546 : memref<128x64xi32, #tpu.memory_space<vmem>>) target(%dma_start3A_542 : memref<128x64xi32, #tpu.memory_space<hbm>>) target_semaphore(%arg18 : memref<!tpu.dma_semaphore, #tpu.memory_space<semaphore_mem>>)
      %add3A_547 = arith.constant 0 : i32
      %add3A_548 = arith.addi %mul3A_342, %add3A_547 : i32
      %mul3A_549 = arith.constant 128 : i32
      %mul3A_550 = arith.muli %add3A_548, %mul3A_549 : i32
      %add3A_551 = arith.addi %sub3A, %mul3A_550 : i32
      %dma_wait3A_552 = arith.constant 0 : i32
      %dma_wait3A_553 = arith.constant 0 : i32
      %dma_wait3A_554 = arith.constant 0 : i32
      %dma_wait3A_555 = tpu.memref_slice %arg9[%dma_wait3A_552, %dma_wait3A_553, %dma_wait3A_554] : memref<4x128x64xi32, #tpu.memory_space<vmem>> -> memref<1x128x64xi32, #tpu.memory_space<vmem>>
      %dma_wait3A_556 = tpu.memref_squeeze %dma_wait3A_555 : memref<1x128x64xi32, #tpu.memory_space<vmem>> -> memref<128x64xi32, #tpu.memory_space<vmem>>
      %dma_wait3A_557 = tpu.memref_slice %arg5[%add3A_551, %select_n3A_7] : memref<80000x128xi32, #tpu.memory_space<hbm>> -> memref<128x64xi32, #tpu.memory_space<hbm>>
      %dma_wait3A_558 = tpu.memref_slice %arg5[%add3A_551, %select_n3A_7] : memref<80000x128xi32, #tpu.memory_space<hbm>> -> memref<128x64xi32, #tpu.memory_space<hbm>>
      %dma_wait3A_559 = arith.constant 0 : i32
      %dma_wait3A_560 = arith.constant 0 : i32
      %dma_wait3A_561 = tpu.memref_slice %arg9[%dma_wait3A_552, %dma_wait3A_559, %dma_wait3A_560] : memref<4x128x64xi32, #tpu.memory_space<vmem>> -> memref<1x128x64xi32, #tpu.memory_space<vmem>>
      %dma_wait3A_562 = tpu.memref_squeeze %dma_wait3A_561 : memref<1x128x64xi32, #tpu.memory_space<vmem>> -> memref<128x64xi32, #tpu.memory_space<vmem>>
      tpu.wait_dma2 semaphore(%arg11 : memref<!tpu.dma_semaphore, #tpu.memory_space<semaphore_mem>>) src(%dma_wait3A_562 : memref<128x64xi32, #tpu.memory_space<vmem>>) dst(%dma_wait3A_558 : memref<128x64xi32, #tpu.memory_space<hbm>>)
      %dma_wait3A_563 = arith.constant 0 : i32
      %dma_wait3A_564 = arith.constant 0 : i32
      %dma_wait3A_565 = arith.constant 0 : i32
      %dma_wait3A_566 = tpu.memref_slice %arg10[%dma_wait3A_563, %dma_wait3A_564, %dma_wait3A_565] : memref<4x128x64xi32, #tpu.memory_space<vmem>> -> memref<1x128x64xi32, #tpu.memory_space<vmem>>
      %dma_wait3A_567 = tpu.memref_squeeze %dma_wait3A_566 : memref<1x128x64xi32, #tpu.memory_space<vmem>> -> memref<128x64xi32, #tpu.memory_space<vmem>>
      %dma_wait3A_568 = tpu.memref_slice %arg6[%add3A_551, %select_n3A_7] : memref<80000x128xi32, #tpu.memory_space<hbm>> -> memref<128x64xi32, #tpu.memory_space<hbm>>
      %dma_wait3A_569 = tpu.memref_slice %arg6[%add3A_551, %select_n3A_7] : memref<80000x128xi32, #tpu.memory_space<hbm>> -> memref<128x64xi32, #tpu.memory_space<hbm>>
      %dma_wait3A_570 = arith.constant 0 : i32
      %dma_wait3A_571 = arith.constant 0 : i32
      %dma_wait3A_572 = tpu.memref_slice %arg10[%dma_wait3A_563, %dma_wait3A_570, %dma_wait3A_571] : memref<4x128x64xi32, #tpu.memory_space<vmem>> -> memref<1x128x64xi32, #tpu.memory_space<vmem>>
      %dma_wait3A_573 = tpu.memref_squeeze %dma_wait3A_572 : memref<1x128x64xi32, #tpu.memory_space<vmem>> -> memref<128x64xi32, #tpu.memory_space<vmem>>
      tpu.wait_dma2 semaphore(%arg15 : memref<!tpu.dma_semaphore, #tpu.memory_space<semaphore_mem>>) src(%dma_wait3A_573 : memref<128x64xi32, #tpu.memory_space<vmem>>) dst(%dma_wait3A_569 : memref<128x64xi32, #tpu.memory_space<hbm>>)
      %add3A_574 = arith.constant 0 : i32
      %add3A_575 = arith.addi %mul3A_342, %add3A_574 : i32
      %add3A_576 = arith.constant 4 : i32
      %add3A_577 = arith.addi %add3A_575, %add3A_576 : i32
      %lt3A_578 = arith.constant 39 : i32
      %lt3A_579 = arith.cmpi slt, %add3A_577, %lt3A_578 : i32
      %convert_element_type3A = arith.extui %lt3A_579 : i1 to i32
      %cond3A = arith.constant 0 : i32
      %cond3A_580 = arith.cmpi ne, %convert_element_type3A, %cond3A : i32
      scf.if %cond3A_580 {
        %add3A_689 = arith.constant 0 : i32
        %add3A_690 = arith.addi %mul3A_342, %add3A_689 : i32
        %add3A_691 = arith.constant 4 : i32
        %add3A_692 = arith.addi %add3A_690, %add3A_691 : i32
        %mul3A_693 = arith.constant 128 : i32
        %mul3A_694 = arith.muli %add3A_692, %mul3A_693 : i32
        %dma_start3A_695 = arith.constant 0 : i32
        %dma_start3A_696 = arith.constant 0 : i32
        %dma_start3A_697 = arith.constant 0 : i32
        %dma_start3A_698 = tpu.memref_slice %arg9[%dma_start3A_695, %dma_start3A_696, %dma_start3A_697] : memref<4x128x64xi32, #tpu.memory_space<vmem>> -> memref<1x128x64xi32, #tpu.memory_space<vmem>>
        %dma_start3A_699 = tpu.memref_squeeze %dma_start3A_698 : memref<1x128x64xi32, #tpu.memory_space<vmem>> -> memref<128x64xi32, #tpu.memory_space<vmem>>
        %dma_start3A_700 = tpu.memref_slice %arg7[%mul3A_694] : memref<5000xi32, #tpu.memory_space<vmem>> -> memref<128xi32, #tpu.memory_space<vmem>>
        %dma_start3A_701 = arith.constant 0 : i32
        %dma_start3A_702 = arith.constant 0 : i32
        %dma_start3A_703 = tpu.memref_slice %arg2[%dma_start3A_701, %dma_start3A_702] : memref<10000x64xi32, #tpu.memory_space<hbm>> -> memref<10000x64xi32, #tpu.memory_space<hbm>>
        tpu.enqueue_indirect_dma source(%dma_start3A_703 : memref<10000x64xi32, #tpu.memory_space<hbm>>) target(%dma_start3A_699 : memref<128x64xi32, #tpu.memory_space<vmem>>) offsets(%dma_start3A_700 : memref<128xi32, #tpu.memory_space<vmem>>) semaphore(%arg11 : memref<!tpu.dma_semaphore, #tpu.memory_space<semaphore_mem>>)
        %mul3A_704 = arith.constant 128 : i32
        %mul3A_705 = arith.muli %add3A_692, %mul3A_704 : i32
        %dma_start3A_706 = arith.constant 0 : i32
        %dma_start3A_707 = arith.constant 0 : i32
        %dma_start3A_708 = arith.constant 0 : i32
        %dma_start3A_709 = tpu.memref_slice %arg10[%dma_start3A_706, %dma_start3A_707, %dma_start3A_708] : memref<4x128x64xi32, #tpu.memory_space<vmem>> -> memref<1x128x64xi32, #tpu.memory_space<vmem>>
        %dma_start3A_710 = tpu.memref_squeeze %dma_start3A_709 : memref<1x128x64xi32, #tpu.memory_space<vmem>> -> memref<128x64xi32, #tpu.memory_space<vmem>>
        %dma_start3A_711 = tpu.memref_slice %arg8[%mul3A_705] : memref<5000xi32, #tpu.memory_space<vmem>> -> memref<128xi32, #tpu.memory_space<vmem>>
        %dma_start3A_712 = arith.constant 0 : i32
        %dma_start3A_713 = arith.constant 0 : i32
        %dma_start3A_714 = tpu.memref_slice %arg2[%dma_start3A_712, %dma_start3A_713] : memref<10000x64xi32, #tpu.memory_space<hbm>> -> memref<10000x64xi32, #tpu.memory_space<hbm>>
        tpu.enqueue_indirect_dma source(%dma_start3A_714 : memref<10000x64xi32, #tpu.memory_space<hbm>>) target(%dma_start3A_710 : memref<128x64xi32, #tpu.memory_space<vmem>>) offsets(%dma_start3A_711 : memref<128xi32, #tpu.memory_space<vmem>>) semaphore(%arg15 : memref<!tpu.dma_semaphore, #tpu.memory_space<semaphore_mem>>)
      } else {
      }
      %add3A_581 = arith.constant 1 : i32
      %add3A_582 = arith.addi %mul3A_342, %add3A_581 : i32
      %mul3A_583 = arith.constant 128 : i32
      %mul3A_584 = arith.muli %add3A_582, %mul3A_583 : i32
      %add3A_585 = arith.addi %sub3A, %mul3A_584 : i32
      %dma_wait3A_586 = arith.constant 1 : i32
      %dma_wait3A_587 = arith.constant 0 : i32
      %dma_wait3A_588 = arith.constant 0 : i32
      %dma_wait3A_589 = tpu.memref_slice %arg9[%dma_wait3A_586, %dma_wait3A_587, %dma_wait3A_588] : memref<4x128x64xi32, #tpu.memory_space<vmem>> -> memref<1x128x64xi32, #tpu.memory_space<vmem>>
      %dma_wait3A_590 = tpu.memref_squeeze %dma_wait3A_589 : memref<1x128x64xi32, #tpu.memory_space<vmem>> -> memref<128x64xi32, #tpu.memory_space<vmem>>
      %dma_wait3A_591 = tpu.memref_slice %arg5[%add3A_585, %select_n3A_7] : memref<80000x128xi32, #tpu.memory_space<hbm>> -> memref<128x64xi32, #tpu.memory_space<hbm>>
      %dma_wait3A_592 = tpu.memref_slice %arg5[%add3A_585, %select_n3A_7] : memref<80000x128xi32, #tpu.memory_space<hbm>> -> memref<128x64xi32, #tpu.memory_space<hbm>>
      %dma_wait3A_593 = arith.constant 0 : i32
      %dma_wait3A_594 = arith.constant 0 : i32
      %dma_wait3A_595 = tpu.memref_slice %arg9[%dma_wait3A_586, %dma_wait3A_593, %dma_wait3A_594] : memref<4x128x64xi32, #tpu.memory_space<vmem>> -> memref<1x128x64xi32, #tpu.memory_space<vmem>>
      %dma_wait3A_596 = tpu.memref_squeeze %dma_wait3A_595 : memref<1x128x64xi32, #tpu.memory_space<vmem>> -> memref<128x64xi32, #tpu.memory_space<vmem>>
      tpu.wait_dma2 semaphore(%arg12 : memref<!tpu.dma_semaphore, #tpu.memory_space<semaphore_mem>>) src(%dma_wait3A_596 : memref<128x64xi32, #tpu.memory_space<vmem>>) dst(%dma_wait3A_592 : memref<128x64xi32, #tpu.memory_space<hbm>>)
      %dma_wait3A_597 = arith.constant 1 : i32
      %dma_wait3A_598 = arith.constant 0 : i32
      %dma_wait3A_599 = arith.constant 0 : i32
      %dma_wait3A_600 = tpu.memref_slice %arg10[%dma_wait3A_597, %dma_wait3A_598, %dma_wait3A_599] : memref<4x128x64xi32, #tpu.memory_space<vmem>> -> memref<1x128x64xi32, #tpu.memory_space<vmem>>
      %dma_wait3A_601 = tpu.memref_squeeze %dma_wait3A_600 : memref<1x128x64xi32, #tpu.memory_space<vmem>> -> memref<128x64xi32, #tpu.memory_space<vmem>>
      %dma_wait3A_602 = tpu.memref_slice %arg6[%add3A_585, %select_n3A_7] : memref<80000x128xi32, #tpu.memory_space<hbm>> -> memref<128x64xi32, #tpu.memory_space<hbm>>
      %dma_wait3A_603 = tpu.memref_slice %arg6[%add3A_585, %select_n3A_7] : memref<80000x128xi32, #tpu.memory_space<hbm>> -> memref<128x64xi32, #tpu.memory_space<hbm>>
      %dma_wait3A_604 = arith.constant 0 : i32
      %dma_wait3A_605 = arith.constant 0 : i32
      %dma_wait3A_606 = tpu.memref_slice %arg10[%dma_wait3A_597, %dma_wait3A_604, %dma_wait3A_605] : memref<4x128x64xi32, #tpu.memory_space<vmem>> -> memref<1x128x64xi32, #tpu.memory_space<vmem>>
      %dma_wait3A_607 = tpu.memref_squeeze %dma_wait3A_606 : memref<1x128x64xi32, #tpu.memory_space<vmem>> -> memref<128x64xi32, #tpu.memory_space<vmem>>
      tpu.wait_dma2 semaphore(%arg16 : memref<!tpu.dma_semaphore, #tpu.memory_space<semaphore_mem>>) src(%dma_wait3A_607 : memref<128x64xi32, #tpu.memory_space<vmem>>) dst(%dma_wait3A_603 : memref<128x64xi32, #tpu.memory_space<hbm>>)
      %add3A_608 = arith.constant 1 : i32
      %add3A_609 = arith.addi %mul3A_342, %add3A_608 : i32
      %add3A_610 = arith.constant 4 : i32
      %add3A_611 = arith.addi %add3A_609, %add3A_610 : i32
      %lt3A_612 = arith.constant 39 : i32
      %lt3A_613 = arith.cmpi slt, %add3A_611, %lt3A_612 : i32
      %convert_element_type3A_614 = arith.extui %lt3A_613 : i1 to i32
      %cond3A_615 = arith.constant 0 : i32
      %cond3A_616 = arith.cmpi ne, %convert_element_type3A_614, %cond3A_615 : i32
      scf.if %cond3A_616 {
        %add3A_689 = arith.constant 1 : i32
        %add3A_690 = arith.addi %mul3A_342, %add3A_689 : i32
        %add3A_691 = arith.constant 4 : i32
        %add3A_692 = arith.addi %add3A_690, %add3A_691 : i32
        %mul3A_693 = arith.constant 128 : i32
        %mul3A_694 = arith.muli %add3A_692, %mul3A_693 : i32
        %dma_start3A_695 = arith.constant 1 : i32
        %dma_start3A_696 = arith.constant 0 : i32
        %dma_start3A_697 = arith.constant 0 : i32
        %dma_start3A_698 = tpu.memref_slice %arg9[%dma_start3A_695, %dma_start3A_696, %dma_start3A_697] : memref<4x128x64xi32, #tpu.memory_space<vmem>> -> memref<1x128x64xi32, #tpu.memory_space<vmem>>
        %dma_start3A_699 = tpu.memref_squeeze %dma_start3A_698 : memref<1x128x64xi32, #tpu.memory_space<vmem>> -> memref<128x64xi32, #tpu.memory_space<vmem>>
        %dma_start3A_700 = tpu.memref_slice %arg7[%mul3A_694] : memref<5000xi32, #tpu.memory_space<vmem>> -> memref<128xi32, #tpu.memory_space<vmem>>
        %dma_start3A_701 = arith.constant 0 : i32
        %dma_start3A_702 = arith.constant 0 : i32
        %dma_start3A_703 = tpu.memref_slice %arg2[%dma_start3A_701, %dma_start3A_702] : memref<10000x64xi32, #tpu.memory_space<hbm>> -> memref<10000x64xi32, #tpu.memory_space<hbm>>
        tpu.enqueue_indirect_dma source(%dma_start3A_703 : memref<10000x64xi32, #tpu.memory_space<hbm>>) target(%dma_start3A_699 : memref<128x64xi32, #tpu.memory_space<vmem>>) offsets(%dma_start3A_700 : memref<128xi32, #tpu.memory_space<vmem>>) semaphore(%arg12 : memref<!tpu.dma_semaphore, #tpu.memory_space<semaphore_mem>>)
        %mul3A_704 = arith.constant 128 : i32
        %mul3A_705 = arith.muli %add3A_692, %mul3A_704 : i32
        %dma_start3A_706 = arith.constant 1 : i32
        %dma_start3A_707 = arith.constant 0 : i32
        %dma_start3A_708 = arith.constant 0 : i32
        %dma_start3A_709 = tpu.memref_slice %arg10[%dma_start3A_706, %dma_start3A_707, %dma_start3A_708] : memref<4x128x64xi32, #tpu.memory_space<vmem>> -> memref<1x128x64xi32, #tpu.memory_space<vmem>>
        %dma_start3A_710 = tpu.memref_squeeze %dma_start3A_709 : memref<1x128x64xi32, #tpu.memory_space<vmem>> -> memref<128x64xi32, #tpu.memory_space<vmem>>
        %dma_start3A_711 = tpu.memref_slice %arg8[%mul3A_705] : memref<5000xi32, #tpu.memory_space<vmem>> -> memref<128xi32, #tpu.memory_space<vmem>>
        %dma_start3A_712 = arith.constant 0 : i32
        %dma_start3A_713 = arith.constant 0 : i32
        %dma_start3A_714 = tpu.memref_slice %arg2[%dma_start3A_712, %dma_start3A_713] : memref<10000x64xi32, #tpu.memory_space<hbm>> -> memref<10000x64xi32, #tpu.memory_space<hbm>>
        tpu.enqueue_indirect_dma source(%dma_start3A_714 : memref<10000x64xi32, #tpu.memory_space<hbm>>) target(%dma_start3A_710 : memref<128x64xi32, #tpu.memory_space<vmem>>) offsets(%dma_start3A_711 : memref<128xi32, #tpu.memory_space<vmem>>) semaphore(%arg16 : memref<!tpu.dma_semaphore, #tpu.memory_space<semaphore_mem>>)
      } else {
      }
      %add3A_617 = arith.constant 2 : i32
      %add3A_618 = arith.addi %mul3A_342, %add3A_617 : i32
      %mul3A_619 = arith.constant 128 : i32
      %mul3A_620 = arith.muli %add3A_618, %mul3A_619 : i32
      %add3A_621 = arith.addi %sub3A, %mul3A_620 : i32
      %dma_wait3A_622 = arith.constant 2 : i32
      %dma_wait3A_623 = arith.constant 0 : i32
      %dma_wait3A_624 = arith.constant 0 : i32
      %dma_wait3A_625 = tpu.memref_slice %arg9[%dma_wait3A_622, %dma_wait3A_623, %dma_wait3A_624] : memref<4x128x64xi32, #tpu.memory_space<vmem>> -> memref<1x128x64xi32, #tpu.memory_space<vmem>>
      %dma_wait3A_626 = tpu.memref_squeeze %dma_wait3A_625 : memref<1x128x64xi32, #tpu.memory_space<vmem>> -> memref<128x64xi32, #tpu.memory_space<vmem>>
      %dma_wait3A_627 = tpu.memref_slice %arg5[%add3A_621, %select_n3A_7] : memref<80000x128xi32, #tpu.memory_space<hbm>> -> memref<128x64xi32, #tpu.memory_space<hbm>>
      %dma_wait3A_628 = tpu.memref_slice %arg5[%add3A_621, %select_n3A_7] : memref<80000x128xi32, #tpu.memory_space<hbm>> -> memref<128x64xi32, #tpu.memory_space<hbm>>
      %dma_wait3A_629 = arith.constant 0 : i32
      %dma_wait3A_630 = arith.constant 0 : i32
      %dma_wait3A_631 = tpu.memref_slice %arg9[%dma_wait3A_622, %dma_wait3A_629, %dma_wait3A_630] : memref<4x128x64xi32, #tpu.memory_space<vmem>> -> memref<1x128x64xi32, #tpu.memory_space<vmem>>
      %dma_wait3A_632 = tpu.memref_squeeze %dma_wait3A_631 : memref<1x128x64xi32, #tpu.memory_space<vmem>> -> memref<128x64xi32, #tpu.memory_space<vmem>>
      tpu.wait_dma2 semaphore(%arg13 : memref<!tpu.dma_semaphore, #tpu.memory_space<semaphore_mem>>) src(%dma_wait3A_632 : memref<128x64xi32, #tpu.memory_space<vmem>>) dst(%dma_wait3A_628 : memref<128x64xi32, #tpu.memory_space<hbm>>)
      %dma_wait3A_633 = arith.constant 2 : i32
      %dma_wait3A_634 = arith.constant 0 : i32
      %dma_wait3A_635 = arith.constant 0 : i32
      %dma_wait3A_636 = tpu.memref_slice %arg10[%dma_wait3A_633, %dma_wait3A_634, %dma_wait3A_635] : memref<4x128x64xi32, #tpu.memory_space<vmem>> -> memref<1x128x64xi32, #tpu.memory_space<vmem>>
      %dma_wait3A_637 = tpu.memref_squeeze %dma_wait3A_636 : memref<1x128x64xi32, #tpu.memory_space<vmem>> -> memref<128x64xi32, #tpu.memory_space<vmem>>
      %dma_wait3A_638 = tpu.memref_slice %arg6[%add3A_621, %select_n3A_7] : memref<80000x128xi32, #tpu.memory_space<hbm>> -> memref<128x64xi32, #tpu.memory_space<hbm>>
      %dma_wait3A_639 = tpu.memref_slice %arg6[%add3A_621, %select_n3A_7] : memref<80000x128xi32, #tpu.memory_space<hbm>> -> memref<128x64xi32, #tpu.memory_space<hbm>>
      %dma_wait3A_640 = arith.constant 0 : i32
      %dma_wait3A_641 = arith.constant 0 : i32
      %dma_wait3A_642 = tpu.memref_slice %arg10[%dma_wait3A_633, %dma_wait3A_640, %dma_wait3A_641] : memref<4x128x64xi32, #tpu.memory_space<vmem>> -> memref<1x128x64xi32, #tpu.memory_space<vmem>>
      %dma_wait3A_643 = tpu.memref_squeeze %dma_wait3A_642 : memref<1x128x64xi32, #tpu.memory_space<vmem>> -> memref<128x64xi32, #tpu.memory_space<vmem>>
      tpu.wait_dma2 semaphore(%arg17 : memref<!tpu.dma_semaphore, #tpu.memory_space<semaphore_mem>>) src(%dma_wait3A_643 : memref<128x64xi32, #tpu.memory_space<vmem>>) dst(%dma_wait3A_639 : memref<128x64xi32, #tpu.memory_space<hbm>>)
      %add3A_644 = arith.constant 2 : i32
      %add3A_645 = arith.addi %mul3A_342, %add3A_644 : i32
      %add3A_646 = arith.constant 4 : i32
      %add3A_647 = arith.addi %add3A_645, %add3A_646 : i32
      %lt3A_648 = arith.constant 39 : i32
      %lt3A_649 = arith.cmpi slt, %add3A_647, %lt3A_648 : i32
      %convert_element_type3A_650 = arith.extui %lt3A_649 : i1 to i32
      %cond3A_651 = arith.constant 0 : i32
      %cond3A_652 = arith.cmpi ne, %convert_element_type3A_650, %cond3A_651 : i32
      scf.if %cond3A_652 {
        %add3A_689 = arith.constant 2 : i32
        %add3A_690 = arith.addi %mul3A_342, %add3A_689 : i32
        %add3A_691 = arith.constant 4 : i32
        %add3A_692 = arith.addi %add3A_690, %add3A_691 : i32
        %mul3A_693 = arith.constant 128 : i32
        %mul3A_694 = arith.muli %add3A_692, %mul3A_693 : i32
        %dma_start3A_695 = arith.constant 2 : i32
        %dma_start3A_696 = arith.constant 0 : i32
        %dma_start3A_697 = arith.constant 0 : i32
        %dma_start3A_698 = tpu.memref_slice %arg9[%dma_start3A_695, %dma_start3A_696, %dma_start3A_697] : memref<4x128x64xi32, #tpu.memory_space<vmem>> -> memref<1x128x64xi32, #tpu.memory_space<vmem>>
        %dma_start3A_699 = tpu.memref_squeeze %dma_start3A_698 : memref<1x128x64xi32, #tpu.memory_space<vmem>> -> memref<128x64xi32, #tpu.memory_space<vmem>>
        %dma_start3A_700 = tpu.memref_slice %arg7[%mul3A_694] : memref<5000xi32, #tpu.memory_space<vmem>> -> memref<128xi32, #tpu.memory_space<vmem>>
        %dma_start3A_701 = arith.constant 0 : i32
        %dma_start3A_702 = arith.constant 0 : i32
        %dma_start3A_703 = tpu.memref_slice %arg2[%dma_start3A_701, %dma_start3A_702] : memref<10000x64xi32, #tpu.memory_space<hbm>> -> memref<10000x64xi32, #tpu.memory_space<hbm>>
        tpu.enqueue_indirect_dma source(%dma_start3A_703 : memref<10000x64xi32, #tpu.memory_space<hbm>>) target(%dma_start3A_699 : memref<128x64xi32, #tpu.memory_space<vmem>>) offsets(%dma_start3A_700 : memref<128xi32, #tpu.memory_space<vmem>>) semaphore(%arg13 : memref<!tpu.dma_semaphore, #tpu.memory_space<semaphore_mem>>)
        %mul3A_704 = arith.constant 128 : i32
        %mul3A_705 = arith.muli %add3A_692, %mul3A_704 : i32
        %dma_start3A_706 = arith.constant 2 : i32
        %dma_start3A_707 = arith.constant 0 : i32
        %dma_start3A_708 = arith.constant 0 : i32
        %dma_start3A_709 = tpu.memref_slice %arg10[%dma_start3A_706, %dma_start3A_707, %dma_start3A_708] : memref<4x128x64xi32, #tpu.memory_space<vmem>> -> memref<1x128x64xi32, #tpu.memory_space<vmem>>
        %dma_start3A_710 = tpu.memref_squeeze %dma_start3A_709 : memref<1x128x64xi32, #tpu.memory_space<vmem>> -> memref<128x64xi32, #tpu.memory_space<vmem>>
        %dma_start3A_711 = tpu.memref_slice %arg8[%mul3A_705] : memref<5000xi32, #tpu.memory_space<vmem>> -> memref<128xi32, #tpu.memory_space<vmem>>
        %dma_start3A_712 = arith.constant 0 : i32
        %dma_start3A_713 = arith.constant 0 : i32
        %dma_start3A_714 = tpu.memref_slice %arg2[%dma_start3A_712, %dma_start3A_713] : memref<10000x64xi32, #tpu.memory_space<hbm>> -> memref<10000x64xi32, #tpu.memory_space<hbm>>
        tpu.enqueue_indirect_dma source(%dma_start3A_714 : memref<10000x64xi32, #tpu.memory_space<hbm>>) target(%dma_start3A_710 : memref<128x64xi32, #tpu.memory_space<vmem>>) offsets(%dma_start3A_711 : memref<128xi32, #tpu.memory_space<vmem>>) semaphore(%arg17 : memref<!tpu.dma_semaphore, #tpu.memory_space<semaphore_mem>>)
      } else {
      }
      %add3A_653 = arith.constant 3 : i32
      %add3A_654 = arith.addi %mul3A_342, %add3A_653 : i32
      %mul3A_655 = arith.constant 128 : i32
      %mul3A_656 = arith.muli %add3A_654, %mul3A_655 : i32
      %add3A_657 = arith.addi %sub3A, %mul3A_656 : i32
      %dma_wait3A_658 = arith.constant 3 : i32
      %dma_wait3A_659 = arith.constant 0 : i32
      %dma_wait3A_660 = arith.constant 0 : i32
      %dma_wait3A_661 = tpu.memref_slice %arg9[%dma_wait3A_658, %dma_wait3A_659, %dma_wait3A_660] : memref<4x128x64xi32, #tpu.memory_space<vmem>> -> memref<1x128x64xi32, #tpu.memory_space<vmem>>
      %dma_wait3A_662 = tpu.memref_squeeze %dma_wait3A_661 : memref<1x128x64xi32, #tpu.memory_space<vmem>> -> memref<128x64xi32, #tpu.memory_space<vmem>>
      %dma_wait3A_663 = tpu.memref_slice %arg5[%add3A_657, %select_n3A_7] : memref<80000x128xi32, #tpu.memory_space<hbm>> -> memref<128x64xi32, #tpu.memory_space<hbm>>
      %dma_wait3A_664 = tpu.memref_slice %arg5[%add3A_657, %select_n3A_7] : memref<80000x128xi32, #tpu.memory_space<hbm>> -> memref<128x64xi32, #tpu.memory_space<hbm>>
      %dma_wait3A_665 = arith.constant 0 : i32
      %dma_wait3A_666 = arith.constant 0 : i32
      %dma_wait3A_667 = tpu.memref_slice %arg9[%dma_wait3A_658, %dma_wait3A_665, %dma_wait3A_666] : memref<4x128x64xi32, #tpu.memory_space<vmem>> -> memref<1x128x64xi32, #tpu.memory_space<vmem>>
      %dma_wait3A_668 = tpu.memref_squeeze %dma_wait3A_667 : memref<1x128x64xi32, #tpu.memory_space<vmem>> -> memref<128x64xi32, #tpu.memory_space<vmem>>
      tpu.wait_dma2 semaphore(%arg14 : memref<!tpu.dma_semaphore, #tpu.memory_space<semaphore_mem>>) src(%dma_wait3A_668 : memref<128x64xi32, #tpu.memory_space<vmem>>) dst(%dma_wait3A_664 : memref<128x64xi32, #tpu.memory_space<hbm>>)
      %dma_wait3A_669 = arith.constant 3 : i32
      %dma_wait3A_670 = arith.constant 0 : i32
      %dma_wait3A_671 = arith.constant 0 : i32
      %dma_wait3A_672 = tpu.memref_slice %arg10[%dma_wait3A_669, %dma_wait3A_670, %dma_wait3A_671] : memref<4x128x64xi32, #tpu.memory_space<vmem>> -> memref<1x128x64xi32, #tpu.memory_space<vmem>>
      %dma_wait3A_673 = tpu.memref_squeeze %dma_wait3A_672 : memref<1x128x64xi32, #tpu.memory_space<vmem>> -> memref<128x64xi32, #tpu.memory_space<vmem>>
      %dma_wait3A_674 = tpu.memref_slice %arg6[%add3A_657, %select_n3A_7] : memref<80000x128xi32, #tpu.memory_space<hbm>> -> memref<128x64xi32, #tpu.memory_space<hbm>>
      %dma_wait3A_675 = tpu.memref_slice %arg6[%add3A_657, %select_n3A_7] : memref<80000x128xi32, #tpu.memory_space<hbm>> -> memref<128x64xi32, #tpu.memory_space<hbm>>
      %dma_wait3A_676 = arith.constant 0 : i32
      %dma_wait3A_677 = arith.constant 0 : i32
      %dma_wait3A_678 = tpu.memref_slice %arg10[%dma_wait3A_669, %dma_wait3A_676, %dma_wait3A_677] : memref<4x128x64xi32, #tpu.memory_space<vmem>> -> memref<1x128x64xi32, #tpu.memory_space<vmem>>
      %dma_wait3A_679 = tpu.memref_squeeze %dma_wait3A_678 : memref<1x128x64xi32, #tpu.memory_space<vmem>> -> memref<128x64xi32, #tpu.memory_space<vmem>>
      tpu.wait_dma2 semaphore(%arg18 : memref<!tpu.dma_semaphore, #tpu.memory_space<semaphore_mem>>) src(%dma_wait3A_679 : memref<128x64xi32, #tpu.memory_space<vmem>>) dst(%dma_wait3A_675 : memref<128x64xi32, #tpu.memory_space<hbm>>)
      %add3A_680 = arith.constant 3 : i32
      %add3A_681 = arith.addi %mul3A_342, %add3A_680 : i32
      %add3A_682 = arith.constant 4 : i32
      %add3A_683 = arith.addi %add3A_681, %add3A_682 : i32
      %lt3A_684 = arith.constant 39 : i32
      %lt3A_685 = arith.cmpi slt, %add3A_683, %lt3A_684 : i32
      %convert_element_type3A_686 = arith.extui %lt3A_685 : i1 to i32
      %cond3A_687 = arith.constant 0 : i32
      %cond3A_688 = arith.cmpi ne, %convert_element_type3A_686, %cond3A_687 : i32
      scf.if %cond3A_688 {
        %add3A_689 = arith.constant 3 : i32
        %add3A_690 = arith.addi %mul3A_342, %add3A_689 : i32
        %add3A_691 = arith.constant 4 : i32
        %add3A_692 = arith.addi %add3A_690, %add3A_691 : i32
        %mul3A_693 = arith.constant 128 : i32
        %mul3A_694 = arith.muli %add3A_692, %mul3A_693 : i32
        %dma_start3A_695 = arith.constant 3 : i32
        %dma_start3A_696 = arith.constant 0 : i32
        %dma_start3A_697 = arith.constant 0 : i32
        %dma_start3A_698 = tpu.memref_slice %arg9[%dma_start3A_695, %dma_start3A_696, %dma_start3A_697] : memref<4x128x64xi32, #tpu.memory_space<vmem>> -> memref<1x128x64xi32, #tpu.memory_space<vmem>>
        %dma_start3A_699 = tpu.memref_squeeze %dma_start3A_698 : memref<1x128x64xi32, #tpu.memory_space<vmem>> -> memref<128x64xi32, #tpu.memory_space<vmem>>
        %dma_start3A_700 = tpu.memref_slice %arg7[%mul3A_694] : memref<5000xi32, #tpu.memory_space<vmem>> -> memref<128xi32, #tpu.memory_space<vmem>>
        %dma_start3A_701 = arith.constant 0 : i32
        %dma_start3A_702 = arith.constant 0 : i32
        %dma_start3A_703 = tpu.memref_slice %arg2[%dma_start3A_701, %dma_start3A_702] : memref<10000x64xi32, #tpu.memory_space<hbm>> -> memref<10000x64xi32, #tpu.memory_space<hbm>>
        tpu.enqueue_indirect_dma source(%dma_start3A_703 : memref<10000x64xi32, #tpu.memory_space<hbm>>) target(%dma_start3A_699 : memref<128x64xi32, #tpu.memory_space<vmem>>) offsets(%dma_start3A_700 : memref<128xi32, #tpu.memory_space<vmem>>) semaphore(%arg14 : memref<!tpu.dma_semaphore, #tpu.memory_space<semaphore_mem>>)
        %mul3A_704 = arith.constant 128 : i32
        %mul3A_705 = arith.muli %add3A_692, %mul3A_704 : i32
        %dma_start3A_706 = arith.constant 3 : i32
        %dma_start3A_707 = arith.constant 0 : i32
        %dma_start3A_708 = arith.constant 0 : i32
        %dma_start3A_709 = tpu.memref_slice %arg10[%dma_start3A_706, %dma_start3A_707, %dma_start3A_708] : memref<4x128x64xi32, #tpu.memory_space<vmem>> -> memref<1x128x64xi32, #tpu.memory_space<vmem>>
        %dma_start3A_710 = tpu.memref_squeeze %dma_start3A_709 : memref<1x128x64xi32, #tpu.memory_space<vmem>> -> memref<128x64xi32, #tpu.memory_space<vmem>>
        %dma_start3A_711 = tpu.memref_slice %arg8[%mul3A_705] : memref<5000xi32, #tpu.memory_space<vmem>> -> memref<128xi32, #tpu.memory_space<vmem>>
        %dma_start3A_712 = arith.constant 0 : i32
        %dma_start3A_713 = arith.constant 0 : i32
        %dma_start3A_714 = tpu.memref_slice %arg2[%dma_start3A_712, %dma_start3A_713] : memref<10000x64xi32, #tpu.memory_space<hbm>> -> memref<10000x64xi32, #tpu.memory_space<hbm>>
        tpu.enqueue_indirect_dma source(%dma_start3A_714 : memref<10000x64xi32, #tpu.memory_space<hbm>>) target(%dma_start3A_710 : memref<128x64xi32, #tpu.memory_space<vmem>>) offsets(%dma_start3A_711 : memref<128xi32, #tpu.memory_space<vmem>>) semaphore(%arg18 : memref<!tpu.dma_semaphore, #tpu.memory_space<semaphore_mem>>)
      } else {
      }
    }
    %scan3A_91 = arith.constant 9 : i32
    %dma_wait3A = arith.constant 0 : i32
    %dma_wait3A_92 = arith.constant 0 : i32
    %dma_wait3A_93 = arith.constant 0 : i32
    %dma_wait3A_94 = tpu.memref_slice %arg9[%dma_wait3A, %dma_wait3A_92, %dma_wait3A_93] : memref<4x128x64xi32, #tpu.memory_space<vmem>> -> memref<1x128x64xi32, #tpu.memory_space<vmem>>
    %dma_wait3A_95 = tpu.memref_squeeze %dma_wait3A_94 : memref<1x128x64xi32, #tpu.memory_space<vmem>> -> memref<128x64xi32, #tpu.memory_space<vmem>>
    %dma_wait3A_96 = arith.constant 4608 : i32
    %dma_wait3A_97 = tpu.memref_slice %arg7[%dma_wait3A_96] : memref<5000xi32, #tpu.memory_space<vmem>> -> memref<128xi32, #tpu.memory_space<vmem>>
    %dma_wait3A_98 = arith.constant 0 : i32
    %dma_wait3A_99 = arith.constant 0 : i32
    %dma_wait3A_100 = tpu.memref_slice %arg2[%dma_wait3A_98, %dma_wait3A_99] : memref<10000x64xi32, #tpu.memory_space<hbm>> -> memref<10000x64xi32, #tpu.memory_space<hbm>>
    tpu.wait_indirect_dma semaphore(%arg11 : memref<!tpu.dma_semaphore, #tpu.memory_space<semaphore_mem>>) src(%dma_wait3A_100 : memref<10000x64xi32, #tpu.memory_space<hbm>>) dst(%dma_wait3A_95 : memref<128x64xi32, #tpu.memory_space<vmem>>)
    %dma_wait3A_101 = arith.constant 0 : i32
    %dma_wait3A_102 = arith.constant 0 : i32
    %dma_wait3A_103 = arith.constant 0 : i32
    %dma_wait3A_104 = tpu.memref_slice %arg10[%dma_wait3A_101, %dma_wait3A_102, %dma_wait3A_103] : memref<4x128x64xi32, #tpu.memory_space<vmem>> -> memref<1x128x64xi32, #tpu.memory_space<vmem>>
    %dma_wait3A_105 = tpu.memref_squeeze %dma_wait3A_104 : memref<1x128x64xi32, #tpu.memory_space<vmem>> -> memref<128x64xi32, #tpu.memory_space<vmem>>
    %dma_wait3A_106 = arith.constant 4608 : i32
    %dma_wait3A_107 = tpu.memref_slice %arg8[%dma_wait3A_106] : memref<5000xi32, #tpu.memory_space<vmem>> -> memref<128xi32, #tpu.memory_space<vmem>>
    %dma_wait3A_108 = arith.constant 0 : i32
    %dma_wait3A_109 = arith.constant 0 : i32
    %dma_wait3A_110 = tpu.memref_slice %arg2[%dma_wait3A_108, %dma_wait3A_109] : memref<10000x64xi32, #tpu.memory_space<hbm>> -> memref<10000x64xi32, #tpu.memory_space<hbm>>
    tpu.wait_indirect_dma semaphore(%arg15 : memref<!tpu.dma_semaphore, #tpu.memory_space<semaphore_mem>>) src(%dma_wait3A_110 : memref<10000x64xi32, #tpu.memory_space<hbm>>) dst(%dma_wait3A_105 : memref<128x64xi32, #tpu.memory_space<vmem>>)
    %add3A_111 = arith.constant 4608 : i32
    %add3A_112 = arith.addi %sub3A, %add3A_111 : i32
    %dma_start3A_113 = arith.constant 0 : i32
    %dma_start3A_114 = arith.constant 0 : i32
    %dma_start3A_115 = arith.constant 0 : i32
    %dma_start3A_116 = tpu.memref_slice %arg9[%dma_start3A_113, %dma_start3A_114, %dma_start3A_115] : memref<4x128x64xi32, #tpu.memory_space<vmem>> -> memref<1x128x64xi32, #tpu.memory_space<vmem>>
    %dma_start3A_117 = tpu.memref_squeeze %dma_start3A_116 : memref<1x128x64xi32, #tpu.memory_space<vmem>> -> memref<128x64xi32, #tpu.memory_space<vmem>>
    %dma_start3A_118 = tpu.memref_slice %arg5[%add3A_112, %select_n3A_7] : memref<80000x128xi32, #tpu.memory_space<hbm>> -> memref<128x64xi32, #tpu.memory_space<hbm>>
    %dma_start3A_119 = tpu.memref_slice %arg5[%add3A_112, %select_n3A_7] : memref<80000x128xi32, #tpu.memory_space<hbm>> -> memref<128x64xi32, #tpu.memory_space<hbm>>
    %dma_start3A_120 = arith.constant 0 : i32
    %dma_start3A_121 = arith.constant 0 : i32
    %dma_start3A_122 = tpu.memref_slice %arg9[%dma_start3A_113, %dma_start3A_120, %dma_start3A_121] : memref<4x128x64xi32, #tpu.memory_space<vmem>> -> memref<1x128x64xi32, #tpu.memory_space<vmem>>
    %dma_start3A_123 = tpu.memref_squeeze %dma_start3A_122 : memref<1x128x64xi32, #tpu.memory_space<vmem>> -> memref<128x64xi32, #tpu.memory_space<vmem>>
    tpu.enqueue_dma source(%dma_start3A_123 : memref<128x64xi32, #tpu.memory_space<vmem>>) target(%dma_start3A_119 : memref<128x64xi32, #tpu.memory_space<hbm>>) target_semaphore(%arg11 : memref<!tpu.dma_semaphore, #tpu.memory_space<semaphore_mem>>)
    %dma_start3A_124 = arith.constant 0 : i32
    %dma_start3A_125 = arith.constant 0 : i32
    %dma_start3A_126 = arith.constant 0 : i32
    %dma_start3A_127 = tpu.memref_slice %arg10[%dma_start3A_124, %dma_start3A_125, %dma_start3A_126] : memref<4x128x64xi32, #tpu.memory_space<vmem>> -> memref<1x128x64xi32, #tpu.memory_space<vmem>>
    %dma_start3A_128 = tpu.memref_squeeze %dma_start3A_127 : memref<1x128x64xi32, #tpu.memory_space<vmem>> -> memref<128x64xi32, #tpu.memory_space<vmem>>
    %dma_start3A_129 = tpu.memref_slice %arg6[%add3A_112, %select_n3A_7] : memref<80000x128xi32, #tpu.memory_space<hbm>> -> memref<128x64xi32, #tpu.memory_space<hbm>>
    %dma_start3A_130 = tpu.memref_slice %arg6[%add3A_112, %select_n3A_7] : memref<80000x128xi32, #tpu.memory_space<hbm>> -> memref<128x64xi32, #tpu.memory_space<hbm>>
    %dma_start3A_131 = arith.constant 0 : i32
    %dma_start3A_132 = arith.constant 0 : i32
    %dma_start3A_133 = tpu.memref_slice %arg10[%dma_start3A_124, %dma_start3A_131, %dma_start3A_132] : memref<4x128x64xi32, #tpu.memory_space<vmem>> -> memref<1x128x64xi32, #tpu.memory_space<vmem>>
    %dma_start3A_134 = tpu.memref_squeeze %dma_start3A_133 : memref<1x128x64xi32, #tpu.memory_space<vmem>> -> memref<128x64xi32, #tpu.memory_space<vmem>>
    tpu.enqueue_dma source(%dma_start3A_134 : memref<128x64xi32, #tpu.memory_space<vmem>>) target(%dma_start3A_130 : memref<128x64xi32, #tpu.memory_space<hbm>>) target_semaphore(%arg15 : memref<!tpu.dma_semaphore, #tpu.memory_space<semaphore_mem>>)
    %dma_wait3A_135 = arith.constant 1 : i32
    %dma_wait3A_136 = arith.constant 0 : i32
    %dma_wait3A_137 = arith.constant 0 : i32
    %dma_wait3A_138 = tpu.memref_slice %arg9[%dma_wait3A_135, %dma_wait3A_136, %dma_wait3A_137] : memref<4x128x64xi32, #tpu.memory_space<vmem>> -> memref<1x128x64xi32, #tpu.memory_space<vmem>>
    %dma_wait3A_139 = tpu.memref_squeeze %dma_wait3A_138 : memref<1x128x64xi32, #tpu.memory_space<vmem>> -> memref<128x64xi32, #tpu.memory_space<vmem>>
    %dma_wait3A_140 = arith.constant 4736 : i32
    %dma_wait3A_141 = tpu.memref_slice %arg7[%dma_wait3A_140] : memref<5000xi32, #tpu.memory_space<vmem>> -> memref<128xi32, #tpu.memory_space<vmem>>
    %dma_wait3A_142 = arith.constant 0 : i32
    %dma_wait3A_143 = arith.constant 0 : i32
    %dma_wait3A_144 = tpu.memref_slice %arg2[%dma_wait3A_142, %dma_wait3A_143] : memref<10000x64xi32, #tpu.memory_space<hbm>> -> memref<10000x64xi32, #tpu.memory_space<hbm>>
    tpu.wait_indirect_dma semaphore(%arg12 : memref<!tpu.dma_semaphore, #tpu.memory_space<semaphore_mem>>) src(%dma_wait3A_144 : memref<10000x64xi32, #tpu.memory_space<hbm>>) dst(%dma_wait3A_139 : memref<128x64xi32, #tpu.memory_space<vmem>>)
    %dma_wait3A_145 = arith.constant 1 : i32
    %dma_wait3A_146 = arith.constant 0 : i32
    %dma_wait3A_147 = arith.constant 0 : i32
    %dma_wait3A_148 = tpu.memref_slice %arg10[%dma_wait3A_145, %dma_wait3A_146, %dma_wait3A_147] : memref<4x128x64xi32, #tpu.memory_space<vmem>> -> memref<1x128x64xi32, #tpu.memory_space<vmem>>
    %dma_wait3A_149 = tpu.memref_squeeze %dma_wait3A_148 : memref<1x128x64xi32, #tpu.memory_space<vmem>> -> memref<128x64xi32, #tpu.memory_space<vmem>>
    %dma_wait3A_150 = arith.constant 4736 : i32
    %dma_wait3A_151 = tpu.memref_slice %arg8[%dma_wait3A_150] : memref<5000xi32, #tpu.memory_space<vmem>> -> memref<128xi32, #tpu.memory_space<vmem>>
    %dma_wait3A_152 = arith.constant 0 : i32
    %dma_wait3A_153 = arith.constant 0 : i32
    %dma_wait3A_154 = tpu.memref_slice %arg2[%dma_wait3A_152, %dma_wait3A_153] : memref<10000x64xi32, #tpu.memory_space<hbm>> -> memref<10000x64xi32, #tpu.memory_space<hbm>>
    tpu.wait_indirect_dma semaphore(%arg16 : memref<!tpu.dma_semaphore, #tpu.memory_space<semaphore_mem>>) src(%dma_wait3A_154 : memref<10000x64xi32, #tpu.memory_space<hbm>>) dst(%dma_wait3A_149 : memref<128x64xi32, #tpu.memory_space<vmem>>)
    %add3A_155 = arith.constant 4736 : i32
    %add3A_156 = arith.addi %sub3A, %add3A_155 : i32
    %dma_start3A_157 = arith.constant 1 : i32
    %dma_start3A_158 = arith.constant 0 : i32
    %dma_start3A_159 = arith.constant 0 : i32
    %dma_start3A_160 = tpu.memref_slice %arg9[%dma_start3A_157, %dma_start3A_158, %dma_start3A_159] : memref<4x128x64xi32, #tpu.memory_space<vmem>> -> memref<1x128x64xi32, #tpu.memory_space<vmem>>
    %dma_start3A_161 = tpu.memref_squeeze %dma_start3A_160 : memref<1x128x64xi32, #tpu.memory_space<vmem>> -> memref<128x64xi32, #tpu.memory_space<vmem>>
    %dma_start3A_162 = tpu.memref_slice %arg5[%add3A_156, %select_n3A_7] : memref<80000x128xi32, #tpu.memory_space<hbm>> -> memref<128x64xi32, #tpu.memory_space<hbm>>
    %dma_start3A_163 = tpu.memref_slice %arg5[%add3A_156, %select_n3A_7] : memref<80000x128xi32, #tpu.memory_space<hbm>> -> memref<128x64xi32, #tpu.memory_space<hbm>>
    %dma_start3A_164 = arith.constant 0 : i32
    %dma_start3A_165 = arith.constant 0 : i32
    %dma_start3A_166 = tpu.memref_slice %arg9[%dma_start3A_157, %dma_start3A_164, %dma_start3A_165] : memref<4x128x64xi32, #tpu.memory_space<vmem>> -> memref<1x128x64xi32, #tpu.memory_space<vmem>>
    %dma_start3A_167 = tpu.memref_squeeze %dma_start3A_166 : memref<1x128x64xi32, #tpu.memory_space<vmem>> -> memref<128x64xi32, #tpu.memory_space<vmem>>
    tpu.enqueue_dma source(%dma_start3A_167 : memref<128x64xi32, #tpu.memory_space<vmem>>) target(%dma_start3A_163 : memref<128x64xi32, #tpu.memory_space<hbm>>) target_semaphore(%arg12 : memref<!tpu.dma_semaphore, #tpu.memory_space<semaphore_mem>>)
    %dma_start3A_168 = arith.constant 1 : i32
    %dma_start3A_169 = arith.constant 0 : i32
    %dma_start3A_170 = arith.constant 0 : i32
    %dma_start3A_171 = tpu.memref_slice %arg10[%dma_start3A_168, %dma_start3A_169, %dma_start3A_170] : memref<4x128x64xi32, #tpu.memory_space<vmem>> -> memref<1x128x64xi32, #tpu.memory_space<vmem>>
    %dma_start3A_172 = tpu.memref_squeeze %dma_start3A_171 : memref<1x128x64xi32, #tpu.memory_space<vmem>> -> memref<128x64xi32, #tpu.memory_space<vmem>>
    %dma_start3A_173 = tpu.memref_slice %arg6[%add3A_156, %select_n3A_7] : memref<80000x128xi32, #tpu.memory_space<hbm>> -> memref<128x64xi32, #tpu.memory_space<hbm>>
    %dma_start3A_174 = tpu.memref_slice %arg6[%add3A_156, %select_n3A_7] : memref<80000x128xi32, #tpu.memory_space<hbm>> -> memref<128x64xi32, #tpu.memory_space<hbm>>
    %dma_start3A_175 = arith.constant 0 : i32
    %dma_start3A_176 = arith.constant 0 : i32
    %dma_start3A_177 = tpu.memref_slice %arg10[%dma_start3A_168, %dma_start3A_175, %dma_start3A_176] : memref<4x128x64xi32, #tpu.memory_space<vmem>> -> memref<1x128x64xi32, #tpu.memory_space<vmem>>
    %dma_start3A_178 = tpu.memref_squeeze %dma_start3A_177 : memref<1x128x64xi32, #tpu.memory_space<vmem>> -> memref<128x64xi32, #tpu.memory_space<vmem>>
    tpu.enqueue_dma source(%dma_start3A_178 : memref<128x64xi32, #tpu.memory_space<vmem>>) target(%dma_start3A_174 : memref<128x64xi32, #tpu.memory_space<hbm>>) target_semaphore(%arg16 : memref<!tpu.dma_semaphore, #tpu.memory_space<semaphore_mem>>)
    %dma_wait3A_179 = arith.constant 2 : i32
    %dma_wait3A_180 = arith.constant 0 : i32
    %dma_wait3A_181 = arith.constant 0 : i32
    %dma_wait3A_182 = tpu.memref_slice %arg9[%dma_wait3A_179, %dma_wait3A_180, %dma_wait3A_181] : memref<4x128x64xi32, #tpu.memory_space<vmem>> -> memref<1x128x64xi32, #tpu.memory_space<vmem>>
    %dma_wait3A_183 = tpu.memref_squeeze %dma_wait3A_182 : memref<1x128x64xi32, #tpu.memory_space<vmem>> -> memref<128x64xi32, #tpu.memory_space<vmem>>
    %dma_wait3A_184 = arith.constant 4864 : i32
    %dma_wait3A_185 = tpu.memref_slice %arg7[%dma_wait3A_184] : memref<5000xi32, #tpu.memory_space<vmem>> -> memref<128xi32, #tpu.memory_space<vmem>>
    %dma_wait3A_186 = arith.constant 0 : i32
    %dma_wait3A_187 = arith.constant 0 : i32
    %dma_wait3A_188 = tpu.memref_slice %arg2[%dma_wait3A_186, %dma_wait3A_187] : memref<10000x64xi32, #tpu.memory_space<hbm>> -> memref<10000x64xi32, #tpu.memory_space<hbm>>
    tpu.wait_indirect_dma semaphore(%arg13 : memref<!tpu.dma_semaphore, #tpu.memory_space<semaphore_mem>>) src(%dma_wait3A_188 : memref<10000x64xi32, #tpu.memory_space<hbm>>) dst(%dma_wait3A_183 : memref<128x64xi32, #tpu.memory_space<vmem>>)
    %dma_wait3A_189 = arith.constant 2 : i32
    %dma_wait3A_190 = arith.constant 0 : i32
    %dma_wait3A_191 = arith.constant 0 : i32
    %dma_wait3A_192 = tpu.memref_slice %arg10[%dma_wait3A_189, %dma_wait3A_190, %dma_wait3A_191] : memref<4x128x64xi32, #tpu.memory_space<vmem>> -> memref<1x128x64xi32, #tpu.memory_space<vmem>>
    %dma_wait3A_193 = tpu.memref_squeeze %dma_wait3A_192 : memref<1x128x64xi32, #tpu.memory_space<vmem>> -> memref<128x64xi32, #tpu.memory_space<vmem>>
    %dma_wait3A_194 = arith.constant 4864 : i32
    %dma_wait3A_195 = tpu.memref_slice %arg8[%dma_wait3A_194] : memref<5000xi32, #tpu.memory_space<vmem>> -> memref<128xi32, #tpu.memory_space<vmem>>
    %dma_wait3A_196 = arith.constant 0 : i32
    %dma_wait3A_197 = arith.constant 0 : i32
    %dma_wait3A_198 = tpu.memref_slice %arg2[%dma_wait3A_196, %dma_wait3A_197] : memref<10000x64xi32, #tpu.memory_space<hbm>> -> memref<10000x64xi32, #tpu.memory_space<hbm>>
    tpu.wait_indirect_dma semaphore(%arg17 : memref<!tpu.dma_semaphore, #tpu.memory_space<semaphore_mem>>) src(%dma_wait3A_198 : memref<10000x64xi32, #tpu.memory_space<hbm>>) dst(%dma_wait3A_193 : memref<128x64xi32, #tpu.memory_space<vmem>>)
    %add3A_199 = arith.constant 4864 : i32
    %add3A_200 = arith.addi %sub3A, %add3A_199 : i32
    %dma_start3A_201 = arith.constant 2 : i32
    %dma_start3A_202 = arith.constant 0 : i32
    %dma_start3A_203 = arith.constant 0 : i32
    %dma_start3A_204 = tpu.memref_slice %arg9[%dma_start3A_201, %dma_start3A_202, %dma_start3A_203] : memref<4x128x64xi32, #tpu.memory_space<vmem>> -> memref<1x128x64xi32, #tpu.memory_space<vmem>>
    %dma_start3A_205 = tpu.memref_squeeze %dma_start3A_204 : memref<1x128x64xi32, #tpu.memory_space<vmem>> -> memref<128x64xi32, #tpu.memory_space<vmem>>
    %dma_start3A_206 = tpu.memref_slice %arg5[%add3A_200, %select_n3A_7] : memref<80000x128xi32, #tpu.memory_space<hbm>> -> memref<128x64xi32, #tpu.memory_space<hbm>>
    %dma_start3A_207 = tpu.memref_slice %arg5[%add3A_200, %select_n3A_7] : memref<80000x128xi32, #tpu.memory_space<hbm>> -> memref<128x64xi32, #tpu.memory_space<hbm>>
    %dma_start3A_208 = arith.constant 0 : i32
    %dma_start3A_209 = arith.constant 0 : i32
    %dma_start3A_210 = tpu.memref_slice %arg9[%dma_start3A_201, %dma_start3A_208, %dma_start3A_209] : memref<4x128x64xi32, #tpu.memory_space<vmem>> -> memref<1x128x64xi32, #tpu.memory_space<vmem>>
    %dma_start3A_211 = tpu.memref_squeeze %dma_start3A_210 : memref<1x128x64xi32, #tpu.memory_space<vmem>> -> memref<128x64xi32, #tpu.memory_space<vmem>>
    tpu.enqueue_dma source(%dma_start3A_211 : memref<128x64xi32, #tpu.memory_space<vmem>>) target(%dma_start3A_207 : memref<128x64xi32, #tpu.memory_space<hbm>>) target_semaphore(%arg13 : memref<!tpu.dma_semaphore, #tpu.memory_space<semaphore_mem>>)
    %dma_start3A_212 = arith.constant 2 : i32
    %dma_start3A_213 = arith.constant 0 : i32
    %dma_start3A_214 = arith.constant 0 : i32
    %dma_start3A_215 = tpu.memref_slice %arg10[%dma_start3A_212, %dma_start3A_213, %dma_start3A_214] : memref<4x128x64xi32, #tpu.memory_space<vmem>> -> memref<1x128x64xi32, #tpu.memory_space<vmem>>
    %dma_start3A_216 = tpu.memref_squeeze %dma_start3A_215 : memref<1x128x64xi32, #tpu.memory_space<vmem>> -> memref<128x64xi32, #tpu.memory_space<vmem>>
    %dma_start3A_217 = tpu.memref_slice %arg6[%add3A_200, %select_n3A_7] : memref<80000x128xi32, #tpu.memory_space<hbm>> -> memref<128x64xi32, #tpu.memory_space<hbm>>
    %dma_start3A_218 = tpu.memref_slice %arg6[%add3A_200, %select_n3A_7] : memref<80000x128xi32, #tpu.memory_space<hbm>> -> memref<128x64xi32, #tpu.memory_space<hbm>>
    %dma_start3A_219 = arith.constant 0 : i32
    %dma_start3A_220 = arith.constant 0 : i32
    %dma_start3A_221 = tpu.memref_slice %arg10[%dma_start3A_212, %dma_start3A_219, %dma_start3A_220] : memref<4x128x64xi32, #tpu.memory_space<vmem>> -> memref<1x128x64xi32, #tpu.memory_space<vmem>>
    %dma_start3A_222 = tpu.memref_squeeze %dma_start3A_221 : memref<1x128x64xi32, #tpu.memory_space<vmem>> -> memref<128x64xi32, #tpu.memory_space<vmem>>
    tpu.enqueue_dma source(%dma_start3A_222 : memref<128x64xi32, #tpu.memory_space<vmem>>) target(%dma_start3A_218 : memref<128x64xi32, #tpu.memory_space<hbm>>) target_semaphore(%arg17 : memref<!tpu.dma_semaphore, #tpu.memory_space<semaphore_mem>>)
    %add3A_223 = arith.constant 4608 : i32
    %add3A_224 = arith.addi %sub3A, %add3A_223 : i32
    %dma_wait3A_225 = arith.constant 0 : i32
    %dma_wait3A_226 = arith.constant 0 : i32
    %dma_wait3A_227 = arith.constant 0 : i32
    %dma_wait3A_228 = tpu.memref_slice %arg9[%dma_wait3A_225, %dma_wait3A_226, %dma_wait3A_227] : memref<4x128x64xi32, #tpu.memory_space<vmem>> -> memref<1x128x64xi32, #tpu.memory_space<vmem>>
    %dma_wait3A_229 = tpu.memref_squeeze %dma_wait3A_228 : memref<1x128x64xi32, #tpu.memory_space<vmem>> -> memref<128x64xi32, #tpu.memory_space<vmem>>
    %dma_wait3A_230 = tpu.memref_slice %arg5[%add3A_224, %select_n3A_7] : memref<80000x128xi32, #tpu.memory_space<hbm>> -> memref<128x64xi32, #tpu.memory_space<hbm>>
    %dma_wait3A_231 = tpu.memref_slice %arg5[%add3A_224, %select_n3A_7] : memref<80000x128xi32, #tpu.memory_space<hbm>> -> memref<128x64xi32, #tpu.memory_space<hbm>>
    %dma_wait3A_232 = arith.constant 0 : i32
    %dma_wait3A_233 = arith.constant 0 : i32
    %dma_wait3A_234 = tpu.memref_slice %arg9[%dma_wait3A_225, %dma_wait3A_232, %dma_wait3A_233] : memref<4x128x64xi32, #tpu.memory_space<vmem>> -> memref<1x128x64xi32, #tpu.memory_space<vmem>>
    %dma_wait3A_235 = tpu.memref_squeeze %dma_wait3A_234 : memref<1x128x64xi32, #tpu.memory_space<vmem>> -> memref<128x64xi32, #tpu.memory_space<vmem>>
    tpu.wait_dma2 semaphore(%arg11 : memref<!tpu.dma_semaphore, #tpu.memory_space<semaphore_mem>>) src(%dma_wait3A_235 : memref<128x64xi32, #tpu.memory_space<vmem>>) dst(%dma_wait3A_231 : memref<128x64xi32, #tpu.memory_space<hbm>>)
    %dma_wait3A_236 = arith.constant 0 : i32
    %dma_wait3A_237 = arith.constant 0 : i32
    %dma_wait3A_238 = arith.constant 0 : i32
    %dma_wait3A_239 = tpu.memref_slice %arg10[%dma_wait3A_236, %dma_wait3A_237, %dma_wait3A_238] : memref<4x128x64xi32, #tpu.memory_space<vmem>> -> memref<1x128x64xi32, #tpu.memory_space<vmem>>
    %dma_wait3A_240 = tpu.memref_squeeze %dma_wait3A_239 : memref<1x128x64xi32, #tpu.memory_space<vmem>> -> memref<128x64xi32, #tpu.memory_space<vmem>>
    %dma_wait3A_241 = tpu.memref_slice %arg6[%add3A_224, %select_n3A_7] : memref<80000x128xi32, #tpu.memory_space<hbm>> -> memref<128x64xi32, #tpu.memory_space<hbm>>
    %dma_wait3A_242 = tpu.memref_slice %arg6[%add3A_224, %select_n3A_7] : memref<80000x128xi32, #tpu.memory_space<hbm>> -> memref<128x64xi32, #tpu.memory_space<hbm>>
    %dma_wait3A_243 = arith.constant 0 : i32
    %dma_wait3A_244 = arith.constant 0 : i32
    %dma_wait3A_245 = tpu.memref_slice %arg10[%dma_wait3A_236, %dma_wait3A_243, %dma_wait3A_244] : memref<4x128x64xi32, #tpu.memory_space<vmem>> -> memref<1x128x64xi32, #tpu.memory_space<vmem>>
    %dma_wait3A_246 = tpu.memref_squeeze %dma_wait3A_245 : memref<1x128x64xi32, #tpu.memory_space<vmem>> -> memref<128x64xi32, #tpu.memory_space<vmem>>
    tpu.wait_dma2 semaphore(%arg15 : memref<!tpu.dma_semaphore, #tpu.memory_space<semaphore_mem>>) src(%dma_wait3A_246 : memref<128x64xi32, #tpu.memory_space<vmem>>) dst(%dma_wait3A_242 : memref<128x64xi32, #tpu.memory_space<hbm>>)
    %add3A_247 = arith.constant 4736 : i32
    %add3A_248 = arith.addi %sub3A, %add3A_247 : i32
    %dma_wait3A_249 = arith.constant 1 : i32
    %dma_wait3A_250 = arith.constant 0 : i32
    %dma_wait3A_251 = arith.constant 0 : i32
    %dma_wait3A_252 = tpu.memref_slice %arg9[%dma_wait3A_249, %dma_wait3A_250, %dma_wait3A_251] : memref<4x128x64xi32, #tpu.memory_space<vmem>> -> memref<1x128x64xi32, #tpu.memory_space<vmem>>
    %dma_wait3A_253 = tpu.memref_squeeze %dma_wait3A_252 : memref<1x128x64xi32, #tpu.memory_space<vmem>> -> memref<128x64xi32, #tpu.memory_space<vmem>>
    %dma_wait3A_254 = tpu.memref_slice %arg5[%add3A_248, %select_n3A_7] : memref<80000x128xi32, #tpu.memory_space<hbm>> -> memref<128x64xi32, #tpu.memory_space<hbm>>
    %dma_wait3A_255 = tpu.memref_slice %arg5[%add3A_248, %select_n3A_7] : memref<80000x128xi32, #tpu.memory_space<hbm>> -> memref<128x64xi32, #tpu.memory_space<hbm>>
    %dma_wait3A_256 = arith.constant 0 : i32
    %dma_wait3A_257 = arith.constant 0 : i32
    %dma_wait3A_258 = tpu.memref_slice %arg9[%dma_wait3A_249, %dma_wait3A_256, %dma_wait3A_257] : memref<4x128x64xi32, #tpu.memory_space<vmem>> -> memref<1x128x64xi32, #tpu.memory_space<vmem>>
    %dma_wait3A_259 = tpu.memref_squeeze %dma_wait3A_258 : memref<1x128x64xi32, #tpu.memory_space<vmem>> -> memref<128x64xi32, #tpu.memory_space<vmem>>
    tpu.wait_dma2 semaphore(%arg12 : memref<!tpu.dma_semaphore, #tpu.memory_space<semaphore_mem>>) src(%dma_wait3A_259 : memref<128x64xi32, #tpu.memory_space<vmem>>) dst(%dma_wait3A_255 : memref<128x64xi32, #tpu.memory_space<hbm>>)
    %dma_wait3A_260 = arith.constant 1 : i32
    %dma_wait3A_261 = arith.constant 0 : i32
    %dma_wait3A_262 = arith.constant 0 : i32
    %dma_wait3A_263 = tpu.memref_slice %arg10[%dma_wait3A_260, %dma_wait3A_261, %dma_wait3A_262] : memref<4x128x64xi32, #tpu.memory_space<vmem>> -> memref<1x128x64xi32, #tpu.memory_space<vmem>>
    %dma_wait3A_264 = tpu.memref_squeeze %dma_wait3A_263 : memref<1x128x64xi32, #tpu.memory_space<vmem>> -> memref<128x64xi32, #tpu.memory_space<vmem>>
    %dma_wait3A_265 = tpu.memref_slice %arg6[%add3A_248, %select_n3A_7] : memref<80000x128xi32, #tpu.memory_space<hbm>> -> memref<128x64xi32, #tpu.memory_space<hbm>>
    %dma_wait3A_266 = tpu.memref_slice %arg6[%add3A_248, %select_n3A_7] : memref<80000x128xi32, #tpu.memory_space<hbm>> -> memref<128x64xi32, #tpu.memory_space<hbm>>
    %dma_wait3A_267 = arith.constant 0 : i32
    %dma_wait3A_268 = arith.constant 0 : i32
    %dma_wait3A_269 = tpu.memref_slice %arg10[%dma_wait3A_260, %dma_wait3A_267, %dma_wait3A_268] : memref<4x128x64xi32, #tpu.memory_space<vmem>> -> memref<1x128x64xi32, #tpu.memory_space<vmem>>
    %dma_wait3A_270 = tpu.memref_squeeze %dma_wait3A_269 : memref<1x128x64xi32, #tpu.memory_space<vmem>> -> memref<128x64xi32, #tpu.memory_space<vmem>>
    tpu.wait_dma2 semaphore(%arg16 : memref<!tpu.dma_semaphore, #tpu.memory_space<semaphore_mem>>) src(%dma_wait3A_270 : memref<128x64xi32, #tpu.memory_space<vmem>>) dst(%dma_wait3A_266 : memref<128x64xi32, #tpu.memory_space<hbm>>)
    %add3A_271 = arith.constant 4864 : i32
    %add3A_272 = arith.addi %sub3A, %add3A_271 : i32
    %dma_wait3A_273 = arith.constant 2 : i32
    %dma_wait3A_274 = arith.constant 0 : i32
    %dma_wait3A_275 = arith.constant 0 : i32
    %dma_wait3A_276 = tpu.memref_slice %arg9[%dma_wait3A_273, %dma_wait3A_274, %dma_wait3A_275] : memref<4x128x64xi32, #tpu.memory_space<vmem>> -> memref<1x128x64xi32, #tpu.memory_space<vmem>>
    %dma_wait3A_277 = tpu.memref_squeeze %dma_wait3A_276 : memref<1x128x64xi32, #tpu.memory_space<vmem>> -> memref<128x64xi32, #tpu.memory_space<vmem>>
    %dma_wait3A_278 = tpu.memref_slice %arg5[%add3A_272, %select_n3A_7] : memref<80000x128xi32, #tpu.memory_space<hbm>> -> memref<128x64xi32, #tpu.memory_space<hbm>>
    %dma_wait3A_279 = tpu.memref_slice %arg5[%add3A_272, %select_n3A_7] : memref<80000x128xi32, #tpu.memory_space<hbm>> -> memref<128x64xi32, #tpu.memory_space<hbm>>
    %dma_wait3A_280 = arith.constant 0 : i32
    %dma_wait3A_281 = arith.constant 0 : i32
    %dma_wait3A_282 = tpu.memref_slice %arg9[%dma_wait3A_273, %dma_wait3A_280, %dma_wait3A_281] : memref<4x128x64xi32, #tpu.memory_space<vmem>> -> memref<1x128x64xi32, #tpu.memory_space<vmem>>
    %dma_wait3A_283 = tpu.memref_squeeze %dma_wait3A_282 : memref<1x128x64xi32, #tpu.memory_space<vmem>> -> memref<128x64xi32, #tpu.memory_space<vmem>>
    tpu.wait_dma2 semaphore(%arg13 : memref<!tpu.dma_semaphore, #tpu.memory_space<semaphore_mem>>) src(%dma_wait3A_283 : memref<128x64xi32, #tpu.memory_space<vmem>>) dst(%dma_wait3A_279 : memref<128x64xi32, #tpu.memory_space<hbm>>)
    %dma_wait3A_284 = arith.constant 2 : i32
    %dma_wait3A_285 = arith.constant 0 : i32
    %dma_wait3A_286 = arith.constant 0 : i32
    %dma_wait3A_287 = tpu.memref_slice %arg10[%dma_wait3A_284, %dma_wait3A_285, %dma_wait3A_286] : memref<4x128x64xi32, #tpu.memory_space<vmem>> -> memref<1x128x64xi32, #tpu.memory_space<vmem>>
    %dma_wait3A_288 = tpu.memref_squeeze %dma_wait3A_287 : memref<1x128x64xi32, #tpu.memory_space<vmem>> -> memref<128x64xi32, #tpu.memory_space<vmem>>
    %dma_wait3A_289 = tpu.memref_slice %arg6[%add3A_272, %select_n3A_7] : memref<80000x128xi32, #tpu.memory_space<hbm>> -> memref<128x64xi32, #tpu.memory_space<hbm>>
    %dma_wait3A_290 = tpu.memref_slice %arg6[%add3A_272, %select_n3A_7] : memref<80000x128xi32, #tpu.memory_space<hbm>> -> memref<128x64xi32, #tpu.memory_space<hbm>>
    %dma_wait3A_291 = arith.constant 0 : i32
    %dma_wait3A_292 = arith.constant 0 : i32
    %dma_wait3A_293 = tpu.memref_slice %arg10[%dma_wait3A_284, %dma_wait3A_291, %dma_wait3A_292] : memref<4x128x64xi32, #tpu.memory_space<vmem>> -> memref<1x128x64xi32, #tpu.memory_space<vmem>>
    %dma_wait3A_294 = tpu.memref_squeeze %dma_wait3A_293 : memref<1x128x64xi32, #tpu.memory_space<vmem>> -> memref<128x64xi32, #tpu.memory_space<vmem>>
    tpu.wait_dma2 semaphore(%arg17 : memref<!tpu.dma_semaphore, #tpu.memory_space<semaphore_mem>>) src(%dma_wait3A_294 : memref<128x64xi32, #tpu.memory_space<vmem>>) dst(%dma_wait3A_290 : memref<128x64xi32, #tpu.memory_space<hbm>>)
    %dma_start3A_295 = arith.constant 0 : i32
    %dma_start3A_296 = arith.constant 0 : i32
    %dma_start3A_297 = arith.constant 0 : i32
    %dma_start3A_298 = tpu.memref_slice %arg9[%dma_start3A_295, %dma_start3A_296, %dma_start3A_297] : memref<4x128x64xi32, #tpu.memory_space<vmem>> -> memref<1x8x64xi32, #tpu.memory_space<vmem>>
    %dma_start3A_299 = tpu.memref_squeeze %dma_start3A_298 : memref<1x8x64xi32, #tpu.memory_space<vmem>> -> memref<8x64xi32, #tpu.memory_space<vmem>>
    %dma_start3A_300 = arith.constant 4992 : i32
    %dma_start3A_301 = tpu.memref_slice %arg7[%dma_start3A_300] : memref<5000xi32, #tpu.memory_space<vmem>> -> memref<8xi32, #tpu.memory_space<vmem>>
    %dma_start3A_302 = arith.constant 0 : i32
    %dma_start3A_303 = arith.constant 0 : i32
    %dma_start3A_304 = tpu.memref_slice %arg2[%dma_start3A_302, %dma_start3A_303] : memref<10000x64xi32, #tpu.memory_space<hbm>> -> memref<10000x64xi32, #tpu.memory_space<hbm>>
    tpu.enqueue_indirect_dma source(%dma_start3A_304 : memref<10000x64xi32, #tpu.memory_space<hbm>>) target(%dma_start3A_299 : memref<8x64xi32, #tpu.memory_space<vmem>>) offsets(%dma_start3A_301 : memref<8xi32, #tpu.memory_space<vmem>>) semaphore(%arg11 : memref<!tpu.dma_semaphore, #tpu.memory_space<semaphore_mem>>)
    %dma_start3A_305 = arith.constant 0 : i32
    %dma_start3A_306 = arith.constant 0 : i32
    %dma_start3A_307 = arith.constant 0 : i32
    %dma_start3A_308 = tpu.memref_slice %arg10[%dma_start3A_305, %dma_start3A_306, %dma_start3A_307] : memref<4x128x64xi32, #tpu.memory_space<vmem>> -> memref<1x8x64xi32, #tpu.memory_space<vmem>>
    %dma_start3A_309 = tpu.memref_squeeze %dma_start3A_308 : memref<1x8x64xi32, #tpu.memory_space<vmem>> -> memref<8x64xi32, #tpu.memory_space<vmem>>
    %dma_start3A_310 = arith.constant 4992 : i32
    %dma_start3A_311 = tpu.memref_slice %arg8[%dma_start3A_310] : memref<5000xi32, #tpu.memory_space<vmem>> -> memref<8xi32, #tpu.memory_space<vmem>>
    %dma_start3A_312 = arith.constant 0 : i32
    %dma_start3A_313 = arith.constant 0 : i32
    %dma_start3A_314 = tpu.memref_slice %arg2[%dma_start3A_312, %dma_start3A_313] : memref<10000x64xi32, #tpu.memory_space<hbm>> -> memref<10000x64xi32, #tpu.memory_space<hbm>>
    tpu.enqueue_indirect_dma source(%dma_start3A_314 : memref<10000x64xi32, #tpu.memory_space<hbm>>) target(%dma_start3A_309 : memref<8x64xi32, #tpu.memory_space<vmem>>) offsets(%dma_start3A_311 : memref<8xi32, #tpu.memory_space<vmem>>) semaphore(%arg15 : memref<!tpu.dma_semaphore, #tpu.memory_space<semaphore_mem>>)
    %dma_wait3A_315 = arith.constant 0 : i32
    %dma_wait3A_316 = arith.constant 0 : i32
    %dma_wait3A_317 = arith.constant 0 : i32
    %dma_wait3A_318 = tpu.memref_slice %arg9[%dma_wait3A_315, %dma_wait3A_316, %dma_wait3A_317] : memref<4x128x64xi32, #tpu.memory_space<vmem>> -> memref<1x8x64xi32, #tpu.memory_space<vmem>>
    %dma_wait3A_319 = tpu.memref_squeeze %dma_wait3A_318 : memref<1x8x64xi32, #tpu.memory_space<vmem>> -> memref<8x64xi32, #tpu.memory_space<vmem>>
    %dma_wait3A_320 = arith.constant 4992 : i32
    %dma_wait3A_321 = tpu.memref_slice %arg7[%dma_wait3A_320] : memref<5000xi32, #tpu.memory_space<vmem>> -> memref<8xi32, #tpu.memory_space<vmem>>
    %dma_wait3A_322 = arith.constant 0 : i32
    %dma_wait3A_323 = arith.constant 0 : i32
    %dma_wait3A_324 = tpu.memref_slice %arg2[%dma_wait3A_322, %dma_wait3A_323] : memref<10000x64xi32, #tpu.memory_space<hbm>> -> memref<10000x64xi32, #tpu.memory_space<hbm>>
    tpu.wait_indirect_dma semaphore(%arg11 : memref<!tpu.dma_semaphore, #tpu.memory_space<semaphore_mem>>) src(%dma_wait3A_324 : memref<10000x64xi32, #tpu.memory_space<hbm>>) dst(%dma_wait3A_319 : memref<8x64xi32, #tpu.memory_space<vmem>>)
    %dma_wait3A_325 = arith.constant 0 : i32
    %dma_wait3A_326 = arith.constant 0 : i32
    %dma_wait3A_327 = arith.constant 0 : i32
    %dma_wait3A_328 = tpu.memref_slice %arg10[%dma_wait3A_325, %dma_wait3A_326, %dma_wait3A_327] : memref<4x128x64xi32, #tpu.memory_space<vmem>> -> memref<1x8x64xi32, #tpu.memory_space<vmem>>
    %dma_wait3A_329 = tpu.memref_squeeze %dma_wait3A_328 : memref<1x8x64xi32, #tpu.memory_space<vmem>> -> memref<8x64xi32, #tpu.memory_space<vmem>>
    %dma_wait3A_330 = arith.constant 4992 : i32
    %dma_wait3A_331 = tpu.memref_slice %arg8[%dma_wait3A_330] : memref<5000xi32, #tpu.memory_space<vmem>> -> memref<8xi32, #tpu.memory_space<vmem>>
    %dma_wait3A_332 = arith.constant 0 : i32
    %dma_wait3A_333 = arith.constant 0 : i32
    %dma_wait3A_334 = tpu.memref_slice %arg2[%dma_wait3A_332, %dma_wait3A_333] : memref<10000x64xi32, #tpu.memory_space<hbm>> -> memref<10000x64xi32, #tpu.memory_space<hbm>>
    tpu.wait_indirect_dma semaphore(%arg15 : memref<!tpu.dma_semaphore, #tpu.memory_space<semaphore_mem>>) src(%dma_wait3A_334 : memref<10000x64xi32, #tpu.memory_space<hbm>>) dst(%dma_wait3A_329 : memref<8x64xi32, #tpu.memory_space<vmem>>)
    %add3A_335 = arith.constant 4992 : i32
    %add3A_336 = arith.addi %sub3A, %add3A_335 : i32
    %run_scoped3A = arith.constant 0 : i32
    "tpu.region"() ({
      %run_scoped3A_340 = tpu.sem_alloc : memref<!tpu.dma_semaphore, #tpu.memory_space<semaphore_mem>>
      %dma_start3A_341 = arith.constant 0 : i32
      %dma_start3A_342 = arith.constant 0 : i32
      %dma_start3A_343 = tpu.memref_slice %arg9[%run_scoped3A, %dma_start3A_341, %dma_start3A_342] : memref<4x128x64xi32, #tpu.memory_space<vmem>> -> memref<1x8x64xi32, #tpu.memory_space<vmem>>
      %dma_start3A_344 = tpu.memref_squeeze %dma_start3A_343 : memref<1x8x64xi32, #tpu.memory_space<vmem>> -> memref<8x64xi32, #tpu.memory_space<vmem>>
      %dma_start3A_345 = tpu.memref_slice %arg5[%add3A_336, %select_n3A_7] : memref<80000x128xi32, #tpu.memory_space<hbm>> -> memref<8x64xi32, #tpu.memory_space<hbm>>
      %dma_start3A_346 = tpu.memref_slice %arg5[%add3A_336, %select_n3A_7] : memref<80000x128xi32, #tpu.memory_space<hbm>> -> memref<8x64xi32, #tpu.memory_space<hbm>>
      %dma_start3A_347 = arith.constant 0 : i32
      %dma_start3A_348 = arith.constant 0 : i32
      %dma_start3A_349 = tpu.memref_slice %arg9[%run_scoped3A, %dma_start3A_347, %dma_start3A_348] : memref<4x128x64xi32, #tpu.memory_space<vmem>> -> memref<1x8x64xi32, #tpu.memory_space<vmem>>
      %dma_start3A_350 = tpu.memref_squeeze %dma_start3A_349 : memref<1x8x64xi32, #tpu.memory_space<vmem>> -> memref<8x64xi32, #tpu.memory_space<vmem>>
      tpu.enqueue_dma source(%dma_start3A_350 : memref<8x64xi32, #tpu.memory_space<vmem>>) target(%dma_start3A_346 : memref<8x64xi32, #tpu.memory_space<hbm>>) target_semaphore(%run_scoped3A_340 : memref<!tpu.dma_semaphore, #tpu.memory_space<semaphore_mem>>)
      %dma_wait3A_351 = arith.constant 0 : i32
      %dma_wait3A_352 = arith.constant 0 : i32
      %dma_wait3A_353 = tpu.memref_slice %arg9[%run_scoped3A, %dma_wait3A_351, %dma_wait3A_352] : memref<4x128x64xi32, #tpu.memory_space<vmem>> -> memref<1x8x64xi32, #tpu.memory_space<vmem>>
      %dma_wait3A_354 = tpu.memref_squeeze %dma_wait3A_353 : memref<1x8x64xi32, #tpu.memory_space<vmem>> -> memref<8x64xi32, #tpu.memory_space<vmem>>
      %dma_wait3A_355 = tpu.memref_slice %arg5[%add3A_336, %select_n3A_7] : memref<80000x128xi32, #tpu.memory_space<hbm>> -> memref<8x64xi32, #tpu.memory_space<hbm>>
      %dma_wait3A_356 = tpu.memref_slice %arg5[%add3A_336, %select_n3A_7] : memref<80000x128xi32, #tpu.memory_space<hbm>> -> memref<8x64xi32, #tpu.memory_space<hbm>>
      %dma_wait3A_357 = arith.constant 0 : i32
      %dma_wait3A_358 = arith.constant 0 : i32
      %dma_wait3A_359 = tpu.memref_slice %arg9[%run_scoped3A, %dma_wait3A_357, %dma_wait3A_358] : memref<4x128x64xi32, #tpu.memory_space<vmem>> -> memref<1x8x64xi32, #tpu.memory_space<vmem>>
      %dma_wait3A_360 = tpu.memref_squeeze %dma_wait3A_359 : memref<1x8x64xi32, #tpu.memory_space<vmem>> -> memref<8x64xi32, #tpu.memory_space<vmem>>
      tpu.wait_dma2 semaphore(%run_scoped3A_340 : memref<!tpu.dma_semaphore, #tpu.memory_space<semaphore_mem>>) src(%dma_wait3A_360 : memref<8x64xi32, #tpu.memory_space<vmem>>) dst(%dma_wait3A_356 : memref<8x64xi32, #tpu.memory_space<hbm>>)
      tpu.yield
    }) : () -> ()
    %add3A_337 = arith.constant 4992 : i32
    %add3A_338 = arith.addi %sub3A, %add3A_337 : i32
    %run_scoped3A_339 = arith.constant 0 : i32
    "tpu.region"() ({
      %run_scoped3A_340 = tpu.sem_alloc : memref<!tpu.dma_semaphore, #tpu.memory_space<semaphore_mem>>
      %dma_start3A_341 = arith.constant 0 : i32
      %dma_start3A_342 = arith.constant 0 : i32
      %dma_start3A_343 = tpu.memref_slice %arg10[%run_scoped3A_339, %dma_start3A_341, %dma_start3A_342] : memref<4x128x64xi32, #tpu.memory_space<vmem>> -> memref<1x8x64xi32, #tpu.memory_space<vmem>>
      %dma_start3A_344 = tpu.memref_squeeze %dma_start3A_343 : memref<1x8x64xi32, #tpu.memory_space<vmem>> -> memref<8x64xi32, #tpu.memory_space<vmem>>
      %dma_start3A_345 = tpu.memref_slice %arg6[%add3A_338, %select_n3A_7] : memref<80000x128xi32, #tpu.memory_space<hbm>> -> memref<8x64xi32, #tpu.memory_space<hbm>>
      %dma_start3A_346 = tpu.memref_slice %arg6[%add3A_338, %select_n3A_7] : memref<80000x128xi32, #tpu.memory_space<hbm>> -> memref<8x64xi32, #tpu.memory_space<hbm>>
      %dma_start3A_347 = arith.constant 0 : i32
      %dma_start3A_348 = arith.constant 0 : i32
      %dma_start3A_349 = tpu.memref_slice %arg10[%run_scoped3A_339, %dma_start3A_347, %dma_start3A_348] : memref<4x128x64xi32, #tpu.memory_space<vmem>> -> memref<1x8x64xi32, #tpu.memory_space<vmem>>
      %dma_start3A_350 = tpu.memref_squeeze %dma_start3A_349 : memref<1x8x64xi32, #tpu.memory_space<vmem>> -> memref<8x64xi32, #tpu.memory_space<vmem>>
      tpu.enqueue_dma source(%dma_start3A_350 : memref<8x64xi32, #tpu.memory_space<vmem>>) target(%dma_start3A_346 : memref<8x64xi32, #tpu.memory_space<hbm>>) target_semaphore(%run_scoped3A_340 : memref<!tpu.dma_semaphore, #tpu.memory_space<semaphore_mem>>)
      %dma_wait3A_351 = arith.constant 0 : i32
      %dma_wait3A_352 = arith.constant 0 : i32
      %dma_wait3A_353 = tpu.memref_slice %arg10[%run_scoped3A_339, %dma_wait3A_351, %dma_wait3A_352] : memref<4x128x64xi32, #tpu.memory_space<vmem>> -> memref<1x8x64xi32, #tpu.memory_space<vmem>>
      %dma_wait3A_354 = tpu.memref_squeeze %dma_wait3A_353 : memref<1x8x64xi32, #tpu.memory_space<vmem>> -> memref<8x64xi32, #tpu.memory_space<vmem>>
      %dma_wait3A_355 = tpu.memref_slice %arg6[%add3A_338, %select_n3A_7] : memref<80000x128xi32, #tpu.memory_space<hbm>> -> memref<8x64xi32, #tpu.memory_space<hbm>>
      %dma_wait3A_356 = tpu.memref_slice %arg6[%add3A_338, %select_n3A_7] : memref<80000x128xi32, #tpu.memory_space<hbm>> -> memref<8x64xi32, #tpu.memory_space<hbm>>
      %dma_wait3A_357 = arith.constant 0 : i32
      %dma_wait3A_358 = arith.constant 0 : i32
      %dma_wait3A_359 = tpu.memref_slice %arg10[%run_scoped3A_339, %dma_wait3A_357, %dma_wait3A_358] : memref<4x128x64xi32, #tpu.memory_space<vmem>> -> memref<1x8x64xi32, #tpu.memory_space<vmem>>
      %dma_wait3A_360 = tpu.memref_squeeze %dma_wait3A_359 : memref<1x8x64xi32, #tpu.memory_space<vmem>> -> memref<8x64xi32, #tpu.memory_space<vmem>>
      tpu.wait_dma2 semaphore(%run_scoped3A_340 : memref<!tpu.dma_semaphore, #tpu.memory_space<semaphore_mem>>) src(%dma_wait3A_360 : memref<8x64xi32, #tpu.memory_space<vmem>>) dst(%dma_wait3A_356 : memref<8x64xi32, #tpu.memory_space<hbm>>)
      tpu.yield
    }) : () -> ()
    return
  }
}

#map = affine_map<(d0, d1) -> (0, 0)>
#map1 = affine_map<(d0, d1) -> (0, 0, 0)>
module attributes {stable_mosaic.version = 14 : i64} {
  func.func @k(%arg0: i32, %arg1: i32, %arg2: memref<160000x128xf32, #tpu.memory_space<hbm>>, %arg3: memref<32x125x40xi32, #tpu.memory_space<hbm>>, %arg4: memref<10000x128xf32, #tpu.memory_space<hbm>>, %arg5: memref<2x10000x128xf32, #tpu.memory_space<hbm>>, %arg6: memref<125x40xi32, #tpu.memory_space<vmem>>, %arg7: memref<2x40x128xf32, #tpu.memory_space<vmem>>, %arg8: memref<10000x128xf32, #tpu.memory_space<vmem_shared>>, %arg9: memref<!tpu.dma_semaphore, #tpu.memory_space<semaphore_mem>>, %arg10: memref<!tpu.dma_semaphore, #tpu.memory_space<semaphore_mem>>) attributes {dimension_semantics = [#tpu.dimension_semantics<core_parallel>, #tpu.dimension_semantics<subcore_parallel>], iteration_bounds = array<i64: 2, 16>, scalar_prefetch = 0 : i64, scratch_operands = 5 : i64, tpu.core_type = #tpu.core_type<sc_vector_subcore>, window_params = [{transform_indices = #map}, {transform_indices = #map1}, {transform_indices = #map}, {transform_indices = #map1}]} {
    %mul3A = arith.constant 2 : i32
    %mul3A_0 = arith.muli %arg1, %mul3A : i32
    %add3A = arith.addi %mul3A_0, %arg0 : i32
    %mul3A_1 = arith.constant 5000 : i32
    %mul3A_2 = arith.muli %add3A, %mul3A_1 : i32
    %add3A_3 = arith.constant 0 : i32
    %add3A_4 = arith.addi %add3A_3, %mul3A_2 : i32
    %mul3A_5 = arith.constant 624 : i32
    %mul3A_6 = arith.muli %arg1, %mul3A_5 : i32
    %mul3A_7 = arith.constant 624 : i32
    %mul3A_8 = arith.muli %arg1, %mul3A_7 : i32
    "tpu.region"() ({
      %run_scoped3A_70 = tpu.sem_alloc : memref<!tpu.dma_semaphore, #tpu.memory_space<semaphore_mem>>
      %dma_start3A_71 = arith.constant 0 : i32
      %dma_start3A_72 = tpu.memref_slice %arg8[%mul3A_8, %dma_start3A_71] : memref<10000x128xf32, #tpu.memory_space<vmem_shared>> -> memref<624x128xf32, #tpu.memory_space<vmem_shared>>
      %dma_start3A_73 = arith.constant 0 : i32
      %dma_start3A_74 = tpu.memref_slice %arg4[%mul3A_6, %dma_start3A_73] : memref<10000x128xf32, #tpu.memory_space<hbm>> -> memref<624x128xf32, #tpu.memory_space<hbm>>
      tpu.enqueue_dma source(%dma_start3A_74 : memref<624x128xf32, #tpu.memory_space<hbm>>) target(%dma_start3A_72 : memref<624x128xf32, #tpu.memory_space<vmem_shared>>) target_semaphore(%run_scoped3A_70 : memref<!tpu.dma_semaphore, #tpu.memory_space<semaphore_mem>>)
      %dma_wait3A_75 = arith.constant 0 : i32
      %dma_wait3A_76 = tpu.memref_slice %arg8[%mul3A_8, %dma_wait3A_75] : memref<10000x128xf32, #tpu.memory_space<vmem_shared>> -> memref<624x128xf32, #tpu.memory_space<vmem_shared>>
      %dma_wait3A_77 = arith.constant 0 : i32
      %dma_wait3A_78 = tpu.memref_slice %arg4[%mul3A_6, %dma_wait3A_77] : memref<10000x128xf32, #tpu.memory_space<hbm>> -> memref<624x128xf32, #tpu.memory_space<hbm>>
      tpu.wait_dma2 semaphore(%run_scoped3A_70 : memref<!tpu.dma_semaphore, #tpu.memory_space<semaphore_mem>>) src(%dma_wait3A_78 : memref<624x128xf32, #tpu.memory_space<hbm>>) dst(%dma_wait3A_76 : memref<624x128xf32, #tpu.memory_space<vmem_shared>>)
      tpu.yield
    }) : () -> ()
    %eq3A = arith.constant 0 : i32
    %eq3A_9 = arith.cmpi eq, %arg1, %eq3A : i32
    %convert_element_type3A = arith.extui %eq3A_9 : i1 to i32
    %cond3A = arith.constant 0 : i32
    %cond3A_10 = arith.cmpi ne, %convert_element_type3A, %cond3A : i32
    scf.if %cond3A_10 {
      "tpu.region"() ({
        %run_scoped3A_70 = tpu.sem_alloc : memref<!tpu.dma_semaphore, #tpu.memory_space<semaphore_mem>>
        %dma_start3A_71 = arith.constant 9984 : i32
        %dma_start3A_72 = arith.constant 0 : i32
        %dma_start3A_73 = tpu.memref_slice %arg8[%dma_start3A_71, %dma_start3A_72] : memref<10000x128xf32, #tpu.memory_space<vmem_shared>> -> memref<16x128xf32, #tpu.memory_space<vmem_shared>>
        %dma_start3A_74 = arith.constant 9984 : i32
        %dma_start3A_75 = arith.constant 0 : i32
        %dma_start3A_76 = tpu.memref_slice %arg4[%dma_start3A_74, %dma_start3A_75] : memref<10000x128xf32, #tpu.memory_space<hbm>> -> memref<16x128xf32, #tpu.memory_space<hbm>>
        tpu.enqueue_dma source(%dma_start3A_76 : memref<16x128xf32, #tpu.memory_space<hbm>>) target(%dma_start3A_73 : memref<16x128xf32, #tpu.memory_space<vmem_shared>>) target_semaphore(%run_scoped3A_70 : memref<!tpu.dma_semaphore, #tpu.memory_space<semaphore_mem>>)
        %dma_wait3A_77 = arith.constant 9984 : i32
        %dma_wait3A_78 = arith.constant 0 : i32
        %dma_wait3A_79 = tpu.memref_slice %arg8[%dma_wait3A_77, %dma_wait3A_78] : memref<10000x128xf32, #tpu.memory_space<vmem_shared>> -> memref<16x128xf32, #tpu.memory_space<vmem_shared>>
        %dma_wait3A_80 = arith.constant 9984 : i32
        %dma_wait3A_81 = arith.constant 0 : i32
        %dma_wait3A_82 = tpu.memref_slice %arg4[%dma_wait3A_80, %dma_wait3A_81] : memref<10000x128xf32, #tpu.memory_space<hbm>> -> memref<16x128xf32, #tpu.memory_space<hbm>>
        tpu.wait_dma2 semaphore(%run_scoped3A_70 : memref<!tpu.dma_semaphore, #tpu.memory_space<semaphore_mem>>) src(%dma_wait3A_82 : memref<16x128xf32, #tpu.memory_space<hbm>>) dst(%dma_wait3A_79 : memref<16x128xf32, #tpu.memory_space<vmem_shared>>)
        tpu.yield
      }) : () -> ()
    } else {
    }
    "tpu.region"() ({
      %run_scoped3A_70 = tpu.sem_alloc : memref<!tpu.dma_semaphore, #tpu.memory_space<semaphore_mem>>
      %dma_start3A_71 = arith.constant 0 : i32
      %dma_start3A_72 = arith.constant 0 : i32
      %dma_start3A_73 = tpu.memref_slice %arg3[%add3A, %dma_start3A_71, %dma_start3A_72] : memref<32x125x40xi32, #tpu.memory_space<hbm>> -> memref<1x125x40xi32, #tpu.memory_space<hbm>>
      %dma_start3A_74 = tpu.memref_squeeze %dma_start3A_73 : memref<1x125x40xi32, #tpu.memory_space<hbm>> -> memref<125x40xi32, #tpu.memory_space<hbm>>
      %dma_start3A_75 = arith.constant 0 : i32
      %dma_start3A_76 = arith.constant 0 : i32
      %dma_start3A_77 = tpu.memref_slice %arg3[%add3A, %dma_start3A_75, %dma_start3A_76] : memref<32x125x40xi32, #tpu.memory_space<hbm>> -> memref<1x125x40xi32, #tpu.memory_space<hbm>>
      %dma_start3A_78 = tpu.memref_squeeze %dma_start3A_77 : memref<1x125x40xi32, #tpu.memory_space<hbm>> -> memref<125x40xi32, #tpu.memory_space<hbm>>
      tpu.enqueue_dma source(%dma_start3A_78 : memref<125x40xi32, #tpu.memory_space<hbm>>) target(%arg6 : memref<125x40xi32, #tpu.memory_space<vmem>>) target_semaphore(%run_scoped3A_70 : memref<!tpu.dma_semaphore, #tpu.memory_space<semaphore_mem>>)
      %dma_wait3A_79 = arith.constant 0 : i32
      %dma_wait3A_80 = arith.constant 0 : i32
      %dma_wait3A_81 = tpu.memref_slice %arg3[%add3A, %dma_wait3A_79, %dma_wait3A_80] : memref<32x125x40xi32, #tpu.memory_space<hbm>> -> memref<1x125x40xi32, #tpu.memory_space<hbm>>
      %dma_wait3A_82 = tpu.memref_squeeze %dma_wait3A_81 : memref<1x125x40xi32, #tpu.memory_space<hbm>> -> memref<125x40xi32, #tpu.memory_space<hbm>>
      %dma_wait3A_83 = arith.constant 0 : i32
      %dma_wait3A_84 = arith.constant 0 : i32
      %dma_wait3A_85 = tpu.memref_slice %arg3[%add3A, %dma_wait3A_83, %dma_wait3A_84] : memref<32x125x40xi32, #tpu.memory_space<hbm>> -> memref<1x125x40xi32, #tpu.memory_space<hbm>>
      %dma_wait3A_86 = tpu.memref_squeeze %dma_wait3A_85 : memref<1x125x40xi32, #tpu.memory_space<hbm>> -> memref<125x40xi32, #tpu.memory_space<hbm>>
      tpu.wait_dma2 semaphore(%run_scoped3A_70 : memref<!tpu.dma_semaphore, #tpu.memory_space<semaphore_mem>>) src(%dma_wait3A_86 : memref<125x40xi32, #tpu.memory_space<hbm>>) dst(%arg6 : memref<125x40xi32, #tpu.memory_space<vmem>>)
      tpu.yield
    }) : () -> ()
    %barrier3A = arith.constant 0 : index
    tpu.barrier barrier_id(%barrier3A)
    %add3A_11 = arith.constant 0 : i32
    %add3A_12 = arith.addi %add3A_4, %add3A_11 : i32
    %dma_start3A = arith.constant 0 : i32
    %dma_start3A_13 = arith.constant 0 : i32
    %dma_start3A_14 = arith.constant 0 : i32
    %dma_start3A_15 = tpu.memref_slice %arg7[%dma_start3A, %dma_start3A_13, %dma_start3A_14] : memref<2x40x128xf32, #tpu.memory_space<vmem>> -> memref<1x40x128xf32, #tpu.memory_space<vmem>>
    %dma_start3A_16 = tpu.memref_squeeze %dma_start3A_15 : memref<1x40x128xf32, #tpu.memory_space<vmem>> -> memref<40x128xf32, #tpu.memory_space<vmem>>
    %dma_start3A_17 = arith.constant 0 : i32
    %dma_start3A_18 = tpu.memref_slice %arg2[%add3A_12, %dma_start3A_17] : memref<160000x128xf32, #tpu.memory_space<hbm>> -> memref<40x128xf32, #tpu.memory_space<hbm>>
    %dma_start3A_19 = arith.constant 0 : i32
    %dma_start3A_20 = arith.constant 0 : i32
    %dma_start3A_21 = tpu.memref_slice %arg7[%dma_start3A, %dma_start3A_19, %dma_start3A_20] : memref<2x40x128xf32, #tpu.memory_space<vmem>> -> memref<1x40x128xf32, #tpu.memory_space<vmem>>
    %dma_start3A_22 = tpu.memref_squeeze %dma_start3A_21 : memref<1x40x128xf32, #tpu.memory_space<vmem>> -> memref<40x128xf32, #tpu.memory_space<vmem>>
    %dma_start3A_23 = arith.constant 0 : i32
    %dma_start3A_24 = tpu.memref_slice %arg2[%add3A_12, %dma_start3A_23] : memref<160000x128xf32, #tpu.memory_space<hbm>> -> memref<40x128xf32, #tpu.memory_space<hbm>>
    tpu.enqueue_dma source(%dma_start3A_24 : memref<40x128xf32, #tpu.memory_space<hbm>>) target(%dma_start3A_22 : memref<40x128xf32, #tpu.memory_space<vmem>>) target_semaphore(%arg9 : memref<!tpu.dma_semaphore, #tpu.memory_space<semaphore_mem>>)
    %add3A_25 = arith.constant 40 : i32
    %add3A_26 = arith.addi %add3A_4, %add3A_25 : i32
    %dma_start3A_27 = arith.constant 1 : i32
    %dma_start3A_28 = arith.constant 0 : i32
    %dma_start3A_29 = arith.constant 0 : i32
    %dma_start3A_30 = tpu.memref_slice %arg7[%dma_start3A_27, %dma_start3A_28, %dma_start3A_29] : memref<2x40x128xf32, #tpu.memory_space<vmem>> -> memref<1x40x128xf32, #tpu.memory_space<vmem>>
    %dma_start3A_31 = tpu.memref_squeeze %dma_start3A_30 : memref<1x40x128xf32, #tpu.memory_space<vmem>> -> memref<40x128xf32, #tpu.memory_space<vmem>>
    %dma_start3A_32 = arith.constant 0 : i32
    %dma_start3A_33 = tpu.memref_slice %arg2[%add3A_26, %dma_start3A_32] : memref<160000x128xf32, #tpu.memory_space<hbm>> -> memref<40x128xf32, #tpu.memory_space<hbm>>
    %dma_start3A_34 = arith.constant 0 : i32
    %dma_start3A_35 = arith.constant 0 : i32
    %dma_start3A_36 = tpu.memref_slice %arg7[%dma_start3A_27, %dma_start3A_34, %dma_start3A_35] : memref<2x40x128xf32, #tpu.memory_space<vmem>> -> memref<1x40x128xf32, #tpu.memory_space<vmem>>
    %dma_start3A_37 = tpu.memref_squeeze %dma_start3A_36 : memref<1x40x128xf32, #tpu.memory_space<vmem>> -> memref<40x128xf32, #tpu.memory_space<vmem>>
    %dma_start3A_38 = arith.constant 0 : i32
    %dma_start3A_39 = tpu.memref_slice %arg2[%add3A_26, %dma_start3A_38] : memref<160000x128xf32, #tpu.memory_space<hbm>> -> memref<40x128xf32, #tpu.memory_space<hbm>>
    tpu.enqueue_dma source(%dma_start3A_39 : memref<40x128xf32, #tpu.memory_space<hbm>>) target(%dma_start3A_37 : memref<40x128xf32, #tpu.memory_space<vmem>>) target_semaphore(%arg10 : memref<!tpu.dma_semaphore, #tpu.memory_space<semaphore_mem>>)
    %scan3A = arith.constant 0 : i32
    %scan3A_40 = arith.constant 0 : i32
    %scan3A_41 = arith.constant 62 : i32
    %scan3A_42 = arith.addi %scan3A_40, %scan3A_41 : i32
    %scan3A_43 = arith.constant 1 : i32
    scf.for %scan3A_70 = %scan3A_40 to %scan3A_42 step %scan3A_43  : i32 {
      %mul3A_71 = arith.constant 2 : i32
      %mul3A_72 = arith.muli %mul3A_71, %scan3A_70 : i32
      %mul3A_73 = arith.constant 2 : i32
      %mul3A_74 = arith.muli %mul3A_73, %scan3A_70 : i32
      %add3A_75 = arith.constant 1 : i32
      %add3A_76 = arith.addi %mul3A_74, %add3A_75 : i32
      %mul3A_77 = arith.constant 40 : i32
      %mul3A_78 = arith.muli %mul3A_72, %mul3A_77 : i32
      %add3A_79 = arith.addi %add3A_4, %mul3A_78 : i32
      %dma_wait3A_80 = arith.constant 0 : i32
      %dma_wait3A_81 = arith.constant 0 : i32
      %dma_wait3A_82 = arith.constant 0 : i32
      %dma_wait3A_83 = tpu.memref_slice %arg7[%dma_wait3A_80, %dma_wait3A_81, %dma_wait3A_82] : memref<2x40x128xf32, #tpu.memory_space<vmem>> -> memref<1x40x128xf32, #tpu.memory_space<vmem>>
      %dma_wait3A_84 = tpu.memref_squeeze %dma_wait3A_83 : memref<1x40x128xf32, #tpu.memory_space<vmem>> -> memref<40x128xf32, #tpu.memory_space<vmem>>
      %dma_wait3A_85 = arith.constant 0 : i32
      %dma_wait3A_86 = tpu.memref_slice %arg2[%add3A_79, %dma_wait3A_85] : memref<160000x128xf32, #tpu.memory_space<hbm>> -> memref<40x128xf32, #tpu.memory_space<hbm>>
      %dma_wait3A_87 = arith.constant 0 : i32
      %dma_wait3A_88 = arith.constant 0 : i32
      %dma_wait3A_89 = tpu.memref_slice %arg7[%dma_wait3A_80, %dma_wait3A_87, %dma_wait3A_88] : memref<2x40x128xf32, #tpu.memory_space<vmem>> -> memref<1x40x128xf32, #tpu.memory_space<vmem>>
      %dma_wait3A_90 = tpu.memref_squeeze %dma_wait3A_89 : memref<1x40x128xf32, #tpu.memory_space<vmem>> -> memref<40x128xf32, #tpu.memory_space<vmem>>
      %dma_wait3A_91 = arith.constant 0 : i32
      %dma_wait3A_92 = tpu.memref_slice %arg2[%add3A_79, %dma_wait3A_91] : memref<160000x128xf32, #tpu.memory_space<hbm>> -> memref<40x128xf32, #tpu.memory_space<hbm>>
      tpu.wait_dma2 semaphore(%arg9 : memref<!tpu.dma_semaphore, #tpu.memory_space<semaphore_mem>>) src(%dma_wait3A_92 : memref<40x128xf32, #tpu.memory_space<hbm>>) dst(%dma_wait3A_90 : memref<40x128xf32, #tpu.memory_space<vmem>>)
      %run_scoped3A_93 = arith.constant 0 : i32
      "tpu.region"() ({
        %run_scoped3A_124 = tpu.sem_alloc : memref<!tpu.dma_semaphore, #tpu.memory_space<semaphore_mem>>
        %dma_start3A_125 = arith.constant 0 : i32
        %dma_start3A_126 = arith.constant 0 : i32
        %dma_start3A_127 = tpu.memref_slice %arg7[%run_scoped3A_93, %dma_start3A_125, %dma_start3A_126] : memref<2x40x128xf32, #tpu.memory_space<vmem>> -> memref<1x40x128xf32, #tpu.memory_space<vmem>>
        %dma_start3A_128 = tpu.memref_squeeze %dma_start3A_127 : memref<1x40x128xf32, #tpu.memory_space<vmem>> -> memref<40x128xf32, #tpu.memory_space<vmem>>
        %dma_start3A_129 = arith.constant 0 : i32
        %dma_start3A_130 = tpu.memref_slice %arg6[%mul3A_72, %dma_start3A_129] : memref<125x40xi32, #tpu.memory_space<vmem>> -> memref<1x40xi32, #tpu.memory_space<vmem>>
        %dma_start3A_131 = tpu.memref_squeeze %dma_start3A_130 : memref<1x40xi32, #tpu.memory_space<vmem>> -> memref<40xi32, #tpu.memory_space<vmem>>
        %dma_start3A_132 = arith.constant 0 : i32
        %dma_start3A_133 = arith.constant 0 : i32
        %dma_start3A_134 = tpu.memref_slice %arg8[%dma_start3A_132, %dma_start3A_133] : memref<10000x128xf32, #tpu.memory_space<vmem_shared>> -> memref<10000x128xf32, #tpu.memory_space<vmem_shared>>
        tpu.enqueue_indirect_dma source(%dma_start3A_128 : memref<40x128xf32, #tpu.memory_space<vmem>>) target(%dma_start3A_134 : memref<10000x128xf32, #tpu.memory_space<vmem_shared>>) offsets(%dma_start3A_131 : memref<40xi32, #tpu.memory_space<vmem>>) semaphore(%run_scoped3A_124 : memref<!tpu.dma_semaphore, #tpu.memory_space<semaphore_mem>>) {add = true}
        %dma_wait3A_135 = arith.constant 0 : i32
        %dma_wait3A_136 = arith.constant 0 : i32
        %dma_wait3A_137 = tpu.memref_slice %arg7[%run_scoped3A_93, %dma_wait3A_135, %dma_wait3A_136] : memref<2x40x128xf32, #tpu.memory_space<vmem>> -> memref<1x40x128xf32, #tpu.memory_space<vmem>>
        %dma_wait3A_138 = tpu.memref_squeeze %dma_wait3A_137 : memref<1x40x128xf32, #tpu.memory_space<vmem>> -> memref<40x128xf32, #tpu.memory_space<vmem>>
        %dma_wait3A_139 = arith.constant 0 : i32
        %dma_wait3A_140 = tpu.memref_slice %arg6[%mul3A_72, %dma_wait3A_139] : memref<125x40xi32, #tpu.memory_space<vmem>> -> memref<1x40xi32, #tpu.memory_space<vmem>>
        %dma_wait3A_141 = tpu.memref_squeeze %dma_wait3A_140 : memref<1x40xi32, #tpu.memory_space<vmem>> -> memref<40xi32, #tpu.memory_space<vmem>>
        %dma_wait3A_142 = arith.constant 0 : i32
        %dma_wait3A_143 = arith.constant 0 : i32
        %dma_wait3A_144 = tpu.memref_slice %arg8[%dma_wait3A_142, %dma_wait3A_143] : memref<10000x128xf32, #tpu.memory_space<vmem_shared>> -> memref<10000x128xf32, #tpu.memory_space<vmem_shared>>
        tpu.wait_indirect_dma semaphore(%run_scoped3A_124 : memref<!tpu.dma_semaphore, #tpu.memory_space<semaphore_mem>>) src(%dma_wait3A_138 : memref<40x128xf32, #tpu.memory_space<vmem>>) dst(%dma_wait3A_144 : memref<10000x128xf32, #tpu.memory_space<vmem_shared>>)
        tpu.yield
      }) : () -> ()
      %add3A_94 = arith.constant 2 : i32
      %add3A_95 = arith.addi %mul3A_72, %add3A_94 : i32
      %lt3A = arith.constant 125 : i32
      %lt3A_96 = arith.cmpi slt, %add3A_95, %lt3A : i32
      %convert_element_type3A_97 = arith.extui %lt3A_96 : i1 to i32
      %cond3A_98 = arith.constant 0 : i32
      %cond3A_99 = arith.cmpi ne, %convert_element_type3A_97, %cond3A_98 : i32
      scf.if %cond3A_99 {
        %add3A_124 = arith.constant 2 : i32
        %add3A_125 = arith.addi %mul3A_72, %add3A_124 : i32
        %mul3A_126 = arith.constant 40 : i32
        %mul3A_127 = arith.muli %add3A_125, %mul3A_126 : i32
        %add3A_128 = arith.addi %add3A_4, %mul3A_127 : i32
        %dma_start3A_129 = arith.constant 0 : i32
        %dma_start3A_130 = arith.constant 0 : i32
        %dma_start3A_131 = arith.constant 0 : i32
        %dma_start3A_132 = tpu.memref_slice %arg7[%dma_start3A_129, %dma_start3A_130, %dma_start3A_131] : memref<2x40x128xf32, #tpu.memory_space<vmem>> -> memref<1x40x128xf32, #tpu.memory_space<vmem>>
        %dma_start3A_133 = tpu.memref_squeeze %dma_start3A_132 : memref<1x40x128xf32, #tpu.memory_space<vmem>> -> memref<40x128xf32, #tpu.memory_space<vmem>>
        %dma_start3A_134 = arith.constant 0 : i32
        %dma_start3A_135 = tpu.memref_slice %arg2[%add3A_128, %dma_start3A_134] : memref<160000x128xf32, #tpu.memory_space<hbm>> -> memref<40x128xf32, #tpu.memory_space<hbm>>
        %dma_start3A_136 = arith.constant 0 : i32
        %dma_start3A_137 = arith.constant 0 : i32
        %dma_start3A_138 = tpu.memref_slice %arg7[%dma_start3A_129, %dma_start3A_136, %dma_start3A_137] : memref<2x40x128xf32, #tpu.memory_space<vmem>> -> memref<1x40x128xf32, #tpu.memory_space<vmem>>
        %dma_start3A_139 = tpu.memref_squeeze %dma_start3A_138 : memref<1x40x128xf32, #tpu.memory_space<vmem>> -> memref<40x128xf32, #tpu.memory_space<vmem>>
        %dma_start3A_140 = arith.constant 0 : i32
        %dma_start3A_141 = tpu.memref_slice %arg2[%add3A_128, %dma_start3A_140] : memref<160000x128xf32, #tpu.memory_space<hbm>> -> memref<40x128xf32, #tpu.memory_space<hbm>>
        tpu.enqueue_dma source(%dma_start3A_141 : memref<40x128xf32, #tpu.memory_space<hbm>>) target(%dma_start3A_139 : memref<40x128xf32, #tpu.memory_space<vmem>>) target_semaphore(%arg9 : memref<!tpu.dma_semaphore, #tpu.memory_space<semaphore_mem>>)
      } else {
      }
      %mul3A_100 = arith.constant 40 : i32
      %mul3A_101 = arith.muli %add3A_76, %mul3A_100 : i32
      %add3A_102 = arith.addi %add3A_4, %mul3A_101 : i32
      %dma_wait3A_103 = arith.constant 1 : i32
      %dma_wait3A_104 = arith.constant 0 : i32
      %dma_wait3A_105 = arith.constant 0 : i32
      %dma_wait3A_106 = tpu.memref_slice %arg7[%dma_wait3A_103, %dma_wait3A_104, %dma_wait3A_105] : memref<2x40x128xf32, #tpu.memory_space<vmem>> -> memref<1x40x128xf32, #tpu.memory_space<vmem>>
      %dma_wait3A_107 = tpu.memref_squeeze %dma_wait3A_106 : memref<1x40x128xf32, #tpu.memory_space<vmem>> -> memref<40x128xf32, #tpu.memory_space<vmem>>
      %dma_wait3A_108 = arith.constant 0 : i32
      %dma_wait3A_109 = tpu.memref_slice %arg2[%add3A_102, %dma_wait3A_108] : memref<160000x128xf32, #tpu.memory_space<hbm>> -> memref<40x128xf32, #tpu.memory_space<hbm>>
      %dma_wait3A_110 = arith.constant 0 : i32
      %dma_wait3A_111 = arith.constant 0 : i32
      %dma_wait3A_112 = tpu.memref_slice %arg7[%dma_wait3A_103, %dma_wait3A_110, %dma_wait3A_111] : memref<2x40x128xf32, #tpu.memory_space<vmem>> -> memref<1x40x128xf32, #tpu.memory_space<vmem>>
      %dma_wait3A_113 = tpu.memref_squeeze %dma_wait3A_112 : memref<1x40x128xf32, #tpu.memory_space<vmem>> -> memref<40x128xf32, #tpu.memory_space<vmem>>
      %dma_wait3A_114 = arith.constant 0 : i32
      %dma_wait3A_115 = tpu.memref_slice %arg2[%add3A_102, %dma_wait3A_114] : memref<160000x128xf32, #tpu.memory_space<hbm>> -> memref<40x128xf32, #tpu.memory_space<hbm>>
      tpu.wait_dma2 semaphore(%arg10 : memref<!tpu.dma_semaphore, #tpu.memory_space<semaphore_mem>>) src(%dma_wait3A_115 : memref<40x128xf32, #tpu.memory_space<hbm>>) dst(%dma_wait3A_113 : memref<40x128xf32, #tpu.memory_space<vmem>>)
      %run_scoped3A_116 = arith.constant 1 : i32
      "tpu.region"() ({
        %run_scoped3A_124 = tpu.sem_alloc : memref<!tpu.dma_semaphore, #tpu.memory_space<semaphore_mem>>
        %dma_start3A_125 = arith.constant 0 : i32
        %dma_start3A_126 = arith.constant 0 : i32
        %dma_start3A_127 = tpu.memref_slice %arg7[%run_scoped3A_116, %dma_start3A_125, %dma_start3A_126] : memref<2x40x128xf32, #tpu.memory_space<vmem>> -> memref<1x40x128xf32, #tpu.memory_space<vmem>>
        %dma_start3A_128 = tpu.memref_squeeze %dma_start3A_127 : memref<1x40x128xf32, #tpu.memory_space<vmem>> -> memref<40x128xf32, #tpu.memory_space<vmem>>
        %dma_start3A_129 = arith.constant 0 : i32
        %dma_start3A_130 = tpu.memref_slice %arg6[%add3A_76, %dma_start3A_129] : memref<125x40xi32, #tpu.memory_space<vmem>> -> memref<1x40xi32, #tpu.memory_space<vmem>>
        %dma_start3A_131 = tpu.memref_squeeze %dma_start3A_130 : memref<1x40xi32, #tpu.memory_space<vmem>> -> memref<40xi32, #tpu.memory_space<vmem>>
        %dma_start3A_132 = arith.constant 0 : i32
        %dma_start3A_133 = arith.constant 0 : i32
        %dma_start3A_134 = tpu.memref_slice %arg8[%dma_start3A_132, %dma_start3A_133] : memref<10000x128xf32, #tpu.memory_space<vmem_shared>> -> memref<10000x128xf32, #tpu.memory_space<vmem_shared>>
        tpu.enqueue_indirect_dma source(%dma_start3A_128 : memref<40x128xf32, #tpu.memory_space<vmem>>) target(%dma_start3A_134 : memref<10000x128xf32, #tpu.memory_space<vmem_shared>>) offsets(%dma_start3A_131 : memref<40xi32, #tpu.memory_space<vmem>>) semaphore(%run_scoped3A_124 : memref<!tpu.dma_semaphore, #tpu.memory_space<semaphore_mem>>) {add = true}
        %dma_wait3A_135 = arith.constant 0 : i32
        %dma_wait3A_136 = arith.constant 0 : i32
        %dma_wait3A_137 = tpu.memref_slice %arg7[%run_scoped3A_116, %dma_wait3A_135, %dma_wait3A_136] : memref<2x40x128xf32, #tpu.memory_space<vmem>> -> memref<1x40x128xf32, #tpu.memory_space<vmem>>
        %dma_wait3A_138 = tpu.memref_squeeze %dma_wait3A_137 : memref<1x40x128xf32, #tpu.memory_space<vmem>> -> memref<40x128xf32, #tpu.memory_space<vmem>>
        %dma_wait3A_139 = arith.constant 0 : i32
        %dma_wait3A_140 = tpu.memref_slice %arg6[%add3A_76, %dma_wait3A_139] : memref<125x40xi32, #tpu.memory_space<vmem>> -> memref<1x40xi32, #tpu.memory_space<vmem>>
        %dma_wait3A_141 = tpu.memref_squeeze %dma_wait3A_140 : memref<1x40xi32, #tpu.memory_space<vmem>> -> memref<40xi32, #tpu.memory_space<vmem>>
        %dma_wait3A_142 = arith.constant 0 : i32
        %dma_wait3A_143 = arith.constant 0 : i32
        %dma_wait3A_144 = tpu.memref_slice %arg8[%dma_wait3A_142, %dma_wait3A_143] : memref<10000x128xf32, #tpu.memory_space<vmem_shared>> -> memref<10000x128xf32, #tpu.memory_space<vmem_shared>>
        tpu.wait_indirect_dma semaphore(%run_scoped3A_124 : memref<!tpu.dma_semaphore, #tpu.memory_space<semaphore_mem>>) src(%dma_wait3A_138 : memref<40x128xf32, #tpu.memory_space<vmem>>) dst(%dma_wait3A_144 : memref<10000x128xf32, #tpu.memory_space<vmem_shared>>)
        tpu.yield
      }) : () -> ()
      %add3A_117 = arith.constant 2 : i32
      %add3A_118 = arith.addi %add3A_76, %add3A_117 : i32
      %lt3A_119 = arith.constant 125 : i32
      %lt3A_120 = arith.cmpi slt, %add3A_118, %lt3A_119 : i32
      %convert_element_type3A_121 = arith.extui %lt3A_120 : i1 to i32
      %cond3A_122 = arith.constant 0 : i32
      %cond3A_123 = arith.cmpi ne, %convert_element_type3A_121, %cond3A_122 : i32
      scf.if %cond3A_123 {
        %add3A_124 = arith.constant 2 : i32
        %add3A_125 = arith.addi %add3A_76, %add3A_124 : i32
        %mul3A_126 = arith.constant 40 : i32
        %mul3A_127 = arith.muli %add3A_125, %mul3A_126 : i32
        %add3A_128 = arith.addi %add3A_4, %mul3A_127 : i32
        %dma_start3A_129 = arith.constant 1 : i32
        %dma_start3A_130 = arith.constant 0 : i32
        %dma_start3A_131 = arith.constant 0 : i32
        %dma_start3A_132 = tpu.memref_slice %arg7[%dma_start3A_129, %dma_start3A_130, %dma_start3A_131] : memref<2x40x128xf32, #tpu.memory_space<vmem>> -> memref<1x40x128xf32, #tpu.memory_space<vmem>>
        %dma_start3A_133 = tpu.memref_squeeze %dma_start3A_132 : memref<1x40x128xf32, #tpu.memory_space<vmem>> -> memref<40x128xf32, #tpu.memory_space<vmem>>
        %dma_start3A_134 = arith.constant 0 : i32
        %dma_start3A_135 = tpu.memref_slice %arg2[%add3A_128, %dma_start3A_134] : memref<160000x128xf32, #tpu.memory_space<hbm>> -> memref<40x128xf32, #tpu.memory_space<hbm>>
        %dma_start3A_136 = arith.constant 0 : i32
        %dma_start3A_137 = arith.constant 0 : i32
        %dma_start3A_138 = tpu.memref_slice %arg7[%dma_start3A_129, %dma_start3A_136, %dma_start3A_137] : memref<2x40x128xf32, #tpu.memory_space<vmem>> -> memref<1x40x128xf32, #tpu.memory_space<vmem>>
        %dma_start3A_139 = tpu.memref_squeeze %dma_start3A_138 : memref<1x40x128xf32, #tpu.memory_space<vmem>> -> memref<40x128xf32, #tpu.memory_space<vmem>>
        %dma_start3A_140 = arith.constant 0 : i32
        %dma_start3A_141 = tpu.memref_slice %arg2[%add3A_128, %dma_start3A_140] : memref<160000x128xf32, #tpu.memory_space<hbm>> -> memref<40x128xf32, #tpu.memory_space<hbm>>
        tpu.enqueue_dma source(%dma_start3A_141 : memref<40x128xf32, #tpu.memory_space<hbm>>) target(%dma_start3A_139 : memref<40x128xf32, #tpu.memory_space<vmem>>) target_semaphore(%arg10 : memref<!tpu.dma_semaphore, #tpu.memory_space<semaphore_mem>>)
      } else {
      }
    }
    %scan3A_44 = arith.constant 62 : i32
    %add3A_45 = arith.constant 4960 : i32
    %add3A_46 = arith.addi %add3A_4, %add3A_45 : i32
    %dma_wait3A = arith.constant 0 : i32
    %dma_wait3A_47 = arith.constant 0 : i32
    %dma_wait3A_48 = arith.constant 0 : i32
    %dma_wait3A_49 = tpu.memref_slice %arg7[%dma_wait3A, %dma_wait3A_47, %dma_wait3A_48] : memref<2x40x128xf32, #tpu.memory_space<vmem>> -> memref<1x40x128xf32, #tpu.memory_space<vmem>>
    %dma_wait3A_50 = tpu.memref_squeeze %dma_wait3A_49 : memref<1x40x128xf32, #tpu.memory_space<vmem>> -> memref<40x128xf32, #tpu.memory_space<vmem>>
    %dma_wait3A_51 = arith.constant 0 : i32
    %dma_wait3A_52 = tpu.memref_slice %arg2[%add3A_46, %dma_wait3A_51] : memref<160000x128xf32, #tpu.memory_space<hbm>> -> memref<40x128xf32, #tpu.memory_space<hbm>>
    %dma_wait3A_53 = arith.constant 0 : i32
    %dma_wait3A_54 = arith.constant 0 : i32
    %dma_wait3A_55 = tpu.memref_slice %arg7[%dma_wait3A, %dma_wait3A_53, %dma_wait3A_54] : memref<2x40x128xf32, #tpu.memory_space<vmem>> -> memref<1x40x128xf32, #tpu.memory_space<vmem>>
    %dma_wait3A_56 = tpu.memref_squeeze %dma_wait3A_55 : memref<1x40x128xf32, #tpu.memory_space<vmem>> -> memref<40x128xf32, #tpu.memory_space<vmem>>
    %dma_wait3A_57 = arith.constant 0 : i32
    %dma_wait3A_58 = tpu.memref_slice %arg2[%add3A_46, %dma_wait3A_57] : memref<160000x128xf32, #tpu.memory_space<hbm>> -> memref<40x128xf32, #tpu.memory_space<hbm>>
    tpu.wait_dma2 semaphore(%arg9 : memref<!tpu.dma_semaphore, #tpu.memory_space<semaphore_mem>>) src(%dma_wait3A_58 : memref<40x128xf32, #tpu.memory_space<hbm>>) dst(%dma_wait3A_56 : memref<40x128xf32, #tpu.memory_space<vmem>>)
    %run_scoped3A = arith.constant 0 : i32
    %run_scoped3A_59 = arith.constant 124 : i32
    "tpu.region"() ({
      %run_scoped3A_70 = tpu.sem_alloc : memref<!tpu.dma_semaphore, #tpu.memory_space<semaphore_mem>>
      %dma_start3A_71 = arith.constant 0 : i32
      %dma_start3A_72 = arith.constant 0 : i32
      %dma_start3A_73 = tpu.memref_slice %arg7[%run_scoped3A, %dma_start3A_71, %dma_start3A_72] : memref<2x40x128xf32, #tpu.memory_space<vmem>> -> memref<1x40x128xf32, #tpu.memory_space<vmem>>
      %dma_start3A_74 = tpu.memref_squeeze %dma_start3A_73 : memref<1x40x128xf32, #tpu.memory_space<vmem>> -> memref<40x128xf32, #tpu.memory_space<vmem>>
      %dma_start3A_75 = arith.constant 0 : i32
      %dma_start3A_76 = tpu.memref_slice %arg6[%run_scoped3A_59, %dma_start3A_75] : memref<125x40xi32, #tpu.memory_space<vmem>> -> memref<1x40xi32, #tpu.memory_space<vmem>>
      %dma_start3A_77 = tpu.memref_squeeze %dma_start3A_76 : memref<1x40xi32, #tpu.memory_space<vmem>> -> memref<40xi32, #tpu.memory_space<vmem>>
      %dma_start3A_78 = arith.constant 0 : i32
      %dma_start3A_79 = arith.constant 0 : i32
      %dma_start3A_80 = tpu.memref_slice %arg8[%dma_start3A_78, %dma_start3A_79] : memref<10000x128xf32, #tpu.memory_space<vmem_shared>> -> memref<10000x128xf32, #tpu.memory_space<vmem_shared>>
      tpu.enqueue_indirect_dma source(%dma_start3A_74 : memref<40x128xf32, #tpu.memory_space<vmem>>) target(%dma_start3A_80 : memref<10000x128xf32, #tpu.memory_space<vmem_shared>>) offsets(%dma_start3A_77 : memref<40xi32, #tpu.memory_space<vmem>>) semaphore(%run_scoped3A_70 : memref<!tpu.dma_semaphore, #tpu.memory_space<semaphore_mem>>) {add = true}
      %dma_wait3A_81 = arith.constant 0 : i32
      %dma_wait3A_82 = arith.constant 0 : i32
      %dma_wait3A_83 = tpu.memref_slice %arg7[%run_scoped3A, %dma_wait3A_81, %dma_wait3A_82] : memref<2x40x128xf32, #tpu.memory_space<vmem>> -> memref<1x40x128xf32, #tpu.memory_space<vmem>>
      %dma_wait3A_84 = tpu.memref_squeeze %dma_wait3A_83 : memref<1x40x128xf32, #tpu.memory_space<vmem>> -> memref<40x128xf32, #tpu.memory_space<vmem>>
      %dma_wait3A_85 = arith.constant 0 : i32
      %dma_wait3A_86 = tpu.memref_slice %arg6[%run_scoped3A_59, %dma_wait3A_85] : memref<125x40xi32, #tpu.memory_space<vmem>> -> memref<1x40xi32, #tpu.memory_space<vmem>>
      %dma_wait3A_87 = tpu.memref_squeeze %dma_wait3A_86 : memref<1x40xi32, #tpu.memory_space<vmem>> -> memref<40xi32, #tpu.memory_space<vmem>>
      %dma_wait3A_88 = arith.constant 0 : i32
      %dma_wait3A_89 = arith.constant 0 : i32
      %dma_wait3A_90 = tpu.memref_slice %arg8[%dma_wait3A_88, %dma_wait3A_89] : memref<10000x128xf32, #tpu.memory_space<vmem_shared>> -> memref<10000x128xf32, #tpu.memory_space<vmem_shared>>
      tpu.wait_indirect_dma semaphore(%run_scoped3A_70 : memref<!tpu.dma_semaphore, #tpu.memory_space<semaphore_mem>>) src(%dma_wait3A_84 : memref<40x128xf32, #tpu.memory_space<vmem>>) dst(%dma_wait3A_90 : memref<10000x128xf32, #tpu.memory_space<vmem_shared>>)
      tpu.yield
    }) : () -> ()
    %barrier3A_60 = arith.constant 0 : index
    tpu.barrier barrier_id(%barrier3A_60)
    %mul3A_61 = arith.constant 624 : i32
    %mul3A_62 = arith.muli %arg1, %mul3A_61 : i32
    %mul3A_63 = arith.constant 624 : i32
    %mul3A_64 = arith.muli %arg1, %mul3A_63 : i32
    "tpu.region"() ({
      %run_scoped3A_70 = tpu.sem_alloc : memref<!tpu.dma_semaphore, #tpu.memory_space<semaphore_mem>>
      %dma_start3A_71 = arith.constant 0 : i32
      %dma_start3A_72 = arith.constant 0 : i32
      %dma_start3A_73 = tpu.memref_slice %arg5[%arg0, %dma_start3A_71, %dma_start3A_72] : memref<2x10000x128xf32, #tpu.memory_space<hbm>> -> memref<1x10000x128xf32, #tpu.memory_space<hbm>>
      %dma_start3A_74 = tpu.memref_squeeze %dma_start3A_73 : memref<1x10000x128xf32, #tpu.memory_space<hbm>> -> memref<10000x128xf32, #tpu.memory_space<hbm>>
      %dma_start3A_75 = arith.constant 0 : i32
      %dma_start3A_76 = tpu.memref_slice %dma_start3A_74[%mul3A_64, %dma_start3A_75] : memref<10000x128xf32, #tpu.memory_space<hbm>> -> memref<624x128xf32, #tpu.memory_space<hbm>>
      %dma_start3A_77 = arith.constant 0 : i32
      %dma_start3A_78 = tpu.memref_slice %arg8[%mul3A_62, %dma_start3A_77] : memref<10000x128xf32, #tpu.memory_space<vmem_shared>> -> memref<624x128xf32, #tpu.memory_space<vmem_shared>>
      tpu.enqueue_dma source(%dma_start3A_78 : memref<624x128xf32, #tpu.memory_space<vmem_shared>>) target(%dma_start3A_76 : memref<624x128xf32, #tpu.memory_space<hbm>>) target_semaphore(%run_scoped3A_70 : memref<!tpu.dma_semaphore, #tpu.memory_space<semaphore_mem>>)
      %dma_wait3A_79 = arith.constant 0 : i32
      %dma_wait3A_80 = arith.constant 0 : i32
      %dma_wait3A_81 = tpu.memref_slice %arg5[%arg0, %dma_wait3A_79, %dma_wait3A_80] : memref<2x10000x128xf32, #tpu.memory_space<hbm>> -> memref<1x10000x128xf32, #tpu.memory_space<hbm>>
      %dma_wait3A_82 = tpu.memref_squeeze %dma_wait3A_81 : memref<1x10000x128xf32, #tpu.memory_space<hbm>> -> memref<10000x128xf32, #tpu.memory_space<hbm>>
      %dma_wait3A_83 = arith.constant 0 : i32
      %dma_wait3A_84 = tpu.memref_slice %dma_wait3A_82[%mul3A_64, %dma_wait3A_83] : memref<10000x128xf32, #tpu.memory_space<hbm>> -> memref<624x128xf32, #tpu.memory_space<hbm>>
      %dma_wait3A_85 = arith.constant 0 : i32
      %dma_wait3A_86 = tpu.memref_slice %arg8[%mul3A_62, %dma_wait3A_85] : memref<10000x128xf32, #tpu.memory_space<vmem_shared>> -> memref<624x128xf32, #tpu.memory_space<vmem_shared>>
      tpu.wait_dma2 semaphore(%run_scoped3A_70 : memref<!tpu.dma_semaphore, #tpu.memory_space<semaphore_mem>>) src(%dma_wait3A_86 : memref<624x128xf32, #tpu.memory_space<vmem_shared>>) dst(%dma_wait3A_84 : memref<624x128xf32, #tpu.memory_space<hbm>>)
      tpu.yield
    }) : () -> ()
    %eq3A_65 = arith.constant 0 : i32
    %eq3A_66 = arith.cmpi eq, %arg1, %eq3A_65 : i32
    %convert_element_type3A_67 = arith.extui %eq3A_66 : i1 to i32
    %cond3A_68 = arith.constant 0 : i32
    %cond3A_69 = arith.cmpi ne, %convert_element_type3A_67, %cond3A_68 : i32
    scf.if %cond3A_69 {
      "tpu.region"() ({
        %run_scoped3A_70 = tpu.sem_alloc : memref<!tpu.dma_semaphore, #tpu.memory_space<semaphore_mem>>
        %dma_start3A_71 = arith.constant 0 : i32
        %dma_start3A_72 = arith.constant 0 : i32
        %dma_start3A_73 = tpu.memref_slice %arg5[%arg0, %dma_start3A_71, %dma_start3A_72] : memref<2x10000x128xf32, #tpu.memory_space<hbm>> -> memref<1x10000x128xf32, #tpu.memory_space<hbm>>
        %dma_start3A_74 = tpu.memref_squeeze %dma_start3A_73 : memref<1x10000x128xf32, #tpu.memory_space<hbm>> -> memref<10000x128xf32, #tpu.memory_space<hbm>>
        %dma_start3A_75 = arith.constant 9984 : i32
        %dma_start3A_76 = arith.constant 0 : i32
        %dma_start3A_77 = tpu.memref_slice %dma_start3A_74[%dma_start3A_75, %dma_start3A_76] : memref<10000x128xf32, #tpu.memory_space<hbm>> -> memref<16x128xf32, #tpu.memory_space<hbm>>
        %dma_start3A_78 = arith.constant 9984 : i32
        %dma_start3A_79 = arith.constant 0 : i32
        %dma_start3A_80 = tpu.memref_slice %arg8[%dma_start3A_78, %dma_start3A_79] : memref<10000x128xf32, #tpu.memory_space<vmem_shared>> -> memref<16x128xf32, #tpu.memory_space<vmem_shared>>
        tpu.enqueue_dma source(%dma_start3A_80 : memref<16x128xf32, #tpu.memory_space<vmem_shared>>) target(%dma_start3A_77 : memref<16x128xf32, #tpu.memory_space<hbm>>) target_semaphore(%run_scoped3A_70 : memref<!tpu.dma_semaphore, #tpu.memory_space<semaphore_mem>>)
        %dma_wait3A_81 = arith.constant 0 : i32
        %dma_wait3A_82 = arith.constant 0 : i32
        %dma_wait3A_83 = tpu.memref_slice %arg5[%arg0, %dma_wait3A_81, %dma_wait3A_82] : memref<2x10000x128xf32, #tpu.memory_space<hbm>> -> memref<1x10000x128xf32, #tpu.memory_space<hbm>>
        %dma_wait3A_84 = tpu.memref_squeeze %dma_wait3A_83 : memref<1x10000x128xf32, #tpu.memory_space<hbm>> -> memref<10000x128xf32, #tpu.memory_space<hbm>>
        %dma_wait3A_85 = arith.constant 9984 : i32
        %dma_wait3A_86 = arith.constant 0 : i32
        %dma_wait3A_87 = tpu.memref_slice %dma_wait3A_84[%dma_wait3A_85, %dma_wait3A_86] : memref<10000x128xf32, #tpu.memory_space<hbm>> -> memref<16x128xf32, #tpu.memory_space<hbm>>
        %dma_wait3A_88 = arith.constant 9984 : i32
        %dma_wait3A_89 = arith.constant 0 : i32
        %dma_wait3A_90 = tpu.memref_slice %arg8[%dma_wait3A_88, %dma_wait3A_89] : memref<10000x128xf32, #tpu.memory_space<vmem_shared>> -> memref<16x128xf32, #tpu.memory_space<vmem_shared>>
        tpu.wait_dma2 semaphore(%run_scoped3A_70 : memref<!tpu.dma_semaphore, #tpu.memory_space<semaphore_mem>>) src(%dma_wait3A_90 : memref<16x128xf32, #tpu.memory_space<vmem_shared>>) dst(%dma_wait3A_87 : memref<16x128xf32, #tpu.memory_space<hbm>>)
        tpu.yield
      }) : () -> ()
    } else {
    }
    return
  }
}

#map = affine_map<(d0, d1) -> (0, 0)>
#map1 = affine_map<(d0, d1) -> (0, 0, 0)>
module attributes {stable_mosaic.version = 14 : i64} {
  func.func @k(%arg0: i32, %arg1: i32, %arg2: memref<160000x128xf32, #tpu.memory_space<hbm>>, %arg3: memref<32x125x40xi32, #tpu.memory_space<hbm>>, %arg4: memref<10000x128xf32, #tpu.memory_space<hbm>>, %arg5: memref<2x10000x128xf32, #tpu.memory_space<hbm>>, %arg6: memref<125x40xi32, #tpu.memory_space<vmem>>, %arg7: memref<2x40x128xf32, #tpu.memory_space<vmem>>, %arg8: memref<10000x128xf32, #tpu.memory_space<vmem_shared>>, %arg9: memref<!tpu.dma_semaphore, #tpu.memory_space<semaphore_mem>>, %arg10: memref<!tpu.dma_semaphore, #tpu.memory_space<semaphore_mem>>) attributes {dimension_semantics = [#tpu.dimension_semantics<core_parallel>, #tpu.dimension_semantics<subcore_parallel>], iteration_bounds = array<i64: 2, 16>, scalar_prefetch = 0 : i64, scratch_operands = 5 : i64, tpu.core_type = #tpu.core_type<sc_vector_subcore>, window_params = [{transform_indices = #map}, {transform_indices = #map1}, {transform_indices = #map}, {transform_indices = #map1}]} {
    %mul3A = arith.constant 2 : i32
    %mul3A_0 = arith.muli %arg1, %mul3A : i32
    %add3A = arith.addi %mul3A_0, %arg0 : i32
    %mul3A_1 = arith.constant 5000 : i32
    %mul3A_2 = arith.muli %add3A, %mul3A_1 : i32
    %add3A_3 = arith.constant 0 : i32
    %add3A_4 = arith.addi %add3A_3, %mul3A_2 : i32
    %mul3A_5 = arith.constant 624 : i32
    %mul3A_6 = arith.muli %arg1, %mul3A_5 : i32
    %mul3A_7 = arith.constant 624 : i32
    %mul3A_8 = arith.muli %arg1, %mul3A_7 : i32
    "tpu.region"() ({
      %run_scoped3A_70 = tpu.sem_alloc : memref<!tpu.dma_semaphore, #tpu.memory_space<semaphore_mem>>
      %dma_start3A_71 = arith.constant 0 : i32
      %dma_start3A_72 = tpu.memref_slice %arg8[%mul3A_8, %dma_start3A_71] : memref<10000x128xf32, #tpu.memory_space<vmem_shared>> -> memref<624x128xf32, #tpu.memory_space<vmem_shared>>
      %dma_start3A_73 = arith.constant 0 : i32
      %dma_start3A_74 = tpu.memref_slice %arg4[%mul3A_6, %dma_start3A_73] : memref<10000x128xf32, #tpu.memory_space<hbm>> -> memref<624x128xf32, #tpu.memory_space<hbm>>
      tpu.enqueue_dma source(%dma_start3A_74 : memref<624x128xf32, #tpu.memory_space<hbm>>) target(%dma_start3A_72 : memref<624x128xf32, #tpu.memory_space<vmem_shared>>) target_semaphore(%run_scoped3A_70 : memref<!tpu.dma_semaphore, #tpu.memory_space<semaphore_mem>>)
      %dma_wait3A_75 = arith.constant 0 : i32
      %dma_wait3A_76 = tpu.memref_slice %arg8[%mul3A_8, %dma_wait3A_75] : memref<10000x128xf32, #tpu.memory_space<vmem_shared>> -> memref<624x128xf32, #tpu.memory_space<vmem_shared>>
      %dma_wait3A_77 = arith.constant 0 : i32
      %dma_wait3A_78 = tpu.memref_slice %arg4[%mul3A_6, %dma_wait3A_77] : memref<10000x128xf32, #tpu.memory_space<hbm>> -> memref<624x128xf32, #tpu.memory_space<hbm>>
      tpu.wait_dma2 semaphore(%run_scoped3A_70 : memref<!tpu.dma_semaphore, #tpu.memory_space<semaphore_mem>>) src(%dma_wait3A_78 : memref<624x128xf32, #tpu.memory_space<hbm>>) dst(%dma_wait3A_76 : memref<624x128xf32, #tpu.memory_space<vmem_shared>>)
      tpu.yield
    }) : () -> ()
    %eq3A = arith.constant 0 : i32
    %eq3A_9 = arith.cmpi eq, %arg1, %eq3A : i32
    %convert_element_type3A = arith.extui %eq3A_9 : i1 to i32
    %cond3A = arith.constant 0 : i32
    %cond3A_10 = arith.cmpi ne, %convert_element_type3A, %cond3A : i32
    scf.if %cond3A_10 {
      "tpu.region"() ({
        %run_scoped3A_70 = tpu.sem_alloc : memref<!tpu.dma_semaphore, #tpu.memory_space<semaphore_mem>>
        %dma_start3A_71 = arith.constant 9984 : i32
        %dma_start3A_72 = arith.constant 0 : i32
        %dma_start3A_73 = tpu.memref_slice %arg8[%dma_start3A_71, %dma_start3A_72] : memref<10000x128xf32, #tpu.memory_space<vmem_shared>> -> memref<16x128xf32, #tpu.memory_space<vmem_shared>>
        %dma_start3A_74 = arith.constant 9984 : i32
        %dma_start3A_75 = arith.constant 0 : i32
        %dma_start3A_76 = tpu.memref_slice %arg4[%dma_start3A_74, %dma_start3A_75] : memref<10000x128xf32, #tpu.memory_space<hbm>> -> memref<16x128xf32, #tpu.memory_space<hbm>>
        tpu.enqueue_dma source(%dma_start3A_76 : memref<16x128xf32, #tpu.memory_space<hbm>>) target(%dma_start3A_73 : memref<16x128xf32, #tpu.memory_space<vmem_shared>>) target_semaphore(%run_scoped3A_70 : memref<!tpu.dma_semaphore, #tpu.memory_space<semaphore_mem>>)
        %dma_wait3A_77 = arith.constant 9984 : i32
        %dma_wait3A_78 = arith.constant 0 : i32
        %dma_wait3A_79 = tpu.memref_slice %arg8[%dma_wait3A_77, %dma_wait3A_78] : memref<10000x128xf32, #tpu.memory_space<vmem_shared>> -> memref<16x128xf32, #tpu.memory_space<vmem_shared>>
        %dma_wait3A_80 = arith.constant 9984 : i32
        %dma_wait3A_81 = arith.constant 0 : i32
        %dma_wait3A_82 = tpu.memref_slice %arg4[%dma_wait3A_80, %dma_wait3A_81] : memref<10000x128xf32, #tpu.memory_space<hbm>> -> memref<16x128xf32, #tpu.memory_space<hbm>>
        tpu.wait_dma2 semaphore(%run_scoped3A_70 : memref<!tpu.dma_semaphore, #tpu.memory_space<semaphore_mem>>) src(%dma_wait3A_82 : memref<16x128xf32, #tpu.memory_space<hbm>>) dst(%dma_wait3A_79 : memref<16x128xf32, #tpu.memory_space<vmem_shared>>)
        tpu.yield
      }) : () -> ()
    } else {
    }
    "tpu.region"() ({
      %run_scoped3A_70 = tpu.sem_alloc : memref<!tpu.dma_semaphore, #tpu.memory_space<semaphore_mem>>
      %dma_start3A_71 = arith.constant 0 : i32
      %dma_start3A_72 = arith.constant 0 : i32
      %dma_start3A_73 = tpu.memref_slice %arg3[%add3A, %dma_start3A_71, %dma_start3A_72] : memref<32x125x40xi32, #tpu.memory_space<hbm>> -> memref<1x125x40xi32, #tpu.memory_space<hbm>>
      %dma_start3A_74 = tpu.memref_squeeze %dma_start3A_73 : memref<1x125x40xi32, #tpu.memory_space<hbm>> -> memref<125x40xi32, #tpu.memory_space<hbm>>
      %dma_start3A_75 = arith.constant 0 : i32
      %dma_start3A_76 = arith.constant 0 : i32
      %dma_start3A_77 = tpu.memref_slice %arg3[%add3A, %dma_start3A_75, %dma_start3A_76] : memref<32x125x40xi32, #tpu.memory_space<hbm>> -> memref<1x125x40xi32, #tpu.memory_space<hbm>>
      %dma_start3A_78 = tpu.memref_squeeze %dma_start3A_77 : memref<1x125x40xi32, #tpu.memory_space<hbm>> -> memref<125x40xi32, #tpu.memory_space<hbm>>
      tpu.enqueue_dma source(%dma_start3A_78 : memref<125x40xi32, #tpu.memory_space<hbm>>) target(%arg6 : memref<125x40xi32, #tpu.memory_space<vmem>>) target_semaphore(%run_scoped3A_70 : memref<!tpu.dma_semaphore, #tpu.memory_space<semaphore_mem>>)
      %dma_wait3A_79 = arith.constant 0 : i32
      %dma_wait3A_80 = arith.constant 0 : i32
      %dma_wait3A_81 = tpu.memref_slice %arg3[%add3A, %dma_wait3A_79, %dma_wait3A_80] : memref<32x125x40xi32, #tpu.memory_space<hbm>> -> memref<1x125x40xi32, #tpu.memory_space<hbm>>
      %dma_wait3A_82 = tpu.memref_squeeze %dma_wait3A_81 : memref<1x125x40xi32, #tpu.memory_space<hbm>> -> memref<125x40xi32, #tpu.memory_space<hbm>>
      %dma_wait3A_83 = arith.constant 0 : i32
      %dma_wait3A_84 = arith.constant 0 : i32
      %dma_wait3A_85 = tpu.memref_slice %arg3[%add3A, %dma_wait3A_83, %dma_wait3A_84] : memref<32x125x40xi32, #tpu.memory_space<hbm>> -> memref<1x125x40xi32, #tpu.memory_space<hbm>>
      %dma_wait3A_86 = tpu.memref_squeeze %dma_wait3A_85 : memref<1x125x40xi32, #tpu.memory_space<hbm>> -> memref<125x40xi32, #tpu.memory_space<hbm>>
      tpu.wait_dma2 semaphore(%run_scoped3A_70 : memref<!tpu.dma_semaphore, #tpu.memory_space<semaphore_mem>>) src(%dma_wait3A_86 : memref<125x40xi32, #tpu.memory_space<hbm>>) dst(%arg6 : memref<125x40xi32, #tpu.memory_space<vmem>>)
      tpu.yield
    }) : () -> ()
    %barrier3A = arith.constant 0 : index
    tpu.barrier barrier_id(%barrier3A)
    %add3A_11 = arith.constant 0 : i32
    %add3A_12 = arith.addi %add3A_4, %add3A_11 : i32
    %dma_start3A = arith.constant 0 : i32
    %dma_start3A_13 = arith.constant 0 : i32
    %dma_start3A_14 = arith.constant 0 : i32
    %dma_start3A_15 = tpu.memref_slice %arg7[%dma_start3A, %dma_start3A_13, %dma_start3A_14] : memref<2x40x128xf32, #tpu.memory_space<vmem>> -> memref<1x40x128xf32, #tpu.memory_space<vmem>>
    %dma_start3A_16 = tpu.memref_squeeze %dma_start3A_15 : memref<1x40x128xf32, #tpu.memory_space<vmem>> -> memref<40x128xf32, #tpu.memory_space<vmem>>
    %dma_start3A_17 = arith.constant 0 : i32
    %dma_start3A_18 = tpu.memref_slice %arg2[%add3A_12, %dma_start3A_17] : memref<160000x128xf32, #tpu.memory_space<hbm>> -> memref<40x128xf32, #tpu.memory_space<hbm>>
    %dma_start3A_19 = arith.constant 0 : i32
    %dma_start3A_20 = arith.constant 0 : i32
    %dma_start3A_21 = tpu.memref_slice %arg7[%dma_start3A, %dma_start3A_19, %dma_start3A_20] : memref<2x40x128xf32, #tpu.memory_space<vmem>> -> memref<1x40x128xf32, #tpu.memory_space<vmem>>
    %dma_start3A_22 = tpu.memref_squeeze %dma_start3A_21 : memref<1x40x128xf32, #tpu.memory_space<vmem>> -> memref<40x128xf32, #tpu.memory_space<vmem>>
    %dma_start3A_23 = arith.constant 0 : i32
    %dma_start3A_24 = tpu.memref_slice %arg2[%add3A_12, %dma_start3A_23] : memref<160000x128xf32, #tpu.memory_space<hbm>> -> memref<40x128xf32, #tpu.memory_space<hbm>>
    tpu.enqueue_dma source(%dma_start3A_24 : memref<40x128xf32, #tpu.memory_space<hbm>>) target(%dma_start3A_22 : memref<40x128xf32, #tpu.memory_space<vmem>>) target_semaphore(%arg9 : memref<!tpu.dma_semaphore, #tpu.memory_space<semaphore_mem>>)
    %add3A_25 = arith.constant 40 : i32
    %add3A_26 = arith.addi %add3A_4, %add3A_25 : i32
    %dma_start3A_27 = arith.constant 1 : i32
    %dma_start3A_28 = arith.constant 0 : i32
    %dma_start3A_29 = arith.constant 0 : i32
    %dma_start3A_30 = tpu.memref_slice %arg7[%dma_start3A_27, %dma_start3A_28, %dma_start3A_29] : memref<2x40x128xf32, #tpu.memory_space<vmem>> -> memref<1x40x128xf32, #tpu.memory_space<vmem>>
    %dma_start3A_31 = tpu.memref_squeeze %dma_start3A_30 : memref<1x40x128xf32, #tpu.memory_space<vmem>> -> memref<40x128xf32, #tpu.memory_space<vmem>>
    %dma_start3A_32 = arith.constant 0 : i32
    %dma_start3A_33 = tpu.memref_slice %arg2[%add3A_26, %dma_start3A_32] : memref<160000x128xf32, #tpu.memory_space<hbm>> -> memref<40x128xf32, #tpu.memory_space<hbm>>
    %dma_start3A_34 = arith.constant 0 : i32
    %dma_start3A_35 = arith.constant 0 : i32
    %dma_start3A_36 = tpu.memref_slice %arg7[%dma_start3A_27, %dma_start3A_34, %dma_start3A_35] : memref<2x40x128xf32, #tpu.memory_space<vmem>> -> memref<1x40x128xf32, #tpu.memory_space<vmem>>
    %dma_start3A_37 = tpu.memref_squeeze %dma_start3A_36 : memref<1x40x128xf32, #tpu.memory_space<vmem>> -> memref<40x128xf32, #tpu.memory_space<vmem>>
    %dma_start3A_38 = arith.constant 0 : i32
    %dma_start3A_39 = tpu.memref_slice %arg2[%add3A_26, %dma_start3A_38] : memref<160000x128xf32, #tpu.memory_space<hbm>> -> memref<40x128xf32, #tpu.memory_space<hbm>>
    tpu.enqueue_dma source(%dma_start3A_39 : memref<40x128xf32, #tpu.memory_space<hbm>>) target(%dma_start3A_37 : memref<40x128xf32, #tpu.memory_space<vmem>>) target_semaphore(%arg10 : memref<!tpu.dma_semaphore, #tpu.memory_space<semaphore_mem>>)
    %scan3A = arith.constant 0 : i32
    %scan3A_40 = arith.constant 0 : i32
    %scan3A_41 = arith.constant 62 : i32
    %scan3A_42 = arith.addi %scan3A_40, %scan3A_41 : i32
    %scan3A_43 = arith.constant 1 : i32
    scf.for %scan3A_70 = %scan3A_40 to %scan3A_42 step %scan3A_43  : i32 {
      %mul3A_71 = arith.constant 2 : i32
      %mul3A_72 = arith.muli %mul3A_71, %scan3A_70 : i32
      %mul3A_73 = arith.constant 2 : i32
      %mul3A_74 = arith.muli %mul3A_73, %scan3A_70 : i32
      %add3A_75 = arith.constant 1 : i32
      %add3A_76 = arith.addi %mul3A_74, %add3A_75 : i32
      %mul3A_77 = arith.constant 40 : i32
      %mul3A_78 = arith.muli %mul3A_72, %mul3A_77 : i32
      %add3A_79 = arith.addi %add3A_4, %mul3A_78 : i32
      %dma_wait3A_80 = arith.constant 0 : i32
      %dma_wait3A_81 = arith.constant 0 : i32
      %dma_wait3A_82 = arith.constant 0 : i32
      %dma_wait3A_83 = tpu.memref_slice %arg7[%dma_wait3A_80, %dma_wait3A_81, %dma_wait3A_82] : memref<2x40x128xf32, #tpu.memory_space<vmem>> -> memref<1x40x128xf32, #tpu.memory_space<vmem>>
      %dma_wait3A_84 = tpu.memref_squeeze %dma_wait3A_83 : memref<1x40x128xf32, #tpu.memory_space<vmem>> -> memref<40x128xf32, #tpu.memory_space<vmem>>
      %dma_wait3A_85 = arith.constant 0 : i32
      %dma_wait3A_86 = tpu.memref_slice %arg2[%add3A_79, %dma_wait3A_85] : memref<160000x128xf32, #tpu.memory_space<hbm>> -> memref<40x128xf32, #tpu.memory_space<hbm>>
      %dma_wait3A_87 = arith.constant 0 : i32
      %dma_wait3A_88 = arith.constant 0 : i32
      %dma_wait3A_89 = tpu.memref_slice %arg7[%dma_wait3A_80, %dma_wait3A_87, %dma_wait3A_88] : memref<2x40x128xf32, #tpu.memory_space<vmem>> -> memref<1x40x128xf32, #tpu.memory_space<vmem>>
      %dma_wait3A_90 = tpu.memref_squeeze %dma_wait3A_89 : memref<1x40x128xf32, #tpu.memory_space<vmem>> -> memref<40x128xf32, #tpu.memory_space<vmem>>
      %dma_wait3A_91 = arith.constant 0 : i32
      %dma_wait3A_92 = tpu.memref_slice %arg2[%add3A_79, %dma_wait3A_91] : memref<160000x128xf32, #tpu.memory_space<hbm>> -> memref<40x128xf32, #tpu.memory_space<hbm>>
      tpu.wait_dma2 semaphore(%arg9 : memref<!tpu.dma_semaphore, #tpu.memory_space<semaphore_mem>>) src(%dma_wait3A_92 : memref<40x128xf32, #tpu.memory_space<hbm>>) dst(%dma_wait3A_90 : memref<40x128xf32, #tpu.memory_space<vmem>>)
      %run_scoped3A_93 = arith.constant 0 : i32
      "tpu.region"() ({
        %run_scoped3A_124 = tpu.sem_alloc : memref<!tpu.dma_semaphore, #tpu.memory_space<semaphore_mem>>
        %dma_start3A_125 = arith.constant 0 : i32
        %dma_start3A_126 = arith.constant 0 : i32
        %dma_start3A_127 = tpu.memref_slice %arg7[%run_scoped3A_93, %dma_start3A_125, %dma_start3A_126] : memref<2x40x128xf32, #tpu.memory_space<vmem>> -> memref<1x40x128xf32, #tpu.memory_space<vmem>>
        %dma_start3A_128 = tpu.memref_squeeze %dma_start3A_127 : memref<1x40x128xf32, #tpu.memory_space<vmem>> -> memref<40x128xf32, #tpu.memory_space<vmem>>
        %dma_start3A_129 = arith.constant 0 : i32
        %dma_start3A_130 = tpu.memref_slice %arg6[%mul3A_72, %dma_start3A_129] : memref<125x40xi32, #tpu.memory_space<vmem>> -> memref<1x40xi32, #tpu.memory_space<vmem>>
        %dma_start3A_131 = tpu.memref_squeeze %dma_start3A_130 : memref<1x40xi32, #tpu.memory_space<vmem>> -> memref<40xi32, #tpu.memory_space<vmem>>
        %dma_start3A_132 = arith.constant 0 : i32
        %dma_start3A_133 = arith.constant 0 : i32
        %dma_start3A_134 = tpu.memref_slice %arg8[%dma_start3A_132, %dma_start3A_133] : memref<10000x128xf32, #tpu.memory_space<vmem_shared>> -> memref<10000x128xf32, #tpu.memory_space<vmem_shared>>
        tpu.enqueue_indirect_dma source(%dma_start3A_128 : memref<40x128xf32, #tpu.memory_space<vmem>>) target(%dma_start3A_134 : memref<10000x128xf32, #tpu.memory_space<vmem_shared>>) offsets(%dma_start3A_131 : memref<40xi32, #tpu.memory_space<vmem>>) semaphore(%run_scoped3A_124 : memref<!tpu.dma_semaphore, #tpu.memory_space<semaphore_mem>>) {add = true}
        %dma_wait3A_135 = arith.constant 0 : i32
        %dma_wait3A_136 = arith.constant 0 : i32
        %dma_wait3A_137 = tpu.memref_slice %arg7[%run_scoped3A_93, %dma_wait3A_135, %dma_wait3A_136] : memref<2x40x128xf32, #tpu.memory_space<vmem>> -> memref<1x40x128xf32, #tpu.memory_space<vmem>>
        %dma_wait3A_138 = tpu.memref_squeeze %dma_wait3A_137 : memref<1x40x128xf32, #tpu.memory_space<vmem>> -> memref<40x128xf32, #tpu.memory_space<vmem>>
        %dma_wait3A_139 = arith.constant 0 : i32
        %dma_wait3A_140 = tpu.memref_slice %arg6[%mul3A_72, %dma_wait3A_139] : memref<125x40xi32, #tpu.memory_space<vmem>> -> memref<1x40xi32, #tpu.memory_space<vmem>>
        %dma_wait3A_141 = tpu.memref_squeeze %dma_wait3A_140 : memref<1x40xi32, #tpu.memory_space<vmem>> -> memref<40xi32, #tpu.memory_space<vmem>>
        %dma_wait3A_142 = arith.constant 0 : i32
        %dma_wait3A_143 = arith.constant 0 : i32
        %dma_wait3A_144 = tpu.memref_slice %arg8[%dma_wait3A_142, %dma_wait3A_143] : memref<10000x128xf32, #tpu.memory_space<vmem_shared>> -> memref<10000x128xf32, #tpu.memory_space<vmem_shared>>
        tpu.wait_indirect_dma semaphore(%run_scoped3A_124 : memref<!tpu.dma_semaphore, #tpu.memory_space<semaphore_mem>>) src(%dma_wait3A_138 : memref<40x128xf32, #tpu.memory_space<vmem>>) dst(%dma_wait3A_144 : memref<10000x128xf32, #tpu.memory_space<vmem_shared>>)
        tpu.yield
      }) : () -> ()
      %add3A_94 = arith.constant 2 : i32
      %add3A_95 = arith.addi %mul3A_72, %add3A_94 : i32
      %lt3A = arith.constant 125 : i32
      %lt3A_96 = arith.cmpi slt, %add3A_95, %lt3A : i32
      %convert_element_type3A_97 = arith.extui %lt3A_96 : i1 to i32
      %cond3A_98 = arith.constant 0 : i32
      %cond3A_99 = arith.cmpi ne, %convert_element_type3A_97, %cond3A_98 : i32
      scf.if %cond3A_99 {
        %add3A_124 = arith.constant 2 : i32
        %add3A_125 = arith.addi %mul3A_72, %add3A_124 : i32
        %mul3A_126 = arith.constant 40 : i32
        %mul3A_127 = arith.muli %add3A_125, %mul3A_126 : i32
        %add3A_128 = arith.addi %add3A_4, %mul3A_127 : i32
        %dma_start3A_129 = arith.constant 0 : i32
        %dma_start3A_130 = arith.constant 0 : i32
        %dma_start3A_131 = arith.constant 0 : i32
        %dma_start3A_132 = tpu.memref_slice %arg7[%dma_start3A_129, %dma_start3A_130, %dma_start3A_131] : memref<2x40x128xf32, #tpu.memory_space<vmem>> -> memref<1x40x128xf32, #tpu.memory_space<vmem>>
        %dma_start3A_133 = tpu.memref_squeeze %dma_start3A_132 : memref<1x40x128xf32, #tpu.memory_space<vmem>> -> memref<40x128xf32, #tpu.memory_space<vmem>>
        %dma_start3A_134 = arith.constant 0 : i32
        %dma_start3A_135 = tpu.memref_slice %arg2[%add3A_128, %dma_start3A_134] : memref<160000x128xf32, #tpu.memory_space<hbm>> -> memref<40x128xf32, #tpu.memory_space<hbm>>
        %dma_start3A_136 = arith.constant 0 : i32
        %dma_start3A_137 = arith.constant 0 : i32
        %dma_start3A_138 = tpu.memref_slice %arg7[%dma_start3A_129, %dma_start3A_136, %dma_start3A_137] : memref<2x40x128xf32, #tpu.memory_space<vmem>> -> memref<1x40x128xf32, #tpu.memory_space<vmem>>
        %dma_start3A_139 = tpu.memref_squeeze %dma_start3A_138 : memref<1x40x128xf32, #tpu.memory_space<vmem>> -> memref<40x128xf32, #tpu.memory_space<vmem>>
        %dma_start3A_140 = arith.constant 0 : i32
        %dma_start3A_141 = tpu.memref_slice %arg2[%add3A_128, %dma_start3A_140] : memref<160000x128xf32, #tpu.memory_space<hbm>> -> memref<40x128xf32, #tpu.memory_space<hbm>>
        tpu.enqueue_dma source(%dma_start3A_141 : memref<40x128xf32, #tpu.memory_space<hbm>>) target(%dma_start3A_139 : memref<40x128xf32, #tpu.memory_space<vmem>>) target_semaphore(%arg9 : memref<!tpu.dma_semaphore, #tpu.memory_space<semaphore_mem>>)
      } else {
      }
      %mul3A_100 = arith.constant 40 : i32
      %mul3A_101 = arith.muli %add3A_76, %mul3A_100 : i32
      %add3A_102 = arith.addi %add3A_4, %mul3A_101 : i32
      %dma_wait3A_103 = arith.constant 1 : i32
      %dma_wait3A_104 = arith.constant 0 : i32
      %dma_wait3A_105 = arith.constant 0 : i32
      %dma_wait3A_106 = tpu.memref_slice %arg7[%dma_wait3A_103, %dma_wait3A_104, %dma_wait3A_105] : memref<2x40x128xf32, #tpu.memory_space<vmem>> -> memref<1x40x128xf32, #tpu.memory_space<vmem>>
      %dma_wait3A_107 = tpu.memref_squeeze %dma_wait3A_106 : memref<1x40x128xf32, #tpu.memory_space<vmem>> -> memref<40x128xf32, #tpu.memory_space<vmem>>
      %dma_wait3A_108 = arith.constant 0 : i32
      %dma_wait3A_109 = tpu.memref_slice %arg2[%add3A_102, %dma_wait3A_108] : memref<160000x128xf32, #tpu.memory_space<hbm>> -> memref<40x128xf32, #tpu.memory_space<hbm>>
      %dma_wait3A_110 = arith.constant 0 : i32
      %dma_wait3A_111 = arith.constant 0 : i32
      %dma_wait3A_112 = tpu.memref_slice %arg7[%dma_wait3A_103, %dma_wait3A_110, %dma_wait3A_111] : memref<2x40x128xf32, #tpu.memory_space<vmem>> -> memref<1x40x128xf32, #tpu.memory_space<vmem>>
      %dma_wait3A_113 = tpu.memref_squeeze %dma_wait3A_112 : memref<1x40x128xf32, #tpu.memory_space<vmem>> -> memref<40x128xf32, #tpu.memory_space<vmem>>
      %dma_wait3A_114 = arith.constant 0 : i32
      %dma_wait3A_115 = tpu.memref_slice %arg2[%add3A_102, %dma_wait3A_114] : memref<160000x128xf32, #tpu.memory_space<hbm>> -> memref<40x128xf32, #tpu.memory_space<hbm>>
      tpu.wait_dma2 semaphore(%arg10 : memref<!tpu.dma_semaphore, #tpu.memory_space<semaphore_mem>>) src(%dma_wait3A_115 : memref<40x128xf32, #tpu.memory_space<hbm>>) dst(%dma_wait3A_113 : memref<40x128xf32, #tpu.memory_space<vmem>>)
      %run_scoped3A_116 = arith.constant 1 : i32
      "tpu.region"() ({
        %run_scoped3A_124 = tpu.sem_alloc : memref<!tpu.dma_semaphore, #tpu.memory_space<semaphore_mem>>
        %dma_start3A_125 = arith.constant 0 : i32
        %dma_start3A_126 = arith.constant 0 : i32
        %dma_start3A_127 = tpu.memref_slice %arg7[%run_scoped3A_116, %dma_start3A_125, %dma_start3A_126] : memref<2x40x128xf32, #tpu.memory_space<vmem>> -> memref<1x40x128xf32, #tpu.memory_space<vmem>>
        %dma_start3A_128 = tpu.memref_squeeze %dma_start3A_127 : memref<1x40x128xf32, #tpu.memory_space<vmem>> -> memref<40x128xf32, #tpu.memory_space<vmem>>
        %dma_start3A_129 = arith.constant 0 : i32
        %dma_start3A_130 = tpu.memref_slice %arg6[%add3A_76, %dma_start3A_129] : memref<125x40xi32, #tpu.memory_space<vmem>> -> memref<1x40xi32, #tpu.memory_space<vmem>>
        %dma_start3A_131 = tpu.memref_squeeze %dma_start3A_130 : memref<1x40xi32, #tpu.memory_space<vmem>> -> memref<40xi32, #tpu.memory_space<vmem>>
        %dma_start3A_132 = arith.constant 0 : i32
        %dma_start3A_133 = arith.constant 0 : i32
        %dma_start3A_134 = tpu.memref_slice %arg8[%dma_start3A_132, %dma_start3A_133] : memref<10000x128xf32, #tpu.memory_space<vmem_shared>> -> memref<10000x128xf32, #tpu.memory_space<vmem_shared>>
        tpu.enqueue_indirect_dma source(%dma_start3A_128 : memref<40x128xf32, #tpu.memory_space<vmem>>) target(%dma_start3A_134 : memref<10000x128xf32, #tpu.memory_space<vmem_shared>>) offsets(%dma_start3A_131 : memref<40xi32, #tpu.memory_space<vmem>>) semaphore(%run_scoped3A_124 : memref<!tpu.dma_semaphore, #tpu.memory_space<semaphore_mem>>) {add = true}
        %dma_wait3A_135 = arith.constant 0 : i32
        %dma_wait3A_136 = arith.constant 0 : i32
        %dma_wait3A_137 = tpu.memref_slice %arg7[%run_scoped3A_116, %dma_wait3A_135, %dma_wait3A_136] : memref<2x40x128xf32, #tpu.memory_space<vmem>> -> memref<1x40x128xf32, #tpu.memory_space<vmem>>
        %dma_wait3A_138 = tpu.memref_squeeze %dma_wait3A_137 : memref<1x40x128xf32, #tpu.memory_space<vmem>> -> memref<40x128xf32, #tpu.memory_space<vmem>>
        %dma_wait3A_139 = arith.constant 0 : i32
        %dma_wait3A_140 = tpu.memref_slice %arg6[%add3A_76, %dma_wait3A_139] : memref<125x40xi32, #tpu.memory_space<vmem>> -> memref<1x40xi32, #tpu.memory_space<vmem>>
        %dma_wait3A_141 = tpu.memref_squeeze %dma_wait3A_140 : memref<1x40xi32, #tpu.memory_space<vmem>> -> memref<40xi32, #tpu.memory_space<vmem>>
        %dma_wait3A_142 = arith.constant 0 : i32
        %dma_wait3A_143 = arith.constant 0 : i32
        %dma_wait3A_144 = tpu.memref_slice %arg8[%dma_wait3A_142, %dma_wait3A_143] : memref<10000x128xf32, #tpu.memory_space<vmem_shared>> -> memref<10000x128xf32, #tpu.memory_space<vmem_shared>>
        tpu.wait_indirect_dma semaphore(%run_scoped3A_124 : memref<!tpu.dma_semaphore, #tpu.memory_space<semaphore_mem>>) src(%dma_wait3A_138 : memref<40x128xf32, #tpu.memory_space<vmem>>) dst(%dma_wait3A_144 : memref<10000x128xf32, #tpu.memory_space<vmem_shared>>)
        tpu.yield
      }) : () -> ()
      %add3A_117 = arith.constant 2 : i32
      %add3A_118 = arith.addi %add3A_76, %add3A_117 : i32
      %lt3A_119 = arith.constant 125 : i32
      %lt3A_120 = arith.cmpi slt, %add3A_118, %lt3A_119 : i32
      %convert_element_type3A_121 = arith.extui %lt3A_120 : i1 to i32
      %cond3A_122 = arith.constant 0 : i32
      %cond3A_123 = arith.cmpi ne, %convert_element_type3A_121, %cond3A_122 : i32
      scf.if %cond3A_123 {
        %add3A_124 = arith.constant 2 : i32
        %add3A_125 = arith.addi %add3A_76, %add3A_124 : i32
        %mul3A_126 = arith.constant 40 : i32
        %mul3A_127 = arith.muli %add3A_125, %mul3A_126 : i32
        %add3A_128 = arith.addi %add3A_4, %mul3A_127 : i32
        %dma_start3A_129 = arith.constant 1 : i32
        %dma_start3A_130 = arith.constant 0 : i32
        %dma_start3A_131 = arith.constant 0 : i32
        %dma_start3A_132 = tpu.memref_slice %arg7[%dma_start3A_129, %dma_start3A_130, %dma_start3A_131] : memref<2x40x128xf32, #tpu.memory_space<vmem>> -> memref<1x40x128xf32, #tpu.memory_space<vmem>>
        %dma_start3A_133 = tpu.memref_squeeze %dma_start3A_132 : memref<1x40x128xf32, #tpu.memory_space<vmem>> -> memref<40x128xf32, #tpu.memory_space<vmem>>
        %dma_start3A_134 = arith.constant 0 : i32
        %dma_start3A_135 = tpu.memref_slice %arg2[%add3A_128, %dma_start3A_134] : memref<160000x128xf32, #tpu.memory_space<hbm>> -> memref<40x128xf32, #tpu.memory_space<hbm>>
        %dma_start3A_136 = arith.constant 0 : i32
        %dma_start3A_137 = arith.constant 0 : i32
        %dma_start3A_138 = tpu.memref_slice %arg7[%dma_start3A_129, %dma_start3A_136, %dma_start3A_137] : memref<2x40x128xf32, #tpu.memory_space<vmem>> -> memref<1x40x128xf32, #tpu.memory_space<vmem>>
        %dma_start3A_139 = tpu.memref_squeeze %dma_start3A_138 : memref<1x40x128xf32, #tpu.memory_space<vmem>> -> memref<40x128xf32, #tpu.memory_space<vmem>>
        %dma_start3A_140 = arith.constant 0 : i32
        %dma_start3A_141 = tpu.memref_slice %arg2[%add3A_128, %dma_start3A_140] : memref<160000x128xf32, #tpu.memory_space<hbm>> -> memref<40x128xf32, #tpu.memory_space<hbm>>
        tpu.enqueue_dma source(%dma_start3A_141 : memref<40x128xf32, #tpu.memory_space<hbm>>) target(%dma_start3A_139 : memref<40x128xf32, #tpu.memory_space<vmem>>) target_semaphore(%arg10 : memref<!tpu.dma_semaphore, #tpu.memory_space<semaphore_mem>>)
      } else {
      }
    }
    %scan3A_44 = arith.constant 62 : i32
    %add3A_45 = arith.constant 4960 : i32
    %add3A_46 = arith.addi %add3A_4, %add3A_45 : i32
    %dma_wait3A = arith.constant 0 : i32
    %dma_wait3A_47 = arith.constant 0 : i32
    %dma_wait3A_48 = arith.constant 0 : i32
    %dma_wait3A_49 = tpu.memref_slice %arg7[%dma_wait3A, %dma_wait3A_47, %dma_wait3A_48] : memref<2x40x128xf32, #tpu.memory_space<vmem>> -> memref<1x40x128xf32, #tpu.memory_space<vmem>>
    %dma_wait3A_50 = tpu.memref_squeeze %dma_wait3A_49 : memref<1x40x128xf32, #tpu.memory_space<vmem>> -> memref<40x128xf32, #tpu.memory_space<vmem>>
    %dma_wait3A_51 = arith.constant 0 : i32
    %dma_wait3A_52 = tpu.memref_slice %arg2[%add3A_46, %dma_wait3A_51] : memref<160000x128xf32, #tpu.memory_space<hbm>> -> memref<40x128xf32, #tpu.memory_space<hbm>>
    %dma_wait3A_53 = arith.constant 0 : i32
    %dma_wait3A_54 = arith.constant 0 : i32
    %dma_wait3A_55 = tpu.memref_slice %arg7[%dma_wait3A, %dma_wait3A_53, %dma_wait3A_54] : memref<2x40x128xf32, #tpu.memory_space<vmem>> -> memref<1x40x128xf32, #tpu.memory_space<vmem>>
    %dma_wait3A_56 = tpu.memref_squeeze %dma_wait3A_55 : memref<1x40x128xf32, #tpu.memory_space<vmem>> -> memref<40x128xf32, #tpu.memory_space<vmem>>
    %dma_wait3A_57 = arith.constant 0 : i32
    %dma_wait3A_58 = tpu.memref_slice %arg2[%add3A_46, %dma_wait3A_57] : memref<160000x128xf32, #tpu.memory_space<hbm>> -> memref<40x128xf32, #tpu.memory_space<hbm>>
    tpu.wait_dma2 semaphore(%arg9 : memref<!tpu.dma_semaphore, #tpu.memory_space<semaphore_mem>>) src(%dma_wait3A_58 : memref<40x128xf32, #tpu.memory_space<hbm>>) dst(%dma_wait3A_56 : memref<40x128xf32, #tpu.memory_space<vmem>>)
    %run_scoped3A = arith.constant 0 : i32
    %run_scoped3A_59 = arith.constant 124 : i32
    "tpu.region"() ({
      %run_scoped3A_70 = tpu.sem_alloc : memref<!tpu.dma_semaphore, #tpu.memory_space<semaphore_mem>>
      %dma_start3A_71 = arith.constant 0 : i32
      %dma_start3A_72 = arith.constant 0 : i32
      %dma_start3A_73 = tpu.memref_slice %arg7[%run_scoped3A, %dma_start3A_71, %dma_start3A_72] : memref<2x40x128xf32, #tpu.memory_space<vmem>> -> memref<1x40x128xf32, #tpu.memory_space<vmem>>
      %dma_start3A_74 = tpu.memref_squeeze %dma_start3A_73 : memref<1x40x128xf32, #tpu.memory_space<vmem>> -> memref<40x128xf32, #tpu.memory_space<vmem>>
      %dma_start3A_75 = arith.constant 0 : i32
      %dma_start3A_76 = tpu.memref_slice %arg6[%run_scoped3A_59, %dma_start3A_75] : memref<125x40xi32, #tpu.memory_space<vmem>> -> memref<1x40xi32, #tpu.memory_space<vmem>>
      %dma_start3A_77 = tpu.memref_squeeze %dma_start3A_76 : memref<1x40xi32, #tpu.memory_space<vmem>> -> memref<40xi32, #tpu.memory_space<vmem>>
      %dma_start3A_78 = arith.constant 0 : i32
      %dma_start3A_79 = arith.constant 0 : i32
      %dma_start3A_80 = tpu.memref_slice %arg8[%dma_start3A_78, %dma_start3A_79] : memref<10000x128xf32, #tpu.memory_space<vmem_shared>> -> memref<10000x128xf32, #tpu.memory_space<vmem_shared>>
      tpu.enqueue_indirect_dma source(%dma_start3A_74 : memref<40x128xf32, #tpu.memory_space<vmem>>) target(%dma_start3A_80 : memref<10000x128xf32, #tpu.memory_space<vmem_shared>>) offsets(%dma_start3A_77 : memref<40xi32, #tpu.memory_space<vmem>>) semaphore(%run_scoped3A_70 : memref<!tpu.dma_semaphore, #tpu.memory_space<semaphore_mem>>) {add = true}
      %dma_wait3A_81 = arith.constant 0 : i32
      %dma_wait3A_82 = arith.constant 0 : i32
      %dma_wait3A_83 = tpu.memref_slice %arg7[%run_scoped3A, %dma_wait3A_81, %dma_wait3A_82] : memref<2x40x128xf32, #tpu.memory_space<vmem>> -> memref<1x40x128xf32, #tpu.memory_space<vmem>>
      %dma_wait3A_84 = tpu.memref_squeeze %dma_wait3A_83 : memref<1x40x128xf32, #tpu.memory_space<vmem>> -> memref<40x128xf32, #tpu.memory_space<vmem>>
      %dma_wait3A_85 = arith.constant 0 : i32
      %dma_wait3A_86 = tpu.memref_slice %arg6[%run_scoped3A_59, %dma_wait3A_85] : memref<125x40xi32, #tpu.memory_space<vmem>> -> memref<1x40xi32, #tpu.memory_space<vmem>>
      %dma_wait3A_87 = tpu.memref_squeeze %dma_wait3A_86 : memref<1x40xi32, #tpu.memory_space<vmem>> -> memref<40xi32, #tpu.memory_space<vmem>>
      %dma_wait3A_88 = arith.constant 0 : i32
      %dma_wait3A_89 = arith.constant 0 : i32
      %dma_wait3A_90 = tpu.memref_slice %arg8[%dma_wait3A_88, %dma_wait3A_89] : memref<10000x128xf32, #tpu.memory_space<vmem_shared>> -> memref<10000x128xf32, #tpu.memory_space<vmem_shared>>
      tpu.wait_indirect_dma semaphore(%run_scoped3A_70 : memref<!tpu.dma_semaphore, #tpu.memory_space<semaphore_mem>>) src(%dma_wait3A_84 : memref<40x128xf32, #tpu.memory_space<vmem>>) dst(%dma_wait3A_90 : memref<10000x128xf32, #tpu.memory_space<vmem_shared>>)
      tpu.yield
    }) : () -> ()
    %barrier3A_60 = arith.constant 0 : index
    tpu.barrier barrier_id(%barrier3A_60)
    %mul3A_61 = arith.constant 624 : i32
    %mul3A_62 = arith.muli %arg1, %mul3A_61 : i32
    %mul3A_63 = arith.constant 624 : i32
    %mul3A_64 = arith.muli %arg1, %mul3A_63 : i32
    "tpu.region"() ({
      %run_scoped3A_70 = tpu.sem_alloc : memref<!tpu.dma_semaphore, #tpu.memory_space<semaphore_mem>>
      %dma_start3A_71 = arith.constant 0 : i32
      %dma_start3A_72 = arith.constant 0 : i32
      %dma_start3A_73 = tpu.memref_slice %arg5[%arg0, %dma_start3A_71, %dma_start3A_72] : memref<2x10000x128xf32, #tpu.memory_space<hbm>> -> memref<1x10000x128xf32, #tpu.memory_space<hbm>>
      %dma_start3A_74 = tpu.memref_squeeze %dma_start3A_73 : memref<1x10000x128xf32, #tpu.memory_space<hbm>> -> memref<10000x128xf32, #tpu.memory_space<hbm>>
      %dma_start3A_75 = arith.constant 0 : i32
      %dma_start3A_76 = tpu.memref_slice %dma_start3A_74[%mul3A_64, %dma_start3A_75] : memref<10000x128xf32, #tpu.memory_space<hbm>> -> memref<624x128xf32, #tpu.memory_space<hbm>>
      %dma_start3A_77 = arith.constant 0 : i32
      %dma_start3A_78 = tpu.memref_slice %arg8[%mul3A_62, %dma_start3A_77] : memref<10000x128xf32, #tpu.memory_space<vmem_shared>> -> memref<624x128xf32, #tpu.memory_space<vmem_shared>>
      tpu.enqueue_dma source(%dma_start3A_78 : memref<624x128xf32, #tpu.memory_space<vmem_shared>>) target(%dma_start3A_76 : memref<624x128xf32, #tpu.memory_space<hbm>>) target_semaphore(%run_scoped3A_70 : memref<!tpu.dma_semaphore, #tpu.memory_space<semaphore_mem>>)
      %dma_wait3A_79 = arith.constant 0 : i32
      %dma_wait3A_80 = arith.constant 0 : i32
      %dma_wait3A_81 = tpu.memref_slice %arg5[%arg0, %dma_wait3A_79, %dma_wait3A_80] : memref<2x10000x128xf32, #tpu.memory_space<hbm>> -> memref<1x10000x128xf32, #tpu.memory_space<hbm>>
      %dma_wait3A_82 = tpu.memref_squeeze %dma_wait3A_81 : memref<1x10000x128xf32, #tpu.memory_space<hbm>> -> memref<10000x128xf32, #tpu.memory_space<hbm>>
      %dma_wait3A_83 = arith.constant 0 : i32
      %dma_wait3A_84 = tpu.memref_slice %dma_wait3A_82[%mul3A_64, %dma_wait3A_83] : memref<10000x128xf32, #tpu.memory_space<hbm>> -> memref<624x128xf32, #tpu.memory_space<hbm>>
      %dma_wait3A_85 = arith.constant 0 : i32
      %dma_wait3A_86 = tpu.memref_slice %arg8[%mul3A_62, %dma_wait3A_85] : memref<10000x128xf32, #tpu.memory_space<vmem_shared>> -> memref<624x128xf32, #tpu.memory_space<vmem_shared>>
      tpu.wait_dma2 semaphore(%run_scoped3A_70 : memref<!tpu.dma_semaphore, #tpu.memory_space<semaphore_mem>>) src(%dma_wait3A_86 : memref<624x128xf32, #tpu.memory_space<vmem_shared>>) dst(%dma_wait3A_84 : memref<624x128xf32, #tpu.memory_space<hbm>>)
      tpu.yield
    }) : () -> ()
    %eq3A_65 = arith.constant 0 : i32
    %eq3A_66 = arith.cmpi eq, %arg1, %eq3A_65 : i32
    %convert_element_type3A_67 = arith.extui %eq3A_66 : i1 to i32
    %cond3A_68 = arith.constant 0 : i32
    %cond3A_69 = arith.cmpi ne, %convert_element_type3A_67, %cond3A_68 : i32
    scf.if %cond3A_69 {
      "tpu.region"() ({
        %run_scoped3A_70 = tpu.sem_alloc : memref<!tpu.dma_semaphore, #tpu.memory_space<semaphore_mem>>
        %dma_start3A_71 = arith.constant 0 : i32
        %dma_start3A_72 = arith.constant 0 : i32
        %dma_start3A_73 = tpu.memref_slice %arg5[%arg0, %dma_start3A_71, %dma_start3A_72] : memref<2x10000x128xf32, #tpu.memory_space<hbm>> -> memref<1x10000x128xf32, #tpu.memory_space<hbm>>
        %dma_start3A_74 = tpu.memref_squeeze %dma_start3A_73 : memref<1x10000x128xf32, #tpu.memory_space<hbm>> -> memref<10000x128xf32, #tpu.memory_space<hbm>>
        %dma_start3A_75 = arith.constant 9984 : i32
        %dma_start3A_76 = arith.constant 0 : i32
        %dma_start3A_77 = tpu.memref_slice %dma_start3A_74[%dma_start3A_75, %dma_start3A_76] : memref<10000x128xf32, #tpu.memory_space<hbm>> -> memref<16x128xf32, #tpu.memory_space<hbm>>
        %dma_start3A_78 = arith.constant 9984 : i32
        %dma_start3A_79 = arith.constant 0 : i32
        %dma_start3A_80 = tpu.memref_slice %arg8[%dma_start3A_78, %dma_start3A_79] : memref<10000x128xf32, #tpu.memory_space<vmem_shared>> -> memref<16x128xf32, #tpu.memory_space<vmem_shared>>
        tpu.enqueue_dma source(%dma_start3A_80 : memref<16x128xf32, #tpu.memory_space<vmem_shared>>) target(%dma_start3A_77 : memref<16x128xf32, #tpu.memory_space<hbm>>) target_semaphore(%run_scoped3A_70 : memref<!tpu.dma_semaphore, #tpu.memory_space<semaphore_mem>>)
        %dma_wait3A_81 = arith.constant 0 : i32
        %dma_wait3A_82 = arith.constant 0 : i32
        %dma_wait3A_83 = tpu.memref_slice %arg5[%arg0, %dma_wait3A_81, %dma_wait3A_82] : memref<2x10000x128xf32, #tpu.memory_space<hbm>> -> memref<1x10000x128xf32, #tpu.memory_space<hbm>>
        %dma_wait3A_84 = tpu.memref_squeeze %dma_wait3A_83 : memref<1x10000x128xf32, #tpu.memory_space<hbm>> -> memref<10000x128xf32, #tpu.memory_space<hbm>>
        %dma_wait3A_85 = arith.constant 9984 : i32
        %dma_wait3A_86 = arith.constant 0 : i32
        %dma_wait3A_87 = tpu.memref_slice %dma_wait3A_84[%dma_wait3A_85, %dma_wait3A_86] : memref<10000x128xf32, #tpu.memory_space<hbm>> -> memref<16x128xf32, #tpu.memory_space<hbm>>
        %dma_wait3A_88 = arith.constant 9984 : i32
        %dma_wait3A_89 = arith.constant 0 : i32
        %dma_wait3A_90 = tpu.memref_slice %arg8[%dma_wait3A_88, %dma_wait3A_89] : memref<10000x128xf32, #tpu.memory_space<vmem_shared>> -> memref<16x128xf32, #tpu.memory_space<vmem_shared>>
        tpu.wait_dma2 semaphore(%run_scoped3A_70 : memref<!tpu.dma_semaphore, #tpu.memory_space<semaphore_mem>>) src(%dma_wait3A_90 : memref<16x128xf32, #tpu.memory_space<vmem_shared>>) dst(%dma_wait3A_87 : memref<16x128xf32, #tpu.memory_space<hbm>>)
        tpu.yield
      }) : () -> ()
    } else {
    }
    return
  }
}

module attributes {stable_mosaic.version = 14 : i64} {
  func.func @_edge_mlp_body(%arg0: i32, %arg1: i32, %arg2: memref<2000x128xi32, #tpu.memory_space<vmem>>, %arg3: memref<2000x128xi32, #tpu.memory_space<vmem>>, %arg4: memref<2000x128xf32, #tpu.memory_space<vmem>>, %arg5: memref<1x128x128xf32, #tpu.memory_space<vmem>>, %arg6: memref<1x128x128xf32, #tpu.memory_space<vmem>>, %arg7: memref<1x128x128xf32, #tpu.memory_space<vmem>>, %arg8: memref<1x128x128xf32, #tpu.memory_space<vmem>>, %arg9: memref<128x128xf32, #tpu.memory_space<vmem>>, %arg10: memref<1x128xf32, #tpu.memory_space<vmem>>, %arg11: memref<128x128xf32, #tpu.memory_space<vmem>>, %arg12: memref<1x128xf32, #tpu.memory_space<vmem>>, %arg13: memref<1x128xf32, #tpu.memory_space<vmem>>, %arg14: memref<1x128xf32, #tpu.memory_space<vmem>>, %arg15: memref<2000x128xf32, #tpu.memory_space<vmem>>, %arg16: memref<2000x128xf32, #tpu.memory_space<vmem>>) attributes {dimension_semantics = [#tpu.dimension_semantics<arbitrary>, #tpu.dimension_semantics<arbitrary>], iteration_bounds = array<i64: 40, 2>, scalar_prefetch = 0 : i64, scratch_operands = 0 : i64, tpu.core_type = #tpu.core_type<tc>, window_params = [{transform_indices = @transform_0, window_bounds = array<i64: 2000, 128>}, {transform_indices = @transform_1, window_bounds = array<i64: 2000, 128>}, {transform_indices = @transform_2, window_bounds = array<i64: 2000, 128>}, {transform_indices = @transform_3, window_bounds = array<i64: 1, 128, 128>}, {transform_indices = @transform_4, window_bounds = array<i64: 1, 128, 128>}, {transform_indices = @transform_5, window_bounds = array<i64: 1, 128, 128>}, {transform_indices = @transform_6, window_bounds = array<i64: 1, 128, 128>}, {pipeline_mode = #tpu.pipeline_mode<synchronous>, transform_indices = @transform_7, window_bounds = array<i64: 128, 128>}, {pipeline_mode = #tpu.pipeline_mode<synchronous>, transform_indices = @transform_8, window_bounds = array<i64: 1, 128>}, {pipeline_mode = #tpu.pipeline_mode<synchronous>, transform_indices = @transform_9, window_bounds = array<i64: 128, 128>}, {pipeline_mode = #tpu.pipeline_mode<synchronous>, transform_indices = @transform_10, window_bounds = array<i64: 1, 128>}, {pipeline_mode = #tpu.pipeline_mode<synchronous>, transform_indices = @transform_11, window_bounds = array<i64: 1, 128>}, {pipeline_mode = #tpu.pipeline_mode<synchronous>, transform_indices = @transform_12, window_bounds = array<i64: 1, 128>}, {transform_indices = @transform_13, window_bounds = array<i64: 2000, 128>}, {transform_indices = @transform_14, window_bounds = array<i64: 2000, 128>}]} {
    %get3A = arith.constant 0 : index
    %get3A_0 = arith.constant 0 : index
    %get3A_1 = vector.load %arg4[%get3A, %get3A_0] : memref<2000x128xf32, #tpu.memory_space<vmem>>, vector<2000x128xf32>
    %get3A_2 = arith.constant 0 : index
    %get3A_3 = arith.constant 0 : index
    %get3A_4 = vector.load %arg2[%get3A_2, %get3A_3] : memref<2000x128xi32, #tpu.memory_space<vmem>>, vector<2000x128xi32>
    %get3A_5 = arith.constant 0 : index
    %get3A_6 = arith.constant 0 : index
    %get3A_7 = vector.load %arg3[%get3A_5, %get3A_6] : memref<2000x128xi32, #tpu.memory_space<vmem>>, vector<2000x128xi32>
    %shift_left3A = arith.constant 16 : i32
    %shift_left3A_8 = vector.broadcast %shift_left3A : i32 to vector<2000x128xi32>
    %shift_left3A_9 = arith.shli %get3A_4, %shift_left3A_8 : vector<2000x128xi32>
    %bitcast_convert_type3A = tpu.bitcast %shift_left3A_9 : vector<2000x128xi32> -> vector<2000x128xf32>
    %and3A = arith.constant -65536 : i32
    %and3A_10 = vector.broadcast %and3A : i32 to vector<2000x128xi32>
    %and3A_11 = arith.andi %get3A_4, %and3A_10 : vector<2000x128xi32>
    %bitcast_convert_type3A_12 = tpu.bitcast %and3A_11 : vector<2000x128xi32> -> vector<2000x128xf32>
    %shift_left3A_13 = arith.constant 16 : i32
    %shift_left3A_14 = vector.broadcast %shift_left3A_13 : i32 to vector<2000x128xi32>
    %shift_left3A_15 = arith.shli %get3A_7, %shift_left3A_14 : vector<2000x128xi32>
    %bitcast_convert_type3A_16 = tpu.bitcast %shift_left3A_15 : vector<2000x128xi32> -> vector<2000x128xf32>
    %and3A_17 = arith.constant -65536 : i32
    %and3A_18 = vector.broadcast %and3A_17 : i32 to vector<2000x128xi32>
    %and3A_19 = arith.andi %get3A_7, %and3A_18 : vector<2000x128xi32>
    %bitcast_convert_type3A_20 = tpu.bitcast %and3A_19 : vector<2000x128xi32> -> vector<2000x128xf32>
    %get3A_21 = arith.constant 0 : index
    %get3A_22 = arith.constant 0 : index
    %get3A_23 = arith.constant 0 : index
    %get3A_24 = vector.load %arg5[%get3A_21, %get3A_22, %get3A_23] : memref<1x128x128xf32, #tpu.memory_space<vmem>>, vector<1x128x128xf32>
    %get3A_25 = vector.shape_cast %get3A_24 : vector<1x128x128xf32> to vector<128x128xf32>
    %dot_general3A = arith.constant dense<0.000000e+00> : vector<2000x128xf32>
    %dot_general3A_26 = tpu.matmul %bitcast_convert_type3A, %get3A_25, %dot_general3A {dimension_numbers = #tpu.dot_dimension_numbers<[1], [0], [0], [1], [0, 0, 1, 1], [], []>, transpose_lhs_hint = false} : vector<2000x128xf32>, vector<128x128xf32>, vector<2000x128xf32> -> vector<2000x128xf32>
    %get3A_27 = arith.constant 0 : index
    %get3A_28 = arith.constant 0 : index
    %get3A_29 = arith.constant 0 : index
    %get3A_30 = vector.load %arg6[%get3A_27, %get3A_28, %get3A_29] : memref<1x128x128xf32, #tpu.memory_space<vmem>>, vector<1x128x128xf32>
    %get3A_31 = vector.shape_cast %get3A_30 : vector<1x128x128xf32> to vector<128x128xf32>
    %dot_general3A_32 = arith.constant dense<0.000000e+00> : vector<2000x128xf32>
    %dot_general3A_33 = tpu.matmul %bitcast_convert_type3A_12, %get3A_31, %dot_general3A_32 {dimension_numbers = #tpu.dot_dimension_numbers<[1], [0], [0], [1], [0, 0, 1, 1], [], []>, transpose_lhs_hint = false} : vector<2000x128xf32>, vector<128x128xf32>, vector<2000x128xf32> -> vector<2000x128xf32>
    %add3A = arith.addf %dot_general3A_26, %dot_general3A_33 : vector<2000x128xf32>
    %get3A_34 = arith.constant 0 : index
    %get3A_35 = arith.constant 0 : index
    %get3A_36 = arith.constant 0 : index
    %get3A_37 = vector.load %arg7[%get3A_34, %get3A_35, %get3A_36] : memref<1x128x128xf32, #tpu.memory_space<vmem>>, vector<1x128x128xf32>
    %get3A_38 = vector.shape_cast %get3A_37 : vector<1x128x128xf32> to vector<128x128xf32>
    %dot_general3A_39 = arith.constant dense<0.000000e+00> : vector<2000x128xf32>
    %dot_general3A_40 = tpu.matmul %bitcast_convert_type3A_16, %get3A_38, %dot_general3A_39 {dimension_numbers = #tpu.dot_dimension_numbers<[1], [0], [0], [1], [0, 0, 1, 1], [], []>, transpose_lhs_hint = false} : vector<2000x128xf32>, vector<128x128xf32>, vector<2000x128xf32> -> vector<2000x128xf32>
    %add3A_41 = arith.addf %add3A, %dot_general3A_40 : vector<2000x128xf32>
    %get3A_42 = arith.constant 0 : index
    %get3A_43 = arith.constant 0 : index
    %get3A_44 = arith.constant 0 : index
    %get3A_45 = vector.load %arg8[%get3A_42, %get3A_43, %get3A_44] : memref<1x128x128xf32, #tpu.memory_space<vmem>>, vector<1x128x128xf32>
    %get3A_46 = vector.shape_cast %get3A_45 : vector<1x128x128xf32> to vector<128x128xf32>
    %dot_general3A_47 = arith.constant dense<0.000000e+00> : vector<2000x128xf32>
    %dot_general3A_48 = tpu.matmul %bitcast_convert_type3A_20, %get3A_46, %dot_general3A_47 {dimension_numbers = #tpu.dot_dimension_numbers<[1], [0], [0], [1], [0, 0, 1, 1], [], []>, transpose_lhs_hint = false} : vector<2000x128xf32>, vector<128x128xf32>, vector<2000x128xf32> -> vector<2000x128xf32>
    %add3A_49 = arith.addf %add3A_41, %dot_general3A_48 : vector<2000x128xf32>
    %get3A_50 = arith.constant 0 : index
    %get3A_51 = arith.constant 0 : index
    %get3A_52 = vector.load %arg9[%get3A_50, %get3A_51] : memref<128x128xf32, #tpu.memory_space<vmem>>, vector<128x128xf32>
    %dot_general3A_53 = arith.constant dense<0.000000e+00> : vector<2000x128xf32>
    %dot_general3A_54 = tpu.matmul %get3A_1, %get3A_52, %dot_general3A_53 {dimension_numbers = #tpu.dot_dimension_numbers<[1], [0], [0], [1], [0, 0, 1, 1], [], []>, transpose_lhs_hint = false} : vector<2000x128xf32>, vector<128x128xf32>, vector<2000x128xf32> -> vector<2000x128xf32>
    %add3A_55 = arith.addf %add3A_49, %dot_general3A_54 : vector<2000x128xf32>
    %get3A_56 = arith.constant 0 : index
    %get3A_57 = arith.constant 0 : index
    %get3A_58 = vector.load %arg10[%get3A_56, %get3A_57] : memref<1x128xf32, #tpu.memory_space<vmem>>, vector<1x128xf32>
    %add3A_59 = vector.broadcast %get3A_58 : vector<1x128xf32> to vector<2000x128xf32>
    %add3A_60 = arith.addf %add3A_55, %add3A_59 : vector<2000x128xf32>
    %max3A = arith.constant 0.000000e+00 : f32
    %max3A_61 = vector.broadcast %max3A : f32 to vector<2000x128xf32>
    %max3A_62 = arith.maximumf %add3A_60, %max3A_61 : vector<2000x128xf32>
    %get3A_63 = arith.constant 0 : index
    %get3A_64 = arith.constant 0 : index
    %get3A_65 = vector.load %arg11[%get3A_63, %get3A_64] : memref<128x128xf32, #tpu.memory_space<vmem>>, vector<128x128xf32>
    %dot_general3A_66 = arith.constant dense<0.000000e+00> : vector<2000x128xf32>
    %dot_general3A_67 = tpu.matmul %max3A_62, %get3A_65, %dot_general3A_66 {dimension_numbers = #tpu.dot_dimension_numbers<[1], [0], [0], [1], [0, 0, 1, 1], [], []>, transpose_lhs_hint = false} : vector<2000x128xf32>, vector<128x128xf32>, vector<2000x128xf32> -> vector<2000x128xf32>
    %get3A_68 = arith.constant 0 : index
    %get3A_69 = arith.constant 0 : index
    %get3A_70 = vector.load %arg12[%get3A_68, %get3A_69] : memref<1x128xf32, #tpu.memory_space<vmem>>, vector<1x128xf32>
    %add3A_71 = vector.broadcast %get3A_70 : vector<1x128xf32> to vector<2000x128xf32>
    %add3A_72 = arith.addf %dot_general3A_67, %add3A_71 : vector<2000x128xf32>
    %max3A_73 = arith.constant 0.000000e+00 : f32
    %max3A_74 = vector.broadcast %max3A_73 : f32 to vector<2000x128xf32>
    %max3A_75 = arith.maximumf %add3A_72, %max3A_74 : vector<2000x128xf32>
    %reduce_sum3A = arith.constant dense<0.000000e+00> : vector<2000xf32>
    %reduce_sum3A_76 = vector.multi_reduction <add>, %max3A_75, %reduce_sum3A [1] : vector<2000x128xf32> to vector<2000xf32>
    %broadcast_in_dim3A = vector.shape_cast %reduce_sum3A_76 : vector<2000xf32> to vector<2000x1xf32>
    %div3A = arith.constant 1.280000e+02 : f32
    %div3A_77 = vector.broadcast %div3A : f32 to vector<2000x1xf32>
    %div3A_78 = arith.divf %broadcast_in_dim3A, %div3A_77 : vector<2000x1xf32>
    %sub3A = vector.broadcast %div3A_78 : vector<2000x1xf32> to vector<2000x128xf32>
    %sub3A_79 = arith.subf %max3A_75, %sub3A : vector<2000x128xf32>
    %integer_pow3A = arith.mulf %sub3A_79, %sub3A_79 : vector<2000x128xf32>
    %reduce_sum3A_80 = arith.constant dense<0.000000e+00> : vector<2000xf32>
    %reduce_sum3A_81 = vector.multi_reduction <add>, %integer_pow3A, %reduce_sum3A_80 [1] : vector<2000x128xf32> to vector<2000xf32>
    %broadcast_in_dim3A_82 = vector.shape_cast %reduce_sum3A_81 : vector<2000xf32> to vector<2000x1xf32>
    %div3A_83 = arith.constant 1.280000e+02 : f32
    %div3A_84 = vector.broadcast %div3A_83 : f32 to vector<2000x1xf32>
    %div3A_85 = arith.divf %broadcast_in_dim3A_82, %div3A_84 : vector<2000x1xf32>
    %sub3A_86 = vector.broadcast %div3A_78 : vector<2000x1xf32> to vector<2000x128xf32>
    %sub3A_87 = arith.subf %max3A_75, %sub3A_86 : vector<2000x128xf32>
    %add3A_88 = arith.constant 9.99999974E-6 : f32
    %add3A_89 = vector.broadcast %add3A_88 : f32 to vector<2000x1xf32>
    %add3A_90 = arith.addf %div3A_85, %add3A_89 : vector<2000x1xf32>
    %sqrt3A = math.sqrt %add3A_90 : vector<2000x1xf32>
    %div3A_91 = vector.broadcast %sqrt3A : vector<2000x1xf32> to vector<2000x128xf32>
    %div3A_92 = arith.divf %sub3A_87, %div3A_91 : vector<2000x128xf32>
    %get3A_93 = arith.constant 0 : index
    %get3A_94 = arith.constant 0 : index
    %get3A_95 = vector.load %arg13[%get3A_93, %get3A_94] : memref<1x128xf32, #tpu.memory_space<vmem>>, vector<1x128xf32>
    %mul3A = vector.broadcast %get3A_95 : vector<1x128xf32> to vector<2000x128xf32>
    %mul3A_96 = arith.mulf %div3A_92, %mul3A : vector<2000x128xf32>
    %get3A_97 = arith.constant 0 : index
    %get3A_98 = arith.constant 0 : index
    %get3A_99 = vector.load %arg14[%get3A_97, %get3A_98] : memref<1x128xf32, #tpu.memory_space<vmem>>, vector<1x128xf32>
    %add3A_100 = vector.broadcast %get3A_99 : vector<1x128xf32> to vector<2000x128xf32>
    %add3A_101 = arith.addf %mul3A_96, %add3A_100 : vector<2000x128xf32>
    %swap3A = arith.constant 0 : index
    %swap3A_102 = arith.constant 0 : index
    %swap3A_103 = vector.load %arg15[%swap3A, %swap3A_102] : memref<2000x128xf32, #tpu.memory_space<vmem>>, vector<2000x128xf32>
    tpu.vector_store %arg15[%swap3A, %swap3A_102], %add3A_101 {strides = array<i32>} : memref<2000x128xf32, #tpu.memory_space<vmem>>, vector<2000x128xf32>,
    %add3A_104 = arith.addf %get3A_1, %add3A_101 : vector<2000x128xf32>
    %swap3A_105 = arith.constant 0 : index
    %swap3A_106 = arith.constant 0 : index
    %swap3A_107 = vector.load %arg16[%swap3A_105, %swap3A_106] : memref<2000x128xf32, #tpu.memory_space<vmem>>, vector<2000x128xf32>
    tpu.vector_store %arg16[%swap3A_105, %swap3A_106], %add3A_104 {strides = array<i32>} : memref<2000x128xf32, #tpu.memory_space<vmem>>, vector<2000x128xf32>,
    return
  }
  func.func @transform_0(%arg0: i32, %arg1: i32) -> (i32, i32) {
    %c0_i32 = arith.constant 0 : i32
    %c0_i32_0 = arith.constant 0 : i32
    return %arg0, %c0_i32 : i32, i32
  }
  func.func @transform_1(%arg0: i32, %arg1: i32) -> (i32, i32) {
    %c0_i32 = arith.constant 0 : i32
    %c0_i32_0 = arith.constant 0 : i32
    return %arg0, %c0_i32 : i32, i32
  }
  func.func @transform_2(%arg0: i32, %arg1: i32) -> (i32, i32) {
    %mul3A = arith.constant 40 : i32
    %mul3A_0 = arith.muli %arg1, %mul3A : i32
    %add3A = arith.constant 0 : i32
    %add3A_1 = arith.addi %add3A, %mul3A_0 : i32
    %add3A_2 = arith.addi %add3A_1, %arg0 : i32
    %c0_i32 = arith.constant 0 : i32
    %c0_i32_3 = arith.constant 0 : i32
    return %add3A_2, %c0_i32 : i32, i32
  }
  func.func @transform_3(%arg0: i32, %arg1: i32) -> (i32, i32, i32) {
    %c0_i32 = arith.constant 0 : i32
    %c0_i32_0 = arith.constant 0 : i32
    %c0_i32_1 = arith.constant 0 : i32
    return %arg1, %c0_i32, %c0_i32_0 : i32, i32, i32
  }
  func.func @transform_4(%arg0: i32, %arg1: i32) -> (i32, i32, i32) {
    %c0_i32 = arith.constant 0 : i32
    %c0_i32_0 = arith.constant 0 : i32
    %c0_i32_1 = arith.constant 0 : i32
    return %arg1, %c0_i32, %c0_i32_0 : i32, i32, i32
  }
  func.func @transform_5(%arg0: i32, %arg1: i32) -> (i32, i32, i32) {
    %c0_i32 = arith.constant 0 : i32
    %c0_i32_0 = arith.constant 0 : i32
    %c0_i32_1 = arith.constant 0 : i32
    return %arg1, %c0_i32, %c0_i32_0 : i32, i32, i32
  }
  func.func @transform_6(%arg0: i32, %arg1: i32) -> (i32, i32, i32) {
    %c0_i32 = arith.constant 0 : i32
    %c0_i32_0 = arith.constant 0 : i32
    %c0_i32_1 = arith.constant 0 : i32
    return %arg1, %c0_i32, %c0_i32_0 : i32, i32, i32
  }
  func.func @transform_7(%arg0: i32, %arg1: i32) -> (i32, i32) {
    %c0_i32 = arith.constant 0 : i32
    %c0_i32_0 = arith.constant 0 : i32
    %c0_i32_1 = arith.constant 0 : i32
    return %c0_i32, %c0_i32_0 : i32, i32
  }
  func.func @transform_8(%arg0: i32, %arg1: i32) -> (i32, i32) {
    %c0_i32 = arith.constant 0 : i32
    %c0_i32_0 = arith.constant 0 : i32
    %c0_i32_1 = arith.constant 0 : i32
    return %c0_i32, %c0_i32_0 : i32, i32
  }
  func.func @transform_9(%arg0: i32, %arg1: i32) -> (i32, i32) {
    %c0_i32 = arith.constant 0 : i32
    %c0_i32_0 = arith.constant 0 : i32
    %c0_i32_1 = arith.constant 0 : i32
    return %c0_i32, %c0_i32_0 : i32, i32
  }
  func.func @transform_10(%arg0: i32, %arg1: i32) -> (i32, i32) {
    %c0_i32 = arith.constant 0 : i32
    %c0_i32_0 = arith.constant 0 : i32
    %c0_i32_1 = arith.constant 0 : i32
    return %c0_i32, %c0_i32_0 : i32, i32
  }
  func.func @transform_11(%arg0: i32, %arg1: i32) -> (i32, i32) {
    %c0_i32 = arith.constant 0 : i32
    %c0_i32_0 = arith.constant 0 : i32
    %c0_i32_1 = arith.constant 0 : i32
    return %c0_i32, %c0_i32_0 : i32, i32
  }
  func.func @transform_12(%arg0: i32, %arg1: i32) -> (i32, i32) {
    %c0_i32 = arith.constant 0 : i32
    %c0_i32_0 = arith.constant 0 : i32
    %c0_i32_1 = arith.constant 0 : i32
    return %c0_i32, %c0_i32_0 : i32, i32
  }
  func.func @transform_13(%arg0: i32, %arg1: i32) -> (i32, i32) {
    %mul3A = arith.constant 40 : i32
    %mul3A_0 = arith.muli %arg1, %mul3A : i32
    %add3A = arith.addi %mul3A_0, %arg0 : i32
    %c0_i32 = arith.constant 0 : i32
    %c0_i32_1 = arith.constant 0 : i32
    return %add3A, %c0_i32 : i32, i32
  }
  func.func @transform_14(%arg0: i32, %arg1: i32) -> (i32, i32) {
    %mul3A = arith.constant 40 : i32
    %mul3A_0 = arith.muli %arg1, %mul3A : i32
    %add3A = arith.constant 0 : i32
    %add3A_1 = arith.addi %add3A, %mul3A_0 : i32
    %add3A_2 = arith.addi %add3A_1, %arg0 : i32
    %c0_i32 = arith.constant 0 : i32
    %c0_i32_3 = arith.constant 0 : i32
    return %add3A_2, %c0_i32 : i32, i32
  }
}

module attributes {stable_mosaic.version = 14 : i64} {
  func.func @_edge_mlp_body_aliased(%arg0: i32, %arg1: i32, %arg2: memref<2000x128xi32, #tpu.memory_space<vmem>>, %arg3: memref<2000x128xi32, #tpu.memory_space<vmem>>, %arg4: memref<2000x128xf32, #tpu.memory_space<vmem>>, %arg5: memref<1x128x128xf32, #tpu.memory_space<vmem>>, %arg6: memref<1x128x128xf32, #tpu.memory_space<vmem>>, %arg7: memref<1x128x128xf32, #tpu.memory_space<vmem>>, %arg8: memref<1x128x128xf32, #tpu.memory_space<vmem>>, %arg9: memref<128x128xf32, #tpu.memory_space<vmem>>, %arg10: memref<1x128xf32, #tpu.memory_space<vmem>>, %arg11: memref<128x128xf32, #tpu.memory_space<vmem>>, %arg12: memref<1x128xf32, #tpu.memory_space<vmem>>, %arg13: memref<1x128xf32, #tpu.memory_space<vmem>>, %arg14: memref<1x128xf32, #tpu.memory_space<vmem>>, %arg15: memref<320000x128xf32, #tpu.memory_space<any>>, %arg16: memref<2000x128xf32, #tpu.memory_space<vmem>>, %arg17: memref<2000x128xf32, #tpu.memory_space<vmem>>) attributes {dimension_semantics = [#tpu.dimension_semantics<arbitrary>, #tpu.dimension_semantics<arbitrary>], iteration_bounds = array<i64: 40, 2>, scalar_prefetch = 0 : i64, scratch_operands = 0 : i64, tpu.core_type = #tpu.core_type<tc>, window_params = [{transform_indices = @transform_0, window_bounds = array<i64: 2000, 128>}, {transform_indices = @transform_1, window_bounds = array<i64: 2000, 128>}, {transform_indices = @transform_2, window_bounds = array<i64: 2000, 128>}, {transform_indices = @transform_3, window_bounds = array<i64: 1, 128, 128>}, {transform_indices = @transform_4, window_bounds = array<i64: 1, 128, 128>}, {transform_indices = @transform_5, window_bounds = array<i64: 1, 128, 128>}, {transform_indices = @transform_6, window_bounds = array<i64: 1, 128, 128>}, {pipeline_mode = #tpu.pipeline_mode<synchronous>, transform_indices = @transform_7, window_bounds = array<i64: 128, 128>}, {pipeline_mode = #tpu.pipeline_mode<synchronous>, transform_indices = @transform_8, window_bounds = array<i64: 1, 128>}, {pipeline_mode = #tpu.pipeline_mode<synchronous>, transform_indices = @transform_9, window_bounds = array<i64: 128, 128>}, {pipeline_mode = #tpu.pipeline_mode<synchronous>, transform_indices = @transform_10, window_bounds = array<i64: 1, 128>}, {pipeline_mode = #tpu.pipeline_mode<synchronous>, transform_indices = @transform_11, window_bounds = array<i64: 1, 128>}, {pipeline_mode = #tpu.pipeline_mode<synchronous>, transform_indices = @transform_12, window_bounds = array<i64: 1, 128>}, {}, {transform_indices = @transform_14, window_bounds = array<i64: 2000, 128>}, {transform_indices = @transform_15, window_bounds = array<i64: 2000, 128>}]} {
    %get3A = arith.constant 0 : index
    %get3A_0 = arith.constant 0 : index
    %get3A_1 = vector.load %arg4[%get3A, %get3A_0] : memref<2000x128xf32, #tpu.memory_space<vmem>>, vector<2000x128xf32>
    %get3A_2 = arith.constant 0 : index
    %get3A_3 = arith.constant 0 : index
    %get3A_4 = vector.load %arg2[%get3A_2, %get3A_3] : memref<2000x128xi32, #tpu.memory_space<vmem>>, vector<2000x128xi32>
    %get3A_5 = arith.constant 0 : index
    %get3A_6 = arith.constant 0 : index
    %get3A_7 = vector.load %arg3[%get3A_5, %get3A_6] : memref<2000x128xi32, #tpu.memory_space<vmem>>, vector<2000x128xi32>
    %shift_left3A = arith.constant 16 : i32
    %shift_left3A_8 = vector.broadcast %shift_left3A : i32 to vector<2000x128xi32>
    %shift_left3A_9 = arith.shli %get3A_4, %shift_left3A_8 : vector<2000x128xi32>
    %bitcast_convert_type3A = tpu.bitcast %shift_left3A_9 : vector<2000x128xi32> -> vector<2000x128xf32>
    %and3A = arith.constant -65536 : i32
    %and3A_10 = vector.broadcast %and3A : i32 to vector<2000x128xi32>
    %and3A_11 = arith.andi %get3A_4, %and3A_10 : vector<2000x128xi32>
    %bitcast_convert_type3A_12 = tpu.bitcast %and3A_11 : vector<2000x128xi32> -> vector<2000x128xf32>
    %shift_left3A_13 = arith.constant 16 : i32
    %shift_left3A_14 = vector.broadcast %shift_left3A_13 : i32 to vector<2000x128xi32>
    %shift_left3A_15 = arith.shli %get3A_7, %shift_left3A_14 : vector<2000x128xi32>
    %bitcast_convert_type3A_16 = tpu.bitcast %shift_left3A_15 : vector<2000x128xi32> -> vector<2000x128xf32>
    %and3A_17 = arith.constant -65536 : i32
    %and3A_18 = vector.broadcast %and3A_17 : i32 to vector<2000x128xi32>
    %and3A_19 = arith.andi %get3A_7, %and3A_18 : vector<2000x128xi32>
    %bitcast_convert_type3A_20 = tpu.bitcast %and3A_19 : vector<2000x128xi32> -> vector<2000x128xf32>
    %get3A_21 = arith.constant 0 : index
    %get3A_22 = arith.constant 0 : index
    %get3A_23 = arith.constant 0 : index
    %get3A_24 = vector.load %arg5[%get3A_21, %get3A_22, %get3A_23] : memref<1x128x128xf32, #tpu.memory_space<vmem>>, vector<1x128x128xf32>
    %get3A_25 = vector.shape_cast %get3A_24 : vector<1x128x128xf32> to vector<128x128xf32>
    %dot_general3A = arith.constant dense<0.000000e+00> : vector<2000x128xf32>
    %dot_general3A_26 = tpu.matmul %bitcast_convert_type3A, %get3A_25, %dot_general3A {dimension_numbers = #tpu.dot_dimension_numbers<[1], [0], [0], [1], [0, 0, 1, 1], [], []>, transpose_lhs_hint = false} : vector<2000x128xf32>, vector<128x128xf32>, vector<2000x128xf32> -> vector<2000x128xf32>
    %get3A_27 = arith.constant 0 : index
    %get3A_28 = arith.constant 0 : index
    %get3A_29 = arith.constant 0 : index
    %get3A_30 = vector.load %arg6[%get3A_27, %get3A_28, %get3A_29] : memref<1x128x128xf32, #tpu.memory_space<vmem>>, vector<1x128x128xf32>
    %get3A_31 = vector.shape_cast %get3A_30 : vector<1x128x128xf32> to vector<128x128xf32>
    %dot_general3A_32 = arith.constant dense<0.000000e+00> : vector<2000x128xf32>
    %dot_general3A_33 = tpu.matmul %bitcast_convert_type3A_12, %get3A_31, %dot_general3A_32 {dimension_numbers = #tpu.dot_dimension_numbers<[1], [0], [0], [1], [0, 0, 1, 1], [], []>, transpose_lhs_hint = false} : vector<2000x128xf32>, vector<128x128xf32>, vector<2000x128xf32> -> vector<2000x128xf32>
    %add3A = arith.addf %dot_general3A_26, %dot_general3A_33 : vector<2000x128xf32>
    %get3A_34 = arith.constant 0 : index
    %get3A_35 = arith.constant 0 : index
    %get3A_36 = arith.constant 0 : index
    %get3A_37 = vector.load %arg7[%get3A_34, %get3A_35, %get3A_36] : memref<1x128x128xf32, #tpu.memory_space<vmem>>, vector<1x128x128xf32>
    %get3A_38 = vector.shape_cast %get3A_37 : vector<1x128x128xf32> to vector<128x128xf32>
    %dot_general3A_39 = arith.constant dense<0.000000e+00> : vector<2000x128xf32>
    %dot_general3A_40 = tpu.matmul %bitcast_convert_type3A_16, %get3A_38, %dot_general3A_39 {dimension_numbers = #tpu.dot_dimension_numbers<[1], [0], [0], [1], [0, 0, 1, 1], [], []>, transpose_lhs_hint = false} : vector<2000x128xf32>, vector<128x128xf32>, vector<2000x128xf32> -> vector<2000x128xf32>
    %add3A_41 = arith.addf %add3A, %dot_general3A_40 : vector<2000x128xf32>
    %get3A_42 = arith.constant 0 : index
    %get3A_43 = arith.constant 0 : index
    %get3A_44 = arith.constant 0 : index
    %get3A_45 = vector.load %arg8[%get3A_42, %get3A_43, %get3A_44] : memref<1x128x128xf32, #tpu.memory_space<vmem>>, vector<1x128x128xf32>
    %get3A_46 = vector.shape_cast %get3A_45 : vector<1x128x128xf32> to vector<128x128xf32>
    %dot_general3A_47 = arith.constant dense<0.000000e+00> : vector<2000x128xf32>
    %dot_general3A_48 = tpu.matmul %bitcast_convert_type3A_20, %get3A_46, %dot_general3A_47 {dimension_numbers = #tpu.dot_dimension_numbers<[1], [0], [0], [1], [0, 0, 1, 1], [], []>, transpose_lhs_hint = false} : vector<2000x128xf32>, vector<128x128xf32>, vector<2000x128xf32> -> vector<2000x128xf32>
    %add3A_49 = arith.addf %add3A_41, %dot_general3A_48 : vector<2000x128xf32>
    %get3A_50 = arith.constant 0 : index
    %get3A_51 = arith.constant 0 : index
    %get3A_52 = vector.load %arg9[%get3A_50, %get3A_51] : memref<128x128xf32, #tpu.memory_space<vmem>>, vector<128x128xf32>
    %dot_general3A_53 = arith.constant dense<0.000000e+00> : vector<2000x128xf32>
    %dot_general3A_54 = tpu.matmul %get3A_1, %get3A_52, %dot_general3A_53 {dimension_numbers = #tpu.dot_dimension_numbers<[1], [0], [0], [1], [0, 0, 1, 1], [], []>, transpose_lhs_hint = false} : vector<2000x128xf32>, vector<128x128xf32>, vector<2000x128xf32> -> vector<2000x128xf32>
    %add3A_55 = arith.addf %add3A_49, %dot_general3A_54 : vector<2000x128xf32>
    %get3A_56 = arith.constant 0 : index
    %get3A_57 = arith.constant 0 : index
    %get3A_58 = vector.load %arg10[%get3A_56, %get3A_57] : memref<1x128xf32, #tpu.memory_space<vmem>>, vector<1x128xf32>
    %add3A_59 = vector.broadcast %get3A_58 : vector<1x128xf32> to vector<2000x128xf32>
    %add3A_60 = arith.addf %add3A_55, %add3A_59 : vector<2000x128xf32>
    %max3A = arith.constant 0.000000e+00 : f32
    %max3A_61 = vector.broadcast %max3A : f32 to vector<2000x128xf32>
    %max3A_62 = arith.maximumf %add3A_60, %max3A_61 : vector<2000x128xf32>
    %get3A_63 = arith.constant 0 : index
    %get3A_64 = arith.constant 0 : index
    %get3A_65 = vector.load %arg11[%get3A_63, %get3A_64] : memref<128x128xf32, #tpu.memory_space<vmem>>, vector<128x128xf32>
    %dot_general3A_66 = arith.constant dense<0.000000e+00> : vector<2000x128xf32>
    %dot_general3A_67 = tpu.matmul %max3A_62, %get3A_65, %dot_general3A_66 {dimension_numbers = #tpu.dot_dimension_numbers<[1], [0], [0], [1], [0, 0, 1, 1], [], []>, transpose_lhs_hint = false} : vector<2000x128xf32>, vector<128x128xf32>, vector<2000x128xf32> -> vector<2000x128xf32>
    %get3A_68 = arith.constant 0 : index
    %get3A_69 = arith.constant 0 : index
    %get3A_70 = vector.load %arg12[%get3A_68, %get3A_69] : memref<1x128xf32, #tpu.memory_space<vmem>>, vector<1x128xf32>
    %add3A_71 = vector.broadcast %get3A_70 : vector<1x128xf32> to vector<2000x128xf32>
    %add3A_72 = arith.addf %dot_general3A_67, %add3A_71 : vector<2000x128xf32>
    %max3A_73 = arith.constant 0.000000e+00 : f32
    %max3A_74 = vector.broadcast %max3A_73 : f32 to vector<2000x128xf32>
    %max3A_75 = arith.maximumf %add3A_72, %max3A_74 : vector<2000x128xf32>
    %reduce_sum3A = arith.constant dense<0.000000e+00> : vector<2000xf32>
    %reduce_sum3A_76 = vector.multi_reduction <add>, %max3A_75, %reduce_sum3A [1] : vector<2000x128xf32> to vector<2000xf32>
    %broadcast_in_dim3A = vector.shape_cast %reduce_sum3A_76 : vector<2000xf32> to vector<2000x1xf32>
    %div3A = arith.constant 1.280000e+02 : f32
    %div3A_77 = vector.broadcast %div3A : f32 to vector<2000x1xf32>
    %div3A_78 = arith.divf %broadcast_in_dim3A, %div3A_77 : vector<2000x1xf32>
    %sub3A = vector.broadcast %div3A_78 : vector<2000x1xf32> to vector<2000x128xf32>
    %sub3A_79 = arith.subf %max3A_75, %sub3A : vector<2000x128xf32>
    %integer_pow3A = arith.mulf %sub3A_79, %sub3A_79 : vector<2000x128xf32>
    %reduce_sum3A_80 = arith.constant dense<0.000000e+00> : vector<2000xf32>
    %reduce_sum3A_81 = vector.multi_reduction <add>, %integer_pow3A, %reduce_sum3A_80 [1] : vector<2000x128xf32> to vector<2000xf32>
    %broadcast_in_dim3A_82 = vector.shape_cast %reduce_sum3A_81 : vector<2000xf32> to vector<2000x1xf32>
    %div3A_83 = arith.constant 1.280000e+02 : f32
    %div3A_84 = vector.broadcast %div3A_83 : f32 to vector<2000x1xf32>
    %div3A_85 = arith.divf %broadcast_in_dim3A_82, %div3A_84 : vector<2000x1xf32>
    %sub3A_86 = vector.broadcast %div3A_78 : vector<2000x1xf32> to vector<2000x128xf32>
    %sub3A_87 = arith.subf %max3A_75, %sub3A_86 : vector<2000x128xf32>
    %add3A_88 = arith.constant 9.99999974E-6 : f32
    %add3A_89 = vector.broadcast %add3A_88 : f32 to vector<2000x1xf32>
    %add3A_90 = arith.addf %div3A_85, %add3A_89 : vector<2000x1xf32>
    %sqrt3A = math.sqrt %add3A_90 : vector<2000x1xf32>
    %div3A_91 = vector.broadcast %sqrt3A : vector<2000x1xf32> to vector<2000x128xf32>
    %div3A_92 = arith.divf %sub3A_87, %div3A_91 : vector<2000x128xf32>
    %get3A_93 = arith.constant 0 : index
    %get3A_94 = arith.constant 0 : index
    %get3A_95 = vector.load %arg13[%get3A_93, %get3A_94] : memref<1x128xf32, #tpu.memory_space<vmem>>, vector<1x128xf32>
    %mul3A = vector.broadcast %get3A_95 : vector<1x128xf32> to vector<2000x128xf32>
    %mul3A_96 = arith.mulf %div3A_92, %mul3A : vector<2000x128xf32>
    %get3A_97 = arith.constant 0 : index
    %get3A_98 = arith.constant 0 : index
    %get3A_99 = vector.load %arg14[%get3A_97, %get3A_98] : memref<1x128xf32, #tpu.memory_space<vmem>>, vector<1x128xf32>
    %add3A_100 = vector.broadcast %get3A_99 : vector<1x128xf32> to vector<2000x128xf32>
    %add3A_101 = arith.addf %mul3A_96, %add3A_100 : vector<2000x128xf32>
    %swap3A = arith.constant 0 : index
    %swap3A_102 = arith.constant 0 : index
    %swap3A_103 = vector.load %arg16[%swap3A, %swap3A_102] : memref<2000x128xf32, #tpu.memory_space<vmem>>, vector<2000x128xf32>
    tpu.vector_store %arg16[%swap3A, %swap3A_102], %add3A_101 {strides = array<i32>} : memref<2000x128xf32, #tpu.memory_space<vmem>>, vector<2000x128xf32>,
    %add3A_104 = arith.addf %get3A_1, %add3A_101 : vector<2000x128xf32>
    %swap3A_105 = arith.constant 0 : index
    %swap3A_106 = arith.constant 0 : index
    %swap3A_107 = vector.load %arg17[%swap3A_105, %swap3A_106] : memref<2000x128xf32, #tpu.memory_space<vmem>>, vector<2000x128xf32>
    tpu.vector_store %arg17[%swap3A_105, %swap3A_106], %add3A_104 {strides = array<i32>} : memref<2000x128xf32, #tpu.memory_space<vmem>>, vector<2000x128xf32>,
    return
  }
  func.func @transform_0(%arg0: i32, %arg1: i32) -> (i32, i32) {
    %c0_i32 = arith.constant 0 : i32
    %c0_i32_0 = arith.constant 0 : i32
    return %arg0, %c0_i32 : i32, i32
  }
  func.func @transform_1(%arg0: i32, %arg1: i32) -> (i32, i32) {
    %c0_i32 = arith.constant 0 : i32
    %c0_i32_0 = arith.constant 0 : i32
    return %arg0, %c0_i32 : i32, i32
  }
  func.func @transform_2(%arg0: i32, %arg1: i32) -> (i32, i32) {
    %mul3A = arith.constant 40 : i32
    %mul3A_0 = arith.muli %arg1, %mul3A : i32
    %add3A = arith.constant 80 : i32
    %add3A_1 = arith.addi %add3A, %mul3A_0 : i32
    %add3A_2 = arith.addi %add3A_1, %arg0 : i32
    %c0_i32 = arith.constant 0 : i32
    %c0_i32_3 = arith.constant 0 : i32
    return %add3A_2, %c0_i32 : i32, i32
  }
  func.func @transform_3(%arg0: i32, %arg1: i32) -> (i32, i32, i32) {
    %c0_i32 = arith.constant 0 : i32
    %c0_i32_0 = arith.constant 0 : i32
    %c0_i32_1 = arith.constant 0 : i32
    return %arg1, %c0_i32, %c0_i32_0 : i32, i32, i32
  }
  func.func @transform_4(%arg0: i32, %arg1: i32) -> (i32, i32, i32) {
    %c0_i32 = arith.constant 0 : i32
    %c0_i32_0 = arith.constant 0 : i32
    %c0_i32_1 = arith.constant 0 : i32
    return %arg1, %c0_i32, %c0_i32_0 : i32, i32, i32
  }
  func.func @transform_5(%arg0: i32, %arg1: i32) -> (i32, i32, i32) {
    %c0_i32 = arith.constant 0 : i32
    %c0_i32_0 = arith.constant 0 : i32
    %c0_i32_1 = arith.constant 0 : i32
    return %arg1, %c0_i32, %c0_i32_0 : i32, i32, i32
  }
  func.func @transform_6(%arg0: i32, %arg1: i32) -> (i32, i32, i32) {
    %c0_i32 = arith.constant 0 : i32
    %c0_i32_0 = arith.constant 0 : i32
    %c0_i32_1 = arith.constant 0 : i32
    return %arg1, %c0_i32, %c0_i32_0 : i32, i32, i32
  }
  func.func @transform_7(%arg0: i32, %arg1: i32) -> (i32, i32) {
    %c0_i32 = arith.constant 0 : i32
    %c0_i32_0 = arith.constant 0 : i32
    %c0_i32_1 = arith.constant 0 : i32
    return %c0_i32, %c0_i32_0 : i32, i32
  }
  func.func @transform_8(%arg0: i32, %arg1: i32) -> (i32, i32) {
    %c0_i32 = arith.constant 0 : i32
    %c0_i32_0 = arith.constant 0 : i32
    %c0_i32_1 = arith.constant 0 : i32
    return %c0_i32, %c0_i32_0 : i32, i32
  }
  func.func @transform_9(%arg0: i32, %arg1: i32) -> (i32, i32) {
    %c0_i32 = arith.constant 0 : i32
    %c0_i32_0 = arith.constant 0 : i32
    %c0_i32_1 = arith.constant 0 : i32
    return %c0_i32, %c0_i32_0 : i32, i32
  }
  func.func @transform_10(%arg0: i32, %arg1: i32) -> (i32, i32) {
    %c0_i32 = arith.constant 0 : i32
    %c0_i32_0 = arith.constant 0 : i32
    %c0_i32_1 = arith.constant 0 : i32
    return %c0_i32, %c0_i32_0 : i32, i32
  }
  func.func @transform_11(%arg0: i32, %arg1: i32) -> (i32, i32) {
    %c0_i32 = arith.constant 0 : i32
    %c0_i32_0 = arith.constant 0 : i32
    %c0_i32_1 = arith.constant 0 : i32
    return %c0_i32, %c0_i32_0 : i32, i32
  }
  func.func @transform_12(%arg0: i32, %arg1: i32) -> (i32, i32) {
    %c0_i32 = arith.constant 0 : i32
    %c0_i32_0 = arith.constant 0 : i32
    %c0_i32_1 = arith.constant 0 : i32
    return %c0_i32, %c0_i32_0 : i32, i32
  }
  func.func @transform_14(%arg0: i32, %arg1: i32) -> (i32, i32) {
    %mul3A = arith.constant 40 : i32
    %mul3A_0 = arith.muli %arg1, %mul3A : i32
    %add3A = arith.addi %mul3A_0, %arg0 : i32
    %c0_i32 = arith.constant 0 : i32
    %c0_i32_1 = arith.constant 0 : i32
    return %add3A, %c0_i32 : i32, i32
  }
  func.func @transform_15(%arg0: i32, %arg1: i32) -> (i32, i32) {
    %mul3A = arith.constant 40 : i32
    %mul3A_0 = arith.muli %arg1, %mul3A : i32
    %add3A = arith.constant 80 : i32
    %add3A_1 = arith.addi %add3A, %mul3A_0 : i32
    %add3A_2 = arith.addi %add3A_1, %arg0 : i32
    %c0_i32 = arith.constant 0 : i32
    %c0_i32_3 = arith.constant 0 : i32
    return %add3A_2, %c0_i32 : i32, i32
  }
}

module attributes {stable_mosaic.version = 14 : i64} {
  func.func @_node_mlp_body(%arg0: i32, %arg1: memref<2000x128xf32, #tpu.memory_space<vmem>>, %arg2: memref<2000x128xf32, #tpu.memory_space<vmem>>, %arg3: memref<2000x128xf32, #tpu.memory_space<vmem>>, %arg4: memref<2000x128xf32, #tpu.memory_space<vmem>>, %arg5: memref<2000x128xf32, #tpu.memory_space<vmem>>, %arg6: memref<256x128xf32, #tpu.memory_space<vmem>>, %arg7: memref<1x128xf32, #tpu.memory_space<vmem>>, %arg8: memref<128x128xf32, #tpu.memory_space<vmem>>, %arg9: memref<1x128xf32, #tpu.memory_space<vmem>>, %arg10: memref<1x128xf32, #tpu.memory_space<vmem>>, %arg11: memref<1x128xf32, #tpu.memory_space<vmem>>, %arg12: memref<2000x128xf32, #tpu.memory_space<vmem>>) attributes {dimension_semantics = [#tpu.dimension_semantics<arbitrary>], iteration_bounds = array<i64: 5>, scalar_prefetch = 0 : i64, scratch_operands = 0 : i64, tpu.core_type = #tpu.core_type<tc>, window_params = [{transform_indices = @transform_0, window_bounds = array<i64: 2000, 128>}, {transform_indices = @transform_1, window_bounds = array<i64: 2000, 128>}, {transform_indices = @transform_2, window_bounds = array<i64: 2000, 128>}, {transform_indices = @transform_3, window_bounds = array<i64: 2000, 128>}, {transform_indices = @transform_4, window_bounds = array<i64: 2000, 128>}, {pipeline_mode = #tpu.pipeline_mode<synchronous>, transform_indices = @transform_5, window_bounds = array<i64: 256, 128>}, {pipeline_mode = #tpu.pipeline_mode<synchronous>, transform_indices = @transform_6, window_bounds = array<i64: 1, 128>}, {pipeline_mode = #tpu.pipeline_mode<synchronous>, transform_indices = @transform_7, window_bounds = array<i64: 128, 128>}, {pipeline_mode = #tpu.pipeline_mode<synchronous>, transform_indices = @transform_8, window_bounds = array<i64: 1, 128>}, {pipeline_mode = #tpu.pipeline_mode<synchronous>, transform_indices = @transform_9, window_bounds = array<i64: 1, 128>}, {pipeline_mode = #tpu.pipeline_mode<synchronous>, transform_indices = @transform_10, window_bounds = array<i64: 1, 128>}, {transform_indices = @transform_11, window_bounds = array<i64: 2000, 128>}]} {
    %get3A = arith.constant 0 : index
    %get3A_0 = arith.constant 0 : index
    %get3A_1 = vector.load %arg1[%get3A, %get3A_0] : memref<2000x128xf32, #tpu.memory_space<vmem>>, vector<2000x128xf32>
    %get3A_2 = arith.constant 0 : index
    %get3A_3 = arith.constant 0 : index
    %get3A_4 = vector.load %arg2[%get3A_2, %get3A_3] : memref<2000x128xf32, #tpu.memory_space<vmem>>, vector<2000x128xf32>
    %get3A_5 = arith.constant 0 : index
    %get3A_6 = arith.constant 0 : index
    %get3A_7 = vector.load %arg3[%get3A_5, %get3A_6] : memref<2000x128xf32, #tpu.memory_space<vmem>>, vector<2000x128xf32>
    %add3A = arith.addf %get3A_4, %get3A_7 : vector<2000x128xf32>
    %get3A_8 = arith.constant 0 : index
    %get3A_9 = arith.constant 0 : index
    %get3A_10 = vector.load %arg4[%get3A_8, %get3A_9] : memref<2000x128xf32, #tpu.memory_space<vmem>>, vector<2000x128xf32>
    %get3A_11 = arith.constant 0 : index
    %get3A_12 = arith.constant 0 : index
    %get3A_13 = vector.load %arg5[%get3A_11, %get3A_12] : memref<2000x128xf32, #tpu.memory_space<vmem>>, vector<2000x128xf32>
    %add3A_14 = arith.addf %get3A_10, %get3A_13 : vector<2000x128xf32>
    %add3A_15 = arith.addf %add3A, %add3A_14 : vector<2000x128xf32>
    %concatenate3A = tpu.concatenate %get3A_1, %add3A_15 in 1 : vector<2000x128xf32>, vector<2000x128xf32> -> vector<2000x256xf32>
    %get3A_16 = arith.constant 0 : index
    %get3A_17 = arith.constant 0 : index
    %get3A_18 = vector.load %arg6[%get3A_16, %get3A_17] : memref<256x128xf32, #tpu.memory_space<vmem>>, vector<256x128xf32>
    %dot_general3A = arith.constant dense<0.000000e+00> : vector<2000x128xf32>
    %dot_general3A_19 = tpu.matmul %concatenate3A, %get3A_18, %dot_general3A {dimension_numbers = #tpu.dot_dimension_numbers<[1], [0], [0], [1], [0, 0, 1, 1], [], []>, transpose_lhs_hint = false} : vector<2000x256xf32>, vector<256x128xf32>, vector<2000x128xf32> -> vector<2000x128xf32>
    %get3A_20 = arith.constant 0 : index
    %get3A_21 = arith.constant 0 : index
    %get3A_22 = vector.load %arg7[%get3A_20, %get3A_21] : memref<1x128xf32, #tpu.memory_space<vmem>>, vector<1x128xf32>
    %add3A_23 = vector.broadcast %get3A_22 : vector<1x128xf32> to vector<2000x128xf32>
    %add3A_24 = arith.addf %dot_general3A_19, %add3A_23 : vector<2000x128xf32>
    %max3A = arith.constant 0.000000e+00 : f32
    %max3A_25 = vector.broadcast %max3A : f32 to vector<2000x128xf32>
    %max3A_26 = arith.maximumf %add3A_24, %max3A_25 : vector<2000x128xf32>
    %get3A_27 = arith.constant 0 : index
    %get3A_28 = arith.constant 0 : index
    %get3A_29 = vector.load %arg8[%get3A_27, %get3A_28] : memref<128x128xf32, #tpu.memory_space<vmem>>, vector<128x128xf32>
    %dot_general3A_30 = arith.constant dense<0.000000e+00> : vector<2000x128xf32>
    %dot_general3A_31 = tpu.matmul %max3A_26, %get3A_29, %dot_general3A_30 {dimension_numbers = #tpu.dot_dimension_numbers<[1], [0], [0], [1], [0, 0, 1, 1], [], []>, transpose_lhs_hint = false} : vector<2000x128xf32>, vector<128x128xf32>, vector<2000x128xf32> -> vector<2000x128xf32>
    %get3A_32 = arith.constant 0 : index
    %get3A_33 = arith.constant 0 : index
    %get3A_34 = vector.load %arg9[%get3A_32, %get3A_33] : memref<1x128xf32, #tpu.memory_space<vmem>>, vector<1x128xf32>
    %add3A_35 = vector.broadcast %get3A_34 : vector<1x128xf32> to vector<2000x128xf32>
    %add3A_36 = arith.addf %dot_general3A_31, %add3A_35 : vector<2000x128xf32>
    %max3A_37 = arith.constant 0.000000e+00 : f32
    %max3A_38 = vector.broadcast %max3A_37 : f32 to vector<2000x128xf32>
    %max3A_39 = arith.maximumf %add3A_36, %max3A_38 : vector<2000x128xf32>
    %reduce_sum3A = arith.constant dense<0.000000e+00> : vector<2000xf32>
    %reduce_sum3A_40 = vector.multi_reduction <add>, %max3A_39, %reduce_sum3A [1] : vector<2000x128xf32> to vector<2000xf32>
    %broadcast_in_dim3A = vector.shape_cast %reduce_sum3A_40 : vector<2000xf32> to vector<2000x1xf32>
    %div3A = arith.constant 1.280000e+02 : f32
    %div3A_41 = vector.broadcast %div3A : f32 to vector<2000x1xf32>
    %div3A_42 = arith.divf %broadcast_in_dim3A, %div3A_41 : vector<2000x1xf32>
    %sub3A = vector.broadcast %div3A_42 : vector<2000x1xf32> to vector<2000x128xf32>
    %sub3A_43 = arith.subf %max3A_39, %sub3A : vector<2000x128xf32>
    %integer_pow3A = arith.mulf %sub3A_43, %sub3A_43 : vector<2000x128xf32>
    %reduce_sum3A_44 = arith.constant dense<0.000000e+00> : vector<2000xf32>
    %reduce_sum3A_45 = vector.multi_reduction <add>, %integer_pow3A, %reduce_sum3A_44 [1] : vector<2000x128xf32> to vector<2000xf32>
    %broadcast_in_dim3A_46 = vector.shape_cast %reduce_sum3A_45 : vector<2000xf32> to vector<2000x1xf32>
    %div3A_47 = arith.constant 1.280000e+02 : f32
    %div3A_48 = vector.broadcast %div3A_47 : f32 to vector<2000x1xf32>
    %div3A_49 = arith.divf %broadcast_in_dim3A_46, %div3A_48 : vector<2000x1xf32>
    %sub3A_50 = vector.broadcast %div3A_42 : vector<2000x1xf32> to vector<2000x128xf32>
    %sub3A_51 = arith.subf %max3A_39, %sub3A_50 : vector<2000x128xf32>
    %add3A_52 = arith.constant 9.99999974E-6 : f32
    %add3A_53 = vector.broadcast %add3A_52 : f32 to vector<2000x1xf32>
    %add3A_54 = arith.addf %div3A_49, %add3A_53 : vector<2000x1xf32>
    %sqrt3A = math.sqrt %add3A_54 : vector<2000x1xf32>
    %div3A_55 = vector.broadcast %sqrt3A : vector<2000x1xf32> to vector<2000x128xf32>
    %div3A_56 = arith.divf %sub3A_51, %div3A_55 : vector<2000x128xf32>
    %get3A_57 = arith.constant 0 : index
    %get3A_58 = arith.constant 0 : index
    %get3A_59 = vector.load %arg10[%get3A_57, %get3A_58] : memref<1x128xf32, #tpu.memory_space<vmem>>, vector<1x128xf32>
    %mul3A = vector.broadcast %get3A_59 : vector<1x128xf32> to vector<2000x128xf32>
    %mul3A_60 = arith.mulf %div3A_56, %mul3A : vector<2000x128xf32>
    %get3A_61 = arith.constant 0 : index
    %get3A_62 = arith.constant 0 : index
    %get3A_63 = vector.load %arg11[%get3A_61, %get3A_62] : memref<1x128xf32, #tpu.memory_space<vmem>>, vector<1x128xf32>
    %add3A_64 = vector.broadcast %get3A_63 : vector<1x128xf32> to vector<2000x128xf32>
    %add3A_65 = arith.addf %mul3A_60, %add3A_64 : vector<2000x128xf32>
    %add3A_66 = arith.addf %add3A_65, %get3A_1 : vector<2000x128xf32>
    %swap3A = arith.constant 0 : index
    %swap3A_67 = arith.constant 0 : index
    %swap3A_68 = vector.load %arg12[%swap3A, %swap3A_67] : memref<2000x128xf32, #tpu.memory_space<vmem>>, vector<2000x128xf32>
    tpu.vector_store %arg12[%swap3A, %swap3A_67], %add3A_66 {strides = array<i32>} : memref<2000x128xf32, #tpu.memory_space<vmem>>, vector<2000x128xf32>,
    return
  }
  func.func @transform_0(%arg0: i32) -> (i32, i32) {
    %c0_i32 = arith.constant 0 : i32
    %c0_i32_0 = arith.constant 0 : i32
    return %arg0, %c0_i32 : i32, i32
  }
  func.func @transform_1(%arg0: i32) -> (i32, i32) {
    %c0_i32 = arith.constant 0 : i32
    %c0_i32_0 = arith.constant 0 : i32
    return %arg0, %c0_i32 : i32, i32
  }
  func.func @transform_2(%arg0: i32) -> (i32, i32) {
    %c0_i32 = arith.constant 0 : i32
    %c0_i32_0 = arith.constant 0 : i32
    return %arg0, %c0_i32 : i32, i32
  }
  func.func @transform_3(%arg0: i32) -> (i32, i32) {
    %c0_i32 = arith.constant 0 : i32
    %c0_i32_0 = arith.constant 0 : i32
    return %arg0, %c0_i32 : i32, i32
  }
  func.func @transform_4(%arg0: i32) -> (i32, i32) {
    %c0_i32 = arith.constant 0 : i32
    %c0_i32_0 = arith.constant 0 : i32
    return %arg0, %c0_i32 : i32, i32
  }
  func.func @transform_5(%arg0: i32) -> (i32, i32) {
    %c0_i32 = arith.constant 0 : i32
    %c0_i32_0 = arith.constant 0 : i32
    %c0_i32_1 = arith.constant 0 : i32
    return %c0_i32, %c0_i32_0 : i32, i32
  }
  func.func @transform_6(%arg0: i32) -> (i32, i32) {
    %c0_i32 = arith.constant 0 : i32
    %c0_i32_0 = arith.constant 0 : i32
    %c0_i32_1 = arith.constant 0 : i32
    return %c0_i32, %c0_i32_0 : i32, i32
  }
  func.func @transform_7(%arg0: i32) -> (i32, i32) {
    %c0_i32 = arith.constant 0 : i32
    %c0_i32_0 = arith.constant 0 : i32
    %c0_i32_1 = arith.constant 0 : i32
    return %c0_i32, %c0_i32_0 : i32, i32
  }
  func.func @transform_8(%arg0: i32) -> (i32, i32) {
    %c0_i32 = arith.constant 0 : i32
    %c0_i32_0 = arith.constant 0 : i32
    %c0_i32_1 = arith.constant 0 : i32
    return %c0_i32, %c0_i32_0 : i32, i32
  }
  func.func @transform_9(%arg0: i32) -> (i32, i32) {
    %c0_i32 = arith.constant 0 : i32
    %c0_i32_0 = arith.constant 0 : i32
    %c0_i32_1 = arith.constant 0 : i32
    return %c0_i32, %c0_i32_0 : i32, i32
  }
  func.func @transform_10(%arg0: i32) -> (i32, i32) {
    %c0_i32 = arith.constant 0 : i32
    %c0_i32_0 = arith.constant 0 : i32
    %c0_i32_1 = arith.constant 0 : i32
    return %c0_i32, %c0_i32_0 : i32, i32
  }
  func.func @transform_11(%arg0: i32) -> (i32, i32) {
    %c0_i32 = arith.constant 0 : i32
    %c0_i32_0 = arith.constant 0 : i32
    return %arg0, %c0_i32 : i32, i32
  }
}

</mosaic_0001>

<sc_bundles>
// kernel: kernel.12.cloned.1.call-start
scs
__scs_entry_jumppad:
0x0: {  	(pc) =	sbr.rel $0x88, $3  }
0x1: {  	(tag) =	ssettag $0x0;
	lr =	simm.s32 $0x1  }
0x2: {  	[smem:$0x3F91] =	sst lr;
	_ =	strace $0xD0000000  }
0x3: {  	_ = 	snop  }
0x4: {  	_ = 	snop  }
0x5: {  	_ = 	snop  }
0x6: {  	_ = 	snop  }
0x7: {  	_ = 	snop  }
__scs_overlays_trampoline_lowered:
0x8: {  	[smem:$0x3FA0] =	sst s0  }
0x9: {  	[smem:$0x3FA1] =	sst s1  }
0xa: {  	[smem:$0x3FA2] =	sst s2  }
0xb: {  	[smem:$0x3FA3] =	sst s3  }
0xc: {  	[smem:$0x3FA4] =	sst s4  }
0xd: {  	[smem:$0x3FA5] =	sst s5  }
0xe: {  	[smem:$0x3FA6] =	sst s6  }
0xf: {  	[smem:$0x3FA7] =	sst s7  }
0x10: {  	[smem:$0x3FA8] =	sst s8  }
0x11: {  	[smem:$0x3FA9] =	sst s9;
	s0 =	simm.s32 @!p0 $0x0  }
0x12: {  	s1 =	sld [smem:$0x3F8F];
	s0 =	simm.s32 @p0 $0x1  }
0x13: {  	[smem:$0x3FAA] =	sst s0;
	s0 =	simm.s32 @!p1 $0x0  }
0x14: {  	s2 =	sld [smem:$0x3F8E];
	s0 =	simm.s32 @p1 $0x1  }
0x15: {  	[smem:$0x3FAB] =	sst s0;
	s0 =	simm.s32 @!p2 $0x0  }
0x16: {  	s3 =	sld [smem:$0x3FDB];
	s0 =	simm.s32 @p2 $0x1  }
0x17: {  	s4 =	simm.s32 $0x1BF5;
	[smem:$0x3FAD] =	sst s0  }
0x18: {  	s0 =	sld [smem:$0x3F90];
	_ =	swait.ge [sflag:s4], $0x0  }
0x19: {  	s7 =	sld [smem:$0x3F91]  }
0x1a: {  	s8 =	sadd.s32 $0xFFFFE003, lr  }
0x1b: {  	s9 =	sadd.s32 $0xFFFFFEF7, lr;
	s5 =	simm.s32 $0xFFFFFFFF;
	p2 =	slt.u32 s8, $0xFFFFF086  }
0x1c: {  	p1 =	slt.u32 s9, $0xF7A;
	s5 =	simm.s32 @!p2 $0x0  }
0x1d: {  	s5 =	simm.s32 @p1 $0x1;
	p0 =	seq.s32 s7, s2  }
0x1e: {  	s7 =	smul.u32 @!p0 $0xF7A, s2;
	p2 =	seq.s32 @!p0 s5, $0x0  }
0x1f: {  	s9 =	smul.u32 $0xF7A, s1;
	s8 =	simm.s32 @!p0 $0x1BF5;
	p2 =	por !p2, p0  }
0x20: {  	[sflag:s8] =	ssyncset.s32 @!p0 $0xFFFFF086;
	s6 =	sadd.s32 @!p0 s3, s7;
	s7 =	simm.s32 @!p0 $0x108  }
0x21: {  	s3 =	sadd.s32 s3, s9;
	s6 =	sadd.s32 @!p0 $0x88, s6;
	s7 =	simm.s32 @p2 $0x1082  }
0x22: {  	[simem:s7], [sflag:s8] =	dma.local @!p0 [hbm:s6], $0xF7A  }
0x23: {  	s9 =	sor.u32 $0xD0000000, s2;
	s6 =	simm.s32 $0x108;
	_ =	swait.ge @!p0 [sflag:s8], $0x0  }
0x24: {  	s3 =	sadd.s32 $0x88, s3;
	s6 =	simm.s32 @!p1 $0x1082;
	[sflag:s4] =	ssyncset.s32 $0xFFFFF086  }
0x25: {  	[simem:s6], [sflag:s4] =	dma.local [hbm:s3], $0xF7A  }
0x26: {  	[smem:$0x3F91] =	sst s1;
	(tag) =	ssettag s2;
	_ =	strace s9  }
0x27: {  	s1 =	sld [smem:$0x3FA1]  }
0x28: {  	s2 =	sld [smem:$0x3FA2]  }
0x29: {  	s4 =	sld [smem:$0x3FA4]  }
0x2a: {  	p0 =	seq.s32 s5, $0x0;
	s5 =	sld [smem:$0x3FA5]  }
0x2b: {  	s6 =	sld [smem:$0x3FA6]  }
0x2c: {  	s7 =	sld [smem:$0x3FA7]  }
0x2d: {  	s3 =	simm.s32 $0x108;
	s8 =	sld [smem:$0x3FA8]  }
0x2e: {  	s3 =	simm.s32 @!p0 $0x1082;
	s9 =	sld [smem:$0x3FA9]  }
0x2f: {  	lr =	sadd.s32 s0, s3;
	s0 =	sld [smem:$0x3FA0]  }
0x30: {  	s3 =	sld [smem:$0x3FA3]  }
0x31: {  	[smem:$0x3FAC] =	sst s10  }
0x32: {  	s10 =	sld [smem:$0x3FAA];
	_ =	sdelay $0x3  }
0x33: {  	p0 =	seq.s32 s10, $0x1;
	s10 =	sld [smem:$0x3FAC];
	_ =	sdelay $0x3  }
0x34: {  	[smem:$0x3FAC] =	sst s10  }
0x35: {  	s10 =	sld [smem:$0x3FAB];
	_ =	sdelay $0x3  }
0x36: {  	p1 =	seq.s32 s10, $0x1;
	s10 =	sld [smem:$0x3FAC];
	_ =	sdelay $0x3  }
0x37: {  	[smem:$0x3FAC] =	sst s10  }
0x38: {  	s10 =	sld [smem:$0x3FAD]  }
0x39: {  	_ = 	snop;
	(pc) =	sbr.ind lr, $3  }
0x3a: {  	_ = 	snop  }
0x3b: {  	_ = 	snop  }
0x3c: {  	p2 =	seq.s32 s10, $0x1;
	s10 =	sld [smem:$0x3FAC]  }
0x3d: {  	_ =	shalt  }
0x3e: {  	_ =	shalt  }
0x3f: {  	_ =	shalt  }
0x40: {  	_ =	shalt  }
0x41: {  	_ =	shalt  }
0x42: {  	_ =	shalt  }
0x43: {  	_ =	shalt  }
0x44: {  	_ =	shalt  }
0x45: {  	_ =	shalt  }
0x46: {  	_ =	shalt  }
0x47: {  	_ =	shalt  }
0x48: {  	_ =	shalt  }
0x49: {  	_ =	shalt  }
0x4a: {  	_ =	shalt  }
0x4b: {  	_ =	shalt  }
0x4c: {  	_ =	shalt  }
0x4d: {  	_ =	shalt  }
0x4e: {  	_ =	shalt  }
0x4f: {  	_ =	shalt  }
0x50: {  	_ =	shalt  }
0x51: {  	_ =	shalt  }
0x52: {  	_ =	shalt  }
0x53: {  	_ =	shalt  }
0x54: {  	_ =	shalt  }
0x55: {  	_ =	shalt  }
0x56: {  	_ =	shalt  }
0x57: {  	_ =	shalt  }
0x58: {  	_ =	shalt  }
0x59: {  	_ =	shalt  }
0x5a: {  	_ =	shalt  }
0x5b: {  	_ =	shalt  }
0x5c: {  	_ =	shalt  }
0x5d: {  	_ =	shalt  }
0x5e: {  	_ =	shalt  }
0x5f: {  	_ =	shalt  }
0x60: {  	_ =	shalt  }
0x61: {  	_ =	shalt  }
0x62: {  	_ =	shalt  }
0x63: {  	_ =	shalt  }
0x64: {  	_ =	shalt  }
0x65: {  	_ =	shalt  }
0x66: {  	_ =	shalt  }
0x67: {  	_ =	shalt  }
0x68: {  	_ =	shalt  }
0x69: {  	_ =	shalt  }
0x6a: {  	_ =	shalt  }
0x6b: {  	_ =	shalt  }
0x6c: {  	_ =	shalt  }
0x6d: {  	_ =	shalt  }
0x6e: {  	_ =	shalt  }
0x6f: {  	_ =	shalt  }
0x70: {  	_ =	shalt  }
0x71: {  	_ =	shalt  }
0x72: {  	_ =	shalt  }
0x73: {  	_ =	shalt  }
0x74: {  	_ =	shalt  }
0x75: {  	_ =	shalt  }
0x76: {  	_ =	shalt  }
0x77: {  	_ =	shalt  }
0x78: {  	_ =	shalt  }
0x79: {  	_ =	shalt  }
0x7a: {  	_ =	shalt  }
0x7b: {  	_ =	shalt  }
0x7c: {  	_ =	shalt  }
0x7d: {  	_ =	shalt  }
0x7e: {  	_ =	shalt  }
0x7f: {  	_ =	shalt  }
0x80: {  	_ =	shalt  }
0x81: {  	_ =	shalt  }
0x82: {  	_ =	shalt  }
0x83: {  	_ =	shalt  }
0x84: {  	_ =	shalt  }
0x85: {  	_ =	shalt  }
0x86: {  	_ =	shalt  }
0x87: {  	_ =	shalt  }
.Lfunc_end0:
.L_simem_size_0:
called_computation.1_lowered:
.L_overlay_start_0:
0x88: {  	s2 =	sld [smem:$0x3FD9]  }
0x89: {  	s3 =	sld [smem:$0x3FFE];
	_ =	sdelay $0x1  }
0x8a: {  	s1 =	srdreg.scid  }
0x8b: {  	s0 =	sand.u32 $0x1, s1  }
0x8c: {  	s17 =	sshll.u32 s0, $0xA;
	s2 =	sadd.s32 s3, s2  }
0x8d: {  	s2 =	sadd.s32 s2, s17  }
0x8e: {  	[smem:$0x3FB8] =	sst s2  }
0x8f: {  	_ = 	snop  }
0x90: {  	(tm) =	ssettm $0x1  }
0x91: {  	s18 =	sld [smem:$0x3FFB];
	_ =	sdelay $0x3  }
0x92: {  	_ =	strace s18  }
0x93: {  	s2 =	sld [smem:$0x3FFC];
	_ =	sdelay $0x3  }
0x94: {  	_ =	strace s2  }
0x95: {  	s2 =	sld [smem:$0x3FFD];
	_ =	sdelay $0x3  }
0x96: {  	_ =	strace s2  }
0x97: {  	_ =	strace $0x8FFFFFFF  }
0x98: {  	s19 =	sld [smem:$0x3FDB];
	_ =	sdelay $0x1  }
0x99: {  	s20 =	simm.s32 $_scs_section_size  }
0x9a: {  	s4 =	simm.s32 $_size__tile_overlayer_lowered;
	s5 =	simm.s32 $_tile_overlayer_lowered  }
0x9b: {  	s6 =	simm.s32 $0x1BFF;
	s21 =	sshll.u32 s5, $0x1;
	s3 =	sadd.s32 s20, s19  }
0x9c: {  	s22 =	simm.s32 $0x0;
	s4 =	sshll.u32 s4, $0x1;
	s5 =	sadd.s32 s21, s3  }
0x9d: {  	[timem:s22], [sflag:s6] =	dma.local [hbm:s5], s4  }
0x9e: {  	_ =	swait.ge [sflag:s6], s4  }
0x9f: {  	s4 =	ssub.s32 $0x0, s4;
	[sflag:s6] =	ssyncset.done $0x0  }
0xa0: {  	[sflag:s6] =	ssyncadd.s32 s4;
	_ =	sdelay $0x1  }
0xa1: {  	s23 =	simm.s32 $0x1B8B  }
0xa2: {  	_ =	swait.ge [sflag:s23], $0x1  }
0xa3: {  	[sflag:s23] =	ssyncset.done $0x0  }
0xa4: {  	[sflag:s23] =	ssyncadd.s32 $0xFFFFFFFF  }
0xa5: {  	s4 =	sld [smem:$0x0]  }
0xa6: {  	s5 =	sand.u32 $0xFFFFFFFE, s1  }
0xa7: {  	p0 =	sne.s32 s1, s5  }
0xa8: {  	s5 =	sshll.u32 @p0 s5, $0xE  }
0xa9: {  	s5 =	sadd.s32 @p0 $0x11B8D, s5;
	s6 =	sshll.u32 @p0 s4, $0x11  }
0xaa: {  	s5 =	sor.u32 @p0 s6, s5  }
0xab: {  	[sflag:s5] =	ssyncadd.remote.s32 @p0 $0x1;
	_ =	sdelay $0x1  }
0xac: {  	s5 =	simm.s32 @p0 $0x1B8D  }
0xad: {  	_ =	swait.eq @p0 [sflag:s5], $0x1  }
0xae: {  	[sflag:s5] =	ssyncadd.s32 @p0 $0xFFFFFFFF  }
0xaf: {  	s6 =	sshll.u32 @!p0 s1, $0xE  }
0xb0: {  	s6 =	sor.u32 @!p0 $0x4000, s6;
	s5 =	simm.s32 @!p0 $0x1B8D  }
0xb1: {  	s4 =	sshll.u32 @!p0 s4, $0x11;
	s6 =	sadd.s32 @!p0 $0x11B8D, s6;
	_ =	swait.eq @!p0 [sflag:s5], $0x1  }
0xb2: {  	s4 =	sor.u32 @!p0 s4, s6;
	[sflag:s5] =	ssyncadd.s32 @!p0 $0xFFFFFFFF  }
0xb3: {  	s25 =	simm.s32 $0x1B8E;
	s24 =	sld [smem:$0x3FFE];
	[sflag:s4] =	ssyncadd.remote.s32 @!p0 $0x1  }
0xb4: {  	s26 =	simm.s32 $execute0_lowered;
	[smem:$0x3FD2] =	sst s25  }
0xb5: {  	s5 =	sshll.u32 s26, $0x1;
	_ =	strace $0x80000049;
	[dreg:$0x1] =	wrdreg $0xFFFFFFFF  }
0xb6: {  	s28 =	simm.s32 $_size_execute0_lowered;
	s3 =	sadd.s32 s3, s5;
	[dreg:$0x0] =	wrdreg $0x0  }
0xb7: {  	s5 =	sshll.u32 s28, $0x1;
	[dreg:$0x2] =	wrdreg s3  }
0xb8: {  	[dreg:$0x3] =	wrdreg s5  }
0xb9: {  	[dreg:$0x4] =	wrdreg $0xC0  }
0xba: {  	_ =	task [dreg:s22], $0x5FFFF  }
0xbb: {  	[dreg:$0x1] =	wrdreg $0xFFFFFFFF  }
0xbc: {  	[dreg:$0x0] =	wrdreg $0x60  }
0xbd: {  	[dreg:$0x2] =	wrdreg s24  }
0xbe: {  	[dreg:$0x3] =	wrdreg $0x9  }
0xbf: {  	_ =	task.clear_ibuf [dreg:s22], $0x4FFFF;
	_ =	strace $0x90000049  }
0xc0: {  	s29 =	simm.s32 $0x9;
	_ =	strace $0x8000004B  }
0xc1: {  	_ =	swait.ge [sflag:s29], $0x1  }
0xc2: {  	[sflag:s29] =	ssyncadd.s32 $0xFFFFFFFF  }
0xc3: {  	_ =	strace $0x9000004B  }
0xc4: {  	_ =	sfence  }
0xc5: {  	s30 =	sld [smem:$0x0];
	_ =	sdelay $0x2  }
0xc6: {  	s31 =	sshll.u32 s1, $0xD;
	s1 =	sshrl.u32 s1, $0x2  }
0xc7: {  	s4 =	sand.u32 $0x4000, s31;
	s1 =	sadd.s32 s1, s30  }
0xc8: {  	s0 =	sor.u32 s4, s0;
	s1 =	sshll.u32 s1, $0x11  }
0xc9: {  	s0 =	sor.u32 s1, s0  }
0xca: {  	s0 =	sadd.s32 $0x8F2B, s0  }
0xcb: {  	[sflag:s0] =	ssyncadd.remote.s32 $0x1  }
0xcc: {  	_ =	sfence.sel $0xFFFF  }
0xcd: {  	[dreg:$0x0] =	wrdreg $0xFFFFFFFF;
	(pc) =	sbr.abs _section_cstart, $3  }
0xce: {  	[dreg:$0x1] =	wrdreg $0xFFFFFFFF  }
0xcf: {  	_ =	task.clear_ibuf [dreg:s22], $0x2FFFF;
	_ =	strace $0x9FFFFFFF  }
0xd0: {  	(tm) =	ssettm $0x7FFFFFFF  }
0xd1: {  	_ =	shalt  }
tec
execute0_lowered:
.L_overlay_start_1:
0x0: {  	(tag) =	ssettag $0x1  }
0x1: {  	s0 =	srdreg.scid  }
0x2: {  	s11 =	stileid.u32;
	s1 =	rddreg [dreg:$0x0];
	s2 =	simm.s32 $0x0  }
0x3: {  	s6 =	simm.s32 $0x0;
	s8 =	simm.s32 $0x0;
	s28 =	simm.s32 $0x6710  }
0x4: {  	s30 =	simm.s32 $0xE710;
	s29 =	simm.s32 $0x5;
	s31 =	simm.s32 $0x40  }
0x5: {  	s0 =	sand.u32 $0x1, s0;
	s3 =	sshll.u32 s11, $0x1;
	[smem:$0x7FF] =	sst s2  }
0x6: {  	p0 =	slt.u32 s11, $0x8;
	s22 =	smul.u32 $0x138800, s11;
	s11 =	simm.s32 $0x0  }
0x7: {  	s3 =	sor.u32 s0, s3;
	_ =	strace $0x8000004A;
	s6 =	simm.s32 @!p0 $0xFFFEC780  }
0x8: {  	s9 =	ssub.s32 $0x2, s0;
	s8 =	simm.s32 @!p0 $0x40;
	s0 =	smul.u32 $0x9C400, s0  }
0x9: {  	s5 =	smul.u32 $0x1388, s3;
	s3 =	sadd.s32 $0x5600, s1;
	s25 =	sor.u32 s22, s8  }
0xa: {  	s14 =	sshrl.u32 s9, $0x1;
	s22 =	simm.s32 $0xA710;
	s0 =	sadd.s32 s0, s25  }
0xb: {  	s25 =	simm.s32 $0xC710;
	s4 =	sshrl.u32 s5, $0x3;
	s5 =	sadd.s32 s6, s5  }
0xc: {  	s6 =	sshll.u32 s6, $0x7;
	s7 =	sadd.s32 s4, s1;
	s4 =	sadd.s32 $0x294000, s1  }
0xd: {  	s10 =	sshll.u32 s5, $0x7;
	s5 =	sadd.s32 $0x3CC800, s1;
	s1 =	ssub.s32 s9, s14  }
0xe: {  	s10 =	sor.u32 s8, s10;
	s15 =	sadd.s32 $0x19000, s7;
	s7 =	sadd.s32 $0x1E000, s7  }
0xf: {  	s8 =	simm.s32 $0x7;
	[dreg:$0x2] =	wrdreg s15;
	s16 =	sadd.s32 $0x90000, s10  }
0x10: {  	[dreg:$0x3] =	wrdreg s7;
	s18 =	sadd.s32 $0x94000, s10;
	s20 =	sadd.s32 $0x98000, s10  }
0x11: {  	s21 =	sadd.s32 $0x9C000, s10;
	s10 =	simm.s32 $0x8;
	s17 =	sshrl.u32 s16, $0x3  }
0x12: {  	s19 =	sshrl.u32 s18, $0x3;
	s16 =	smax.u32 s1, $0x1;
	s18 =	simm.s32 $0x9  }
0x13: {  	s1 =	simm.s32 $0x8710;
	s12 =	sadd.s32 s4, s17;
	s7 =	sadd.s32 s5, s17  }
0x14: {  	s9 =	sadd.s32 s4, s19;
	s17 =	sadd.s32 s6, s0;
	[dreg:$0x4] =	wrdreg s12  }
0x15: {  	s0 =	simm.s32 $0x2;
	s6 =	simm.s32 $0x6;
	[dreg:$0x5] =	wrdreg s7  }
0x16: {  	[dreg:$0x6] =	wrdreg s9;
	s7 =	sadd.s32 s5, s19;
	s9 =	sshrl.u32 s21, $0x3  }
0x17: {  	s21 =	simm.s32 $0x2710;
	[dreg:$0x7] =	wrdreg s7;
	s7 =	sshrl.u32 s20, $0x3  }
.Ltmp0:
0x18: {  	s24 =	sadd.s32 s4, s9;
	s26 =	sadd.s32 s5, s9;
	(pc) =	sbr.rel .LBB2_1-.Ltmp0, $4  }
0x19: {  	s20 =	simm.s32 $0x80;
	s9 =	simm.s32 $0x4;
	[dreg:$0xa] =	wrdreg s24  }
0x1a: {  	s23 =	sadd.s32 s4, s7;
	s7 =	sadd.s32 s5, s7;
	[dreg:$0xb] =	wrdreg s26  }
0x1b: {  	s24 =	simm.s32 $0x10710;
	s26 =	simm.s32 $0x1;
	[dreg:$0x8] =	wrdreg s23  }
0x1c: {  	[dreg:$0x9] =	wrdreg s7;
	s23 =	simm.s32 $0x4710;
	s7 =	simm.s32 $0x3  }
.LBB2_4:
0x1d: {  	_ =	swait.ge [sflag:s26], $0x2000  }
0x1e: {  	[sflag:s26] =	ssyncset.done $0x0  }
0x1f: {  	[sflag:s26] =	ssyncadd.s32 $0xFFFFE000  }
0x20: {  	_ =	swait.ge [sflag:s29], $0x2000  }
0x21: {  	[sflag:s29] =	ssyncset.done $0x0  }
0x22: {  	s12 =	rddreg [dreg:$0x4];
	[sflag:s29] =	ssyncadd.s32 $0xFFFFE000  }
0x23: {  	[hbm4b:s12+s31] =	stream.strided.scatter [tilespmem:s21], [sflag:$0x1], $0x2000, s20, s31, $0x38;
	[tilespmem:$0x12710] =	vst v63  }
0x24: {  	s19 =	rddreg [dreg:$0x5]  }
0x25: {  	[hbm4b:s19+s31] =	stream.strided.scatter [tilespmem:s22], [sflag:$0x5], $0x2000, s20, s31, $0x38;
	[tilespmem:$0x12710] =	vst v63  }
0x26: {  	_ =	swait.ge [sflag:s0], $0x2000  }
0x27: {  	[sflag:s0] =	ssyncset.done $0x0  }
0x28: {  	[sflag:s0] =	ssyncadd.s32 $0xFFFFE000  }
0x29: {  	_ =	swait.ge [sflag:s6], $0x2000  }
0x2a: {  	[sflag:s6] =	ssyncset.done $0x0  }
0x2b: {  	s13 =	rddreg [dreg:$0x6];
	[sflag:s6] =	ssyncadd.s32 $0xFFFFE000  }
0x2c: {  	[hbm4b:s13+s31] =	stream.strided.scatter [tilespmem:s23], [sflag:$0x2], $0x2000, s20, s31, $0x38;
	[tilespmem:$0x12710] =	vst v63  }
0x2d: {  	s14 =	rddreg [dreg:$0x7]  }
0x2e: {  	[hbm4b:s14+s31] =	stream.strided.scatter [tilespmem:s25], [sflag:$0x6], $0x2000, s20, s31, $0x38;
	[tilespmem:$0x12710] =	vst v63  }
0x2f: {  	_ =	swait.ge [sflag:s7], $0x2000  }
0x30: {  	[sflag:s7] =	ssyncset.done $0x0  }
0x31: {  	[sflag:s7] =	ssyncadd.s32 $0xFFFFE000  }
0x32: {  	_ =	swait.ge [sflag:s8], $0x2000  }
0x33: {  	[sflag:s8] =	ssyncset.done $0x0  }
0x34: {  	s15 =	rddreg [dreg:$0x8];
	[sflag:s8] =	ssyncadd.s32 $0xFFFFE000  }
0x35: {  	[hbm4b:s15+s31] =	stream.strided.scatter [tilespmem:s28], [sflag:$0x3], $0x2000, s20, s31, $0x38;
	[tilespmem:$0x12710] =	vst v63  }
0x36: {  	s19 =	rddreg [dreg:$0x9]  }
0x37: {  	[hbm4b:s19+s31] =	stream.strided.scatter [tilespmem:s30], [sflag:$0x7], $0x2000, s20, s31, $0x38;
	[tilespmem:$0x12710] =	vst v63  }
0x38: {  	_ =	swait.ge [sflag:s26], $0x2000  }
0x39: {  	[sflag:s26] =	ssyncset.done $0x0  }
0x3a: {  	[sflag:s26] =	ssyncadd.s32 $0xFFFFE000  }
0x3b: {  	_ =	swait.ge [sflag:s29], $0x2000  }
0x3c: {  	[sflag:s29] =	ssyncset.done $0x0  }
0x3d: {  	[sflag:s29] =	ssyncadd.s32 $0xFFFFE000  }
0x3e: {  	_ =	swait.ge [sflag:s0], $0x2000  }
0x3f: {  	[sflag:s0] =	ssyncset.done $0x0  }
0x40: {  	[sflag:s0] =	ssyncadd.s32 $0xFFFFE000  }
0x41: {  	_ =	swait.ge [sflag:s6], $0x2000  }
0x42: {  	[sflag:s6] =	ssyncset.done $0x0  }
0x43: {  	[sflag:s6] =	ssyncadd.s32 $0xFFFFE000  }
0x44: {  	_ =	swait.ge [sflag:s7], $0x2000  }
0x45: {  	[sflag:s7] =	ssyncset.done $0x0  }
0x46: {  	[sflag:s7] =	ssyncadd.s32 $0xFFFFE000  }
0x47: {  	_ =	swait.ge [sflag:s8], $0x2000  }
0x48: {  	[sflag:s8] =	ssyncset.done $0x0  }
0x49: {  	s13 =	simm.s32 $0x1380;
	[sflag:s8] =	ssyncadd.s32 $0xFFFFE000  }
0x4a: {  	[tilespmem:s21], [sflag:$0x1] =	stream.indirect.gather [hbm4b:s3+s10], $0x40, s13, s10, $0xb8;
	[tilespmem:$0x12710] =	vst v63  }
0x4b: {  	s14 =	simm.s32 $0x2708  }
0x4c: {  	[tilespmem:s22], [sflag:$0x5] =	stream.indirect.gather [hbm4b:s3+s10], $0x40, s14, s10, $0xb8;
	[tilespmem:$0x12710] =	vst v63  }
0x4d: {  	_ =	swait.ge [sflag:s26], $0x200  }
0x4e: {  	[sflag:s26] =	ssyncset.done $0x0  }
0x4f: {  	[sflag:s26] =	ssyncadd.s32 $0xFFFFFE00  }
0x50: {  	_ =	swait.ge [sflag:s29], $0x200  }
0x51: {  	[sflag:s29] =	ssyncset.done $0x0  }
0x52: {  	s15 =	rddreg [dreg:$0xa];
	[sflag:s29] =	ssyncadd.s32 $0xFFFFFE00  }
0x53: {  	[hbm4b:s15+s31] =	stream.strided.scatter [tilespmem:s21], [sflag:$0x9], $0x200, s20, s31, $0x38;
	[tilespmem:$0x12710] =	vst v63  }
0x54: {  	s11 =	sadd.s32 $0x1, s11;
	_ =	swait.ge [sflag:s18], $0x200  }
0x55: {  	p0 =	sne.s32 s11, s16;
	[sflag:s18] =	ssyncset.done $0x0  }
.Ltmp1:
0x56: {  	s19 =	rddreg [dreg:$0xb];
	[sflag:s18] =	ssyncadd.s32 $0xFFFFFE00;
	(pc) =	sbr.rel @!p0 .LBB2_5-.Ltmp1, $4  }
0x57: {  	[hbm4b:s19+s31] =	stream.strided.scatter [tilespmem:s22], [sflag:$0x9], $0x200, s20, s31, $0x38;
	[tilespmem:$0x12710] =	vst v63  }
0x58: {  	_ =	swait.ge [sflag:s18], $0x200  }
0x59: {  	[sflag:s18] =	ssyncset.done $0x0  }
0x5a: {  	[sflag:s18] =	ssyncadd.s32 $0xFFFFFE00  }
.LBB2_1:
0x5b: {  	s12 =	rddreg [dreg:$0x2]  }
0x5c: {  	[tilespmem:s2], [sflag:$0x9] =	stream.linear.gather [hbm4b:s12+s2], $0x1388, $0x38;
	[tilespmem:$0x12710] =	vst v63  }
0x5d: {  	_ =	swait.ge [sflag:s18], $0x1388  }
0x5e: {  	[sflag:s18] =	ssyncset.done $0x0  }
0x5f: {  	s13 =	simm.s32 $0x1388;
	s15 =	rddreg [dreg:$0x3];
	[sflag:s18] =	ssyncadd.s32 $0xFFFFEC78  }
0x60: {  	[tilespmem:s13], [sflag:$0x9] =	stream.linear.gather [hbm4b:s15+s2], $0x1388, $0x38;
	[tilespmem:$0x12710] =	vst v63  }
0x61: {  	_ =	swait.ge [sflag:s18], $0x1388  }
0x62: {  	[sflag:s18] =	ssyncset.done $0x0  }
0x63: {  	[sflag:s18] =	ssyncadd.s32 $0xFFFFEC78  }
0x64: {  	[tilespmem:s21], [sflag:$0x1] =	stream.indirect.gather [hbm4b:s3+s20], $0x40, s2, s20, $0xb8;
	[tilespmem:$0x12710] =	vst v63  }
0x65: {  	_ = 	snop  }
0x66: {  	[tilespmem:s22], [sflag:$0x5] =	stream.indirect.gather [hbm4b:s3+s20], $0x40, s13, s20, $0xb8;
	[tilespmem:$0x12710] =	vst v63  }
0x67: {  	_ = 	snop  }
0x68: {  	[tilespmem:s23], [sflag:$0x2] =	stream.indirect.gather [hbm4b:s3+s20], $0x40, s20, s20, $0xb8;
	[tilespmem:$0x12710] =	vst v63  }
0x69: {  	s19 =	simm.s32 $0x1408  }
0x6a: {  	[tilespmem:s25], [sflag:$0x6] =	stream.indirect.gather [hbm4b:s3+s20], $0x40, s19, s20, $0xb8;
	[tilespmem:$0x12710] =	vst v63  }
0x6b: {  	s13 =	simm.s32 $0x100  }
0x6c: {  	[tilespmem:s28], [sflag:$0x3] =	stream.indirect.gather [hbm4b:s3+s20], $0x40, s13, s20, $0xb8;
	[tilespmem:$0x12710] =	vst v63  }
0x6d: {  	s14 =	simm.s32 $0x1488  }
0x6e: {  	[tilespmem:s30], [sflag:$0x7] =	stream.indirect.gather [hbm4b:s3+s20], $0x40, s14, s20, $0xb8;
	[tilespmem:$0x12710] =	vst v63  }
0x6f: {  	s15 =	simm.s32 $0x180  }
0x70: {  	[tilespmem:s1], [sflag:$0x4] =	stream.indirect.gather [hbm4b:s3+s20], $0x40, s15, s20, $0xb8;
	[tilespmem:$0x12710] =	vst v63  }
0x71: {  	s12 =	simm.s32 $0x0;
	s19 =	simm.s32 $0x1508;
	s13 =	simm.s32 $0x0  }
0x72: {  	[tilespmem:s24], [sflag:$0x8] =	stream.indirect.gather [hbm4b:s3+s20], $0x40, s19, s20, $0xb8;
	[tilespmem:$0x12710] =	vst v63  }
.LBB2_2:
0x73: {  	_ =	swait.ge [sflag:s26], $0x2000  }
0x74: {  	[sflag:s26] =	ssyncset.done $0x0  }
0x75: {  	[sflag:s26] =	ssyncadd.s32 $0xFFFFE000  }
0x76: {  	s14 =	sadd.s32 s13, s17;
	_ =	swait.ge [sflag:s29], $0x2000  }
0x77: {  	s15 =	sshrl.u32 s14, $0x3;
	[sflag:s29] =	ssyncset.done $0x0  }
0x78: {  	s19 =	sadd.s32 s4, s15;
	[sflag:s29] =	ssyncadd.s32 $0xFFFFE000  }
0x79: {  	[hbm4b:s19+s31] =	stream.strided.scatter [tilespmem:s21], [sflag:$0x1], $0x2000, s20, s31, $0x38;
	[tilespmem:$0x12710] =	vst v63  }
0x7a: {  	s15 =	sadd.s32 s5, s15  }
0x7b: {  	[hbm4b:s15+s31] =	stream.strided.scatter [tilespmem:s22], [sflag:$0x5], $0x2000, s20, s31, $0x38;
	[tilespmem:$0x12710] =	vst v63  }
0x7c: {  	_ =	swait.ge [sflag:s0], $0x2000  }
0x7d: {  	[sflag:s0] =	ssyncset.done $0x0  }
0x7e: {  	[sflag:s0] =	ssyncadd.s32 $0xFFFFE000  }
0x7f: {  	s19 =	sadd.s32 $0x4000, s14;
	_ =	swait.ge [sflag:s6], $0x2000  }
0x80: {  	s15 =	sshrl.u32 s19, $0x3;
	[sflag:s6] =	ssyncset.done $0x0  }
0x81: {  	s19 =	sadd.s32 s4, s15;
	[sflag:s6] =	ssyncadd.s32 $0xFFFFE000  }
0x82: {  	[hbm4b:s19+s31] =	stream.strided.scatter [tilespmem:s23], [sflag:$0x2], $0x2000, s20, s31, $0x38;
	[tilespmem:$0x12710] =	vst v63  }
0x83: {  	s15 =	sadd.s32 s5, s15  }
0x84: {  	[hbm4b:s15+s31] =	stream.strided.scatter [tilespmem:s25], [sflag:$0x6], $0x2000, s20, s31, $0x38;
	[tilespmem:$0x12710] =	vst v63  }
0x85: {  	_ =	swait.ge [sflag:s7], $0x2000  }
0x86: {  	[sflag:s7] =	ssyncset.done $0x0  }
0x87: {  	[sflag:s7] =	ssyncadd.s32 $0xFFFFE000  }
0x88: {  	s19 =	sadd.s32 $0x8000, s14;
	_ =	swait.ge [sflag:s8], $0x2000  }
0x89: {  	s15 =	sshrl.u32 s19, $0x3;
	[sflag:s8] =	ssyncset.done $0x0  }
0x8a: {  	s19 =	sadd.s32 s4, s15;
	[sflag:s8] =	ssyncadd.s32 $0xFFFFE000  }
0x8b: {  	[hbm4b:s19+s31] =	stream.strided.scatter [tilespmem:s28], [sflag:$0x3], $0x2000, s20, s31, $0x38;
	[tilespmem:$0x12710] =	vst v63  }
0x8c: {  	s15 =	sadd.s32 s5, s15  }
0x8d: {  	[hbm4b:s15+s31] =	stream.strided.scatter [tilespmem:s30], [sflag:$0x7], $0x2000, s20, s31, $0x38;
	[tilespmem:$0x12710] =	vst v63  }
0x8e: {  	_ =	swait.ge [sflag:s9], $0x2000  }
0x8f: {  	[sflag:s9] =	ssyncset.done $0x0  }
0x90: {  	[sflag:s9] =	ssyncadd.s32 $0xFFFFE000  }
0x91: {  	s14 =	sadd.s32 $0xC000, s14;
	_ =	swait.ge [sflag:s10], $0x2000  }
0x92: {  	s14 =	sshrl.u32 s14, $0x3;
	[sflag:s10] =	ssyncset.done $0x0  }
0x93: {  	s19 =	sadd.s32 s4, s14;
	[sflag:s10] =	ssyncadd.s32 $0xFFFFE000  }
0x94: {  	[hbm4b:s19+s31] =	stream.strided.scatter [tilespmem:s1], [sflag:$0x4], $0x2000, s20, s31, $0x38;
	[tilespmem:$0x12710] =	vst v63  }
0x95: {  	s14 =	sadd.s32 s5, s14  }
0x96: {  	[hbm4b:s14+s31] =	stream.strided.scatter [tilespmem:s24], [sflag:$0x8], $0x2000, s20, s31, $0x38;
	[tilespmem:$0x12710] =	vst v63  }
0x97: {  	_ =	swait.ge [sflag:s26], $0x2000  }
0x98: {  	[sflag:s26] =	ssyncset.done $0x0  }
0x99: {  	[sflag:s26] =	ssyncadd.s32 $0xFFFFE000  }
0x9a: {  	_ =	swait.ge [sflag:s29], $0x2000  }
0x9b: {  	s14 =	sshra.s32 s12, $0x2;
	[sflag:s29] =	ssyncset.done $0x0  }
0x9c: {  	s19 =	sadd.s32 $0x200, s14;
	[sflag:s29] =	ssyncadd.s32 $0xFFFFE000  }
0x9d: {  	[tilespmem:s21], [sflag:$0x1] =	stream.indirect.gather [hbm4b:s3+s20], $0x40, s19, s20, $0xb8;
	[tilespmem:$0x12710] =	vst v63  }
0x9e: {  	s19 =	sadd.s32 $0x1588, s14  }
0x9f: {  	[tilespmem:s22], [sflag:$0x5] =	stream.indirect.gather [hbm4b:s3+s20], $0x40, s19, s20, $0xb8;
	[tilespmem:$0x12710] =	vst v63  }
0xa0: {  	_ =	swait.ge [sflag:s0], $0x2000  }
0xa1: {  	[sflag:s0] =	ssyncset.done $0x0  }
0xa2: {  	[sflag:s0] =	ssyncadd.s32 $0xFFFFE000  }
0xa3: {  	_ =	swait.ge [sflag:s6], $0x2000  }
0xa4: {  	[sflag:s6] =	ssyncset.done $0x0  }
0xa5: {  	s19 =	sadd.s32 $0x280, s14;
	[sflag:s6] =	ssyncadd.s32 $0xFFFFE000  }
0xa6: {  	[tilespmem:s23], [sflag:$0x2] =	stream.indirect.gather [hbm4b:s3+s20], $0x40, s19, s20, $0xb8;
	[tilespmem:$0x12710] =	vst v63  }
0xa7: {  	s19 =	sadd.s32 $0x1608, s14  }
0xa8: {  	[tilespmem:s25], [sflag:$0x6] =	stream.indirect.gather [hbm4b:s3+s20], $0x40, s19, s20, $0xb8;
	[tilespmem:$0x12710] =	vst v63  }
0xa9: {  	_ =	swait.ge [sflag:s7], $0x2000  }
0xaa: {  	[sflag:s7] =	ssyncset.done $0x0  }
0xab: {  	[sflag:s7] =	ssyncadd.s32 $0xFFFFE000  }
0xac: {  	_ =	swait.ge [sflag:s8], $0x2000  }
0xad: {  	[sflag:s8] =	ssyncset.done $0x0  }
0xae: {  	s19 =	sadd.s32 $0x300, s14;
	[sflag:s8] =	ssyncadd.s32 $0xFFFFE000  }
0xaf: {  	[tilespmem:s28], [sflag:$0x3] =	stream.indirect.gather [hbm4b:s3+s20], $0x40, s19, s20, $0xb8;
	[tilespmem:$0x12710] =	vst v63  }
0xb0: {  	s19 =	sadd.s32 $0x1688, s14  }
0xb1: {  	[tilespmem:s30], [sflag:$0x7] =	stream.indirect.gather [hbm4b:s3+s20], $0x40, s19, s20, $0xb8;
	[tilespmem:$0x12710] =	vst v63  }
0xb2: {  	p0 =	seq.s32 s12, $0x4000;
	_ =	swait.ge [sflag:s9], $0x2000  }
.Ltmp2:
0xb3: {  	[sflag:s9] =	ssyncset.done $0x0;
	(pc) =	sbr.rel @p0 .LBB2_4-.Ltmp2, $4  }
0xb4: {  	[sflag:s9] =	ssyncadd.s32 $0xFFFFE000  }
0xb5: {  	_ =	swait.ge [sflag:s10], $0x2000  }
0xb6: {  	[sflag:s10] =	ssyncset.done $0x0  }
0xb7: {  	[sflag:s10] =	ssyncadd.s32 $0xFFFFE000  }
.Ltmp3:
0xb8: {  	(pc) =	sbr.rel .LBB2_2-.Ltmp3, $4  }
0xb9: {  	s15 =	sadd.s32 $0x380, s14  }
0xba: {  	[tilespmem:s1], [sflag:$0x4] =	stream.indirect.gather [hbm4b:s3+s20], $0x40, s15, s20, $0xb8;
	[tilespmem:$0x12710] =	vst v63  }
0xbb: {  	s19 =	sadd.s32 $0x1708, s14;
	s13 =	sadd.s32 $0x10000, s13;
	s12 =	sadd.s32 $0x800, s12  }
0xbc: {  	[tilespmem:s24], [sflag:$0x8] =	stream.indirect.gather [hbm4b:s3+s20], $0x40, s19, s20, $0xb8;
	[tilespmem:$0x12710] =	vst v63  }
.LBB2_5:
0xbd: {  	_ =	sfence.sel $0x180000  }
0xbe: {  	[bflag:$0x0] =	sbarrier.arrive $0xFFFF  }
0xbf: {  	_ =	strace $0x9000004A  }
0xc0: {  	s0 =	stileid.u32;
	[bflag:$0x2] =	sbarrier.arrive $0xFFFF  }
0xc1: {  	p0 =	sne.s32 s0, $0x0;
	s0 =	rddreg [dreg:$0x1]  }
0xc2: {  	s0 =	sadd.s32 @!p0 $0x100000, s0  }
0xc3: {  	[sflag:s0] =	ssyncadd.tile.s32 @!p0 $0x1;
	_ =	shalt  }
.Lfunc_end2:
_tile_overlayer_lowered:
.L_overlay_start_2:
0xc4: {  	(tag) =	ssettag $0x2  }
0xc5: {  	s0 =	rddreg [dreg:$0x0];
	s2 =	stileid.u32  }
0xc6: {  	s1 =	rddreg [dreg:$0x1];
	p0 =	sne.s32 s2, $0x0  }
0xc7: {  	s3 =	rddreg [dreg:$0x2];
	[bflag:$0x3] =	sbarrier.arrive $0xFFFF;
	s2 =	simm.s32 @!p0 $0x1C09  }
0xc8: {  	[timem:s3], [sflag:s2] =	dma.local @!p0 [hbm:s0], s1  }
0xc9: {  	s0 =	simm.s32 @!p0 $0x9  }
0xca: {  	_ =	swait.ge @!p0 [sflag:s0], s1  }
0xcb: {  	s1 =	ssub.s32 @!p0 $0x0, s1;
	[sflag:s0] =	ssyncset.done @!p0 $0x0  }
0xcc: {  	[sflag:s0] =	ssyncadd.s32 @!p0 s1  }
0xcd: {  	[bflag:$0x3] =	sbarrier.arrive $0xFFFF  }
0xce: {  	_ =	shalt  }

// kernel: kernel.15.cloned.1.call-start
scs
__scs_entry_jumppad:
0x0: {  	(pc) =	sbr.rel $0x88, $3  }
0x1: {  	(tag) =	ssettag $0x0;
	lr =	simm.s32 $0x1  }
0x2: {  	[smem:$0x3F91] =	sst lr;
	_ =	strace $0xD0000000  }
0x3: {  	_ = 	snop  }
0x4: {  	_ = 	snop  }
0x5: {  	_ = 	snop  }
0x6: {  	_ = 	snop  }
0x7: {  	_ = 	snop  }
__scs_overlays_trampoline_lowered:
0x8: {  	[smem:$0x3FA0] =	sst s0  }
0x9: {  	[smem:$0x3FA1] =	sst s1  }
0xa: {  	[smem:$0x3FA2] =	sst s2  }
0xb: {  	[smem:$0x3FA3] =	sst s3  }
0xc: {  	[smem:$0x3FA4] =	sst s4  }
0xd: {  	[smem:$0x3FA5] =	sst s5  }
0xe: {  	[smem:$0x3FA6] =	sst s6  }
0xf: {  	[smem:$0x3FA7] =	sst s7  }
0x10: {  	[smem:$0x3FA8] =	sst s8  }
0x11: {  	[smem:$0x3FA9] =	sst s9;
	s0 =	simm.s32 @!p0 $0x0  }
0x12: {  	s1 =	sld [smem:$0x3F8F];
	s0 =	simm.s32 @p0 $0x1  }
0x13: {  	[smem:$0x3FAA] =	sst s0;
	s0 =	simm.s32 @!p1 $0x0  }
0x14: {  	s2 =	sld [smem:$0x3F8E];
	s0 =	simm.s32 @p1 $0x1  }
0x15: {  	[smem:$0x3FAB] =	sst s0;
	s0 =	simm.s32 @!p2 $0x0  }
0x16: {  	s3 =	sld [smem:$0x3FDB];
	s0 =	simm.s32 @p2 $0x1  }
0x17: {  	s4 =	simm.s32 $0x1BF5;
	[smem:$0x3FAD] =	sst s0  }
0x18: {  	s0 =	sld [smem:$0x3F90];
	_ =	swait.ge [sflag:s4], $0x0  }
0x19: {  	s7 =	sld [smem:$0x3F91]  }
0x1a: {  	s8 =	sadd.s32 $0xFFFFE003, lr  }
0x1b: {  	s9 =	sadd.s32 $0xFFFFFEF7, lr;
	s5 =	simm.s32 $0xFFFFFFFF;
	p2 =	slt.u32 s8, $0xFFFFF086  }
0x1c: {  	p1 =	slt.u32 s9, $0xF7A;
	s5 =	simm.s32 @!p2 $0x0  }
0x1d: {  	s5 =	simm.s32 @p1 $0x1;
	p0 =	seq.s32 s7, s2  }
0x1e: {  	s7 =	smul.u32 @!p0 $0xF7A, s2;
	p2 =	seq.s32 @!p0 s5, $0x0  }
0x1f: {  	s9 =	smul.u32 $0xF7A, s1;
	s8 =	simm.s32 @!p0 $0x1BF5;
	p2 =	por !p2, p0  }
0x20: {  	[sflag:s8] =	ssyncset.s32 @!p0 $0xFFFFF086;
	s6 =	sadd.s32 @!p0 s3, s7;
	s7 =	simm.s32 @!p0 $0x108  }
0x21: {  	s3 =	sadd.s32 s3, s9;
	s6 =	sadd.s32 @!p0 $0x88, s6;
	s7 =	simm.s32 @p2 $0x1082  }
0x22: {  	[simem:s7], [sflag:s8] =	dma.local @!p0 [hbm:s6], $0xF7A  }
0x23: {  	s9 =	sor.u32 $0xD0000000, s2;
	s6 =	simm.s32 $0x108;
	_ =	swait.ge @!p0 [sflag:s8], $0x0  }
0x24: {  	s3 =	sadd.s32 $0x88, s3;
	s6 =	simm.s32 @!p1 $0x1082;
	[sflag:s4] =	ssyncset.s32 $0xFFFFF086  }
0x25: {  	[simem:s6], [sflag:s4] =	dma.local [hbm:s3], $0xF7A  }
0x26: {  	[smem:$0x3F91] =	sst s1;
	(tag) =	ssettag s2;
	_ =	strace s9  }
0x27: {  	s1 =	sld [smem:$0x3FA1]  }
0x28: {  	s2 =	sld [smem:$0x3FA2]  }
0x29: {  	s4 =	sld [smem:$0x3FA4]  }
0x2a: {  	p0 =	seq.s32 s5, $0x0;
	s5 =	sld [smem:$0x3FA5]  }
0x2b: {  	s6 =	sld [smem:$0x3FA6]  }
0x2c: {  	s7 =	sld [smem:$0x3FA7]  }
0x2d: {  	s3 =	simm.s32 $0x108;
	s8 =	sld [smem:$0x3FA8]  }
0x2e: {  	s3 =	simm.s32 @!p0 $0x1082;
	s9 =	sld [smem:$0x3FA9]  }
0x2f: {  	lr =	sadd.s32 s0, s3;
	s0 =	sld [smem:$0x3FA0]  }
0x30: {  	s3 =	sld [smem:$0x3FA3]  }
0x31: {  	[smem:$0x3FAC] =	sst s10  }
0x32: {  	s10 =	sld [smem:$0x3FAA];
	_ =	sdelay $0x3  }
0x33: {  	p0 =	seq.s32 s10, $0x1;
	s10 =	sld [smem:$0x3FAC];
	_ =	sdelay $0x3  }
0x34: {  	[smem:$0x3FAC] =	sst s10  }
0x35: {  	s10 =	sld [smem:$0x3FAB];
	_ =	sdelay $0x3  }
0x36: {  	p1 =	seq.s32 s10, $0x1;
	s10 =	sld [smem:$0x3FAC];
	_ =	sdelay $0x3  }
0x37: {  	[smem:$0x3FAC] =	sst s10  }
0x38: {  	s10 =	sld [smem:$0x3FAD]  }
0x39: {  	_ = 	snop;
	(pc) =	sbr.ind lr, $3  }
0x3a: {  	_ = 	snop  }
0x3b: {  	_ = 	snop  }
0x3c: {  	p2 =	seq.s32 s10, $0x1;
	s10 =	sld [smem:$0x3FAC]  }
0x3d: {  	_ =	shalt  }
0x3e: {  	_ =	shalt  }
0x3f: {  	_ =	shalt  }
0x40: {  	_ =	shalt  }
0x41: {  	_ =	shalt  }
0x42: {  	_ =	shalt  }
0x43: {  	_ =	shalt  }
0x44: {  	_ =	shalt  }
0x45: {  	_ =	shalt  }
0x46: {  	_ =	shalt  }
0x47: {  	_ =	shalt  }
0x48: {  	_ =	shalt  }
0x49: {  	_ =	shalt  }
0x4a: {  	_ =	shalt  }
0x4b: {  	_ =	shalt  }
0x4c: {  	_ =	shalt  }
0x4d: {  	_ =	shalt  }
0x4e: {  	_ =	shalt  }
0x4f: {  	_ =	shalt  }
0x50: {  	_ =	shalt  }
0x51: {  	_ =	shalt  }
0x52: {  	_ =	shalt  }
0x53: {  	_ =	shalt  }
0x54: {  	_ =	shalt  }
0x55: {  	_ =	shalt  }
0x56: {  	_ =	shalt  }
0x57: {  	_ =	shalt  }
0x58: {  	_ =	shalt  }
0x59: {  	_ =	shalt  }
0x5a: {  	_ =	shalt  }
0x5b: {  	_ =	shalt  }
0x5c: {  	_ =	shalt  }
0x5d: {  	_ =	shalt  }
0x5e: {  	_ =	shalt  }
0x5f: {  	_ =	shalt  }
0x60: {  	_ =	shalt  }
0x61: {  	_ =	shalt  }
0x62: {  	_ =	shalt  }
0x63: {  	_ =	shalt  }
0x64: {  	_ =	shalt  }
0x65: {  	_ =	shalt  }
0x66: {  	_ =	shalt  }
0x67: {  	_ =	shalt  }
0x68: {  	_ =	shalt  }
0x69: {  	_ =	shalt  }
0x6a: {  	_ =	shalt  }
0x6b: {  	_ =	shalt  }
0x6c: {  	_ =	shalt  }
0x6d: {  	_ =	shalt  }
0x6e: {  	_ =	shalt  }
0x6f: {  	_ =	shalt  }
0x70: {  	_ =	shalt  }
0x71: {  	_ =	shalt  }
0x72: {  	_ =	shalt  }
0x73: {  	_ =	shalt  }
0x74: {  	_ =	shalt  }
0x75: {  	_ =	shalt  }
0x76: {  	_ =	shalt  }
0x77: {  	_ =	shalt  }
0x78: {  	_ =	shalt  }
0x79: {  	_ =	shalt  }
0x7a: {  	_ =	shalt  }
0x7b: {  	_ =	shalt  }
0x7c: {  	_ =	shalt  }
0x7d: {  	_ =	shalt  }
0x7e: {  	_ =	shalt  }
0x7f: {  	_ =	shalt  }
0x80: {  	_ =	shalt  }
0x81: {  	_ =	shalt  }
0x82: {  	_ =	shalt  }
0x83: {  	_ =	shalt  }
0x84: {  	_ =	shalt  }
0x85: {  	_ =	shalt  }
0x86: {  	_ =	shalt  }
0x87: {  	_ =	shalt  }
.Lfunc_end0:
.L_simem_size_0:
called_computation.2_lowered:
.L_overlay_start_0:
0x88: {  	s2 =	sld [smem:$0x3FD9]  }
0x89: {  	s3 =	sld [smem:$0x3FFE];
	_ =	sdelay $0x1  }
0x8a: {  	s1 =	srdreg.scid  }
0x8b: {  	s0 =	sand.u32 $0x1, s1  }
0x8c: {  	s15 =	sshll.u32 s0, $0xA;
	s2 =	sadd.s32 s3, s2  }
0x8d: {  	s2 =	sadd.s32 s2, s15  }
0x8e: {  	[smem:$0x3FB8] =	sst s2  }
0x8f: {  	_ = 	snop  }
0x90: {  	s2 =	sld [smem:$0x3FD0];
	_ =	sdelay $0x2  }
0x91: {  	s16 =	simm.s32 $0xB;
	s4 =	simm.s32 $0x10  }
0x92: {  	[smem:s4], [sflag:s16] =	dma.local [hbm:s2], $0x1  }
0x93: {  	_ =	swait.eq [sflag:s16], $0x1  }
0x94: {  	[sflag:s16] =	ssyncset.done $0x0  }
0x95: {  	[sflag:s16] =	ssyncadd.s32 $0xFFFFFFFF  }
0x96: {  	s17 =	sld [smem:$0x10];
	(tm) =	ssettm $0x1  }
0x97: {  	s18 =	sld [smem:$0x3FFB];
	_ =	sdelay $0x3  }
0x98: {  	_ =	strace s18  }
0x99: {  	s2 =	sld [smem:$0x3FFC];
	_ =	sdelay $0x3  }
0x9a: {  	_ =	strace s2  }
0x9b: {  	s2 =	sld [smem:$0x3FFD];
	_ =	sdelay $0x3  }
0x9c: {  	_ =	strace s2  }
0x9d: {  	_ =	strace $0x8FFFFFFF  }
0x9e: {  	s19 =	sld [smem:$0x3FDB];
	_ =	sdelay $0x1  }
0x9f: {  	s20 =	simm.s32 $_scs_section_size  }
0xa0: {  	s5 =	simm.s32 $_size__tile_overlayer_lowered;
	s6 =	simm.s32 $_tile_overlayer_lowered  }
0xa1: {  	s7 =	simm.s32 $0x1BFF;
	s21 =	sshll.u32 s6, $0x1;
	s4 =	sadd.s32 s20, s19  }
0xa2: {  	s22 =	simm.s32 $0x0;
	s5 =	sshll.u32 s5, $0x1;
	s6 =	sadd.s32 s21, s4  }
0xa3: {  	[timem:s22], [sflag:s7] =	dma.local [hbm:s6], s5  }
0xa4: {  	_ =	swait.ge [sflag:s7], s5  }
0xa5: {  	s5 =	ssub.s32 $0x0, s5;
	[sflag:s7] =	ssyncset.done $0x0  }
0xa6: {  	[sflag:s7] =	ssyncadd.s32 s5;
	_ =	sdelay $0x1  }
0xa7: {  	s23 =	simm.s32 $0x1B8B  }
0xa8: {  	_ =	swait.ge [sflag:s23], $0x1  }
0xa9: {  	[sflag:s23] =	ssyncset.done $0x0  }
0xaa: {  	[sflag:s23] =	ssyncadd.s32 $0xFFFFFFFF  }
0xab: {  	s5 =	sld [smem:$0x0]  }
0xac: {  	s6 =	sand.u32 $0xFFFFFFFE, s1  }
0xad: {  	p0 =	sne.s32 s1, s6  }
0xae: {  	s6 =	sshll.u32 @p0 s6, $0xE  }
0xaf: {  	s6 =	sadd.s32 @p0 $0x11B8D, s6;
	s7 =	sshll.u32 @p0 s5, $0x11  }
0xb0: {  	s6 =	sor.u32 @p0 s7, s6  }
0xb1: {  	[sflag:s6] =	ssyncadd.remote.s32 @p0 $0x1;
	_ =	sdelay $0x1  }
0xb2: {  	s6 =	simm.s32 @p0 $0x1B8D  }
0xb3: {  	_ =	swait.eq @p0 [sflag:s6], $0x1  }
0xb4: {  	[sflag:s6] =	ssyncadd.s32 @p0 $0xFFFFFFFF  }
0xb5: {  	s7 =	sshll.u32 @!p0 s1, $0xE  }
0xb6: {  	s7 =	sor.u32 @!p0 $0x4000, s7;
	s6 =	simm.s32 @!p0 $0x1B8D  }
0xb7: {  	s5 =	sshll.u32 @!p0 s5, $0x11;
	s7 =	sadd.s32 @!p0 $0x11B8D, s7;
	_ =	swait.eq @!p0 [sflag:s6], $0x1  }
0xb8: {  	s5 =	sor.u32 @!p0 s5, s7;
	[sflag:s6] =	ssyncadd.s32 @!p0 $0xFFFFFFFF  }
0xb9: {  	s25 =	simm.s32 $0x1B8E;
	s24 =	sld [smem:$0x3FFE];
	[sflag:s5] =	ssyncadd.remote.s32 @!p0 $0x1  }
0xba: {  	s26 =	simm.s32 $execute0_lowered;
	[smem:$0x3FD2] =	sst s25  }
0xbb: {  	s6 =	sshll.u32 s26, $0x1;
	_ =	strace $0x8000004C;
	[dreg:$0x1] =	wrdreg $0xFFFFFFFF  }
0xbc: {  	s28 =	simm.s32 $_size_execute0_lowered;
	s4 =	sadd.s32 s4, s6;
	[dreg:$0x0] =	wrdreg $0x0  }
0xbd: {  	s6 =	sshll.u32 s28, $0x1;
	[dreg:$0x2] =	wrdreg s4  }
0xbe: {  	[dreg:$0x3] =	wrdreg s6  }
0xbf: {  	[dreg:$0x4] =	wrdreg $0xC0  }
0xc0: {  	_ =	task [dreg:s22], $0x5FFFF  }
0xc1: {  	[dreg:$0x1] =	wrdreg $0xFFFFFFFF  }
0xc2: {  	[dreg:$0x0] =	wrdreg $0x60  }
0xc3: {  	[dreg:$0x2] =	wrdreg s24  }
0xc4: {  	[dreg:$0x3] =	wrdreg s17  }
0xc5: {  	[dreg:$0x4] =	wrdreg $0x68000  }
0xc6: {  	[dreg:$0x5] =	wrdreg $0xA  }
0xc7: {  	_ =	task.clear_ibuf [dreg:s22], $0x6FFFF;
	_ =	strace $0x9000004C  }
0xc8: {  	s29 =	simm.s32 $0xA;
	_ =	strace $0x8000004E  }
0xc9: {  	_ =	swait.ge [sflag:s29], $0x1  }
0xca: {  	[sflag:s29] =	ssyncadd.s32 $0xFFFFFFFF  }
0xcb: {  	_ =	strace $0x9000004E  }
0xcc: {  	_ =	sfence  }
0xcd: {  	s30 =	sld [smem:$0x0];
	_ =	sdelay $0x2  }
0xce: {  	s31 =	sshll.u32 s1, $0xD;
	s1 =	sshrl.u32 s1, $0x2  }
0xcf: {  	s4 =	sand.u32 $0x4000, s31;
	s1 =	sadd.s32 s1, s30  }
0xd0: {  	s0 =	sor.u32 s4, s0;
	s1 =	sshll.u32 s1, $0x11  }
0xd1: {  	s0 =	sor.u32 s1, s0  }
0xd2: {  	s0 =	sadd.s32 $0x8F2B, s0  }
0xd3: {  	[sflag:s0] =	ssyncadd.remote.s32 $0x1  }
0xd4: {  	_ =	sfence.sel $0xFFFF  }
0xd5: {  	[dreg:$0x0] =	wrdreg $0xFFFFFFFF;
	(pc) =	sbr.abs _section_cstart, $3  }
0xd6: {  	[dreg:$0x1] =	wrdreg $0xFFFFFFFF  }
0xd7: {  	_ =	task.clear_ibuf [dreg:s22], $0x2FFFF;
	_ =	strace $0x9FFFFFFF  }
0xd8: {  	(tm) =	ssettm $0x7FFFFFFF  }
0xd9: {  	_ =	shalt  }
tec
execute0_lowered:
.L_overlay_start_1:
0x0: {  	(tag) =	ssettag $0x1  }
0x1: {  	s4 =	rddreg [dreg:$0x0]  }
0x2: {  	s6 =	rddreg [dreg:$0x1]  }
0x3: {  	s1 =	rddreg [dreg:$0x2]  }
0x4: {  	s0 =	rddreg [dreg:$0x3];
	s2 =	simm.s32 $0x0;
	s3 =	srdreg.scid  }
0x5: {  	s14 =	stileid.u32;
	s19 =	simm.s32 $0x1;
	s20 =	simm.s32 $0x28  }
0x6: {  	s21 =	simm.s32 $0x2;
	s22 =	simm.s32 $0x3D00;
	s23 =	simm.s32 $0x3D80  }
0x7: {  	s24 =	simm.s32 $0x3E00;
	[smem:$0x7FF] =	sst s2;
	s8 =	sand.u32 $0x1, s3  }
0x8: {  	s25 =	sshll.u32 s14, $0x1;
	s10 =	sadd.s32 $0x515000, s4;
	s5 =	smul.u32 $0x4E000, s14  }
0x9: {  	s26 =	sshll.u32 s14, $0x6;
	s16 =	sadd.s32 $0x138000, s1;
	s18 =	smul.u32 $0x27100, s14  }
0xa: {  	p0 =	sne.s32 s14, $0x0;
	_ =	strace $0x8000004D;
	s11 =	smul.u32 $0x27100, s8  }
0xb: {  	s7 =	sor.u32 s8, s25;
	s12 =	ssub.s32 $0x2, s8;
	s30 =	smul.u32 $0x13880, s8  }
0xc: {  	s16 =	sshrl.u32 @!p0 s16, $0x3;
	s25 =	simm.s32 $0x0;
	s3 =	sshll.u32 s7, $0xB  }
0xd: {  	s13 =	sshrl.u32 s12, $0x1;
	s5 =	sshrl.u32 s5, $0x2;
	s28 =	smul.u32 $0x9C400, s7  }
0xe: {  	s17 =	smul.u32 $0x13880, s7;
	s31 =	sadd.s32 s18, s10;
	s18 =	simm.s32 $0x5400  }
0xf: {  	s9 =	sadd.s32 s3, s4;
	s3 =	smul.u32 $0x2700, s14;
	s11 =	sadd.s32 s11, s4  }
0x10: {  	s12 =	ssub.s32 s12, s13;
	s15 =	sadd.s32 s5, s1;
	s5 =	sor.u32 $0x1C03, s26  }
0x11: {  	s13 =	sshrl.u32 s28, $0x3;
	s7 =	sadd.s32 $0x505000, s9;
	s8 =	sadd.s32 s10, s17  }
0x12: {  	s14 =	sshrl.u32 s15, $0x3;
	s15 =	simm.s32 $0x3;
	s17 =	simm.s32 $0x4000  }
0x13: {  	s4 =	sadd.s32 s6, s3;
	s6 =	sadd.s32 $0x27000, s6;
	s29 =	sadd.s32 s10, s13  }
0x14: {  	s10 =	sadd.s32 $0x23000, s11;
	s11 =	smax.u32 s12, $0x1;
	s13 =	sadd.s32 s30, s31  }
0x15: {  	s12 =	sadd.s32 $0x13600, s8;
	s9 =	sadd.s32 $0x280, s29;
	s13 =	sadd.s32 $0x780, s13  }
.LBB2_1:
0x16: {  	[spmem:s14], [sflag:s5] =	dma.local [hbm:s4], $0x2700  }
0x17: {  	_ =	swait.ge [sflag:s15], $0x2700  }
0x18: {  	[sflag:s15] =	ssyncset.done $0x0  }
0x19: {  	s26 =	simm.s32 @!p0 $0x3;
	[sflag:s15] =	ssyncadd.s32 $0xFFFFD900  }
0x1a: {  	[spmem:s16], [sflag:s5] =	dma.local @!p0 [hbm:s6], $0x100  }
0x1b: {  	_ =	swait.ge @!p0 [sflag:s26], $0x100  }
0x1c: {  	[sflag:s26] =	ssyncset.done @!p0 $0x0  }
0x1d: {  	[sflag:s26] =	ssyncadd.s32 @!p0 $0xFFFFFF00  }
0x1e: {  	[tilespmem:s2], [sflag:$0x3] =	stream.linear.gather [hbm4b:s7+s2], $0x3E80, $0x38;
	[tilespmem:$0x1A080] =	vst v63  }
0x1f: {  	_ =	swait.ge [sflag:s15], $0x3E80  }
0x20: {  	[sflag:s15] =	ssyncset.done $0x0  }
0x21: {  	[sflag:s15] =	ssyncadd.s32 $0xFFFFC180  }
0x22: {  	[bflag:$0x0] =	sbarrier.arrive $0xFFFF  }
0x23: {  	[tilespmem:s17], [sflag:$0x1] =	stream.linear.gather [hbm4b:s8+s2], $0x1400, $0x38;
	[tilespmem:$0x1A080] =	vst v63  }
0x24: {  	_ = 	snop  }
0x25: {  	[tilespmem:s18], [sflag:$0x2] =	stream.linear.gather [hbm4b:s9+s2], $0x1400, $0x38;
	[tilespmem:$0x1A080] =	vst v63  }
0x26: {  	_ =	swait.ge [sflag:s19], $0x1400  }
0x27: {  	[sflag:s19] =	ssyncset.done $0x0  }
0x28: {  	s31 =	simm.s32 $0x0;
	[sflag:s19] =	ssyncadd.s32 $0xFFFFEC00  }
0x29: {  	[spmem:s1] =	stream.indirect.scatter.add.f32 [tilespmem:s17], [sflag:$0x3], $0x80, s31, s20, $0xb8;
	[tilespmem:$0x1A080] =	vst v63  }
0x2a: {  	_ =	swait.ge [sflag:s15], $0x1400  }
0x2b: {  	[sflag:s15] =	ssyncset.done $0x0  }
0x2c: {  	s30 =	sadd.s32 $0xFFFFFD80, s13;
	[sflag:s15] =	ssyncadd.s32 $0xFFFFEC00  }
0x2d: {  	[tilespmem:s17], [sflag:$0x1] =	stream.linear.gather [hbm4b:s30+s2], $0x1400, $0x38;
	[tilespmem:$0x1A080] =	vst v63  }
0x2e: {  	_ =	swait.ge [sflag:s21], $0x1400  }
0x2f: {  	[sflag:s21] =	ssyncset.done $0x0  }
0x30: {  	s31 =	simm.s32 $0x80;
	[sflag:s21] =	ssyncadd.s32 $0xFFFFEC00  }
0x31: {  	[spmem:s1] =	stream.indirect.scatter.add.f32 [tilespmem:s18], [sflag:$0x3], $0x80, s31, s20, $0xb8;
	[tilespmem:$0x1A080] =	vst v63  }
0x32: {  	_ =	swait.ge [sflag:s15], $0x1400  }
0x33: {  	s28 =	sadd.s32 $0x500, s13;
	[sflag:s15] =	ssyncset.done $0x0  }
0x34: {  	s29 =	smov.u32 s13;
	s26 =	simm.s32 $0x400;
	[sflag:s15] =	ssyncadd.s32 $0xFFFFEC00  }
.LBB2_2:
0x35: {  	[tilespmem:s18], [sflag:$0x2] =	stream.linear.gather [hbm4b:s29+s2], $0x1400, $0x38;
	[tilespmem:$0x1A080] =	vst v63  }
0x36: {  	s30 =	smov.u32 s26;
	s29 =	smov.u32 s28  }
0x37: {  	p1 =	sne.s32 s26, $0xF000;
	s26 =	sadd.s32 $0x400, s26;
	_ =	swait.ge [sflag:s19], $0x1400  }
0x38: {  	[sflag:s19] =	ssyncset.done $0x0  }
0x39: {  	s30 =	sshra.s32 s30, $0x2;
	[sflag:s19] =	ssyncadd.s32 $0xFFFFEC00  }
0x3a: {  	[spmem:s1] =	stream.indirect.scatter.add.f32 [tilespmem:s17], [sflag:$0x3], $0x80, s30, s20, $0xb8;
	[tilespmem:$0x1A080] =	vst v63  }
0x3b: {  	_ =	swait.ge [sflag:s15], $0x1400  }
0x3c: {  	[sflag:s15] =	ssyncset.done $0x0  }
0x3d: {  	s31 =	sadd.s32 $0xFFFFFD80, s28;
	[sflag:s15] =	ssyncadd.s32 $0xFFFFEC00  }
0x3e: {  	[tilespmem:s17], [sflag:$0x1] =	stream.linear.gather [hbm4b:s31+s2], $0x1400, $0x38;
	[tilespmem:$0x1A080] =	vst v63  }
0x3f: {  	_ =	swait.ge [sflag:s21], $0x1400  }
0x40: {  	[sflag:s21] =	ssyncset.done $0x0  }
.Ltmp0:
0x41: {  	s30 =	sadd.s32 $0x80, s30;
	[sflag:s21] =	ssyncadd.s32 $0xFFFFEC00;
	(pc) =	sbr.rel @p1 .LBB2_2-.Ltmp0, $4  }
0x42: {  	[spmem:s1] =	stream.indirect.scatter.add.f32 [tilespmem:s18], [sflag:$0x3], $0x80, s30, s20, $0xb8;
	[tilespmem:$0x1A080] =	vst v63  }
0x43: {  	_ =	swait.ge [sflag:s15], $0x1400  }
0x44: {  	[sflag:s15] =	ssyncset.done $0x0  }
0x45: {  	s28 =	sadd.s32 $0x500, s28;
	[sflag:s15] =	ssyncadd.s32 $0xFFFFEC00  }
0x46: {  	[tilespmem:s18], [sflag:$0x2] =	stream.linear.gather [hbm4b:s29+s2], $0x1400, $0x38;
	[tilespmem:$0x1A080] =	vst v63  }
0x47: {  	_ =	swait.ge [sflag:s19], $0x1400  }
0x48: {  	[sflag:s19] =	ssyncset.done $0x0  }
0x49: {  	[sflag:s19] =	ssyncadd.s32 $0xFFFFEC00  }
0x4a: {  	[spmem:s1] =	stream.indirect.scatter.add.f32 [tilespmem:s17], [sflag:$0x3], $0x80, s22, s20, $0xb8;
	[tilespmem:$0x1A080] =	vst v63  }
0x4b: {  	_ =	swait.ge [sflag:s15], $0x1400  }
0x4c: {  	[sflag:s15] =	ssyncset.done $0x0  }
0x4d: {  	[sflag:s15] =	ssyncadd.s32 $0xFFFFEC00  }
0x4e: {  	[tilespmem:s17], [sflag:$0x1] =	stream.linear.gather [hbm4b:s12+s2], $0x1400, $0x38;
	[tilespmem:$0x1A080] =	vst v63  }
0x4f: {  	_ =	swait.ge [sflag:s21], $0x1400  }
0x50: {  	[sflag:s21] =	ssyncset.done $0x0  }
0x51: {  	[sflag:s21] =	ssyncadd.s32 $0xFFFFEC00  }
0x52: {  	[spmem:s1] =	stream.indirect.scatter.add.f32 [tilespmem:s18], [sflag:$0x3], $0x80, s23, s20, $0xb8;
	[tilespmem:$0x1A080] =	vst v63  }
0x53: {  	_ =	swait.ge [sflag:s15], $0x1400  }
0x54: {  	[sflag:s15] =	ssyncset.done $0x0  }
0x55: {  	[sflag:s15] =	ssyncadd.s32 $0xFFFFEC00  }
0x56: {  	_ =	swait.ge [sflag:s19], $0x1400  }
0x57: {  	[sflag:s19] =	ssyncset.done $0x0  }
0x58: {  	[sflag:s19] =	ssyncadd.s32 $0xFFFFEC00  }
0x59: {  	[spmem:s1] =	stream.indirect.scatter.add.f32 [tilespmem:s17], [sflag:$0x3], $0x80, s24, s20, $0xb8;
	[tilespmem:$0x1A080] =	vst v63  }
0x5a: {  	_ =	swait.ge [sflag:s15], $0x1400  }
0x5b: {  	[sflag:s15] =	ssyncset.done $0x0  }
0x5c: {  	[sflag:s15] =	ssyncadd.s32 $0xFFFFEC00  }
0x5d: {  	s26 =	sadd.s32 s3, s10;
	[bflag:$0x0] =	sbarrier.arrive $0xFFFF  }
0x5e: {  	[hbm:s26], [sflag:s5] =	dma.local [spmem:s14], $0x2700  }
0x5f: {  	_ =	swait.ge [sflag:s15], $0x2700  }
0x60: {  	s25 =	sadd.s32 $0x1, s25;
	[sflag:s15] =	ssyncset.done $0x0  }
0x61: {  	p1 =	sne.s32 s25, s11;
	s26 =	sadd.s32 @!p0 $0x27000, s10;
	[sflag:s15] =	ssyncadd.s32 $0xFFFFD900  }
0x62: {  	[hbm:s26], [sflag:s5] =	dma.local @!p0 [spmem:s16], $0x100  }
.Ltmp1:
0x63: {  	_ = 	snop;
	(pc) =	sbr.rel @p1 .LBB2_1-.Ltmp1, $4  }
0x64: {  	s26 =	simm.s32 @!p0 $0x3  }
0x65: {  	_ =	swait.ge @!p0 [sflag:s26], $0x100  }
0x66: {  	[sflag:s26] =	ssyncset.done @!p0 $0x0  }
0x67: {  	[sflag:s26] =	ssyncadd.s32 @!p0 $0xFFFFFF00  }
0x68: {  	_ =	sfence.sel $0x180000  }
0x69: {  	[bflag:$0x0] =	sbarrier.arrive $0xFFFF  }
0x6a: {  	_ =	strace $0x9000004D  }
0x6b: {  	s0 =	sadd.s32 @!p0 $0x100000, s0;
	[bflag:$0x2] =	sbarrier.arrive $0xFFFF  }
0x6c: {  	[sflag:s0] =	ssyncadd.tile.s32 @!p0 $0x1;
	_ =	shalt  }
.Lfunc_end2:
_tile_overlayer_lowered:
.L_overlay_start_2:
0x6d: {  	(tag) =	ssettag $0x2  }
0x6e: {  	s0 =	rddreg [dreg:$0x0];
	s2 =	stileid.u32  }
0x6f: {  	s1 =	rddreg [dreg:$0x1];
	p0 =	sne.s32 s2, $0x0  }
0x70: {  	s3 =	rddreg [dreg:$0x2];
	[bflag:$0x3] =	sbarrier.arrive $0xFFFF;
	s2 =	simm.s32 @!p0 $0x1C03  }
0x71: {  	[timem:s3], [sflag:s2] =	dma.local @!p0 [hbm:s0], s1  }
0x72: {  	s0 =	simm.s32 @!p0 $0x3  }
0x73: {  	_ =	swait.ge @!p0 [sflag:s0], s1  }
0x74: {  	s1 =	ssub.s32 @!p0 $0x0, s1;
	[sflag:s0] =	ssyncset.done @!p0 $0x0  }
0x75: {  	[sflag:s0] =	ssyncadd.s32 @!p0 s1  }
0x76: {  	[bflag:$0x3] =	sbarrier.arrive $0xFFFF  }
0x77: {  	_ =	shalt  }

// kernel: kernel.18.cloned.1.call-start
scs
__scs_entry_jumppad:
0x0: {  	(pc) =	sbr.rel $0x88, $3  }
0x1: {  	(tag) =	ssettag $0x0;
	lr =	simm.s32 $0x1  }
0x2: {  	[smem:$0x3F91] =	sst lr;
	_ =	strace $0xD0000000  }
0x3: {  	_ = 	snop  }
0x4: {  	_ = 	snop  }
0x5: {  	_ = 	snop  }
0x6: {  	_ = 	snop  }
0x7: {  	_ = 	snop  }
__scs_overlays_trampoline_lowered:
0x8: {  	[smem:$0x3FA0] =	sst s0  }
0x9: {  	[smem:$0x3FA1] =	sst s1  }
0xa: {  	[smem:$0x3FA2] =	sst s2  }
0xb: {  	[smem:$0x3FA3] =	sst s3  }
0xc: {  	[smem:$0x3FA4] =	sst s4  }
0xd: {  	[smem:$0x3FA5] =	sst s5  }
0xe: {  	[smem:$0x3FA6] =	sst s6  }
0xf: {  	[smem:$0x3FA7] =	sst s7  }
0x10: {  	[smem:$0x3FA8] =	sst s8  }
0x11: {  	[smem:$0x3FA9] =	sst s9;
	s0 =	simm.s32 @!p0 $0x0  }
0x12: {  	s1 =	sld [smem:$0x3F8F];
	s0 =	simm.s32 @p0 $0x1  }
0x13: {  	[smem:$0x3FAA] =	sst s0;
	s0 =	simm.s32 @!p1 $0x0  }
0x14: {  	s2 =	sld [smem:$0x3F8E];
	s0 =	simm.s32 @p1 $0x1  }
0x15: {  	[smem:$0x3FAB] =	sst s0;
	s0 =	simm.s32 @!p2 $0x0  }
0x16: {  	s3 =	sld [smem:$0x3FDB];
	s0 =	simm.s32 @p2 $0x1  }
0x17: {  	s4 =	simm.s32 $0x1BF5;
	[smem:$0x3FAD] =	sst s0  }
0x18: {  	s0 =	sld [smem:$0x3F90];
	_ =	swait.ge [sflag:s4], $0x0  }
0x19: {  	s7 =	sld [smem:$0x3F91]  }
0x1a: {  	s8 =	sadd.s32 $0xFFFFE003, lr  }
0x1b: {  	s9 =	sadd.s32 $0xFFFFFEF7, lr;
	s5 =	simm.s32 $0xFFFFFFFF;
	p2 =	slt.u32 s8, $0xFFFFF086  }
0x1c: {  	p1 =	slt.u32 s9, $0xF7A;
	s5 =	simm.s32 @!p2 $0x0  }
0x1d: {  	s5 =	simm.s32 @p1 $0x1;
	p0 =	seq.s32 s7, s2  }
0x1e: {  	s7 =	smul.u32 @!p0 $0xF7A, s2;
	p2 =	seq.s32 @!p0 s5, $0x0  }
0x1f: {  	s9 =	smul.u32 $0xF7A, s1;
	s8 =	simm.s32 @!p0 $0x1BF5;
	p2 =	por !p2, p0  }
0x20: {  	[sflag:s8] =	ssyncset.s32 @!p0 $0xFFFFF086;
	s6 =	sadd.s32 @!p0 s3, s7;
	s7 =	simm.s32 @!p0 $0x108  }
0x21: {  	s3 =	sadd.s32 s3, s9;
	s6 =	sadd.s32 @!p0 $0x88, s6;
	s7 =	simm.s32 @p2 $0x1082  }
0x22: {  	[simem:s7], [sflag:s8] =	dma.local @!p0 [hbm:s6], $0xF7A  }
0x23: {  	s9 =	sor.u32 $0xD0000000, s2;
	s6 =	simm.s32 $0x108;
	_ =	swait.ge @!p0 [sflag:s8], $0x0  }
0x24: {  	s3 =	sadd.s32 $0x88, s3;
	s6 =	simm.s32 @!p1 $0x1082;
	[sflag:s4] =	ssyncset.s32 $0xFFFFF086  }
0x25: {  	[simem:s6], [sflag:s4] =	dma.local [hbm:s3], $0xF7A  }
0x26: {  	[smem:$0x3F91] =	sst s1;
	(tag) =	ssettag s2;
	_ =	strace s9  }
0x27: {  	s1 =	sld [smem:$0x3FA1]  }
0x28: {  	s2 =	sld [smem:$0x3FA2]  }
0x29: {  	s4 =	sld [smem:$0x3FA4]  }
0x2a: {  	p0 =	seq.s32 s5, $0x0;
	s5 =	sld [smem:$0x3FA5]  }
0x2b: {  	s6 =	sld [smem:$0x3FA6]  }
0x2c: {  	s7 =	sld [smem:$0x3FA7]  }
0x2d: {  	s3 =	simm.s32 $0x108;
	s8 =	sld [smem:$0x3FA8]  }
0x2e: {  	s3 =	simm.s32 @!p0 $0x1082;
	s9 =	sld [smem:$0x3FA9]  }
0x2f: {  	lr =	sadd.s32 s0, s3;
	s0 =	sld [smem:$0x3FA0]  }
0x30: {  	s3 =	sld [smem:$0x3FA3]  }
0x31: {  	[smem:$0x3FAC] =	sst s10  }
0x32: {  	s10 =	sld [smem:$0x3FAA];
	_ =	sdelay $0x3  }
0x33: {  	p0 =	seq.s32 s10, $0x1;
	s10 =	sld [smem:$0x3FAC];
	_ =	sdelay $0x3  }
0x34: {  	[smem:$0x3FAC] =	sst s10  }
0x35: {  	s10 =	sld [smem:$0x3FAB];
	_ =	sdelay $0x3  }
0x36: {  	p1 =	seq.s32 s10, $0x1;
	s10 =	sld [smem:$0x3FAC];
	_ =	sdelay $0x3  }
0x37: {  	[smem:$0x3FAC] =	sst s10  }
0x38: {  	s10 =	sld [smem:$0x3FAD]  }
0x39: {  	_ = 	snop;
	(pc) =	sbr.ind lr, $3  }
0x3a: {  	_ = 	snop  }
0x3b: {  	_ = 	snop  }
0x3c: {  	p2 =	seq.s32 s10, $0x1;
	s10 =	sld [smem:$0x3FAC]  }
0x3d: {  	_ =	shalt  }
0x3e: {  	_ =	shalt  }
0x3f: {  	_ =	shalt  }
0x40: {  	_ =	shalt  }
0x41: {  	_ =	shalt  }
0x42: {  	_ =	shalt  }
0x43: {  	_ =	shalt  }
0x44: {  	_ =	shalt  }
0x45: {  	_ =	shalt  }
0x46: {  	_ =	shalt  }
0x47: {  	_ =	shalt  }
0x48: {  	_ =	shalt  }
0x49: {  	_ =	shalt  }
0x4a: {  	_ =	shalt  }
0x4b: {  	_ =	shalt  }
0x4c: {  	_ =	shalt  }
0x4d: {  	_ =	shalt  }
0x4e: {  	_ =	shalt  }
0x4f: {  	_ =	shalt  }
0x50: {  	_ =	shalt  }
0x51: {  	_ =	shalt  }
0x52: {  	_ =	shalt  }
0x53: {  	_ =	shalt  }
0x54: {  	_ =	shalt  }
0x55: {  	_ =	shalt  }
0x56: {  	_ =	shalt  }
0x57: {  	_ =	shalt  }
0x58: {  	_ =	shalt  }
0x59: {  	_ =	shalt  }
0x5a: {  	_ =	shalt  }
0x5b: {  	_ =	shalt  }
0x5c: {  	_ =	shalt  }
0x5d: {  	_ =	shalt  }
0x5e: {  	_ =	shalt  }
0x5f: {  	_ =	shalt  }
0x60: {  	_ =	shalt  }
0x61: {  	_ =	shalt  }
0x62: {  	_ =	shalt  }
0x63: {  	_ =	shalt  }
0x64: {  	_ =	shalt  }
0x65: {  	_ =	shalt  }
0x66: {  	_ =	shalt  }
0x67: {  	_ =	shalt  }
0x68: {  	_ =	shalt  }
0x69: {  	_ =	shalt  }
0x6a: {  	_ =	shalt  }
0x6b: {  	_ =	shalt  }
0x6c: {  	_ =	shalt  }
0x6d: {  	_ =	shalt  }
0x6e: {  	_ =	shalt  }
0x6f: {  	_ =	shalt  }
0x70: {  	_ =	shalt  }
0x71: {  	_ =	shalt  }
0x72: {  	_ =	shalt  }
0x73: {  	_ =	shalt  }
0x74: {  	_ =	shalt  }
0x75: {  	_ =	shalt  }
0x76: {  	_ =	shalt  }
0x77: {  	_ =	shalt  }
0x78: {  	_ =	shalt  }
0x79: {  	_ =	shalt  }
0x7a: {  	_ =	shalt  }
0x7b: {  	_ =	shalt  }
0x7c: {  	_ =	shalt  }
0x7d: {  	_ =	shalt  }
0x7e: {  	_ =	shalt  }
0x7f: {  	_ =	shalt  }
0x80: {  	_ =	shalt  }
0x81: {  	_ =	shalt  }
0x82: {  	_ =	shalt  }
0x83: {  	_ =	shalt  }
0x84: {  	_ =	shalt  }
0x85: {  	_ =	shalt  }
0x86: {  	_ =	shalt  }
0x87: {  	_ =	shalt  }
.Lfunc_end0:
.L_simem_size_0:
called_computation.3_lowered:
.L_overlay_start_0:
0x88: {  	s2 =	sld [smem:$0x3FD9]  }
0x89: {  	s3 =	sld [smem:$0x3FFE];
	_ =	sdelay $0x1  }
0x8a: {  	s1 =	srdreg.scid  }
0x8b: {  	s0 =	sand.u32 $0x1, s1  }
0x8c: {  	s15 =	sshll.u32 s0, $0xA;
	s2 =	sadd.s32 s3, s2  }
0x8d: {  	s2 =	sadd.s32 s2, s15  }
0x8e: {  	[smem:$0x3FB8] =	sst s2  }
0x8f: {  	_ = 	snop  }
0x90: {  	s2 =	sld [smem:$0x3FD0];
	_ =	sdelay $0x2  }
0x91: {  	s16 =	simm.s32 $0xB;
	s4 =	simm.s32 $0x10  }
0x92: {  	[smem:s4], [sflag:s16] =	dma.local [hbm:s2], $0x1  }
0x93: {  	_ =	swait.eq [sflag:s16], $0x1  }
0x94: {  	[sflag:s16] =	ssyncset.done $0x0  }
0x95: {  	[sflag:s16] =	ssyncadd.s32 $0xFFFFFFFF  }
0x96: {  	s17 =	sld [smem:$0x10];
	(tm) =	ssettm $0x1  }
0x97: {  	s18 =	sld [smem:$0x3FFB];
	_ =	sdelay $0x3  }
0x98: {  	_ =	strace s18  }
0x99: {  	s2 =	sld [smem:$0x3FFC];
	_ =	sdelay $0x3  }
0x9a: {  	_ =	strace s2  }
0x9b: {  	s2 =	sld [smem:$0x3FFD];
	_ =	sdelay $0x3  }
0x9c: {  	_ =	strace s2  }
0x9d: {  	_ =	strace $0x8FFFFFFF  }
0x9e: {  	s19 =	sld [smem:$0x3FDB];
	_ =	sdelay $0x1  }
0x9f: {  	s20 =	simm.s32 $_scs_section_size  }
0xa0: {  	s5 =	simm.s32 $_size__tile_overlayer_lowered;
	s6 =	simm.s32 $_tile_overlayer_lowered  }
0xa1: {  	s7 =	simm.s32 $0x1BFF;
	s21 =	sshll.u32 s6, $0x1;
	s4 =	sadd.s32 s20, s19  }
0xa2: {  	s22 =	simm.s32 $0x0;
	s5 =	sshll.u32 s5, $0x1;
	s6 =	sadd.s32 s21, s4  }
0xa3: {  	[timem:s22], [sflag:s7] =	dma.local [hbm:s6], s5  }
0xa4: {  	_ =	swait.ge [sflag:s7], s5  }
0xa5: {  	s5 =	ssub.s32 $0x0, s5;
	[sflag:s7] =	ssyncset.done $0x0  }
0xa6: {  	[sflag:s7] =	ssyncadd.s32 s5;
	_ =	sdelay $0x1  }
0xa7: {  	s23 =	simm.s32 $0x1B8B  }
0xa8: {  	_ =	swait.ge [sflag:s23], $0x1  }
0xa9: {  	[sflag:s23] =	ssyncset.done $0x0  }
0xaa: {  	[sflag:s23] =	ssyncadd.s32 $0xFFFFFFFF  }
0xab: {  	s5 =	sld [smem:$0x0]  }
0xac: {  	s6 =	sand.u32 $0xFFFFFFFE, s1  }
0xad: {  	p0 =	sne.s32 s1, s6  }
0xae: {  	s6 =	sshll.u32 @p0 s6, $0xE  }
0xaf: {  	s6 =	sadd.s32 @p0 $0x11B8D, s6;
	s7 =	sshll.u32 @p0 s5, $0x11  }
0xb0: {  	s6 =	sor.u32 @p0 s7, s6  }
0xb1: {  	[sflag:s6] =	ssyncadd.remote.s32 @p0 $0x1;
	_ =	sdelay $0x1  }
0xb2: {  	s6 =	simm.s32 @p0 $0x1B8D  }
0xb3: {  	_ =	swait.eq @p0 [sflag:s6], $0x1  }
0xb4: {  	[sflag:s6] =	ssyncadd.s32 @p0 $0xFFFFFFFF  }
0xb5: {  	s7 =	sshll.u32 @!p0 s1, $0xE  }
0xb6: {  	s7 =	sor.u32 @!p0 $0x4000, s7;
	s6 =	simm.s32 @!p0 $0x1B8D  }
0xb7: {  	s5 =	sshll.u32 @!p0 s5, $0x11;
	s7 =	sadd.s32 @!p0 $0x11B8D, s7;
	_ =	swait.eq @!p0 [sflag:s6], $0x1  }
0xb8: {  	s5 =	sor.u32 @!p0 s5, s7;
	[sflag:s6] =	ssyncadd.s32 @!p0 $0xFFFFFFFF  }
0xb9: {  	s25 =	simm.s32 $0x1B8E;
	s24 =	sld [smem:$0x3FFE];
	[sflag:s5] =	ssyncadd.remote.s32 @!p0 $0x1  }
0xba: {  	s26 =	simm.s32 $execute0_lowered;
	[smem:$0x3FD2] =	sst s25  }
0xbb: {  	s6 =	sshll.u32 s26, $0x1;
	_ =	strace $0x8000004F;
	[dreg:$0x1] =	wrdreg $0xFFFFFFFF  }
0xbc: {  	s28 =	simm.s32 $_size_execute0_lowered;
	s4 =	sadd.s32 s4, s6;
	[dreg:$0x0] =	wrdreg $0x0  }
0xbd: {  	s6 =	sshll.u32 s28, $0x1;
	[dreg:$0x2] =	wrdreg s4  }
0xbe: {  	[dreg:$0x3] =	wrdreg s6  }
0xbf: {  	[dreg:$0x4] =	wrdreg $0xC0  }
0xc0: {  	_ =	task [dreg:s22], $0x5FFFF  }
0xc1: {  	[dreg:$0x1] =	wrdreg $0xFFFFFFFF  }
0xc2: {  	[dreg:$0x0] =	wrdreg $0x60  }
0xc3: {  	[dreg:$0x2] =	wrdreg s24  }
0xc4: {  	[dreg:$0x3] =	wrdreg s17  }
0xc5: {  	[dreg:$0x4] =	wrdreg $0x68000  }
0xc6: {  	[dreg:$0x5] =	wrdreg $0x9  }
0xc7: {  	_ =	task.clear_ibuf [dreg:s22], $0x6FFFF;
	_ =	strace $0x9000004F  }
0xc8: {  	s29 =	simm.s32 $0x9;
	_ =	strace $0x80000051  }
0xc9: {  	_ =	swait.ge [sflag:s29], $0x1  }
0xca: {  	[sflag:s29] =	ssyncadd.s32 $0xFFFFFFFF  }
0xcb: {  	_ =	strace $0x90000051  }
0xcc: {  	_ =	sfence  }
0xcd: {  	s30 =	sld [smem:$0x0];
	_ =	sdelay $0x2  }
0xce: {  	s31 =	sshll.u32 s1, $0xD;
	s1 =	sshrl.u32 s1, $0x2  }
0xcf: {  	s4 =	sand.u32 $0x4000, s31;
	s1 =	sadd.s32 s1, s30  }
0xd0: {  	s0 =	sor.u32 s4, s0;
	s1 =	sshll.u32 s1, $0x11  }
0xd1: {  	s0 =	sor.u32 s1, s0  }
0xd2: {  	s0 =	sadd.s32 $0x8F2B, s0  }
0xd3: {  	[sflag:s0] =	ssyncadd.remote.s32 $0x1  }
0xd4: {  	_ =	sfence.sel $0xFFFF  }
0xd5: {  	[dreg:$0x0] =	wrdreg $0xFFFFFFFF;
	(pc) =	sbr.abs _section_cstart, $3  }
0xd6: {  	[dreg:$0x1] =	wrdreg $0xFFFFFFFF  }
0xd7: {  	_ =	task.clear_ibuf [dreg:s22], $0x2FFFF;
	_ =	strace $0x9FFFFFFF  }
0xd8: {  	(tm) =	ssettm $0x7FFFFFFF  }
0xd9: {  	_ =	shalt  }
tec
execute0_lowered:
.L_overlay_start_1:
0x0: {  	(tag) =	ssettag $0x1  }
0x1: {  	s4 =	rddreg [dreg:$0x0]  }
0x2: {  	s6 =	rddreg [dreg:$0x1]  }
0x3: {  	s1 =	rddreg [dreg:$0x2]  }
0x4: {  	s0 =	rddreg [dreg:$0x3];
	s2 =	simm.s32 $0x0;
	s3 =	srdreg.scid  }
0x5: {  	s14 =	stileid.u32;
	s19 =	simm.s32 $0x1;
	s20 =	simm.s32 $0x28  }
0x6: {  	s21 =	simm.s32 $0x2;
	s22 =	simm.s32 $0x3D00;
	s23 =	simm.s32 $0x3D80  }
0x7: {  	s24 =	simm.s32 $0x3E00;
	[smem:$0x7FF] =	sst s2;
	s8 =	sand.u32 $0x1, s3  }
0x8: {  	s25 =	sshll.u32 s14, $0x1;
	s10 =	sadd.s32 $0x786000, s4;
	s5 =	smul.u32 $0x4E000, s14  }
0x9: {  	s26 =	sshll.u32 s14, $0x6;
	s16 =	sadd.s32 $0x138000, s1;
	s18 =	smul.u32 $0x27100, s14  }
0xa: {  	p0 =	sne.s32 s14, $0x0;
	_ =	strace $0x80000050;
	s11 =	smul.u32 $0x27100, s8  }
0xb: {  	s7 =	sor.u32 s8, s25;
	s12 =	ssub.s32 $0x2, s8;
	s30 =	smul.u32 $0x13880, s8  }
0xc: {  	s16 =	sshrl.u32 @!p0 s16, $0x3;
	s25 =	simm.s32 $0x0;
	s3 =	sshll.u32 s7, $0xB  }
0xd: {  	s13 =	sshrl.u32 s12, $0x1;
	s5 =	sshrl.u32 s5, $0x2;
	s28 =	smul.u32 $0x9C400, s7  }
0xe: {  	s17 =	smul.u32 $0x13880, s7;
	s31 =	sadd.s32 s18, s10;
	s18 =	simm.s32 $0x5400  }
0xf: {  	s9 =	sadd.s32 s3, s4;
	s3 =	smul.u32 $0x2700, s14;
	s11 =	sadd.s32 s11, s4  }
0x10: {  	s12 =	ssub.s32 s12, s13;
	s15 =	sadd.s32 s5, s1;
	s5 =	sor.u32 $0x1C03, s26  }
0x11: {  	s13 =	sshrl.u32 s28, $0x3;
	s7 =	sadd.s32 $0x71200, s9;
	s8 =	sadd.s32 s10, s17  }
0x12: {  	s14 =	sshrl.u32 s15, $0x3;
	s15 =	simm.s32 $0x3;
	s17 =	simm.s32 $0x4000  }
0x13: {  	s4 =	sadd.s32 s6, s3;
	s6 =	sadd.s32 $0x27000, s6;
	s29 =	sadd.s32 s10, s13  }
0x14: {  	s10 =	sadd.s32 $0x81200, s11;
	s11 =	smax.u32 s12, $0x1;
	s13 =	sadd.s32 s30, s31  }
0x15: {  	s12 =	sadd.s32 $0x13600, s8;
	s9 =	sadd.s32 $0x280, s29;
	s13 =	sadd.s32 $0x780, s13  }
.LBB2_1:
0x16: {  	[spmem:s14], [sflag:s5] =	dma.local [hbm:s4], $0x2700  }
0x17: {  	_ =	swait.ge [sflag:s15], $0x2700  }
0x18: {  	[sflag:s15] =	ssyncset.done $0x0  }
0x19: {  	s26 =	simm.s32 @!p0 $0x3;
	[sflag:s15] =	ssyncadd.s32 $0xFFFFD900  }
0x1a: {  	[spmem:s16], [sflag:s5] =	dma.local @!p0 [hbm:s6], $0x100  }
0x1b: {  	_ =	swait.ge @!p0 [sflag:s26], $0x100  }
0x1c: {  	[sflag:s26] =	ssyncset.done @!p0 $0x0  }
0x1d: {  	[sflag:s26] =	ssyncadd.s32 @!p0 $0xFFFFFF00  }
0x1e: {  	[tilespmem:s2], [sflag:$0x3] =	stream.linear.gather [hbm4b:s7+s2], $0x3E80, $0x38;
	[tilespmem:$0x1A080] =	vst v63  }
0x1f: {  	_ =	swait.ge [sflag:s15], $0x3E80  }
0x20: {  	[sflag:s15] =	ssyncset.done $0x0  }
0x21: {  	[sflag:s15] =	ssyncadd.s32 $0xFFFFC180  }
0x22: {  	[bflag:$0x0] =	sbarrier.arrive $0xFFFF  }
0x23: {  	[tilespmem:s17], [sflag:$0x1] =	stream.linear.gather [hbm4b:s8+s2], $0x1400, $0x38;
	[tilespmem:$0x1A080] =	vst v63  }
0x24: {  	_ = 	snop  }
0x25: {  	[tilespmem:s18], [sflag:$0x2] =	stream.linear.gather [hbm4b:s9+s2], $0x1400, $0x38;
	[tilespmem:$0x1A080] =	vst v63  }
0x26: {  	_ =	swait.ge [sflag:s19], $0x1400  }
0x27: {  	[sflag:s19] =	ssyncset.done $0x0  }
0x28: {  	s31 =	simm.s32 $0x0;
	[sflag:s19] =	ssyncadd.s32 $0xFFFFEC00  }
0x29: {  	[spmem:s1] =	stream.indirect.scatter.add.f32 [tilespmem:s17], [sflag:$0x3], $0x80, s31, s20, $0xb8;
	[tilespmem:$0x1A080] =	vst v63  }
0x2a: {  	_ =	swait.ge [sflag:s15], $0x1400  }
0x2b: {  	[sflag:s15] =	ssyncset.done $0x0  }
0x2c: {  	s30 =	sadd.s32 $0xFFFFFD80, s13;
	[sflag:s15] =	ssyncadd.s32 $0xFFFFEC00  }
0x2d: {  	[tilespmem:s17], [sflag:$0x1] =	stream.linear.gather [hbm4b:s30+s2], $0x1400, $0x38;
	[tilespmem:$0x1A080] =	vst v63  }
0x2e: {  	_ =	swait.ge [sflag:s21], $0x1400  }
0x2f: {  	[sflag:s21] =	ssyncset.done $0x0  }
0x30: {  	s31 =	simm.s32 $0x80;
	[sflag:s21] =	ssyncadd.s32 $0xFFFFEC00  }
0x31: {  	[spmem:s1] =	stream.indirect.scatter.add.f32 [tilespmem:s18], [sflag:$0x3], $0x80, s31, s20, $0xb8;
	[tilespmem:$0x1A080] =	vst v63  }
0x32: {  	_ =	swait.ge [sflag:s15], $0x1400  }
0x33: {  	s28 =	sadd.s32 $0x500, s13;
	[sflag:s15] =	ssyncset.done $0x0  }
0x34: {  	s29 =	smov.u32 s13;
	s26 =	simm.s32 $0x400;
	[sflag:s15] =	ssyncadd.s32 $0xFFFFEC00  }
.LBB2_2:
0x35: {  	[tilespmem:s18], [sflag:$0x2] =	stream.linear.gather [hbm4b:s29+s2], $0x1400, $0x38;
	[tilespmem:$0x1A080] =	vst v63  }
0x36: {  	s30 =	smov.u32 s26;
	s29 =	smov.u32 s28  }
0x37: {  	p1 =	sne.s32 s26, $0xF000;
	s26 =	sadd.s32 $0x400, s26;
	_ =	swait.ge [sflag:s19], $0x1400  }
0x38: {  	[sflag:s19] =	ssyncset.done $0x0  }
0x39: {  	s30 =	sshra.s32 s30, $0x2;
	[sflag:s19] =	ssyncadd.s32 $0xFFFFEC00  }
0x3a: {  	[spmem:s1] =	stream.indirect.scatter.add.f32 [tilespmem:s17], [sflag:$0x3], $0x80, s30, s20, $0xb8;
	[tilespmem:$0x1A080] =	vst v63  }
0x3b: {  	_ =	swait.ge [sflag:s15], $0x1400  }
0x3c: {  	[sflag:s15] =	ssyncset.done $0x0  }
0x3d: {  	s31 =	sadd.s32 $0xFFFFFD80, s28;
	[sflag:s15] =	ssyncadd.s32 $0xFFFFEC00  }
0x3e: {  	[tilespmem:s17], [sflag:$0x1] =	stream.linear.gather [hbm4b:s31+s2], $0x1400, $0x38;
	[tilespmem:$0x1A080] =	vst v63  }
0x3f: {  	_ =	swait.ge [sflag:s21], $0x1400  }
0x40: {  	[sflag:s21] =	ssyncset.done $0x0  }
.Ltmp0:
0x41: {  	s30 =	sadd.s32 $0x80, s30;
	[sflag:s21] =	ssyncadd.s32 $0xFFFFEC00;
	(pc) =	sbr.rel @p1 .LBB2_2-.Ltmp0, $4  }
0x42: {  	[spmem:s1] =	stream.indirect.scatter.add.f32 [tilespmem:s18], [sflag:$0x3], $0x80, s30, s20, $0xb8;
	[tilespmem:$0x1A080] =	vst v63  }
0x43: {  	_ =	swait.ge [sflag:s15], $0x1400  }
0x44: {  	[sflag:s15] =	ssyncset.done $0x0  }
0x45: {  	s28 =	sadd.s32 $0x500, s28;
	[sflag:s15] =	ssyncadd.s32 $0xFFFFEC00  }
0x46: {  	[tilespmem:s18], [sflag:$0x2] =	stream.linear.gather [hbm4b:s29+s2], $0x1400, $0x38;
	[tilespmem:$0x1A080] =	vst v63  }
0x47: {  	_ =	swait.ge [sflag:s19], $0x1400  }
0x48: {  	[sflag:s19] =	ssyncset.done $0x0  }
0x49: {  	[sflag:s19] =	ssyncadd.s32 $0xFFFFEC00  }
0x4a: {  	[spmem:s1] =	stream.indirect.scatter.add.f32 [tilespmem:s17], [sflag:$0x3], $0x80, s22, s20, $0xb8;
	[tilespmem:$0x1A080] =	vst v63  }
0x4b: {  	_ =	swait.ge [sflag:s15], $0x1400  }
0x4c: {  	[sflag:s15] =	ssyncset.done $0x0  }
0x4d: {  	[sflag:s15] =	ssyncadd.s32 $0xFFFFEC00  }
0x4e: {  	[tilespmem:s17], [sflag:$0x1] =	stream.linear.gather [hbm4b:s12+s2], $0x1400, $0x38;
	[tilespmem:$0x1A080] =	vst v63  }
0x4f: {  	_ =	swait.ge [sflag:s21], $0x1400  }
0x50: {  	[sflag:s21] =	ssyncset.done $0x0  }
0x51: {  	[sflag:s21] =	ssyncadd.s32 $0xFFFFEC00  }
0x52: {  	[spmem:s1] =	stream.indirect.scatter.add.f32 [tilespmem:s18], [sflag:$0x3], $0x80, s23, s20, $0xb8;
	[tilespmem:$0x1A080] =	vst v63  }
0x53: {  	_ =	swait.ge [sflag:s15], $0x1400  }
0x54: {  	[sflag:s15] =	ssyncset.done $0x0  }
0x55: {  	[sflag:s15] =	ssyncadd.s32 $0xFFFFEC00  }
0x56: {  	_ =	swait.ge [sflag:s19], $0x1400  }
0x57: {  	[sflag:s19] =	ssyncset.done $0x0  }
0x58: {  	[sflag:s19] =	ssyncadd.s32 $0xFFFFEC00  }
0x59: {  	[spmem:s1] =	stream.indirect.scatter.add.f32 [tilespmem:s17], [sflag:$0x3], $0x80, s24, s20, $0xb8;
	[tilespmem:$0x1A080] =	vst v63  }
0x5a: {  	_ =	swait.ge [sflag:s15], $0x1400  }
0x5b: {  	[sflag:s15] =	ssyncset.done $0x0  }
0x5c: {  	[sflag:s15] =	ssyncadd.s32 $0xFFFFEC00  }
0x5d: {  	s26 =	sadd.s32 s3, s10;
	[bflag:$0x0] =	sbarrier.arrive $0xFFFF  }
0x5e: {  	[hbm:s26], [sflag:s5] =	dma.local [spmem:s14], $0x2700  }
0x5f: {  	_ =	swait.ge [sflag:s15], $0x2700  }
0x60: {  	s25 =	sadd.s32 $0x1, s25;
	[sflag:s15] =	ssyncset.done $0x0  }
0x61: {  	p1 =	sne.s32 s25, s11;
	s26 =	sadd.s32 @!p0 $0x27000, s10;
	[sflag:s15] =	ssyncadd.s32 $0xFFFFD900  }
0x62: {  	[hbm:s26], [sflag:s5] =	dma.local @!p0 [spmem:s16], $0x100  }
.Ltmp1:
0x63: {  	_ = 	snop;
	(pc) =	sbr.rel @p1 .LBB2_1-.Ltmp1, $4  }
0x64: {  	s26 =	simm.s32 @!p0 $0x3  }
0x65: {  	_ =	swait.ge @!p0 [sflag:s26], $0x100  }
0x66: {  	[sflag:s26] =	ssyncset.done @!p0 $0x0  }
0x67: {  	[sflag:s26] =	ssyncadd.s32 @!p0 $0xFFFFFF00  }
0x68: {  	_ =	sfence.sel $0x180000  }
0x69: {  	[bflag:$0x0] =	sbarrier.arrive $0xFFFF  }
0x6a: {  	_ =	strace $0x90000050  }
0x6b: {  	s0 =	sadd.s32 @!p0 $0x100000, s0;
	[bflag:$0x2] =	sbarrier.arrive $0xFFFF  }
0x6c: {  	[sflag:s0] =	ssyncadd.tile.s32 @!p0 $0x1;
	_ =	shalt  }
.Lfunc_end2:
_tile_overlayer_lowered:
.L_overlay_start_2:
0x6d: {  	(tag) =	ssettag $0x2  }
0x6e: {  	s0 =	rddreg [dreg:$0x0];
	s2 =	stileid.u32  }
0x6f: {  	s1 =	rddreg [dreg:$0x1];
	p0 =	sne.s32 s2, $0x0  }
0x70: {  	s3 =	rddreg [dreg:$0x2];
	[bflag:$0x3] =	sbarrier.arrive $0xFFFF;
	s2 =	simm.s32 @!p0 $0x1C03  }
0x71: {  	[timem:s3], [sflag:s2] =	dma.local @!p0 [hbm:s0], s1  }
0x72: {  	s0 =	simm.s32 @!p0 $0x3  }
0x73: {  	_ =	swait.ge @!p0 [sflag:s0], s1  }
0x74: {  	s1 =	ssub.s32 @!p0 $0x0, s1;
	[sflag:s0] =	ssyncset.done @!p0 $0x0  }
0x75: {  	[sflag:s0] =	ssyncadd.s32 @!p0 s1  }
0x76: {  	[bflag:$0x3] =	sbarrier.arrive $0xFFFF  }
0x77: {  	_ =	shalt  }

// kernel: kernel.9.cloned.1.call-start
scs
__scs_entry_jumppad:
0x0: {  	(pc) =	sbr.rel $0x88, $3  }
0x1: {  	(tag) =	ssettag $0x0;
	lr =	simm.s32 $0x1  }
0x2: {  	[smem:$0x3F91] =	sst lr;
	_ =	strace $0xD0000000  }
0x3: {  	_ = 	snop  }
0x4: {  	_ = 	snop  }
0x5: {  	_ = 	snop  }
0x6: {  	_ = 	snop  }
0x7: {  	_ = 	snop  }
__scs_overlays_trampoline_lowered:
0x8: {  	[smem:$0x3FA0] =	sst s0  }
0x9: {  	[smem:$0x3FA1] =	sst s1  }
0xa: {  	[smem:$0x3FA2] =	sst s2  }
0xb: {  	[smem:$0x3FA3] =	sst s3  }
0xc: {  	[smem:$0x3FA4] =	sst s4  }
0xd: {  	[smem:$0x3FA5] =	sst s5  }
0xe: {  	[smem:$0x3FA6] =	sst s6  }
0xf: {  	[smem:$0x3FA7] =	sst s7  }
0x10: {  	[smem:$0x3FA8] =	sst s8  }
0x11: {  	[smem:$0x3FA9] =	sst s9;
	s0 =	simm.s32 @!p0 $0x0  }
0x12: {  	s1 =	sld [smem:$0x3F8F];
	s0 =	simm.s32 @p0 $0x1  }
0x13: {  	[smem:$0x3FAA] =	sst s0;
	s0 =	simm.s32 @!p1 $0x0  }
0x14: {  	s2 =	sld [smem:$0x3F8E];
	s0 =	simm.s32 @p1 $0x1  }
0x15: {  	[smem:$0x3FAB] =	sst s0;
	s0 =	simm.s32 @!p2 $0x0  }
0x16: {  	s3 =	sld [smem:$0x3FDB];
	s0 =	simm.s32 @p2 $0x1  }
0x17: {  	s4 =	simm.s32 $0x1BF5;
	[smem:$0x3FAD] =	sst s0  }
0x18: {  	s0 =	sld [smem:$0x3F90];
	_ =	swait.ge [sflag:s4], $0x0  }
0x19: {  	s7 =	sld [smem:$0x3F91]  }
0x1a: {  	s8 =	sadd.s32 $0xFFFFE003, lr  }
0x1b: {  	s9 =	sadd.s32 $0xFFFFFEF7, lr;
	s5 =	simm.s32 $0xFFFFFFFF;
	p2 =	slt.u32 s8, $0xFFFFF086  }
0x1c: {  	p1 =	slt.u32 s9, $0xF7A;
	s5 =	simm.s32 @!p2 $0x0  }
0x1d: {  	s5 =	simm.s32 @p1 $0x1;
	p0 =	seq.s32 s7, s2  }
0x1e: {  	s7 =	smul.u32 @!p0 $0xF7A, s2;
	p2 =	seq.s32 @!p0 s5, $0x0  }
0x1f: {  	s9 =	smul.u32 $0xF7A, s1;
	s8 =	simm.s32 @!p0 $0x1BF5;
	p2 =	por !p2, p0  }
0x20: {  	[sflag:s8] =	ssyncset.s32 @!p0 $0xFFFFF086;
	s6 =	sadd.s32 @!p0 s3, s7;
	s7 =	simm.s32 @!p0 $0x108  }
0x21: {  	s3 =	sadd.s32 s3, s9;
	s6 =	sadd.s32 @!p0 $0x88, s6;
	s7 =	simm.s32 @p2 $0x1082  }
0x22: {  	[simem:s7], [sflag:s8] =	dma.local @!p0 [hbm:s6], $0xF7A  }
0x23: {  	s9 =	sor.u32 $0xD0000000, s2;
	s6 =	simm.s32 $0x108;
	_ =	swait.ge @!p0 [sflag:s8], $0x0  }
0x24: {  	s3 =	sadd.s32 $0x88, s3;
	s6 =	simm.s32 @!p1 $0x1082;
	[sflag:s4] =	ssyncset.s32 $0xFFFFF086  }
0x25: {  	[simem:s6], [sflag:s4] =	dma.local [hbm:s3], $0xF7A  }
0x26: {  	[smem:$0x3F91] =	sst s1;
	(tag) =	ssettag s2;
	_ =	strace s9  }
0x27: {  	s1 =	sld [smem:$0x3FA1]  }
0x28: {  	s2 =	sld [smem:$0x3FA2]  }
0x29: {  	s4 =	sld [smem:$0x3FA4]  }
0x2a: {  	p0 =	seq.s32 s5, $0x0;
	s5 =	sld [smem:$0x3FA5]  }
0x2b: {  	s6 =	sld [smem:$0x3FA6]  }
0x2c: {  	s7 =	sld [smem:$0x3FA7]  }
0x2d: {  	s3 =	simm.s32 $0x108;
	s8 =	sld [smem:$0x3FA8]  }
0x2e: {  	s3 =	simm.s32 @!p0 $0x1082;
	s9 =	sld [smem:$0x3FA9]  }
0x2f: {  	lr =	sadd.s32 s0, s3;
	s0 =	sld [smem:$0x3FA0]  }
0x30: {  	s3 =	sld [smem:$0x3FA3]  }
0x31: {  	[smem:$0x3FAC] =	sst s10  }
0x32: {  	s10 =	sld [smem:$0x3FAA];
	_ =	sdelay $0x3  }
0x33: {  	p0 =	seq.s32 s10, $0x1;
	s10 =	sld [smem:$0x3FAC];
	_ =	sdelay $0x3  }
0x34: {  	[smem:$0x3FAC] =	sst s10  }
0x35: {  	s10 =	sld [smem:$0x3FAB];
	_ =	sdelay $0x3  }
0x36: {  	p1 =	seq.s32 s10, $0x1;
	s10 =	sld [smem:$0x3FAC];
	_ =	sdelay $0x3  }
0x37: {  	[smem:$0x3FAC] =	sst s10  }
0x38: {  	s10 =	sld [smem:$0x3FAD]  }
0x39: {  	_ = 	snop;
	(pc) =	sbr.ind lr, $3  }
0x3a: {  	_ = 	snop  }
0x3b: {  	_ = 	snop  }
0x3c: {  	p2 =	seq.s32 s10, $0x1;
	s10 =	sld [smem:$0x3FAC]  }
0x3d: {  	_ =	shalt  }
0x3e: {  	_ =	shalt  }
0x3f: {  	_ =	shalt  }
0x40: {  	_ =	shalt  }
0x41: {  	_ =	shalt  }
0x42: {  	_ =	shalt  }
0x43: {  	_ =	shalt  }
0x44: {  	_ =	shalt  }
0x45: {  	_ =	shalt  }
0x46: {  	_ =	shalt  }
0x47: {  	_ =	shalt  }
0x48: {  	_ =	shalt  }
0x49: {  	_ =	shalt  }
0x4a: {  	_ =	shalt  }
0x4b: {  	_ =	shalt  }
0x4c: {  	_ =	shalt  }
0x4d: {  	_ =	shalt  }
0x4e: {  	_ =	shalt  }
0x4f: {  	_ =	shalt  }
0x50: {  	_ =	shalt  }
0x51: {  	_ =	shalt  }
0x52: {  	_ =	shalt  }
0x53: {  	_ =	shalt  }
0x54: {  	_ =	shalt  }
0x55: {  	_ =	shalt  }
0x56: {  	_ =	shalt  }
0x57: {  	_ =	shalt  }
0x58: {  	_ =	shalt  }
0x59: {  	_ =	shalt  }
0x5a: {  	_ =	shalt  }
0x5b: {  	_ =	shalt  }
0x5c: {  	_ =	shalt  }
0x5d: {  	_ =	shalt  }
0x5e: {  	_ =	shalt  }
0x5f: {  	_ =	shalt  }
0x60: {  	_ =	shalt  }
0x61: {  	_ =	shalt  }
0x62: {  	_ =	shalt  }
0x63: {  	_ =	shalt  }
0x64: {  	_ =	shalt  }
0x65: {  	_ =	shalt  }
0x66: {  	_ =	shalt  }
0x67: {  	_ =	shalt  }
0x68: {  	_ =	shalt  }
0x69: {  	_ =	shalt  }
0x6a: {  	_ =	shalt  }
0x6b: {  	_ =	shalt  }
0x6c: {  	_ =	shalt  }
0x6d: {  	_ =	shalt  }
0x6e: {  	_ =	shalt  }
0x6f: {  	_ =	shalt  }
0x70: {  	_ =	shalt  }
0x71: {  	_ =	shalt  }
0x72: {  	_ =	shalt  }
0x73: {  	_ =	shalt  }
0x74: {  	_ =	shalt  }
0x75: {  	_ =	shalt  }
0x76: {  	_ =	shalt  }
0x77: {  	_ =	shalt  }
0x78: {  	_ =	shalt  }
0x79: {  	_ =	shalt  }
0x7a: {  	_ =	shalt  }
0x7b: {  	_ =	shalt  }
0x7c: {  	_ =	shalt  }
0x7d: {  	_ =	shalt  }
0x7e: {  	_ =	shalt  }
0x7f: {  	_ =	shalt  }
0x80: {  	_ =	shalt  }
0x81: {  	_ =	shalt  }
0x82: {  	_ =	shalt  }
0x83: {  	_ =	shalt  }
0x84: {  	_ =	shalt  }
0x85: {  	_ =	shalt  }
0x86: {  	_ =	shalt  }
0x87: {  	_ =	shalt  }
.Lfunc_end0:
.L_simem_size_0:
called_computation_lowered:
.L_overlay_start_0:
0x88: {  	s2 =	sld [smem:$0x3FD9]  }
0x89: {  	s3 =	sld [smem:$0x3FFE];
	_ =	sdelay $0x1  }
0x8a: {  	s1 =	srdreg.scid  }
0x8b: {  	s0 =	sand.u32 $0x1, s1  }
0x8c: {  	s14 =	sshll.u32 s0, $0xA;
	s2 =	sadd.s32 s3, s2  }
0x8d: {  	s2 =	sadd.s32 s2, s14  }
0x8e: {  	[smem:$0x3FB8] =	sst s2  }
0x8f: {  	_ = 	snop  }
0x90: {  	s2 =	sld [smem:$0x3FD0];
	_ =	sdelay $0x2  }
0x91: {  	s15 =	simm.s32 $0xB;
	s4 =	simm.s32 $0x10  }
0x92: {  	[smem:s4], [sflag:s15] =	dma.local [hbm:s2], $0x1  }
0x93: {  	_ =	swait.eq [sflag:s15], $0x1  }
0x94: {  	[sflag:s15] =	ssyncset.done $0x0  }
0x95: {  	s16 =	sld [smem:$0x10];
	[sflag:s15] =	ssyncadd.s32 $0xFFFFFFFF  }
0x96: {  	s17 =	sld [smem:$0x11];
	(tm) =	ssettm $0x1  }
0x97: {  	s18 =	sld [smem:$0x3FFB];
	_ =	sdelay $0x3  }
0x98: {  	_ =	strace s18  }
0x99: {  	s4 =	sld [smem:$0x3FFC];
	_ =	sdelay $0x3  }
0x9a: {  	_ =	strace s4  }
0x9b: {  	s4 =	sld [smem:$0x3FFD];
	_ =	sdelay $0x3  }
0x9c: {  	_ =	strace s4  }
0x9d: {  	_ =	strace $0x8FFFFFFF  }
0x9e: {  	s19 =	sld [smem:$0x3FDB];
	_ =	sdelay $0x1  }
0x9f: {  	s5 =	simm.s32 $_scs_section_size  }
0xa0: {  	s6 =	simm.s32 $_size__tile_overlayer_lowered;
	s7 =	simm.s32 $_tile_overlayer_lowered  }
0xa1: {  	s22 =	simm.s32 $0x1BFF;
	s21 =	sshll.u32 s7, $0x1;
	s4 =	sadd.s32 s5, s19  }
0xa2: {  	s8 =	simm.s32 $0x0;
	s20 =	sshll.u32 s6, $0x1;
	s6 =	sadd.s32 s21, s4  }
0xa3: {  	[timem:s8], [sflag:s22] =	dma.local [hbm:s6], s20  }
0xa4: {  	_ =	swait.ge [sflag:s22], s20  }
0xa5: {  	s5 =	ssub.s32 $0x0, s20;
	[sflag:s22] =	ssyncset.done $0x0  }
0xa6: {  	[sflag:s22] =	ssyncadd.s32 s5;
	_ =	sdelay $0x1  }
0xa7: {  	s23 =	simm.s32 $0x1B8B  }
0xa8: {  	_ =	swait.ge [sflag:s23], $0x1  }
0xa9: {  	[sflag:s23] =	ssyncset.done $0x0  }
0xaa: {  	s25 =	simm.s32 $0x1B8E;
	s24 =	sld [smem:$0x3FFE];
	[sflag:s23] =	ssyncadd.s32 $0xFFFFFFFF  }
0xab: {  	s26 =	simm.s32 $execute0_lowered;
	[smem:$0x3FD2] =	sst s25  }
0xac: {  	s6 =	sshll.u32 s26, $0x1;
	_ =	strace $0x80000046;
	[dreg:$0x1] =	wrdreg $0xFFFFFFFF  }
0xad: {  	s28 =	simm.s32 $_size_execute0_lowered;
	s4 =	sadd.s32 s4, s6;
	[dreg:$0x0] =	wrdreg $0x0  }
0xae: {  	s6 =	sshll.u32 s28, $0x1;
	[dreg:$0x2] =	wrdreg s4  }
0xaf: {  	[dreg:$0x3] =	wrdreg s6  }
0xb0: {  	[dreg:$0x4] =	wrdreg $0xC0  }
0xb1: {  	_ =	task [dreg:s8], $0x5FFFF  }
0xb2: {  	[dreg:$0x1] =	wrdreg $0xFFFFFFFF  }
0xb3: {  	[dreg:$0x0] =	wrdreg $0x60  }
0xb4: {  	[dreg:$0x2] =	wrdreg s24  }
0xb5: {  	[dreg:$0x3] =	wrdreg s16  }
0xb6: {  	[dreg:$0x4] =	wrdreg s17  }
0xb7: {  	[dreg:$0x5] =	wrdreg $0xA  }
0xb8: {  	_ =	task.clear_ibuf [dreg:s8], $0x6FFFF;
	_ =	strace $0x90000046  }
0xb9: {  	s29 =	simm.s32 $0xA;
	_ =	strace $0x80000048  }
0xba: {  	_ =	swait.ge [sflag:s29], $0x1  }
0xbb: {  	[sflag:s29] =	ssyncadd.s32 $0xFFFFFFFF  }
0xbc: {  	_ =	strace $0x90000048  }
0xbd: {  	_ =	sfence  }
0xbe: {  	s30 =	sld [smem:$0x0];
	_ =	sdelay $0x2  }
0xbf: {  	s31 =	sshll.u32 s1, $0xD;
	s1 =	sshrl.u32 s1, $0x2  }
0xc0: {  	s3 =	sand.u32 $0x4000, s31;
	s1 =	sadd.s32 s1, s30  }
0xc1: {  	s0 =	sor.u32 s3, s0;
	s1 =	sshll.u32 s1, $0x11  }
0xc2: {  	s0 =	sor.u32 s1, s0  }
0xc3: {  	s0 =	sadd.s32 $0x8F2B, s0  }
0xc4: {  	[sflag:s0] =	ssyncadd.remote.s32 $0x1  }
0xc5: {  	_ =	sfence.sel $0xFFFF  }
0xc6: {  	[dreg:$0x0] =	wrdreg $0xFFFFFFFF;
	(pc) =	sbr.abs _section_cstart, $3  }
0xc7: {  	[dreg:$0x1] =	wrdreg $0xFFFFFFFF  }
0xc8: {  	_ =	task.clear_ibuf [dreg:s8], $0x2FFFF;
	_ =	strace $0x9FFFFFFF  }
0xc9: {  	(tm) =	ssettm $0x7FFFFFFF  }
tec
execute0_lowered:
.L_overlay_start_1:
0x0: {  	(tag) =	ssettag $0x1  }
0x1: {  	s0 =	rddreg [dreg:$0x0]  }
0x2: {  	s1 =	rddreg [dreg:$0x1]  }
0x3: {  	s6 =	rddreg [dreg:$0x2];
	s2 =	simm.s32 $0x0;
	s3 =	srdreg.scid  }
0x4: {  	s13 =	stileid.u32;
	s9 =	simm.s32 $0x0;
	s10 =	simm.s32 $0x0  }
0x5: {  	s28 =	simm.s32 $0x6710;
	s30 =	simm.s32 $0xE710;
	s29 =	simm.s32 $0x5  }
0x6: {  	s31 =	simm.s32 $0x40;
	[smem:$0x7FF] =	sst s2;
	s7 =	sand.u32 $0x1, s3  }
0x7: {  	s14 =	sshll.u32 s13, $0x1;
	s4 =	sadd.s32 $0x23000, s0;
	s5 =	sadd.s32 $0x15B800, s0  }
0x8: {  	p0 =	slt.u32 s13, $0x8;
	s21 =	smul.u32 $0x138800, s13;
	_ =	strace $0x80000047  }
0x9: {  	s3 =	sor.u32 s7, s14;
	s11 =	ssub.s32 $0x2, s7;
	s7 =	smul.u32 $0x9C400, s7  }
0xa: {  	s9 =	simm.s32 @!p0 $0xFFFEC780;
	s10 =	simm.s32 @!p0 $0x40;
	s8 =	smul.u32 $0x1388, s3  }
0xb: {  	s3 =	sadd.s32 $0x5600, s0;
	s12 =	sshrl.u32 s11, $0x1;
	s24 =	sor.u32 s21, s10  }
0xc: {  	s26 =	sshll.u32 s9, $0x7;
	s21 =	simm.s32 $0x2710;
	s11 =	ssub.s32 s11, s12  }
0xd: {  	s25 =	sadd.s32 s7, s24;
	s24 =	simm.s32 $0x10710;
	s7 =	simm.s32 $0x3  }
0xe: {  	s15 =	sadd.s32 s9, s8;
	s8 =	sshrl.u32 s8, $0x3;
	s9 =	simm.s32 $0x4  }
0xf: {  	s0 =	sshll.u32 s15, $0x7;
	s1 =	sadd.s32 s1, s8;
	s6 =	sadd.s32 s6, s8  }
0x10: {  	s8 =	simm.s32 $0x7;
	s0 =	sor.u32 s10, s0;
	[dreg:$0x4] =	wrdreg s1  }
0x11: {  	[dreg:$0x5] =	wrdreg s6;
	s10 =	simm.s32 $0x8;
	s16 =	sadd.s32 $0x90000, s0  }
0x12: {  	s17 =	sadd.s32 $0x94000, s0;
	s20 =	sadd.s32 $0x98000, s0;
	s0 =	sadd.s32 $0x9C000, s0  }
0x13: {  	s1 =	sshrl.u32 s16, $0x3;
	s19 =	sshrl.u32 s17, $0x3;
	s0 =	sshrl.u32 s0, $0x3  }
0x14: {  	s16 =	smax.u32 s11, $0x1;
	s17 =	sadd.s32 s26, s25;
	s18 =	sadd.s32 s4, s1  }
0x15: {  	s25 =	simm.s32 $0xC710;
	s1 =	sadd.s32 s5, s1;
	[dreg:$0x6] =	wrdreg s18  }
0x16: {  	s26 =	simm.s32 $0x1;
	s6 =	sadd.s32 s4, s19;
	[dreg:$0x7] =	wrdreg s1  }
0x17: {  	s11 =	simm.s32 $0x0;
	s23 =	sadd.s32 s4, s0;
	[dreg:$0x8] =	wrdreg s6  }
0x18: {  	s0 =	sadd.s32 s5, s0;
	s1 =	sadd.s32 s5, s19;
	[dreg:$0xc] =	wrdreg s23  }
.Ltmp0:
0x19: {  	[dreg:$0xd] =	wrdreg s0;
	s18 =	simm.s32 $0x9;
	(pc) =	sbr.rel .LBB2_1-.Ltmp0, $4  }
0x1a: {  	s23 =	simm.s32 $0x4710;
	[dreg:$0x9] =	wrdreg s1;
	s1 =	sshrl.u32 s20, $0x3  }
0x1b: {  	s0 =	simm.s32 $0x8710;
	s6 =	simm.s32 $0x6;
	s22 =	sadd.s32 s4, s1  }
0x1c: {  	s20 =	simm.s32 $0x80;
	s1 =	sadd.s32 s5, s1;
	[dreg:$0xa] =	wrdreg s22  }
0x1d: {  	[dreg:$0xb] =	wrdreg s1;
	s22 =	simm.s32 $0xA710;
	s1 =	simm.s32 $0x2  }
.LBB2_4:
0x1e: {  	_ =	swait.ge [sflag:s26], $0x2000  }
0x1f: {  	[sflag:s26] =	ssyncset.done $0x0  }
0x20: {  	[sflag:s26] =	ssyncadd.s32 $0xFFFFE000  }
0x21: {  	_ =	swait.ge [sflag:s29], $0x2000  }
0x22: {  	[sflag:s29] =	ssyncset.done $0x0  }
0x23: {  	s12 =	rddreg [dreg:$0x6];
	[sflag:s29] =	ssyncadd.s32 $0xFFFFE000  }
0x24: {  	[hbm4b:s12+s31] =	stream.strided.scatter [tilespmem:s21], [sflag:$0x1], $0x2000, s20, s31, $0x38;
	[tilespmem:$0x12710] =	vst v63  }
0x25: {  	s19 =	rddreg [dreg:$0x7]  }
0x26: {  	[hbm4b:s19+s31] =	stream.strided.scatter [tilespmem:s22], [sflag:$0x5], $0x2000, s20, s31, $0x38;
	[tilespmem:$0x12710] =	vst v63  }
0x27: {  	_ =	swait.ge [sflag:s1], $0x2000  }
0x28: {  	[sflag:s1] =	ssyncset.done $0x0  }
0x29: {  	[sflag:s1] =	ssyncadd.s32 $0xFFFFE000  }
0x2a: {  	_ =	swait.ge [sflag:s6], $0x2000  }
0x2b: {  	[sflag:s6] =	ssyncset.done $0x0  }
0x2c: {  	s13 =	rddreg [dreg:$0x8];
	[sflag:s6] =	ssyncadd.s32 $0xFFFFE000  }
0x2d: {  	[hbm4b:s13+s31] =	stream.strided.scatter [tilespmem:s23], [sflag:$0x2], $0x2000, s20, s31, $0x38;
	[tilespmem:$0x12710] =	vst v63  }
0x2e: {  	s14 =	rddreg [dreg:$0x9]  }
0x2f: {  	[hbm4b:s14+s31] =	stream.strided.scatter [tilespmem:s25], [sflag:$0x6], $0x2000, s20, s31, $0x38;
	[tilespmem:$0x12710] =	vst v63  }
0x30: {  	_ =	swait.ge [sflag:s7], $0x2000  }
0x31: {  	[sflag:s7] =	ssyncset.done $0x0  }
0x32: {  	[sflag:s7] =	ssyncadd.s32 $0xFFFFE000  }
0x33: {  	_ =	swait.ge [sflag:s8], $0x2000  }
0x34: {  	[sflag:s8] =	ssyncset.done $0x0  }
0x35: {  	s15 =	rddreg [dreg:$0xa];
	[sflag:s8] =	ssyncadd.s32 $0xFFFFE000  }
0x36: {  	[hbm4b:s15+s31] =	stream.strided.scatter [tilespmem:s28], [sflag:$0x3], $0x2000, s20, s31, $0x38;
	[tilespmem:$0x12710] =	vst v63  }
0x37: {  	s19 =	rddreg [dreg:$0xb]  }
0x38: {  	[hbm4b:s19+s31] =	stream.strided.scatter [tilespmem:s30], [sflag:$0x7], $0x2000, s20, s31, $0x38;
	[tilespmem:$0x12710] =	vst v63  }
0x39: {  	_ =	swait.ge [sflag:s26], $0x2000  }
0x3a: {  	[sflag:s26] =	ssyncset.done $0x0  }
0x3b: {  	[sflag:s26] =	ssyncadd.s32 $0xFFFFE000  }
0x3c: {  	_ =	swait.ge [sflag:s29], $0x2000  }
0x3d: {  	[sflag:s29] =	ssyncset.done $0x0  }
0x3e: {  	[sflag:s29] =	ssyncadd.s32 $0xFFFFE000  }
0x3f: {  	_ =	swait.ge [sflag:s1], $0x2000  }
0x40: {  	[sflag:s1] =	ssyncset.done $0x0  }
0x41: {  	[sflag:s1] =	ssyncadd.s32 $0xFFFFE000  }
0x42: {  	_ =	swait.ge [sflag:s6], $0x2000  }
0x43: {  	[sflag:s6] =	ssyncset.done $0x0  }
0x44: {  	[sflag:s6] =	ssyncadd.s32 $0xFFFFE000  }
0x45: {  	_ =	swait.ge [sflag:s7], $0x2000  }
0x46: {  	[sflag:s7] =	ssyncset.done $0x0  }
0x47: {  	[sflag:s7] =	ssyncadd.s32 $0xFFFFE000  }
0x48: {  	_ =	swait.ge [sflag:s8], $0x2000  }
0x49: {  	[sflag:s8] =	ssyncset.done $0x0  }
0x4a: {  	s13 =	simm.s32 $0x1380;
	[sflag:s8] =	ssyncadd.s32 $0xFFFFE000  }
0x4b: {  	[tilespmem:s21], [sflag:$0x1] =	stream.indirect.gather [hbm4b:s3+s10], $0x40, s13, s10, $0xb8;
	[tilespmem:$0x12710] =	vst v63  }
0x4c: {  	s14 =	simm.s32 $0x2708  }
0x4d: {  	[tilespmem:s22], [sflag:$0x5] =	stream.indirect.gather [hbm4b:s3+s10], $0x40, s14, s10, $0xb8;
	[tilespmem:$0x12710] =	vst v63  }
0x4e: {  	_ =	swait.ge [sflag:s26], $0x200  }
0x4f: {  	[sflag:s26] =	ssyncset.done $0x0  }
0x50: {  	[sflag:s26] =	ssyncadd.s32 $0xFFFFFE00  }
0x51: {  	_ =	swait.ge [sflag:s29], $0x200  }
0x52: {  	[sflag:s29] =	ssyncset.done $0x0  }
0x53: {  	s15 =	rddreg [dreg:$0xc];
	[sflag:s29] =	ssyncadd.s32 $0xFFFFFE00  }
0x54: {  	[hbm4b:s15+s31] =	stream.strided.scatter [tilespmem:s21], [sflag:$0x9], $0x200, s20, s31, $0x38;
	[tilespmem:$0x12710] =	vst v63  }
0x55: {  	s11 =	sadd.s32 $0x1, s11;
	_ =	swait.ge [sflag:s18], $0x200  }
0x56: {  	p0 =	sne.s32 s11, s16;
	[sflag:s18] =	ssyncset.done $0x0  }
.Ltmp1:
0x57: {  	s19 =	rddreg [dreg:$0xd];
	[sflag:s18] =	ssyncadd.s32 $0xFFFFFE00;
	(pc) =	sbr.rel @!p0 .LBB2_5-.Ltmp1, $4  }
0x58: {  	[hbm4b:s19+s31] =	stream.strided.scatter [tilespmem:s22], [sflag:$0x9], $0x200, s20, s31, $0x38;
	[tilespmem:$0x12710] =	vst v63  }
0x59: {  	_ =	swait.ge [sflag:s18], $0x200  }
0x5a: {  	[sflag:s18] =	ssyncset.done $0x0  }
0x5b: {  	[sflag:s18] =	ssyncadd.s32 $0xFFFFFE00  }
.LBB2_1:
0x5c: {  	s12 =	rddreg [dreg:$0x4]  }
0x5d: {  	[tilespmem:s2], [sflag:$0x9] =	stream.linear.gather [hbm4b:s12+s2], $0x1388, $0x38;
	[tilespmem:$0x12710] =	vst v63  }
0x5e: {  	_ =	swait.ge [sflag:s18], $0x1388  }
0x5f: {  	[sflag:s18] =	ssyncset.done $0x0  }
0x60: {  	s13 =	simm.s32 $0x1388;
	s15 =	rddreg [dreg:$0x5];
	[sflag:s18] =	ssyncadd.s32 $0xFFFFEC78  }
0x61: {  	[tilespmem:s13], [sflag:$0x9] =	stream.linear.gather [hbm4b:s15+s2], $0x1388, $0x38;
	[tilespmem:$0x12710] =	vst v63  }
0x62: {  	_ =	swait.ge [sflag:s18], $0x1388  }
0x63: {  	[sflag:s18] =	ssyncset.done $0x0  }
0x64: {  	[sflag:s18] =	ssyncadd.s32 $0xFFFFEC78  }
0x65: {  	[tilespmem:s21], [sflag:$0x1] =	stream.indirect.gather [hbm4b:s3+s20], $0x40, s2, s20, $0xb8;
	[tilespmem:$0x12710] =	vst v63  }
0x66: {  	_ = 	snop  }
0x67: {  	[tilespmem:s22], [sflag:$0x5] =	stream.indirect.gather [hbm4b:s3+s20], $0x40, s13, s20, $0xb8;
	[tilespmem:$0x12710] =	vst v63  }
0x68: {  	_ = 	snop  }
0x69: {  	[tilespmem:s23], [sflag:$0x2] =	stream.indirect.gather [hbm4b:s3+s20], $0x40, s20, s20, $0xb8;
	[tilespmem:$0x12710] =	vst v63  }
0x6a: {  	s19 =	simm.s32 $0x1408  }
0x6b: {  	[tilespmem:s25], [sflag:$0x6] =	stream.indirect.gather [hbm4b:s3+s20], $0x40, s19, s20, $0xb8;
	[tilespmem:$0x12710] =	vst v63  }
0x6c: {  	s13 =	simm.s32 $0x100  }
0x6d: {  	[tilespmem:s28], [sflag:$0x3] =	stream.indirect.gather [hbm4b:s3+s20], $0x40, s13, s20, $0xb8;
	[tilespmem:$0x12710] =	vst v63  }
0x6e: {  	s14 =	simm.s32 $0x1488  }
0x6f: {  	[tilespmem:s30], [sflag:$0x7] =	stream.indirect.gather [hbm4b:s3+s20], $0x40, s14, s20, $0xb8;
	[tilespmem:$0x12710] =	vst v63  }
0x70: {  	s15 =	simm.s32 $0x180  }
0x71: {  	[tilespmem:s0], [sflag:$0x4] =	stream.indirect.gather [hbm4b:s3+s20], $0x40, s15, s20, $0xb8;
	[tilespmem:$0x12710] =	vst v63  }
0x72: {  	s12 =	simm.s32 $0x0;
	s19 =	simm.s32 $0x1508;
	s13 =	simm.s32 $0x0  }
0x73: {  	[tilespmem:s24], [sflag:$0x8] =	stream.indirect.gather [hbm4b:s3+s20], $0x40, s19, s20, $0xb8;
	[tilespmem:$0x12710] =	vst v63  }
.LBB2_2:
0x74: {  	_ =	swait.ge [sflag:s26], $0x2000  }
0x75: {  	[sflag:s26] =	ssyncset.done $0x0  }
0x76: {  	[sflag:s26] =	ssyncadd.s32 $0xFFFFE000  }
0x77: {  	s14 =	sadd.s32 s13, s17;
	_ =	swait.ge [sflag:s29], $0x2000  }
0x78: {  	s15 =	sshrl.u32 s14, $0x3;
	[sflag:s29] =	ssyncset.done $0x0  }
0x79: {  	s19 =	sadd.s32 s4, s15;
	[sflag:s29] =	ssyncadd.s32 $0xFFFFE000  }
0x7a: {  	[hbm4b:s19+s31] =	stream.strided.scatter [tilespmem:s21], [sflag:$0x1], $0x2000, s20, s31, $0x38;
	[tilespmem:$0x12710] =	vst v63  }
0x7b: {  	s15 =	sadd.s32 s5, s15  }
0x7c: {  	[hbm4b:s15+s31] =	stream.strided.scatter [tilespmem:s22], [sflag:$0x5], $0x2000, s20, s31, $0x38;
	[tilespmem:$0x12710] =	vst v63  }
0x7d: {  	_ =	swait.ge [sflag:s1], $0x2000  }
0x7e: {  	[sflag:s1] =	ssyncset.done $0x0  }
0x7f: {  	[sflag:s1] =	ssyncadd.s32 $0xFFFFE000  }
0x80: {  	s19 =	sadd.s32 $0x4000, s14;
	_ =	swait.ge [sflag:s6], $0x2000  }
0x81: {  	s15 =	sshrl.u32 s19, $0x3;
	[sflag:s6] =	ssyncset.done $0x0  }
0x82: {  	s19 =	sadd.s32 s4, s15;
	[sflag:s6] =	ssyncadd.s32 $0xFFFFE000  }
0x83: {  	[hbm4b:s19+s31] =	stream.strided.scatter [tilespmem:s23], [sflag:$0x2], $0x2000, s20, s31, $0x38;
	[tilespmem:$0x12710] =	vst v63  }
0x84: {  	s15 =	sadd.s32 s5, s15  }
0x85: {  	[hbm4b:s15+s31] =	stream.strided.scatter [tilespmem:s25], [sflag:$0x6], $0x2000, s20, s31, $0x38;
	[tilespmem:$0x12710] =	vst v63  }
0x86: {  	_ =	swait.ge [sflag:s7], $0x2000  }
0x87: {  	[sflag:s7] =	ssyncset.done $0x0  }
0x88: {  	[sflag:s7] =	ssyncadd.s32 $0xFFFFE000  }
0x89: {  	s19 =	sadd.s32 $0x8000, s14;
	_ =	swait.ge [sflag:s8], $0x2000  }
0x8a: {  	s15 =	sshrl.u32 s19, $0x3;
	[sflag:s8] =	ssyncset.done $0x0  }
0x8b: {  	s19 =	sadd.s32 s4, s15;
	[sflag:s8] =	ssyncadd.s32 $0xFFFFE000  }
0x8c: {  	[hbm4b:s19+s31] =	stream.strided.scatter [tilespmem:s28], [sflag:$0x3], $0x2000, s20, s31, $0x38;
	[tilespmem:$0x12710] =	vst v63  }
0x8d: {  	s15 =	sadd.s32 s5, s15  }
0x8e: {  	[hbm4b:s15+s31] =	stream.strided.scatter [tilespmem:s30], [sflag:$0x7], $0x2000, s20, s31, $0x38;
	[tilespmem:$0x12710] =	vst v63  }
0x8f: {  	_ =	swait.ge [sflag:s9], $0x2000  }
0x90: {  	[sflag:s9] =	ssyncset.done $0x0  }
0x91: {  	[sflag:s9] =	ssyncadd.s32 $0xFFFFE000  }
0x92: {  	s14 =	sadd.s32 $0xC000, s14;
	_ =	swait.ge [sflag:s10], $0x2000  }
0x93: {  	s14 =	sshrl.u32 s14, $0x3;
	[sflag:s10] =	ssyncset.done $0x0  }
0x94: {  	s19 =	sadd.s32 s4, s14;
	[sflag:s10] =	ssyncadd.s32 $0xFFFFE000  }
0x95: {  	[hbm4b:s19+s31] =	stream.strided.scatter [tilespmem:s0], [sflag:$0x4], $0x2000, s20, s31, $0x38;
	[tilespmem:$0x12710] =	vst v63  }
0x96: {  	s14 =	sadd.s32 s5, s14  }
0x97: {  	[hbm4b:s14+s31] =	stream.strided.scatter [tilespmem:s24], [sflag:$0x8], $0x2000, s20, s31, $0x38;
	[tilespmem:$0x12710] =	vst v63  }
0x98: {  	_ =	swait.ge [sflag:s26], $0x2000  }
0x99: {  	[sflag:s26] =	ssyncset.done $0x0  }
0x9a: {  	[sflag:s26] =	ssyncadd.s32 $0xFFFFE000  }
0x9b: {  	_ =	swait.ge [sflag:s29], $0x2000  }
0x9c: {  	s14 =	sshra.s32 s12, $0x2;
	[sflag:s29] =	ssyncset.done $0x0  }
0x9d: {  	s19 =	sadd.s32 $0x200, s14;
	[sflag:s29] =	ssyncadd.s32 $0xFFFFE000  }
0x9e: {  	[tilespmem:s21], [sflag:$0x1] =	stream.indirect.gather [hbm4b:s3+s20], $0x40, s19, s20, $0xb8;
	[tilespmem:$0x12710] =	vst v63  }
0x9f: {  	s19 =	sadd.s32 $0x1588, s14  }
0xa0: {  	[tilespmem:s22], [sflag:$0x5] =	stream.indirect.gather [hbm4b:s3+s20], $0x40, s19, s20, $0xb8;
	[tilespmem:$0x12710] =	vst v63  }
0xa1: {  	_ =	swait.ge [sflag:s1], $0x2000  }
0xa2: {  	[sflag:s1] =	ssyncset.done $0x0  }
0xa3: {  	[sflag:s1] =	ssyncadd.s32 $0xFFFFE000  }
0xa4: {  	_ =	swait.ge [sflag:s6], $0x2000  }
0xa5: {  	[sflag:s6] =	ssyncset.done $0x0  }
0xa6: {  	s19 =	sadd.s32 $0x280, s14;
	[sflag:s6] =	ssyncadd.s32 $0xFFFFE000  }
0xa7: {  	[tilespmem:s23], [sflag:$0x2] =	stream.indirect.gather [hbm4b:s3+s20], $0x40, s19, s20, $0xb8;
	[tilespmem:$0x12710] =	vst v63  }
0xa8: {  	s19 =	sadd.s32 $0x1608, s14  }
0xa9: {  	[tilespmem:s25], [sflag:$0x6] =	stream.indirect.gather [hbm4b:s3+s20], $0x40, s19, s20, $0xb8;
	[tilespmem:$0x12710] =	vst v63  }
0xaa: {  	_ =	swait.ge [sflag:s7], $0x2000  }
0xab: {  	[sflag:s7] =	ssyncset.done $0x0  }
0xac: {  	[sflag:s7] =	ssyncadd.s32 $0xFFFFE000  }
0xad: {  	_ =	swait.ge [sflag:s8], $0x2000  }
0xae: {  	[sflag:s8] =	ssyncset.done $0x0  }
0xaf: {  	s19 =	sadd.s32 $0x300, s14;
	[sflag:s8] =	ssyncadd.s32 $0xFFFFE000  }
0xb0: {  	[tilespmem:s28], [sflag:$0x3] =	stream.indirect.gather [hbm4b:s3+s20], $0x40, s19, s20, $0xb8;
	[tilespmem:$0x12710] =	vst v63  }
0xb1: {  	s19 =	sadd.s32 $0x1688, s14  }
0xb2: {  	[tilespmem:s30], [sflag:$0x7] =	stream.indirect.gather [hbm4b:s3+s20], $0x40, s19, s20, $0xb8;
	[tilespmem:$0x12710] =	vst v63  }
0xb3: {  	p0 =	seq.s32 s12, $0x4000;
	_ =	swait.ge [sflag:s9], $0x2000  }
.Ltmp2:
0xb4: {  	[sflag:s9] =	ssyncset.done $0x0;
	(pc) =	sbr.rel @p0 .LBB2_4-.Ltmp2, $4  }
0xb5: {  	[sflag:s9] =	ssyncadd.s32 $0xFFFFE000  }
0xb6: {  	_ =	swait.ge [sflag:s10], $0x2000  }
0xb7: {  	[sflag:s10] =	ssyncset.done $0x0  }
0xb8: {  	[sflag:s10] =	ssyncadd.s32 $0xFFFFE000  }
.Ltmp3:
0xb9: {  	(pc) =	sbr.rel .LBB2_2-.Ltmp3, $4  }
0xba: {  	s15 =	sadd.s32 $0x380, s14  }
0xbb: {  	[tilespmem:s0], [sflag:$0x4] =	stream.indirect.gather [hbm4b:s3+s20], $0x40, s15, s20, $0xb8;
	[tilespmem:$0x12710] =	vst v63  }
0xbc: {  	s19 =	sadd.s32 $0x1708, s14;
	s13 =	sadd.s32 $0x10000, s13;
	s12 =	sadd.s32 $0x800, s12  }
0xbd: {  	[tilespmem:s24], [sflag:$0x8] =	stream.indirect.gather [hbm4b:s3+s20], $0x40, s19, s20, $0xb8;
	[tilespmem:$0x12710] =	vst v63  }
.LBB2_5:
0xbe: {  	_ =	sfence.sel $0x180000  }
0xbf: {  	[bflag:$0x0] =	sbarrier.arrive $0xFFFF  }
0xc0: {  	_ =	strace $0x90000047  }
0xc1: {  	s0 =	stileid.u32;
	[bflag:$0x2] =	sbarrier.arrive $0xFFFF  }
0xc2: {  	p0 =	sne.s32 s0, $0x0;
	s0 =	rddreg [dreg:$0x3]  }
0xc3: {  	s0 =	sadd.s32 @!p0 $0x100000, s0  }
0xc4: {  	[sflag:s0] =	ssyncadd.tile.s32 @!p0 $0x1;
	_ =	shalt  }
.Lfunc_end2:
_tile_overlayer_lowered:
.L_overlay_start_2:
0xc5: {  	(tag) =	ssettag $0x2  }
0xc6: {  	s0 =	rddreg [dreg:$0x0];
	s2 =	stileid.u32  }
0xc7: {  	s1 =	rddreg [dreg:$0x1];
	p0 =	sne.s32 s2, $0x0  }
0xc8: {  	s3 =	rddreg [dreg:$0x2];
	[bflag:$0x3] =	sbarrier.arrive $0xFFFF;
	s2 =	simm.s32 @!p0 $0x1C09  }
0xc9: {  	[timem:s3], [sflag:s2] =	dma.local @!p0 [hbm:s0], s1  }
0xca: {  	s0 =	simm.s32 @!p0 $0x9  }
0xcb: {  	_ =	swait.ge @!p0 [sflag:s0], s1  }
0xcc: {  	s1 =	ssub.s32 @!p0 $0x0, s1;
	[sflag:s0] =	ssyncset.done @!p0 $0x0  }
0xcd: {  	[sflag:s0] =	ssyncadd.s32 @!p0 s1  }
0xce: {  	[bflag:$0x3] =	sbarrier.arrive $0xFFFF  }
0xcf: {  	_ =	shalt  }

</sc_bundles>
